<compile_context>
chip_gen: v7x
topology: tpu7x:2x2x1
jax: 0.10.2.dev20260603
libtpu: 0.0.44.dev20260713+nightly
codegen_flags: <defaults>
</compile_context>

<pallas_src>
import functools

import jax
import jax.numpy as jnp
from jax import lax
from jax.experimental import pallas as pl
from jax.experimental.pallas import tpu as pltpu
from jax.experimental.pallas import tpu_sc as plsc

N = 10000
D = 128
NC = 2
NS = 16
L = 16
NW = NC * NS
N_PAD = 10240
ZROWS = N_PAD // NS


def _fill_const(ref, rows, cols, val):
    v = jnp.full((L,), val, jnp.float32)
    for i in range(rows):
        for j in range(cols // L):
            ref[i, pl.ds(j * L, L)] = v


@functools.lru_cache(maxsize=None)
def _make_sc_agg(wr: int):
    mesh = plsc.VectorSubcoreMesh(core_axis_name="c", subcore_axis_name="s",
                                  num_cores=NC, num_subcores=NS)
    out_type = jax.ShapeDtypeStruct((NC, N_PAD, D), jnp.float32)
    scratch = [
        pltpu.VMEM((16, 128), jnp.int32),
        pltpu.VMEM((16, 128), jnp.int32),
        pltpu.VMEM((128, D), jnp.float32),
        pltpu.VMEM((128, D), jnp.float32),
        pltpu.VMEM((16, D), jnp.float32),
        pltpu.VMEM_SHARED((N_PAD, D), jnp.float32),
        pltpu.SemaphoreType.DMA,
        pltpu.SemaphoreType.DMA,
        pltpu.SemaphoreType.DMA,
        pltpu.SemaphoreType.DMA,
    ]

    def body(srcv, dstv, table, agg_out, sidx, didx, rows_a, rows_b, zbuf,
             agg_sh, sem_a, sem_b, ssem_a, ssem_b):
        c = lax.axis_index("c")
        s = lax.axis_index("s")
        wid = c * NS + s
        rows = (rows_a, rows_b)
        sems = (sem_a, sem_b)
        ssems = (ssem_a, ssem_b)

        _fill_const(zbuf, 16, D, 0.0)

        def zloop(i, _):
            pltpu.sync_copy(zbuf, agg_sh.at[pl.ds(s * ZROWS + i * 16, 16)])
            return 0
        lax.fori_loop(0, ZROWS // 16, zloop, 0)

        base = wid * wr
        plsc.subcore_barrier()

        nch = wr // 8

        def g_wait(b):
            pltpu.make_async_copy(table.at[sidx.at[0]], rows[b],
                                  sems[b]).wait()

        def s_wait(b):
            pltpu.make_async_copy(rows[b], agg_sh.at[didx.at[0]],
                                  ssems[b]).wait()

        pltpu.sync_copy(srcv.at[pl.ds(base, 8)], sidx.at[pl.ds(0, 8)])
        pltpu.sync_copy(dstv.at[pl.ds(base, 8)], didx.at[pl.ds(0, 8)])
        pltpu.async_copy(table.at[sidx.at[0]], rows[0], sems[0])

        def eloop(rr, _):
            po = (rr % 2) * 8
            no = 8 - po
            for k in range(8):
                b = k % 2
                g_wait(b)
                if k == 0:
                    @pl.when(rr > 0)
                    def _():
                        s_wait(1)
                else:
                    s_wait((k - 1) % 2)
                pltpu.async_copy(rows[b], agg_sh.at[didx.at[po + k]],
                                 ssems[b], add=True)
                if k < 7:
                    pltpu.async_copy(table.at[sidx.at[po + k + 1]],
                                     rows[(k + 1) % 2], sems[(k + 1) % 2])
                else:
                    @pl.when(rr + 1 < nch)
                    def _():
                        pltpu.async_copy(table.at[sidx.at[no]], rows[0],
                                         sems[0])
                if k == 0:
                    @pl.when(rr + 1 < nch)
                    def _():
                        nb = base + (rr + 1) * 8
                        pltpu.sync_copy(srcv.at[pl.ds(nb, 8)],
                                        sidx.at[pl.ds(no, 8)])
                        pltpu.sync_copy(dstv.at[pl.ds(nb, 8)],
                                        didx.at[pl.ds(no, 8)])
            return 0
        lax.fori_loop(0, nch, eloop, 0)
        s_wait(1)

        plsc.subcore_barrier()

        def wloop(i, _):
            off = s * ZROWS + i * 128
            pltpu.sync_copy(agg_sh.at[pl.ds(off, 128)],
                            agg_out.at[c, pl.ds(off, 128)])
            return 0
        lax.fori_loop(0, ZROWS // 128, wloop, 0)

    return pl.kernel(body, out_type=out_type, mesh=mesh,
                     scratch_types=scratch)


CROWS = N_PAD // 128


@functools.lru_cache(maxsize=None)
def _make_sc_cnt(wr: int):
    mesh = plsc.VectorSubcoreMesh(core_axis_name="c", subcore_axis_name="s",
                                  num_cores=NC, num_subcores=NS)
    out_type = jax.ShapeDtypeStruct((NC, N_PAD, L), jnp.float32)
    scratch = [
        pltpu.VMEM((8, 128), jnp.int32),
        pltpu.VMEM((CROWS, 128), jnp.float32),
        pltpu.VMEM((128, L), jnp.float32),
        pltpu.VMEM((CROWS,), jnp.int32),
        pltpu.VMEM_SHARED((CROWS, 128), jnp.float32),
    ]

    def body(dstv, cnt_out, didx, hist, wb, iidx, cnt_sh):
        c = lax.axis_index("c")
        s = lax.axis_index("s")
        wid = c * NS + s

        def hz(i, _):
            for j in range(8):
                hist[i, pl.ds(j * L, L)] = jnp.zeros((L,), jnp.float32)
            return 0
        lax.fori_loop(0, CROWS, hz, 0)

        @pl.when(s < CROWS // 8)
        def _():
            pltpu.sync_copy(hist.at[pl.ds(0, 8)],
                            cnt_sh.at[pl.ds(s * 8, 8)])

        base = wid * wr
        plsc.subcore_barrier()

        def eloop(rr, _):
            pltpu.sync_copy(dstv.at[pl.ds(base + rr * 8, 8)], didx)
            for k in range(8):
                for j in range(8):
                    d = didx[k, pl.ds(j * L, L)]
                    row = lax.shift_right_logical(d, 7)
                    lane = lax.bitwise_and(d, 127)
                    plsc.addupdate_scatter(hist, [row, lane],
                                           jnp.full((L,), 1.0, jnp.float32))
            return 0
        lax.fori_loop(0, wr // 8, eloop, 0)

        for j in range(CROWS // L):
            iidx[pl.ds(j * L, L)] = lax.iota(jnp.int32, L) + j * L
        pltpu.sync_copy(hist, cnt_sh.at[iidx], add=True)
        plsc.subcore_barrier()

        pltpu.sync_copy(cnt_sh, hist)

        def wloop(g, _):
            def nloop(i, _):
                rsp = jnp.full((L,), s * (ZROWS // 128) + g, jnp.int32)
                lsp = jnp.full((L,), i, jnp.int32)
                wb[i, :] = plsc.load_gather(hist, [rsp, lsp])
                return 0
            lax.fori_loop(0, 128, nloop, 0)
            pltpu.sync_copy(
                wb, cnt_out.at[c, pl.ds(s * ZROWS + g * 128, 128)])
            return 0
        lax.fori_loop(0, ZROWS // 128, wloop, 0)

    return pl.kernel(
        body, out_type=out_type, mesh=mesh, scratch_types=scratch,
        compiler_params=pltpu.CompilerParams(needs_layout_passes=False))


_B = 1000


def _tc1_body(agg_ref, cnt_ref, x_ref, wl_ref, wr_ref, b_ref, o_ref):
    agg = agg_ref[0] + agg_ref[1]
    cnt = cnt_ref[0, :, 0:1] + cnt_ref[1, :, 0:1]
    mean = agg / jnp.maximum(cnt, 1.0)
    h = (jnp.dot(mean, wl_ref[...], preferred_element_type=jnp.float32)
         + jnp.dot(x_ref[...], wr_ref[...], preferred_element_type=jnp.float32)
         + b_ref[...])
    o_ref[...] = jnp.maximum(h, 0.0)


def _tc2_body(agg_ref, cnt_ref, h_ref, wl_ref, wr_ref, b_ref, fw_ref, fb_ref,
              o_ref):
    agg = agg_ref[0] + agg_ref[1]
    cnt = cnt_ref[0, :, 0:1] + cnt_ref[1, :, 0:1]
    mean = agg / jnp.maximum(cnt, 1.0)
    g = (jnp.dot(mean, wl_ref[...], preferred_element_type=jnp.float32)
         + jnp.dot(h_ref[...], wr_ref[...], preferred_element_type=jnp.float32)
         + b_ref[...])
    o_ref[...] = (jnp.dot(g, fw_ref[...], preferred_element_type=jnp.float32)
                  + fb_ref[...])


def _w_spec():
    return pl.BlockSpec((D, D), lambda i: (0, 0))


def _b_spec():
    return pl.BlockSpec((1, D), lambda i: (0, 0))


@functools.lru_cache(maxsize=None)
def _make_tc1():
    return pl.pallas_call(
        _tc1_body,
        grid=(N // _B,),
        in_specs=[
            pl.BlockSpec((NC, _B, D), lambda i: (0, i, 0)),
            pl.BlockSpec((NC, _B, L), lambda i: (0, i, 0)),
            pl.BlockSpec((_B, D), lambda i: (i, 0)),
            _w_spec(), _w_spec(), _b_spec(),
        ],
        out_specs=pl.BlockSpec((_B, D), lambda i: (i, 0)),
        out_shape=jax.ShapeDtypeStruct((N, D), jnp.float32),
    )


@functools.lru_cache(maxsize=None)
def _make_tc2():
    return pl.pallas_call(
        _tc2_body,
        grid=(N // _B,),
        in_specs=[
            pl.BlockSpec((NC, _B, D), lambda i: (0, i, 0)),
            pl.BlockSpec((NC, _B, L), lambda i: (0, i, 0)),
            pl.BlockSpec((_B, D), lambda i: (i, 0)),
            _w_spec(), _w_spec(), _b_spec(), _w_spec(), _b_spec(),
        ],
        out_specs=pl.BlockSpec((_B, D), lambda i: (i, 0)),
        out_shape=jax.ShapeDtypeStruct((N, D), jnp.float32),
    )


def kernel(x, edge_index, W1l, W1r, b1, W2l, W2r, b2, fcW, fcb):
    src = edge_index[0].astype(jnp.int32)
    dst = edge_index[1].astype(jnp.int32)
    e = src.shape[0]
    wr = -(-e // (NW * 128 * 8)) * 8
    ep = NW * 128 * wr
    pad = ep - e
    pad_i = jnp.arange(pad, dtype=jnp.int32)
    srcp = jnp.concatenate([src, pad_i % N]).reshape(NW * wr, 128)
    dstp = jnp.concatenate([dst, N + pad_i % (N_PAD - N)]).reshape(NW * wr, 128)

    cnt = _make_sc_cnt(wr)(dstp)
    agg1 = _make_sc_agg(wr)(srcp, dstp, x)
    h = _make_tc1()(agg1, cnt, x, W1l, W1r, b1.reshape(1, D))
    agg2 = _make_sc_agg(wr)(srcp, dstp, h)
    return _make_tc2()(agg2, cnt, h, W2l, W2r, b2.reshape(1, D),
                       fcW, fcb.reshape(1, D))

# --- scband reference (transcript-rebuilt; emitter-appended) ---
"""Pipeline reference for scband-palate-net-84464826843466 (READ-ONLY COPY).

The authoritative reference and input builder live on the scoring server;
editing this copy changes nothing except your own understanding.
"""

import jax, jax.numpy as jnp
import numpy as np

N = 10000
E = 320000
D_IN = 128
D_HID = 128
D_OUT = 128


def setup_inputs(seed: int = 0) -> dict:
    key = jax.random.key(seed)
    ks = jax.random.split(key, 12)
    x = jax.random.normal(ks[0], (N, D_IN), dtype=jnp.float32)
    edge_index = jax.random.randint(ks[1], (2, E), 0, N, dtype=jnp.int64)
    s1 = 1.0 / np.sqrt(D_IN)
    s2 = 1.0 / np.sqrt(D_HID)
    W1l = jax.random.uniform(ks[2], (D_IN, D_HID), jnp.float32, -s1, s1)
    W1r = jax.random.uniform(ks[3], (D_IN, D_HID), jnp.float32, -s1, s1)
    b1 = jax.random.uniform(ks[4], (D_HID,), jnp.float32, -s1, s1)
    W2l = jax.random.uniform(ks[5], (D_HID, D_HID), jnp.float32, -s2, s2)
    W2r = jax.random.uniform(ks[6], (D_HID, D_HID), jnp.float32, -s2, s2)
    b2 = jax.random.uniform(ks[7], (D_HID,), jnp.float32, -s2, s2)
    fcW = jax.random.uniform(ks[8], (D_HID, D_OUT), jnp.float32, -s2, s2)
    fcb = jax.random.uniform(ks[9], (D_OUT,), jnp.float32, -s2, s2)
    return {"x": x, "edge_index": edge_index, "W1l": W1l, "W1r": W1r, "b1": b1,
            "W2l": W2l, "W2r": W2r, "b2": b2, "fcW": fcW, "fcb": fcb}


def _sage_conv(x, edge_index, Wl, Wr, b):
    # PyG SAGEConv with mean aggregation:
    # out = lin_l(mean_{j in N(i)} x_j) + lin_r(x_i)
    src = edge_index[0]
    dst = edge_index[1]
    msgs = jnp.take(x, src, axis=0)
    agg = jax.ops.segment_sum(msgs, dst, num_segments=x.shape[0])
    cnt = jax.ops.segment_sum(jnp.ones((edge_index.shape[1],), dtype=x.dtype), dst,
                              num_segments=x.shape[0])
    mean = agg / jnp.clip(cnt, 1.0)[:, None]
    return mean @ Wl + x @ Wr + b


def reference(x, edge_index, W1l, W1r, b1, W2l, W2r, b2, fcW, fcb):
    h = _sage_conv(x, edge_index, W1l, W1r, b1)
    h = jax.nn.relu(h)
    h = _sage_conv(h, edge_index, W2l, W2r, b2)
    return h @ fcW + fcb

if __name__ == "__main__":
    import jax
    _d = setup_inputs()
    print(jax.jit(kernel)(*tuple(_d.values())))

</pallas_src>

<mosaic_0001>
#map = affine_map<(d0, d1) -> (0, 0)>
#map1 = affine_map<(d0, d1) -> (0, 0, 0)>
module attributes {stable_mosaic.version = 14 : i64} {
  func.func @body(%arg0: i32, %arg1: i32, %arg2: memref<2560x128xi32, #tpu.memory_space<hbm>>, %arg3: memref<2x10240x16xf32, #tpu.memory_space<hbm>>, %arg4: memref<8x128xi32, #tpu.memory_space<vmem>>, %arg5: memref<80x128xf32, #tpu.memory_space<vmem>>, %arg6: memref<128x16xf32, #tpu.memory_space<vmem>>, %arg7: memref<80xi32, #tpu.memory_space<vmem>>, %arg8: memref<80x128xf32, #tpu.memory_space<vmem_shared>>) attributes {dimension_semantics = [#tpu.dimension_semantics<core_parallel>, #tpu.dimension_semantics<subcore_parallel>], iteration_bounds = array<i64: 2, 16>, scalar_prefetch = 0 : i64, scratch_operands = 5 : i64, tpu.core_type = #tpu.core_type<sc_vector_subcore>, window_params = [{transform_indices = #map}, {transform_indices = #map1}]} {
    %mul3A = arith.constant 16 : i32
    %mul3A_0 = arith.muli %arg0, %mul3A : i32
    %add3A = arith.addi %mul3A_0, %arg1 : i32
    %scan3A = arith.constant 0 : i32
    %scan3A_1 = arith.constant 0 : i32
    %scan3A_2 = arith.constant 80 : i32
    %scan3A_3 = arith.addi %scan3A_1, %scan3A_2 : i32
    %scan3A_4 = arith.constant 1 : i32
    %scan3A_5 = scf.for %scan3A_54 = %scan3A_1 to %scan3A_3 step %scan3A_4 iter_args(%scan3A_55 = %scan3A) -> (i32)  : i32 {
      %broadcast_in_dim3A = arith.constant 0.000000e+00 : f32
      %broadcast_in_dim3A_56 = vector.broadcast %broadcast_in_dim3A : f32 to vector<16xf32>
      %swap3A_57 = arith.index_cast %scan3A_54 : i32 to index
      %swap3A_58 = arith.constant 0 : index
      %swap3A_59 = tpu.vector_load %arg5[%swap3A_57, %swap3A_58] {strides = array<i32>} : memref<80x128xf32, #tpu.memory_space<vmem>>, vector<16xf32>,
      tpu.vector_store %arg5[%swap3A_57, %swap3A_58], %broadcast_in_dim3A_56 {strides = array<i32>} : memref<80x128xf32, #tpu.memory_space<vmem>>, vector<16xf32>,
      %broadcast_in_dim3A_60 = arith.constant 0.000000e+00 : f32
      %broadcast_in_dim3A_61 = vector.broadcast %broadcast_in_dim3A_60 : f32 to vector<16xf32>
      %swap3A_62 = arith.index_cast %scan3A_54 : i32 to index
      %swap3A_63 = arith.constant 16 : index
      %swap3A_64 = tpu.vector_load %arg5[%swap3A_62, %swap3A_63] {strides = array<i32>} : memref<80x128xf32, #tpu.memory_space<vmem>>, vector<16xf32>,
      tpu.vector_store %arg5[%swap3A_62, %swap3A_63], %broadcast_in_dim3A_61 {strides = array<i32>} : memref<80x128xf32, #tpu.memory_space<vmem>>, vector<16xf32>,
      %broadcast_in_dim3A_65 = arith.constant 0.000000e+00 : f32
      %broadcast_in_dim3A_66 = vector.broadcast %broadcast_in_dim3A_65 : f32 to vector<16xf32>
      %swap3A_67 = arith.index_cast %scan3A_54 : i32 to index
      %swap3A_68 = arith.constant 32 : index
      %swap3A_69 = tpu.vector_load %arg5[%swap3A_67, %swap3A_68] {strides = array<i32>} : memref<80x128xf32, #tpu.memory_space<vmem>>, vector<16xf32>,
      tpu.vector_store %arg5[%swap3A_67, %swap3A_68], %broadcast_in_dim3A_66 {strides = array<i32>} : memref<80x128xf32, #tpu.memory_space<vmem>>, vector<16xf32>,
      %broadcast_in_dim3A_70 = arith.constant 0.000000e+00 : f32
      %broadcast_in_dim3A_71 = vector.broadcast %broadcast_in_dim3A_70 : f32 to vector<16xf32>
      %swap3A_72 = arith.index_cast %scan3A_54 : i32 to index
      %swap3A_73 = arith.constant 48 : index
      %swap3A_74 = tpu.vector_load %arg5[%swap3A_72, %swap3A_73] {strides = array<i32>} : memref<80x128xf32, #tpu.memory_space<vmem>>, vector<16xf32>,
      tpu.vector_store %arg5[%swap3A_72, %swap3A_73], %broadcast_in_dim3A_71 {strides = array<i32>} : memref<80x128xf32, #tpu.memory_space<vmem>>, vector<16xf32>,
      %broadcast_in_dim3A_75 = arith.constant 0.000000e+00 : f32
      %broadcast_in_dim3A_76 = vector.broadcast %broadcast_in_dim3A_75 : f32 to vector<16xf32>
      %swap3A_77 = arith.index_cast %scan3A_54 : i32 to index
      %swap3A_78 = arith.constant 64 : index
      %swap3A_79 = tpu.vector_load %arg5[%swap3A_77, %swap3A_78] {strides = array<i32>} : memref<80x128xf32, #tpu.memory_space<vmem>>, vector<16xf32>,
      tpu.vector_store %arg5[%swap3A_77, %swap3A_78], %broadcast_in_dim3A_76 {strides = array<i32>} : memref<80x128xf32, #tpu.memory_space<vmem>>, vector<16xf32>,
      %broadcast_in_dim3A_80 = arith.constant 0.000000e+00 : f32
      %broadcast_in_dim3A_81 = vector.broadcast %broadcast_in_dim3A_80 : f32 to vector<16xf32>
      %swap3A_82 = arith.index_cast %scan3A_54 : i32 to index
      %swap3A_83 = arith.constant 80 : index
      %swap3A_84 = tpu.vector_load %arg5[%swap3A_82, %swap3A_83] {strides = array<i32>} : memref<80x128xf32, #tpu.memory_space<vmem>>, vector<16xf32>,
      tpu.vector_store %arg5[%swap3A_82, %swap3A_83], %broadcast_in_dim3A_81 {strides = array<i32>} : memref<80x128xf32, #tpu.memory_space<vmem>>, vector<16xf32>,
      %broadcast_in_dim3A_85 = arith.constant 0.000000e+00 : f32
      %broadcast_in_dim3A_86 = vector.broadcast %broadcast_in_dim3A_85 : f32 to vector<16xf32>
      %swap3A_87 = arith.index_cast %scan3A_54 : i32 to index
      %swap3A_88 = arith.constant 96 : index
      %swap3A_89 = tpu.vector_load %arg5[%swap3A_87, %swap3A_88] {strides = array<i32>} : memref<80x128xf32, #tpu.memory_space<vmem>>, vector<16xf32>,
      tpu.vector_store %arg5[%swap3A_87, %swap3A_88], %broadcast_in_dim3A_86 {strides = array<i32>} : memref<80x128xf32, #tpu.memory_space<vmem>>, vector<16xf32>,
      %broadcast_in_dim3A_90 = arith.constant 0.000000e+00 : f32
      %broadcast_in_dim3A_91 = vector.broadcast %broadcast_in_dim3A_90 : f32 to vector<16xf32>
      %swap3A_92 = arith.index_cast %scan3A_54 : i32 to index
      %swap3A_93 = arith.constant 112 : index
      %swap3A_94 = tpu.vector_load %arg5[%swap3A_92, %swap3A_93] {strides = array<i32>} : memref<80x128xf32, #tpu.memory_space<vmem>>, vector<16xf32>,
      tpu.vector_store %arg5[%swap3A_92, %swap3A_93], %broadcast_in_dim3A_91 {strides = array<i32>} : memref<80x128xf32, #tpu.memory_space<vmem>>, vector<16xf32>,
      %scan3A_95 = arith.constant 0 : i32
      scf.yield %scan3A_95 : i32
    }
    %scan3A_6 = arith.constant 80 : i32
    %lt3A = arith.constant 10 : i32
    %lt3A_7 = arith.cmpi slt, %arg1, %lt3A : i32
    %convert_element_type3A = arith.extui %lt3A_7 : i1 to i32
    %cond3A = arith.constant 0 : i32
    %cond3A_8 = arith.cmpi ne, %convert_element_type3A, %cond3A : i32
    scf.if %cond3A_8 {
      %mul3A_54 = arith.constant 8 : i32
      %mul3A_55 = arith.muli %arg1, %mul3A_54 : i32
      "tpu.region"() ({
        %run_scoped3A = tpu.sem_alloc : memref<!tpu.dma_semaphore, #tpu.memory_space<semaphore_mem>>
        %dma_start3A = arith.constant 0 : i32
        %dma_start3A_56 = arith.constant 0 : i32
        %dma_start3A_57 = tpu.memref_slice %arg5[%dma_start3A, %dma_start3A_56] : memref<80x128xf32, #tpu.memory_space<vmem>> -> memref<8x128xf32, #tpu.memory_space<vmem>>
        %dma_start3A_58 = arith.constant 0 : i32
        %dma_start3A_59 = tpu.memref_slice %arg8[%mul3A_55, %dma_start3A_58] : memref<80x128xf32, #tpu.memory_space<vmem_shared>> -> memref<8x128xf32, #tpu.memory_space<vmem_shared>>
        %dma_start3A_60 = arith.constant 0 : i32
        %dma_start3A_61 = tpu.memref_slice %arg8[%mul3A_55, %dma_start3A_60] : memref<80x128xf32, #tpu.memory_space<vmem_shared>> -> memref<8x128xf32, #tpu.memory_space<vmem_shared>>
        %dma_start3A_62 = arith.constant 0 : i32
        %dma_start3A_63 = arith.constant 0 : i32
        %dma_start3A_64 = tpu.memref_slice %arg5[%dma_start3A_62, %dma_start3A_63] : memref<80x128xf32, #tpu.memory_space<vmem>> -> memref<8x128xf32, #tpu.memory_space<vmem>>
        tpu.enqueue_dma source(%dma_start3A_64 : memref<8x128xf32, #tpu.memory_space<vmem>>) target(%dma_start3A_61 : memref<8x128xf32, #tpu.memory_space<vmem_shared>>) target_semaphore(%run_scoped3A : memref<!tpu.dma_semaphore, #tpu.memory_space<semaphore_mem>>)
        %dma_wait3A = arith.constant 0 : i32
        %dma_wait3A_65 = arith.constant 0 : i32
        %dma_wait3A_66 = tpu.memref_slice %arg5[%dma_wait3A, %dma_wait3A_65] : memref<80x128xf32, #tpu.memory_space<vmem>> -> memref<8x128xf32, #tpu.memory_space<vmem>>
        %dma_wait3A_67 = arith.constant 0 : i32
        %dma_wait3A_68 = tpu.memref_slice %arg8[%mul3A_55, %dma_wait3A_67] : memref<80x128xf32, #tpu.memory_space<vmem_shared>> -> memref<8x128xf32, #tpu.memory_space<vmem_shared>>
        %dma_wait3A_69 = arith.constant 0 : i32
        %dma_wait3A_70 = tpu.memref_slice %arg8[%mul3A_55, %dma_wait3A_69] : memref<80x128xf32, #tpu.memory_space<vmem_shared>> -> memref<8x128xf32, #tpu.memory_space<vmem_shared>>
        %dma_wait3A_71 = arith.constant 0 : i32
        %dma_wait3A_72 = arith.constant 0 : i32
        %dma_wait3A_73 = tpu.memref_slice %arg5[%dma_wait3A_71, %dma_wait3A_72] : memref<80x128xf32, #tpu.memory_space<vmem>> -> memref<8x128xf32, #tpu.memory_space<vmem>>
        tpu.wait_dma2 semaphore(%run_scoped3A : memref<!tpu.dma_semaphore, #tpu.memory_space<semaphore_mem>>) src(%dma_wait3A_73 : memref<8x128xf32, #tpu.memory_space<vmem>>) dst(%dma_wait3A_70 : memref<8x128xf32, #tpu.memory_space<vmem_shared>>)
        tpu.yield
      }) : () -> ()
    } else {
    }
    %mul3A_9 = arith.constant 80 : i32
    %mul3A_10 = arith.muli %add3A, %mul3A_9 : i32
    %barrier3A = arith.constant 0 : index
    tpu.barrier barrier_id(%barrier3A)
    %scan3A_11 = arith.constant 0 : i32
    %scan3A_12 = arith.constant 0 : i32
    %scan3A_13 = arith.constant 10 : i32
    %scan3A_14 = arith.addi %scan3A_12, %scan3A_13 : i32
    %scan3A_15 = arith.constant 1 : i32
    %scan3A_16 = scf.for %scan3A_54 = %scan3A_12 to %scan3A_14 step %scan3A_15 iter_args(%scan3A_55 = %scan3A_11) -> (i32)  : i32 {
      %mul3A_56 = arith.constant 8 : i32
      %mul3A_57 = arith.muli %scan3A_54, %mul3A_56 : i32
      %add3A_58 = arith.addi %mul3A_10, %mul3A_57 : i32
      "tpu.region"() ({
        %run_scoped3A = tpu.sem_alloc : memref<!tpu.dma_semaphore, #tpu.memory_space<semaphore_mem>>
        %dma_start3A = arith.constant 0 : i32
        %dma_start3A_824 = tpu.memref_slice %arg2[%add3A_58, %dma_start3A] : memref<2560x128xi32, #tpu.memory_space<hbm>> -> memref<8x128xi32, #tpu.memory_space<hbm>>
        %dma_start3A_825 = arith.constant 0 : i32
        %dma_start3A_826 = tpu.memref_slice %arg2[%add3A_58, %dma_start3A_825] : memref<2560x128xi32, #tpu.memory_space<hbm>> -> memref<8x128xi32, #tpu.memory_space<hbm>>
        tpu.enqueue_dma source(%dma_start3A_826 : memref<8x128xi32, #tpu.memory_space<hbm>>) target(%arg4 : memref<8x128xi32, #tpu.memory_space<vmem>>) target_semaphore(%run_scoped3A : memref<!tpu.dma_semaphore, #tpu.memory_space<semaphore_mem>>)
        %dma_wait3A = arith.constant 0 : i32
        %dma_wait3A_827 = tpu.memref_slice %arg2[%add3A_58, %dma_wait3A] : memref<2560x128xi32, #tpu.memory_space<hbm>> -> memref<8x128xi32, #tpu.memory_space<hbm>>
        %dma_wait3A_828 = arith.constant 0 : i32
        %dma_wait3A_829 = tpu.memref_slice %arg2[%add3A_58, %dma_wait3A_828] : memref<2560x128xi32, #tpu.memory_space<hbm>> -> memref<8x128xi32, #tpu.memory_space<hbm>>
        tpu.wait_dma2 semaphore(%run_scoped3A : memref<!tpu.dma_semaphore, #tpu.memory_space<semaphore_mem>>) src(%dma_wait3A_829 : memref<8x128xi32, #tpu.memory_space<hbm>>) dst(%arg4 : memref<8x128xi32, #tpu.memory_space<vmem>>)
        tpu.yield
      }) : () -> ()
      %get3A = arith.constant 0 : i32
      %get3A_59 = arith.index_cast %get3A : i32 to index
      %get3A_60 = arith.constant 0 : index
      %get3A_61 = tpu.vector_load %arg4[%get3A_59, %get3A_60] {strides = array<i32>} : memref<8x128xi32, #tpu.memory_space<vmem>>, vector<16xi32>,
      %shift_right_logical3A = arith.constant 7 : i32
      %shift_right_logical3A_62 = vector.broadcast %shift_right_logical3A : i32 to vector<16xi32>
      %shift_right_logical3A_63 = arith.shrui %get3A_61, %shift_right_logical3A_62 : vector<16xi32>
      %and3A = arith.constant 127 : i32
      %and3A_64 = vector.broadcast %and3A : i32 to vector<16xi32>
      %and3A_65 = arith.andi %get3A_61, %and3A_64 : vector<16xi32>
      %broadcast_in_dim3A = arith.constant 1.000000e+00 : f32
      %broadcast_in_dim3A_66 = vector.broadcast %broadcast_in_dim3A : f32 to vector<16xf32>
      tpu.vector_store_idx %arg5[%shift_right_logical3A_63, %and3A_65], %broadcast_in_dim3A_66 {add = true} : memref<80x128xf32, #tpu.memory_space<vmem>>[vector<16xi32>, vector<16xi32>], vector<16xf32>,
      %get3A_67 = arith.constant 0 : i32
      %get3A_68 = arith.index_cast %get3A_67 : i32 to index
      %get3A_69 = arith.constant 16 : index
      %get3A_70 = tpu.vector_load %arg4[%get3A_68, %get3A_69] {strides = array<i32>} : memref<8x128xi32, #tpu.memory_space<vmem>>, vector<16xi32>,
      %shift_right_logical3A_71 = arith.constant 7 : i32
      %shift_right_logical3A_72 = vector.broadcast %shift_right_logical3A_71 : i32 to vector<16xi32>
      %shift_right_logical3A_73 = arith.shrui %get3A_70, %shift_right_logical3A_72 : vector<16xi32>
      %and3A_74 = arith.constant 127 : i32
      %and3A_75 = vector.broadcast %and3A_74 : i32 to vector<16xi32>
      %and3A_76 = arith.andi %get3A_70, %and3A_75 : vector<16xi32>
      %broadcast_in_dim3A_77 = arith.constant 1.000000e+00 : f32
      %broadcast_in_dim3A_78 = vector.broadcast %broadcast_in_dim3A_77 : f32 to vector<16xf32>
      tpu.vector_store_idx %arg5[%shift_right_logical3A_73, %and3A_76], %broadcast_in_dim3A_78 {add = true} : memref<80x128xf32, #tpu.memory_space<vmem>>[vector<16xi32>, vector<16xi32>], vector<16xf32>,
      %get3A_79 = arith.constant 0 : i32
      %get3A_80 = arith.index_cast %get3A_79 : i32 to index
      %get3A_81 = arith.constant 32 : index
      %get3A_82 = tpu.vector_load %arg4[%get3A_80, %get3A_81] {strides = array<i32>} : memref<8x128xi32, #tpu.memory_space<vmem>>, vector<16xi32>,
      %shift_right_logical3A_83 = arith.constant 7 : i32
      %shift_right_logical3A_84 = vector.broadcast %shift_right_logical3A_83 : i32 to vector<16xi32>
      %shift_right_logical3A_85 = arith.shrui %get3A_82, %shift_right_logical3A_84 : vector<16xi32>
      %and3A_86 = arith.constant 127 : i32
      %and3A_87 = vector.broadcast %and3A_86 : i32 to vector<16xi32>
      %and3A_88 = arith.andi %get3A_82, %and3A_87 : vector<16xi32>
      %broadcast_in_dim3A_89 = arith.constant 1.000000e+00 : f32
      %broadcast_in_dim3A_90 = vector.broadcast %broadcast_in_dim3A_89 : f32 to vector<16xf32>
      tpu.vector_store_idx %arg5[%shift_right_logical3A_85, %and3A_88], %broadcast_in_dim3A_90 {add = true} : memref<80x128xf32, #tpu.memory_space<vmem>>[vector<16xi32>, vector<16xi32>], vector<16xf32>,
      %get3A_91 = arith.constant 0 : i32
      %get3A_92 = arith.index_cast %get3A_91 : i32 to index
      %get3A_93 = arith.constant 48 : index
      %get3A_94 = tpu.vector_load %arg4[%get3A_92, %get3A_93] {strides = array<i32>} : memref<8x128xi32, #tpu.memory_space<vmem>>, vector<16xi32>,
      %shift_right_logical3A_95 = arith.constant 7 : i32
      %shift_right_logical3A_96 = vector.broadcast %shift_right_logical3A_95 : i32 to vector<16xi32>
      %shift_right_logical3A_97 = arith.shrui %get3A_94, %shift_right_logical3A_96 : vector<16xi32>
      %and3A_98 = arith.constant 127 : i32
      %and3A_99 = vector.broadcast %and3A_98 : i32 to vector<16xi32>
      %and3A_100 = arith.andi %get3A_94, %and3A_99 : vector<16xi32>
      %broadcast_in_dim3A_101 = arith.constant 1.000000e+00 : f32
      %broadcast_in_dim3A_102 = vector.broadcast %broadcast_in_dim3A_101 : f32 to vector<16xf32>
      tpu.vector_store_idx %arg5[%shift_right_logical3A_97, %and3A_100], %broadcast_in_dim3A_102 {add = true} : memref<80x128xf32, #tpu.memory_space<vmem>>[vector<16xi32>, vector<16xi32>], vector<16xf32>,
      %get3A_103 = arith.constant 0 : i32
      %get3A_104 = arith.index_cast %get3A_103 : i32 to index
      %get3A_105 = arith.constant 64 : index
      %get3A_106 = tpu.vector_load %arg4[%get3A_104, %get3A_105] {strides = array<i32>} : memref<8x128xi32, #tpu.memory_space<vmem>>, vector<16xi32>,
      %shift_right_logical3A_107 = arith.constant 7 : i32
      %shift_right_logical3A_108 = vector.broadcast %shift_right_logical3A_107 : i32 to vector<16xi32>
      %shift_right_logical3A_109 = arith.shrui %get3A_106, %shift_right_logical3A_108 : vector<16xi32>
      %and3A_110 = arith.constant 127 : i32
      %and3A_111 = vector.broadcast %and3A_110 : i32 to vector<16xi32>
      %and3A_112 = arith.andi %get3A_106, %and3A_111 : vector<16xi32>
      %broadcast_in_dim3A_113 = arith.constant 1.000000e+00 : f32
      %broadcast_in_dim3A_114 = vector.broadcast %broadcast_in_dim3A_113 : f32 to vector<16xf32>
      tpu.vector_store_idx %arg5[%shift_right_logical3A_109, %and3A_112], %broadcast_in_dim3A_114 {add = true} : memref<80x128xf32, #tpu.memory_space<vmem>>[vector<16xi32>, vector<16xi32>], vector<16xf32>,
      %get3A_115 = arith.constant 0 : i32
      %get3A_116 = arith.index_cast %get3A_115 : i32 to index
      %get3A_117 = arith.constant 80 : index
      %get3A_118 = tpu.vector_load %arg4[%get3A_116, %get3A_117] {strides = array<i32>} : memref<8x128xi32, #tpu.memory_space<vmem>>, vector<16xi32>,
      %shift_right_logical3A_119 = arith.constant 7 : i32
      %shift_right_logical3A_120 = vector.broadcast %shift_right_logical3A_119 : i32 to vector<16xi32>
      %shift_right_logical3A_121 = arith.shrui %get3A_118, %shift_right_logical3A_120 : vector<16xi32>
      %and3A_122 = arith.constant 127 : i32
      %and3A_123 = vector.broadcast %and3A_122 : i32 to vector<16xi32>
      %and3A_124 = arith.andi %get3A_118, %and3A_123 : vector<16xi32>
      %broadcast_in_dim3A_125 = arith.constant 1.000000e+00 : f32
      %broadcast_in_dim3A_126 = vector.broadcast %broadcast_in_dim3A_125 : f32 to vector<16xf32>
      tpu.vector_store_idx %arg5[%shift_right_logical3A_121, %and3A_124], %broadcast_in_dim3A_126 {add = true} : memref<80x128xf32, #tpu.memory_space<vmem>>[vector<16xi32>, vector<16xi32>], vector<16xf32>,
      %get3A_127 = arith.constant 0 : i32
      %get3A_128 = arith.index_cast %get3A_127 : i32 to index
      %get3A_129 = arith.constant 96 : index
      %get3A_130 = tpu.vector_load %arg4[%get3A_128, %get3A_129] {strides = array<i32>} : memref<8x128xi32, #tpu.memory_space<vmem>>, vector<16xi32>,
      %shift_right_logical3A_131 = arith.constant 7 : i32
      %shift_right_logical3A_132 = vector.broadcast %shift_right_logical3A_131 : i32 to vector<16xi32>
      %shift_right_logical3A_133 = arith.shrui %get3A_130, %shift_right_logical3A_132 : vector<16xi32>
      %and3A_134 = arith.constant 127 : i32
      %and3A_135 = vector.broadcast %and3A_134 : i32 to vector<16xi32>
      %and3A_136 = arith.andi %get3A_130, %and3A_135 : vector<16xi32>
      %broadcast_in_dim3A_137 = arith.constant 1.000000e+00 : f32
      %broadcast_in_dim3A_138 = vector.broadcast %broadcast_in_dim3A_137 : f32 to vector<16xf32>
      tpu.vector_store_idx %arg5[%shift_right_logical3A_133, %and3A_136], %broadcast_in_dim3A_138 {add = true} : memref<80x128xf32, #tpu.memory_space<vmem>>[vector<16xi32>, vector<16xi32>], vector<16xf32>,
      %get3A_139 = arith.constant 0 : i32
      %get3A_140 = arith.index_cast %get3A_139 : i32 to index
      %get3A_141 = arith.constant 112 : index
      %get3A_142 = tpu.vector_load %arg4[%get3A_140, %get3A_141] {strides = array<i32>} : memref<8x128xi32, #tpu.memory_space<vmem>>, vector<16xi32>,
      %shift_right_logical3A_143 = arith.constant 7 : i32
      %shift_right_logical3A_144 = vector.broadcast %shift_right_logical3A_143 : i32 to vector<16xi32>
      %shift_right_logical3A_145 = arith.shrui %get3A_142, %shift_right_logical3A_144 : vector<16xi32>
      %and3A_146 = arith.constant 127 : i32
      %and3A_147 = vector.broadcast %and3A_146 : i32 to vector<16xi32>
      %and3A_148 = arith.andi %get3A_142, %and3A_147 : vector<16xi32>
      %broadcast_in_dim3A_149 = arith.constant 1.000000e+00 : f32
      %broadcast_in_dim3A_150 = vector.broadcast %broadcast_in_dim3A_149 : f32 to vector<16xf32>
      tpu.vector_store_idx %arg5[%shift_right_logical3A_145, %and3A_148], %broadcast_in_dim3A_150 {add = true} : memref<80x128xf32, #tpu.memory_space<vmem>>[vector<16xi32>, vector<16xi32>], vector<16xf32>,
      %get3A_151 = arith.constant 1 : i32
      %get3A_152 = arith.index_cast %get3A_151 : i32 to index
      %get3A_153 = arith.constant 0 : index
      %get3A_154 = tpu.vector_load %arg4[%get3A_152, %get3A_153] {strides = array<i32>} : memref<8x128xi32, #tpu.memory_space<vmem>>, vector<16xi32>,
      %shift_right_logical3A_155 = arith.constant 7 : i32
      %shift_right_logical3A_156 = vector.broadcast %shift_right_logical3A_155 : i32 to vector<16xi32>
      %shift_right_logical3A_157 = arith.shrui %get3A_154, %shift_right_logical3A_156 : vector<16xi32>
      %and3A_158 = arith.constant 127 : i32
      %and3A_159 = vector.broadcast %and3A_158 : i32 to vector<16xi32>
      %and3A_160 = arith.andi %get3A_154, %and3A_159 : vector<16xi32>
      %broadcast_in_dim3A_161 = arith.constant 1.000000e+00 : f32
      %broadcast_in_dim3A_162 = vector.broadcast %broadcast_in_dim3A_161 : f32 to vector<16xf32>
      tpu.vector_store_idx %arg5[%shift_right_logical3A_157, %and3A_160], %broadcast_in_dim3A_162 {add = true} : memref<80x128xf32, #tpu.memory_space<vmem>>[vector<16xi32>, vector<16xi32>], vector<16xf32>,
      %get3A_163 = arith.constant 1 : i32
      %get3A_164 = arith.index_cast %get3A_163 : i32 to index
      %get3A_165 = arith.constant 16 : index
      %get3A_166 = tpu.vector_load %arg4[%get3A_164, %get3A_165] {strides = array<i32>} : memref<8x128xi32, #tpu.memory_space<vmem>>, vector<16xi32>,
      %shift_right_logical3A_167 = arith.constant 7 : i32
      %shift_right_logical3A_168 = vector.broadcast %shift_right_logical3A_167 : i32 to vector<16xi32>
      %shift_right_logical3A_169 = arith.shrui %get3A_166, %shift_right_logical3A_168 : vector<16xi32>
      %and3A_170 = arith.constant 127 : i32
      %and3A_171 = vector.broadcast %and3A_170 : i32 to vector<16xi32>
      %and3A_172 = arith.andi %get3A_166, %and3A_171 : vector<16xi32>
      %broadcast_in_dim3A_173 = arith.constant 1.000000e+00 : f32
      %broadcast_in_dim3A_174 = vector.broadcast %broadcast_in_dim3A_173 : f32 to vector<16xf32>
      tpu.vector_store_idx %arg5[%shift_right_logical3A_169, %and3A_172], %broadcast_in_dim3A_174 {add = true} : memref<80x128xf32, #tpu.memory_space<vmem>>[vector<16xi32>, vector<16xi32>], vector<16xf32>,
      %get3A_175 = arith.constant 1 : i32
      %get3A_176 = arith.index_cast %get3A_175 : i32 to index
      %get3A_177 = arith.constant 32 : index
      %get3A_178 = tpu.vector_load %arg4[%get3A_176, %get3A_177] {strides = array<i32>} : memref<8x128xi32, #tpu.memory_space<vmem>>, vector<16xi32>,
      %shift_right_logical3A_179 = arith.constant 7 : i32
      %shift_right_logical3A_180 = vector.broadcast %shift_right_logical3A_179 : i32 to vector<16xi32>
      %shift_right_logical3A_181 = arith.shrui %get3A_178, %shift_right_logical3A_180 : vector<16xi32>
      %and3A_182 = arith.constant 127 : i32
      %and3A_183 = vector.broadcast %and3A_182 : i32 to vector<16xi32>
      %and3A_184 = arith.andi %get3A_178, %and3A_183 : vector<16xi32>
      %broadcast_in_dim3A_185 = arith.constant 1.000000e+00 : f32
      %broadcast_in_dim3A_186 = vector.broadcast %broadcast_in_dim3A_185 : f32 to vector<16xf32>
      tpu.vector_store_idx %arg5[%shift_right_logical3A_181, %and3A_184], %broadcast_in_dim3A_186 {add = true} : memref<80x128xf32, #tpu.memory_space<vmem>>[vector<16xi32>, vector<16xi32>], vector<16xf32>,
      %get3A_187 = arith.constant 1 : i32
      %get3A_188 = arith.index_cast %get3A_187 : i32 to index
      %get3A_189 = arith.constant 48 : index
      %get3A_190 = tpu.vector_load %arg4[%get3A_188, %get3A_189] {strides = array<i32>} : memref<8x128xi32, #tpu.memory_space<vmem>>, vector<16xi32>,
      %shift_right_logical3A_191 = arith.constant 7 : i32
      %shift_right_logical3A_192 = vector.broadcast %shift_right_logical3A_191 : i32 to vector<16xi32>
      %shift_right_logical3A_193 = arith.shrui %get3A_190, %shift_right_logical3A_192 : vector<16xi32>
      %and3A_194 = arith.constant 127 : i32
      %and3A_195 = vector.broadcast %and3A_194 : i32 to vector<16xi32>
      %and3A_196 = arith.andi %get3A_190, %and3A_195 : vector<16xi32>
      %broadcast_in_dim3A_197 = arith.constant 1.000000e+00 : f32
      %broadcast_in_dim3A_198 = vector.broadcast %broadcast_in_dim3A_197 : f32 to vector<16xf32>
      tpu.vector_store_idx %arg5[%shift_right_logical3A_193, %and3A_196], %broadcast_in_dim3A_198 {add = true} : memref<80x128xf32, #tpu.memory_space<vmem>>[vector<16xi32>, vector<16xi32>], vector<16xf32>,
      %get3A_199 = arith.constant 1 : i32
      %get3A_200 = arith.index_cast %get3A_199 : i32 to index
      %get3A_201 = arith.constant 64 : index
      %get3A_202 = tpu.vector_load %arg4[%get3A_200, %get3A_201] {strides = array<i32>} : memref<8x128xi32, #tpu.memory_space<vmem>>, vector<16xi32>,
      %shift_right_logical3A_203 = arith.constant 7 : i32
      %shift_right_logical3A_204 = vector.broadcast %shift_right_logical3A_203 : i32 to vector<16xi32>
      %shift_right_logical3A_205 = arith.shrui %get3A_202, %shift_right_logical3A_204 : vector<16xi32>
      %and3A_206 = arith.constant 127 : i32
      %and3A_207 = vector.broadcast %and3A_206 : i32 to vector<16xi32>
      %and3A_208 = arith.andi %get3A_202, %and3A_207 : vector<16xi32>
      %broadcast_in_dim3A_209 = arith.constant 1.000000e+00 : f32
      %broadcast_in_dim3A_210 = vector.broadcast %broadcast_in_dim3A_209 : f32 to vector<16xf32>
      tpu.vector_store_idx %arg5[%shift_right_logical3A_205, %and3A_208], %broadcast_in_dim3A_210 {add = true} : memref<80x128xf32, #tpu.memory_space<vmem>>[vector<16xi32>, vector<16xi32>], vector<16xf32>,
      %get3A_211 = arith.constant 1 : i32
      %get3A_212 = arith.index_cast %get3A_211 : i32 to index
      %get3A_213 = arith.constant 80 : index
      %get3A_214 = tpu.vector_load %arg4[%get3A_212, %get3A_213] {strides = array<i32>} : memref<8x128xi32, #tpu.memory_space<vmem>>, vector<16xi32>,
      %shift_right_logical3A_215 = arith.constant 7 : i32
      %shift_right_logical3A_216 = vector.broadcast %shift_right_logical3A_215 : i32 to vector<16xi32>
      %shift_right_logical3A_217 = arith.shrui %get3A_214, %shift_right_logical3A_216 : vector<16xi32>
      %and3A_218 = arith.constant 127 : i32
      %and3A_219 = vector.broadcast %and3A_218 : i32 to vector<16xi32>
      %and3A_220 = arith.andi %get3A_214, %and3A_219 : vector<16xi32>
      %broadcast_in_dim3A_221 = arith.constant 1.000000e+00 : f32
      %broadcast_in_dim3A_222 = vector.broadcast %broadcast_in_dim3A_221 : f32 to vector<16xf32>
      tpu.vector_store_idx %arg5[%shift_right_logical3A_217, %and3A_220], %broadcast_in_dim3A_222 {add = true} : memref<80x128xf32, #tpu.memory_space<vmem>>[vector<16xi32>, vector<16xi32>], vector<16xf32>,
      %get3A_223 = arith.constant 1 : i32
      %get3A_224 = arith.index_cast %get3A_223 : i32 to index
      %get3A_225 = arith.constant 96 : index
      %get3A_226 = tpu.vector_load %arg4[%get3A_224, %get3A_225] {strides = array<i32>} : memref<8x128xi32, #tpu.memory_space<vmem>>, vector<16xi32>,
      %shift_right_logical3A_227 = arith.constant 7 : i32
      %shift_right_logical3A_228 = vector.broadcast %shift_right_logical3A_227 : i32 to vector<16xi32>
      %shift_right_logical3A_229 = arith.shrui %get3A_226, %shift_right_logical3A_228 : vector<16xi32>
      %and3A_230 = arith.constant 127 : i32
      %and3A_231 = vector.broadcast %and3A_230 : i32 to vector<16xi32>
      %and3A_232 = arith.andi %get3A_226, %and3A_231 : vector<16xi32>
      %broadcast_in_dim3A_233 = arith.constant 1.000000e+00 : f32
      %broadcast_in_dim3A_234 = vector.broadcast %broadcast_in_dim3A_233 : f32 to vector<16xf32>
      tpu.vector_store_idx %arg5[%shift_right_logical3A_229, %and3A_232], %broadcast_in_dim3A_234 {add = true} : memref<80x128xf32, #tpu.memory_space<vmem>>[vector<16xi32>, vector<16xi32>], vector<16xf32>,
      %get3A_235 = arith.constant 1 : i32
      %get3A_236 = arith.index_cast %get3A_235 : i32 to index
      %get3A_237 = arith.constant 112 : index
      %get3A_238 = tpu.vector_load %arg4[%get3A_236, %get3A_237] {strides = array<i32>} : memref<8x128xi32, #tpu.memory_space<vmem>>, vector<16xi32>,
      %shift_right_logical3A_239 = arith.constant 7 : i32
      %shift_right_logical3A_240 = vector.broadcast %shift_right_logical3A_239 : i32 to vector<16xi32>
      %shift_right_logical3A_241 = arith.shrui %get3A_238, %shift_right_logical3A_240 : vector<16xi32>
      %and3A_242 = arith.constant 127 : i32
      %and3A_243 = vector.broadcast %and3A_242 : i32 to vector<16xi32>
      %and3A_244 = arith.andi %get3A_238, %and3A_243 : vector<16xi32>
      %broadcast_in_dim3A_245 = arith.constant 1.000000e+00 : f32
      %broadcast_in_dim3A_246 = vector.broadcast %broadcast_in_dim3A_245 : f32 to vector<16xf32>
      tpu.vector_store_idx %arg5[%shift_right_logical3A_241, %and3A_244], %broadcast_in_dim3A_246 {add = true} : memref<80x128xf32, #tpu.memory_space<vmem>>[vector<16xi32>, vector<16xi32>], vector<16xf32>,
      %get3A_247 = arith.constant 2 : i32
      %get3A_248 = arith.index_cast %get3A_247 : i32 to index
      %get3A_249 = arith.constant 0 : index
      %get3A_250 = tpu.vector_load %arg4[%get3A_248, %get3A_249] {strides = array<i32>} : memref<8x128xi32, #tpu.memory_space<vmem>>, vector<16xi32>,
      %shift_right_logical3A_251 = arith.constant 7 : i32
      %shift_right_logical3A_252 = vector.broadcast %shift_right_logical3A_251 : i32 to vector<16xi32>
      %shift_right_logical3A_253 = arith.shrui %get3A_250, %shift_right_logical3A_252 : vector<16xi32>
      %and3A_254 = arith.constant 127 : i32
      %and3A_255 = vector.broadcast %and3A_254 : i32 to vector<16xi32>
      %and3A_256 = arith.andi %get3A_250, %and3A_255 : vector<16xi32>
      %broadcast_in_dim3A_257 = arith.constant 1.000000e+00 : f32
      %broadcast_in_dim3A_258 = vector.broadcast %broadcast_in_dim3A_257 : f32 to vector<16xf32>
      tpu.vector_store_idx %arg5[%shift_right_logical3A_253, %and3A_256], %broadcast_in_dim3A_258 {add = true} : memref<80x128xf32, #tpu.memory_space<vmem>>[vector<16xi32>, vector<16xi32>], vector<16xf32>,
      %get3A_259 = arith.constant 2 : i32
      %get3A_260 = arith.index_cast %get3A_259 : i32 to index
      %get3A_261 = arith.constant 16 : index
      %get3A_262 = tpu.vector_load %arg4[%get3A_260, %get3A_261] {strides = array<i32>} : memref<8x128xi32, #tpu.memory_space<vmem>>, vector<16xi32>,
      %shift_right_logical3A_263 = arith.constant 7 : i32
      %shift_right_logical3A_264 = vector.broadcast %shift_right_logical3A_263 : i32 to vector<16xi32>
      %shift_right_logical3A_265 = arith.shrui %get3A_262, %shift_right_logical3A_264 : vector<16xi32>
      %and3A_266 = arith.constant 127 : i32
      %and3A_267 = vector.broadcast %and3A_266 : i32 to vector<16xi32>
      %and3A_268 = arith.andi %get3A_262, %and3A_267 : vector<16xi32>
      %broadcast_in_dim3A_269 = arith.constant 1.000000e+00 : f32
      %broadcast_in_dim3A_270 = vector.broadcast %broadcast_in_dim3A_269 : f32 to vector<16xf32>
      tpu.vector_store_idx %arg5[%shift_right_logical3A_265, %and3A_268], %broadcast_in_dim3A_270 {add = true} : memref<80x128xf32, #tpu.memory_space<vmem>>[vector<16xi32>, vector<16xi32>], vector<16xf32>,
      %get3A_271 = arith.constant 2 : i32
      %get3A_272 = arith.index_cast %get3A_271 : i32 to index
      %get3A_273 = arith.constant 32 : index
      %get3A_274 = tpu.vector_load %arg4[%get3A_272, %get3A_273] {strides = array<i32>} : memref<8x128xi32, #tpu.memory_space<vmem>>, vector<16xi32>,
      %shift_right_logical3A_275 = arith.constant 7 : i32
      %shift_right_logical3A_276 = vector.broadcast %shift_right_logical3A_275 : i32 to vector<16xi32>
      %shift_right_logical3A_277 = arith.shrui %get3A_274, %shift_right_logical3A_276 : vector<16xi32>
      %and3A_278 = arith.constant 127 : i32
      %and3A_279 = vector.broadcast %and3A_278 : i32 to vector<16xi32>
      %and3A_280 = arith.andi %get3A_274, %and3A_279 : vector<16xi32>
      %broadcast_in_dim3A_281 = arith.constant 1.000000e+00 : f32
      %broadcast_in_dim3A_282 = vector.broadcast %broadcast_in_dim3A_281 : f32 to vector<16xf32>
      tpu.vector_store_idx %arg5[%shift_right_logical3A_277, %and3A_280], %broadcast_in_dim3A_282 {add = true} : memref<80x128xf32, #tpu.memory_space<vmem>>[vector<16xi32>, vector<16xi32>], vector<16xf32>,
      %get3A_283 = arith.constant 2 : i32
      %get3A_284 = arith.index_cast %get3A_283 : i32 to index
      %get3A_285 = arith.constant 48 : index
      %get3A_286 = tpu.vector_load %arg4[%get3A_284, %get3A_285] {strides = array<i32>} : memref<8x128xi32, #tpu.memory_space<vmem>>, vector<16xi32>,
      %shift_right_logical3A_287 = arith.constant 7 : i32
      %shift_right_logical3A_288 = vector.broadcast %shift_right_logical3A_287 : i32 to vector<16xi32>
      %shift_right_logical3A_289 = arith.shrui %get3A_286, %shift_right_logical3A_288 : vector<16xi32>
      %and3A_290 = arith.constant 127 : i32
      %and3A_291 = vector.broadcast %and3A_290 : i32 to vector<16xi32>
      %and3A_292 = arith.andi %get3A_286, %and3A_291 : vector<16xi32>
      %broadcast_in_dim3A_293 = arith.constant 1.000000e+00 : f32
      %broadcast_in_dim3A_294 = vector.broadcast %broadcast_in_dim3A_293 : f32 to vector<16xf32>
      tpu.vector_store_idx %arg5[%shift_right_logical3A_289, %and3A_292], %broadcast_in_dim3A_294 {add = true} : memref<80x128xf32, #tpu.memory_space<vmem>>[vector<16xi32>, vector<16xi32>], vector<16xf32>,
      %get3A_295 = arith.constant 2 : i32
      %get3A_296 = arith.index_cast %get3A_295 : i32 to index
      %get3A_297 = arith.constant 64 : index
      %get3A_298 = tpu.vector_load %arg4[%get3A_296, %get3A_297] {strides = array<i32>} : memref<8x128xi32, #tpu.memory_space<vmem>>, vector<16xi32>,
      %shift_right_logical3A_299 = arith.constant 7 : i32
      %shift_right_logical3A_300 = vector.broadcast %shift_right_logical3A_299 : i32 to vector<16xi32>
      %shift_right_logical3A_301 = arith.shrui %get3A_298, %shift_right_logical3A_300 : vector<16xi32>
      %and3A_302 = arith.constant 127 : i32
      %and3A_303 = vector.broadcast %and3A_302 : i32 to vector<16xi32>
      %and3A_304 = arith.andi %get3A_298, %and3A_303 : vector<16xi32>
      %broadcast_in_dim3A_305 = arith.constant 1.000000e+00 : f32
      %broadcast_in_dim3A_306 = vector.broadcast %broadcast_in_dim3A_305 : f32 to vector<16xf32>
      tpu.vector_store_idx %arg5[%shift_right_logical3A_301, %and3A_304], %broadcast_in_dim3A_306 {add = true} : memref<80x128xf32, #tpu.memory_space<vmem>>[vector<16xi32>, vector<16xi32>], vector<16xf32>,
      %get3A_307 = arith.constant 2 : i32
      %get3A_308 = arith.index_cast %get3A_307 : i32 to index
      %get3A_309 = arith.constant 80 : index
      %get3A_310 = tpu.vector_load %arg4[%get3A_308, %get3A_309] {strides = array<i32>} : memref<8x128xi32, #tpu.memory_space<vmem>>, vector<16xi32>,
      %shift_right_logical3A_311 = arith.constant 7 : i32
      %shift_right_logical3A_312 = vector.broadcast %shift_right_logical3A_311 : i32 to vector<16xi32>
      %shift_right_logical3A_313 = arith.shrui %get3A_310, %shift_right_logical3A_312 : vector<16xi32>
      %and3A_314 = arith.constant 127 : i32
      %and3A_315 = vector.broadcast %and3A_314 : i32 to vector<16xi32>
      %and3A_316 = arith.andi %get3A_310, %and3A_315 : vector<16xi32>
      %broadcast_in_dim3A_317 = arith.constant 1.000000e+00 : f32
      %broadcast_in_dim3A_318 = vector.broadcast %broadcast_in_dim3A_317 : f32 to vector<16xf32>
      tpu.vector_store_idx %arg5[%shift_right_logical3A_313, %and3A_316], %broadcast_in_dim3A_318 {add = true} : memref<80x128xf32, #tpu.memory_space<vmem>>[vector<16xi32>, vector<16xi32>], vector<16xf32>,
      %get3A_319 = arith.constant 2 : i32
      %get3A_320 = arith.index_cast %get3A_319 : i32 to index
      %get3A_321 = arith.constant 96 : index
      %get3A_322 = tpu.vector_load %arg4[%get3A_320, %get3A_321] {strides = array<i32>} : memref<8x128xi32, #tpu.memory_space<vmem>>, vector<16xi32>,
      %shift_right_logical3A_323 = arith.constant 7 : i32
      %shift_right_logical3A_324 = vector.broadcast %shift_right_logical3A_323 : i32 to vector<16xi32>
      %shift_right_logical3A_325 = arith.shrui %get3A_322, %shift_right_logical3A_324 : vector<16xi32>
      %and3A_326 = arith.constant 127 : i32
      %and3A_327 = vector.broadcast %and3A_326 : i32 to vector<16xi32>
      %and3A_328 = arith.andi %get3A_322, %and3A_327 : vector<16xi32>
      %broadcast_in_dim3A_329 = arith.constant 1.000000e+00 : f32
      %broadcast_in_dim3A_330 = vector.broadcast %broadcast_in_dim3A_329 : f32 to vector<16xf32>
      tpu.vector_store_idx %arg5[%shift_right_logical3A_325, %and3A_328], %broadcast_in_dim3A_330 {add = true} : memref<80x128xf32, #tpu.memory_space<vmem>>[vector<16xi32>, vector<16xi32>], vector<16xf32>,
      %get3A_331 = arith.constant 2 : i32
      %get3A_332 = arith.index_cast %get3A_331 : i32 to index
      %get3A_333 = arith.constant 112 : index
      %get3A_334 = tpu.vector_load %arg4[%get3A_332, %get3A_333] {strides = array<i32>} : memref<8x128xi32, #tpu.memory_space<vmem>>, vector<16xi32>,
      %shift_right_logical3A_335 = arith.constant 7 : i32
      %shift_right_logical3A_336 = vector.broadcast %shift_right_logical3A_335 : i32 to vector<16xi32>
      %shift_right_logical3A_337 = arith.shrui %get3A_334, %shift_right_logical3A_336 : vector<16xi32>
      %and3A_338 = arith.constant 127 : i32
      %and3A_339 = vector.broadcast %and3A_338 : i32 to vector<16xi32>
      %and3A_340 = arith.andi %get3A_334, %and3A_339 : vector<16xi32>
      %broadcast_in_dim3A_341 = arith.constant 1.000000e+00 : f32
      %broadcast_in_dim3A_342 = vector.broadcast %broadcast_in_dim3A_341 : f32 to vector<16xf32>
      tpu.vector_store_idx %arg5[%shift_right_logical3A_337, %and3A_340], %broadcast_in_dim3A_342 {add = true} : memref<80x128xf32, #tpu.memory_space<vmem>>[vector<16xi32>, vector<16xi32>], vector<16xf32>,
      %get3A_343 = arith.constant 3 : i32
      %get3A_344 = arith.index_cast %get3A_343 : i32 to index
      %get3A_345 = arith.constant 0 : index
      %get3A_346 = tpu.vector_load %arg4[%get3A_344, %get3A_345] {strides = array<i32>} : memref<8x128xi32, #tpu.memory_space<vmem>>, vector<16xi32>,
      %shift_right_logical3A_347 = arith.constant 7 : i32
      %shift_right_logical3A_348 = vector.broadcast %shift_right_logical3A_347 : i32 to vector<16xi32>
      %shift_right_logical3A_349 = arith.shrui %get3A_346, %shift_right_logical3A_348 : vector<16xi32>
      %and3A_350 = arith.constant 127 : i32
      %and3A_351 = vector.broadcast %and3A_350 : i32 to vector<16xi32>
      %and3A_352 = arith.andi %get3A_346, %and3A_351 : vector<16xi32>
      %broadcast_in_dim3A_353 = arith.constant 1.000000e+00 : f32
      %broadcast_in_dim3A_354 = vector.broadcast %broadcast_in_dim3A_353 : f32 to vector<16xf32>
      tpu.vector_store_idx %arg5[%shift_right_logical3A_349, %and3A_352], %broadcast_in_dim3A_354 {add = true} : memref<80x128xf32, #tpu.memory_space<vmem>>[vector<16xi32>, vector<16xi32>], vector<16xf32>,
      %get3A_355 = arith.constant 3 : i32
      %get3A_356 = arith.index_cast %get3A_355 : i32 to index
      %get3A_357 = arith.constant 16 : index
      %get3A_358 = tpu.vector_load %arg4[%get3A_356, %get3A_357] {strides = array<i32>} : memref<8x128xi32, #tpu.memory_space<vmem>>, vector<16xi32>,
      %shift_right_logical3A_359 = arith.constant 7 : i32
      %shift_right_logical3A_360 = vector.broadcast %shift_right_logical3A_359 : i32 to vector<16xi32>
      %shift_right_logical3A_361 = arith.shrui %get3A_358, %shift_right_logical3A_360 : vector<16xi32>
      %and3A_362 = arith.constant 127 : i32
      %and3A_363 = vector.broadcast %and3A_362 : i32 to vector<16xi32>
      %and3A_364 = arith.andi %get3A_358, %and3A_363 : vector<16xi32>
      %broadcast_in_dim3A_365 = arith.constant 1.000000e+00 : f32
      %broadcast_in_dim3A_366 = vector.broadcast %broadcast_in_dim3A_365 : f32 to vector<16xf32>
      tpu.vector_store_idx %arg5[%shift_right_logical3A_361, %and3A_364], %broadcast_in_dim3A_366 {add = true} : memref<80x128xf32, #tpu.memory_space<vmem>>[vector<16xi32>, vector<16xi32>], vector<16xf32>,
      %get3A_367 = arith.constant 3 : i32
      %get3A_368 = arith.index_cast %get3A_367 : i32 to index
      %get3A_369 = arith.constant 32 : index
      %get3A_370 = tpu.vector_load %arg4[%get3A_368, %get3A_369] {strides = array<i32>} : memref<8x128xi32, #tpu.memory_space<vmem>>, vector<16xi32>,
      %shift_right_logical3A_371 = arith.constant 7 : i32
      %shift_right_logical3A_372 = vector.broadcast %shift_right_logical3A_371 : i32 to vector<16xi32>
      %shift_right_logical3A_373 = arith.shrui %get3A_370, %shift_right_logical3A_372 : vector<16xi32>
      %and3A_374 = arith.constant 127 : i32
      %and3A_375 = vector.broadcast %and3A_374 : i32 to vector<16xi32>
      %and3A_376 = arith.andi %get3A_370, %and3A_375 : vector<16xi32>
      %broadcast_in_dim3A_377 = arith.constant 1.000000e+00 : f32
      %broadcast_in_dim3A_378 = vector.broadcast %broadcast_in_dim3A_377 : f32 to vector<16xf32>
      tpu.vector_store_idx %arg5[%shift_right_logical3A_373, %and3A_376], %broadcast_in_dim3A_378 {add = true} : memref<80x128xf32, #tpu.memory_space<vmem>>[vector<16xi32>, vector<16xi32>], vector<16xf32>,
      %get3A_379 = arith.constant 3 : i32
      %get3A_380 = arith.index_cast %get3A_379 : i32 to index
      %get3A_381 = arith.constant 48 : index
      %get3A_382 = tpu.vector_load %arg4[%get3A_380, %get3A_381] {strides = array<i32>} : memref<8x128xi32, #tpu.memory_space<vmem>>, vector<16xi32>,
      %shift_right_logical3A_383 = arith.constant 7 : i32
      %shift_right_logical3A_384 = vector.broadcast %shift_right_logical3A_383 : i32 to vector<16xi32>
      %shift_right_logical3A_385 = arith.shrui %get3A_382, %shift_right_logical3A_384 : vector<16xi32>
      %and3A_386 = arith.constant 127 : i32
      %and3A_387 = vector.broadcast %and3A_386 : i32 to vector<16xi32>
      %and3A_388 = arith.andi %get3A_382, %and3A_387 : vector<16xi32>
      %broadcast_in_dim3A_389 = arith.constant 1.000000e+00 : f32
      %broadcast_in_dim3A_390 = vector.broadcast %broadcast_in_dim3A_389 : f32 to vector<16xf32>
      tpu.vector_store_idx %arg5[%shift_right_logical3A_385, %and3A_388], %broadcast_in_dim3A_390 {add = true} : memref<80x128xf32, #tpu.memory_space<vmem>>[vector<16xi32>, vector<16xi32>], vector<16xf32>,
      %get3A_391 = arith.constant 3 : i32
      %get3A_392 = arith.index_cast %get3A_391 : i32 to index
      %get3A_393 = arith.constant 64 : index
      %get3A_394 = tpu.vector_load %arg4[%get3A_392, %get3A_393] {strides = array<i32>} : memref<8x128xi32, #tpu.memory_space<vmem>>, vector<16xi32>,
      %shift_right_logical3A_395 = arith.constant 7 : i32
      %shift_right_logical3A_396 = vector.broadcast %shift_right_logical3A_395 : i32 to vector<16xi32>
      %shift_right_logical3A_397 = arith.shrui %get3A_394, %shift_right_logical3A_396 : vector<16xi32>
      %and3A_398 = arith.constant 127 : i32
      %and3A_399 = vector.broadcast %and3A_398 : i32 to vector<16xi32>
      %and3A_400 = arith.andi %get3A_394, %and3A_399 : vector<16xi32>
      %broadcast_in_dim3A_401 = arith.constant 1.000000e+00 : f32
      %broadcast_in_dim3A_402 = vector.broadcast %broadcast_in_dim3A_401 : f32 to vector<16xf32>
      tpu.vector_store_idx %arg5[%shift_right_logical3A_397, %and3A_400], %broadcast_in_dim3A_402 {add = true} : memref<80x128xf32, #tpu.memory_space<vmem>>[vector<16xi32>, vector<16xi32>], vector<16xf32>,
      %get3A_403 = arith.constant 3 : i32
      %get3A_404 = arith.index_cast %get3A_403 : i32 to index
      %get3A_405 = arith.constant 80 : index
      %get3A_406 = tpu.vector_load %arg4[%get3A_404, %get3A_405] {strides = array<i32>} : memref<8x128xi32, #tpu.memory_space<vmem>>, vector<16xi32>,
      %shift_right_logical3A_407 = arith.constant 7 : i32
      %shift_right_logical3A_408 = vector.broadcast %shift_right_logical3A_407 : i32 to vector<16xi32>
      %shift_right_logical3A_409 = arith.shrui %get3A_406, %shift_right_logical3A_408 : vector<16xi32>
      %and3A_410 = arith.constant 127 : i32
      %and3A_411 = vector.broadcast %and3A_410 : i32 to vector<16xi32>
      %and3A_412 = arith.andi %get3A_406, %and3A_411 : vector<16xi32>
      %broadcast_in_dim3A_413 = arith.constant 1.000000e+00 : f32
      %broadcast_in_dim3A_414 = vector.broadcast %broadcast_in_dim3A_413 : f32 to vector<16xf32>
      tpu.vector_store_idx %arg5[%shift_right_logical3A_409, %and3A_412], %broadcast_in_dim3A_414 {add = true} : memref<80x128xf32, #tpu.memory_space<vmem>>[vector<16xi32>, vector<16xi32>], vector<16xf32>,
      %get3A_415 = arith.constant 3 : i32
      %get3A_416 = arith.index_cast %get3A_415 : i32 to index
      %get3A_417 = arith.constant 96 : index
      %get3A_418 = tpu.vector_load %arg4[%get3A_416, %get3A_417] {strides = array<i32>} : memref<8x128xi32, #tpu.memory_space<vmem>>, vector<16xi32>,
      %shift_right_logical3A_419 = arith.constant 7 : i32
      %shift_right_logical3A_420 = vector.broadcast %shift_right_logical3A_419 : i32 to vector<16xi32>
      %shift_right_logical3A_421 = arith.shrui %get3A_418, %shift_right_logical3A_420 : vector<16xi32>
      %and3A_422 = arith.constant 127 : i32
      %and3A_423 = vector.broadcast %and3A_422 : i32 to vector<16xi32>
      %and3A_424 = arith.andi %get3A_418, %and3A_423 : vector<16xi32>
      %broadcast_in_dim3A_425 = arith.constant 1.000000e+00 : f32
      %broadcast_in_dim3A_426 = vector.broadcast %broadcast_in_dim3A_425 : f32 to vector<16xf32>
      tpu.vector_store_idx %arg5[%shift_right_logical3A_421, %and3A_424], %broadcast_in_dim3A_426 {add = true} : memref<80x128xf32, #tpu.memory_space<vmem>>[vector<16xi32>, vector<16xi32>], vector<16xf32>,
      %get3A_427 = arith.constant 3 : i32
      %get3A_428 = arith.index_cast %get3A_427 : i32 to index
      %get3A_429 = arith.constant 112 : index
      %get3A_430 = tpu.vector_load %arg4[%get3A_428, %get3A_429] {strides = array<i32>} : memref<8x128xi32, #tpu.memory_space<vmem>>, vector<16xi32>,
      %shift_right_logical3A_431 = arith.constant 7 : i32
      %shift_right_logical3A_432 = vector.broadcast %shift_right_logical3A_431 : i32 to vector<16xi32>
      %shift_right_logical3A_433 = arith.shrui %get3A_430, %shift_right_logical3A_432 : vector<16xi32>
      %and3A_434 = arith.constant 127 : i32
      %and3A_435 = vector.broadcast %and3A_434 : i32 to vector<16xi32>
      %and3A_436 = arith.andi %get3A_430, %and3A_435 : vector<16xi32>
      %broadcast_in_dim3A_437 = arith.constant 1.000000e+00 : f32
      %broadcast_in_dim3A_438 = vector.broadcast %broadcast_in_dim3A_437 : f32 to vector<16xf32>
      tpu.vector_store_idx %arg5[%shift_right_logical3A_433, %and3A_436], %broadcast_in_dim3A_438 {add = true} : memref<80x128xf32, #tpu.memory_space<vmem>>[vector<16xi32>, vector<16xi32>], vector<16xf32>,
      %get3A_439 = arith.constant 4 : i32
      %get3A_440 = arith.index_cast %get3A_439 : i32 to index
      %get3A_441 = arith.constant 0 : index
      %get3A_442 = tpu.vector_load %arg4[%get3A_440, %get3A_441] {strides = array<i32>} : memref<8x128xi32, #tpu.memory_space<vmem>>, vector<16xi32>,
      %shift_right_logical3A_443 = arith.constant 7 : i32
      %shift_right_logical3A_444 = vector.broadcast %shift_right_logical3A_443 : i32 to vector<16xi32>
      %shift_right_logical3A_445 = arith.shrui %get3A_442, %shift_right_logical3A_444 : vector<16xi32>
      %and3A_446 = arith.constant 127 : i32
      %and3A_447 = vector.broadcast %and3A_446 : i32 to vector<16xi32>
      %and3A_448 = arith.andi %get3A_442, %and3A_447 : vector<16xi32>
      %broadcast_in_dim3A_449 = arith.constant 1.000000e+00 : f32
      %broadcast_in_dim3A_450 = vector.broadcast %broadcast_in_dim3A_449 : f32 to vector<16xf32>
      tpu.vector_store_idx %arg5[%shift_right_logical3A_445, %and3A_448], %broadcast_in_dim3A_450 {add = true} : memref<80x128xf32, #tpu.memory_space<vmem>>[vector<16xi32>, vector<16xi32>], vector<16xf32>,
      %get3A_451 = arith.constant 4 : i32
      %get3A_452 = arith.index_cast %get3A_451 : i32 to index
      %get3A_453 = arith.constant 16 : index
      %get3A_454 = tpu.vector_load %arg4[%get3A_452, %get3A_453] {strides = array<i32>} : memref<8x128xi32, #tpu.memory_space<vmem>>, vector<16xi32>,
      %shift_right_logical3A_455 = arith.constant 7 : i32
      %shift_right_logical3A_456 = vector.broadcast %shift_right_logical3A_455 : i32 to vector<16xi32>
      %shift_right_logical3A_457 = arith.shrui %get3A_454, %shift_right_logical3A_456 : vector<16xi32>
      %and3A_458 = arith.constant 127 : i32
      %and3A_459 = vector.broadcast %and3A_458 : i32 to vector<16xi32>
      %and3A_460 = arith.andi %get3A_454, %and3A_459 : vector<16xi32>
      %broadcast_in_dim3A_461 = arith.constant 1.000000e+00 : f32
      %broadcast_in_dim3A_462 = vector.broadcast %broadcast_in_dim3A_461 : f32 to vector<16xf32>
      tpu.vector_store_idx %arg5[%shift_right_logical3A_457, %and3A_460], %broadcast_in_dim3A_462 {add = true} : memref<80x128xf32, #tpu.memory_space<vmem>>[vector<16xi32>, vector<16xi32>], vector<16xf32>,
      %get3A_463 = arith.constant 4 : i32
      %get3A_464 = arith.index_cast %get3A_463 : i32 to index
      %get3A_465 = arith.constant 32 : index
      %get3A_466 = tpu.vector_load %arg4[%get3A_464, %get3A_465] {strides = array<i32>} : memref<8x128xi32, #tpu.memory_space<vmem>>, vector<16xi32>,
      %shift_right_logical3A_467 = arith.constant 7 : i32
      %shift_right_logical3A_468 = vector.broadcast %shift_right_logical3A_467 : i32 to vector<16xi32>
      %shift_right_logical3A_469 = arith.shrui %get3A_466, %shift_right_logical3A_468 : vector<16xi32>
      %and3A_470 = arith.constant 127 : i32
      %and3A_471 = vector.broadcast %and3A_470 : i32 to vector<16xi32>
      %and3A_472 = arith.andi %get3A_466, %and3A_471 : vector<16xi32>
      %broadcast_in_dim3A_473 = arith.constant 1.000000e+00 : f32
      %broadcast_in_dim3A_474 = vector.broadcast %broadcast_in_dim3A_473 : f32 to vector<16xf32>
      tpu.vector_store_idx %arg5[%shift_right_logical3A_469, %and3A_472], %broadcast_in_dim3A_474 {add = true} : memref<80x128xf32, #tpu.memory_space<vmem>>[vector<16xi32>, vector<16xi32>], vector<16xf32>,
      %get3A_475 = arith.constant 4 : i32
      %get3A_476 = arith.index_cast %get3A_475 : i32 to index
      %get3A_477 = arith.constant 48 : index
      %get3A_478 = tpu.vector_load %arg4[%get3A_476, %get3A_477] {strides = array<i32>} : memref<8x128xi32, #tpu.memory_space<vmem>>, vector<16xi32>,
      %shift_right_logical3A_479 = arith.constant 7 : i32
      %shift_right_logical3A_480 = vector.broadcast %shift_right_logical3A_479 : i32 to vector<16xi32>
      %shift_right_logical3A_481 = arith.shrui %get3A_478, %shift_right_logical3A_480 : vector<16xi32>
      %and3A_482 = arith.constant 127 : i32
      %and3A_483 = vector.broadcast %and3A_482 : i32 to vector<16xi32>
      %and3A_484 = arith.andi %get3A_478, %and3A_483 : vector<16xi32>
      %broadcast_in_dim3A_485 = arith.constant 1.000000e+00 : f32
      %broadcast_in_dim3A_486 = vector.broadcast %broadcast_in_dim3A_485 : f32 to vector<16xf32>
      tpu.vector_store_idx %arg5[%shift_right_logical3A_481, %and3A_484], %broadcast_in_dim3A_486 {add = true} : memref<80x128xf32, #tpu.memory_space<vmem>>[vector<16xi32>, vector<16xi32>], vector<16xf32>,
      %get3A_487 = arith.constant 4 : i32
      %get3A_488 = arith.index_cast %get3A_487 : i32 to index
      %get3A_489 = arith.constant 64 : index
      %get3A_490 = tpu.vector_load %arg4[%get3A_488, %get3A_489] {strides = array<i32>} : memref<8x128xi32, #tpu.memory_space<vmem>>, vector<16xi32>,
      %shift_right_logical3A_491 = arith.constant 7 : i32
      %shift_right_logical3A_492 = vector.broadcast %shift_right_logical3A_491 : i32 to vector<16xi32>
      %shift_right_logical3A_493 = arith.shrui %get3A_490, %shift_right_logical3A_492 : vector<16xi32>
      %and3A_494 = arith.constant 127 : i32
      %and3A_495 = vector.broadcast %and3A_494 : i32 to vector<16xi32>
      %and3A_496 = arith.andi %get3A_490, %and3A_495 : vector<16xi32>
      %broadcast_in_dim3A_497 = arith.constant 1.000000e+00 : f32
      %broadcast_in_dim3A_498 = vector.broadcast %broadcast_in_dim3A_497 : f32 to vector<16xf32>
      tpu.vector_store_idx %arg5[%shift_right_logical3A_493, %and3A_496], %broadcast_in_dim3A_498 {add = true} : memref<80x128xf32, #tpu.memory_space<vmem>>[vector<16xi32>, vector<16xi32>], vector<16xf32>,
      %get3A_499 = arith.constant 4 : i32
      %get3A_500 = arith.index_cast %get3A_499 : i32 to index
      %get3A_501 = arith.constant 80 : index
      %get3A_502 = tpu.vector_load %arg4[%get3A_500, %get3A_501] {strides = array<i32>} : memref<8x128xi32, #tpu.memory_space<vmem>>, vector<16xi32>,
      %shift_right_logical3A_503 = arith.constant 7 : i32
      %shift_right_logical3A_504 = vector.broadcast %shift_right_logical3A_503 : i32 to vector<16xi32>
      %shift_right_logical3A_505 = arith.shrui %get3A_502, %shift_right_logical3A_504 : vector<16xi32>
      %and3A_506 = arith.constant 127 : i32
      %and3A_507 = vector.broadcast %and3A_506 : i32 to vector<16xi32>
      %and3A_508 = arith.andi %get3A_502, %and3A_507 : vector<16xi32>
      %broadcast_in_dim3A_509 = arith.constant 1.000000e+00 : f32
      %broadcast_in_dim3A_510 = vector.broadcast %broadcast_in_dim3A_509 : f32 to vector<16xf32>
      tpu.vector_store_idx %arg5[%shift_right_logical3A_505, %and3A_508], %broadcast_in_dim3A_510 {add = true} : memref<80x128xf32, #tpu.memory_space<vmem>>[vector<16xi32>, vector<16xi32>], vector<16xf32>,
      %get3A_511 = arith.constant 4 : i32
      %get3A_512 = arith.index_cast %get3A_511 : i32 to index
      %get3A_513 = arith.constant 96 : index
      %get3A_514 = tpu.vector_load %arg4[%get3A_512, %get3A_513] {strides = array<i32>} : memref<8x128xi32, #tpu.memory_space<vmem>>, vector<16xi32>,
      %shift_right_logical3A_515 = arith.constant 7 : i32
      %shift_right_logical3A_516 = vector.broadcast %shift_right_logical3A_515 : i32 to vector<16xi32>
      %shift_right_logical3A_517 = arith.shrui %get3A_514, %shift_right_logical3A_516 : vector<16xi32>
      %and3A_518 = arith.constant 127 : i32
      %and3A_519 = vector.broadcast %and3A_518 : i32 to vector<16xi32>
      %and3A_520 = arith.andi %get3A_514, %and3A_519 : vector<16xi32>
      %broadcast_in_dim3A_521 = arith.constant 1.000000e+00 : f32
      %broadcast_in_dim3A_522 = vector.broadcast %broadcast_in_dim3A_521 : f32 to vector<16xf32>
      tpu.vector_store_idx %arg5[%shift_right_logical3A_517, %and3A_520], %broadcast_in_dim3A_522 {add = true} : memref<80x128xf32, #tpu.memory_space<vmem>>[vector<16xi32>, vector<16xi32>], vector<16xf32>,
      %get3A_523 = arith.constant 4 : i32
      %get3A_524 = arith.index_cast %get3A_523 : i32 to index
      %get3A_525 = arith.constant 112 : index
      %get3A_526 = tpu.vector_load %arg4[%get3A_524, %get3A_525] {strides = array<i32>} : memref<8x128xi32, #tpu.memory_space<vmem>>, vector<16xi32>,
      %shift_right_logical3A_527 = arith.constant 7 : i32
      %shift_right_logical3A_528 = vector.broadcast %shift_right_logical3A_527 : i32 to vector<16xi32>
      %shift_right_logical3A_529 = arith.shrui %get3A_526, %shift_right_logical3A_528 : vector<16xi32>
      %and3A_530 = arith.constant 127 : i32
      %and3A_531 = vector.broadcast %and3A_530 : i32 to vector<16xi32>
      %and3A_532 = arith.andi %get3A_526, %and3A_531 : vector<16xi32>
      %broadcast_in_dim3A_533 = arith.constant 1.000000e+00 : f32
      %broadcast_in_dim3A_534 = vector.broadcast %broadcast_in_dim3A_533 : f32 to vector<16xf32>
      tpu.vector_store_idx %arg5[%shift_right_logical3A_529, %and3A_532], %broadcast_in_dim3A_534 {add = true} : memref<80x128xf32, #tpu.memory_space<vmem>>[vector<16xi32>, vector<16xi32>], vector<16xf32>,
      %get3A_535 = arith.constant 5 : i32
      %get3A_536 = arith.index_cast %get3A_535 : i32 to index
      %get3A_537 = arith.constant 0 : index
      %get3A_538 = tpu.vector_load %arg4[%get3A_536, %get3A_537] {strides = array<i32>} : memref<8x128xi32, #tpu.memory_space<vmem>>, vector<16xi32>,
      %shift_right_logical3A_539 = arith.constant 7 : i32
      %shift_right_logical3A_540 = vector.broadcast %shift_right_logical3A_539 : i32 to vector<16xi32>
      %shift_right_logical3A_541 = arith.shrui %get3A_538, %shift_right_logical3A_540 : vector<16xi32>
      %and3A_542 = arith.constant 127 : i32
      %and3A_543 = vector.broadcast %and3A_542 : i32 to vector<16xi32>
      %and3A_544 = arith.andi %get3A_538, %and3A_543 : vector<16xi32>
      %broadcast_in_dim3A_545 = arith.constant 1.000000e+00 : f32
      %broadcast_in_dim3A_546 = vector.broadcast %broadcast_in_dim3A_545 : f32 to vector<16xf32>
      tpu.vector_store_idx %arg5[%shift_right_logical3A_541, %and3A_544], %broadcast_in_dim3A_546 {add = true} : memref<80x128xf32, #tpu.memory_space<vmem>>[vector<16xi32>, vector<16xi32>], vector<16xf32>,
      %get3A_547 = arith.constant 5 : i32
      %get3A_548 = arith.index_cast %get3A_547 : i32 to index
      %get3A_549 = arith.constant 16 : index
      %get3A_550 = tpu.vector_load %arg4[%get3A_548, %get3A_549] {strides = array<i32>} : memref<8x128xi32, #tpu.memory_space<vmem>>, vector<16xi32>,
      %shift_right_logical3A_551 = arith.constant 7 : i32
      %shift_right_logical3A_552 = vector.broadcast %shift_right_logical3A_551 : i32 to vector<16xi32>
      %shift_right_logical3A_553 = arith.shrui %get3A_550, %shift_right_logical3A_552 : vector<16xi32>
      %and3A_554 = arith.constant 127 : i32
      %and3A_555 = vector.broadcast %and3A_554 : i32 to vector<16xi32>
      %and3A_556 = arith.andi %get3A_550, %and3A_555 : vector<16xi32>
      %broadcast_in_dim3A_557 = arith.constant 1.000000e+00 : f32
      %broadcast_in_dim3A_558 = vector.broadcast %broadcast_in_dim3A_557 : f32 to vector<16xf32>
      tpu.vector_store_idx %arg5[%shift_right_logical3A_553, %and3A_556], %broadcast_in_dim3A_558 {add = true} : memref<80x128xf32, #tpu.memory_space<vmem>>[vector<16xi32>, vector<16xi32>], vector<16xf32>,
      %get3A_559 = arith.constant 5 : i32
      %get3A_560 = arith.index_cast %get3A_559 : i32 to index
      %get3A_561 = arith.constant 32 : index
      %get3A_562 = tpu.vector_load %arg4[%get3A_560, %get3A_561] {strides = array<i32>} : memref<8x128xi32, #tpu.memory_space<vmem>>, vector<16xi32>,
      %shift_right_logical3A_563 = arith.constant 7 : i32
      %shift_right_logical3A_564 = vector.broadcast %shift_right_logical3A_563 : i32 to vector<16xi32>
      %shift_right_logical3A_565 = arith.shrui %get3A_562, %shift_right_logical3A_564 : vector<16xi32>
      %and3A_566 = arith.constant 127 : i32
      %and3A_567 = vector.broadcast %and3A_566 : i32 to vector<16xi32>
      %and3A_568 = arith.andi %get3A_562, %and3A_567 : vector<16xi32>
      %broadcast_in_dim3A_569 = arith.constant 1.000000e+00 : f32
      %broadcast_in_dim3A_570 = vector.broadcast %broadcast_in_dim3A_569 : f32 to vector<16xf32>
      tpu.vector_store_idx %arg5[%shift_right_logical3A_565, %and3A_568], %broadcast_in_dim3A_570 {add = true} : memref<80x128xf32, #tpu.memory_space<vmem>>[vector<16xi32>, vector<16xi32>], vector<16xf32>,
      %get3A_571 = arith.constant 5 : i32
      %get3A_572 = arith.index_cast %get3A_571 : i32 to index
      %get3A_573 = arith.constant 48 : index
      %get3A_574 = tpu.vector_load %arg4[%get3A_572, %get3A_573] {strides = array<i32>} : memref<8x128xi32, #tpu.memory_space<vmem>>, vector<16xi32>,
      %shift_right_logical3A_575 = arith.constant 7 : i32
      %shift_right_logical3A_576 = vector.broadcast %shift_right_logical3A_575 : i32 to vector<16xi32>
      %shift_right_logical3A_577 = arith.shrui %get3A_574, %shift_right_logical3A_576 : vector<16xi32>
      %and3A_578 = arith.constant 127 : i32
      %and3A_579 = vector.broadcast %and3A_578 : i32 to vector<16xi32>
      %and3A_580 = arith.andi %get3A_574, %and3A_579 : vector<16xi32>
      %broadcast_in_dim3A_581 = arith.constant 1.000000e+00 : f32
      %broadcast_in_dim3A_582 = vector.broadcast %broadcast_in_dim3A_581 : f32 to vector<16xf32>
      tpu.vector_store_idx %arg5[%shift_right_logical3A_577, %and3A_580], %broadcast_in_dim3A_582 {add = true} : memref<80x128xf32, #tpu.memory_space<vmem>>[vector<16xi32>, vector<16xi32>], vector<16xf32>,
      %get3A_583 = arith.constant 5 : i32
      %get3A_584 = arith.index_cast %get3A_583 : i32 to index
      %get3A_585 = arith.constant 64 : index
      %get3A_586 = tpu.vector_load %arg4[%get3A_584, %get3A_585] {strides = array<i32>} : memref<8x128xi32, #tpu.memory_space<vmem>>, vector<16xi32>,
      %shift_right_logical3A_587 = arith.constant 7 : i32
      %shift_right_logical3A_588 = vector.broadcast %shift_right_logical3A_587 : i32 to vector<16xi32>
      %shift_right_logical3A_589 = arith.shrui %get3A_586, %shift_right_logical3A_588 : vector<16xi32>
      %and3A_590 = arith.constant 127 : i32
      %and3A_591 = vector.broadcast %and3A_590 : i32 to vector<16xi32>
      %and3A_592 = arith.andi %get3A_586, %and3A_591 : vector<16xi32>
      %broadcast_in_dim3A_593 = arith.constant 1.000000e+00 : f32
      %broadcast_in_dim3A_594 = vector.broadcast %broadcast_in_dim3A_593 : f32 to vector<16xf32>
      tpu.vector_store_idx %arg5[%shift_right_logical3A_589, %and3A_592], %broadcast_in_dim3A_594 {add = true} : memref<80x128xf32, #tpu.memory_space<vmem>>[vector<16xi32>, vector<16xi32>], vector<16xf32>,
      %get3A_595 = arith.constant 5 : i32
      %get3A_596 = arith.index_cast %get3A_595 : i32 to index
      %get3A_597 = arith.constant 80 : index
      %get3A_598 = tpu.vector_load %arg4[%get3A_596, %get3A_597] {strides = array<i32>} : memref<8x128xi32, #tpu.memory_space<vmem>>, vector<16xi32>,
      %shift_right_logical3A_599 = arith.constant 7 : i32
      %shift_right_logical3A_600 = vector.broadcast %shift_right_logical3A_599 : i32 to vector<16xi32>
      %shift_right_logical3A_601 = arith.shrui %get3A_598, %shift_right_logical3A_600 : vector<16xi32>
      %and3A_602 = arith.constant 127 : i32
      %and3A_603 = vector.broadcast %and3A_602 : i32 to vector<16xi32>
      %and3A_604 = arith.andi %get3A_598, %and3A_603 : vector<16xi32>
      %broadcast_in_dim3A_605 = arith.constant 1.000000e+00 : f32
      %broadcast_in_dim3A_606 = vector.broadcast %broadcast_in_dim3A_605 : f32 to vector<16xf32>
      tpu.vector_store_idx %arg5[%shift_right_logical3A_601, %and3A_604], %broadcast_in_dim3A_606 {add = true} : memref<80x128xf32, #tpu.memory_space<vmem>>[vector<16xi32>, vector<16xi32>], vector<16xf32>,
      %get3A_607 = arith.constant 5 : i32
      %get3A_608 = arith.index_cast %get3A_607 : i32 to index
      %get3A_609 = arith.constant 96 : index
      %get3A_610 = tpu.vector_load %arg4[%get3A_608, %get3A_609] {strides = array<i32>} : memref<8x128xi32, #tpu.memory_space<vmem>>, vector<16xi32>,
      %shift_right_logical3A_611 = arith.constant 7 : i32
      %shift_right_logical3A_612 = vector.broadcast %shift_right_logical3A_611 : i32 to vector<16xi32>
      %shift_right_logical3A_613 = arith.shrui %get3A_610, %shift_right_logical3A_612 : vector<16xi32>
      %and3A_614 = arith.constant 127 : i32
      %and3A_615 = vector.broadcast %and3A_614 : i32 to vector<16xi32>
      %and3A_616 = arith.andi %get3A_610, %and3A_615 : vector<16xi32>
      %broadcast_in_dim3A_617 = arith.constant 1.000000e+00 : f32
      %broadcast_in_dim3A_618 = vector.broadcast %broadcast_in_dim3A_617 : f32 to vector<16xf32>
      tpu.vector_store_idx %arg5[%shift_right_logical3A_613, %and3A_616], %broadcast_in_dim3A_618 {add = true} : memref<80x128xf32, #tpu.memory_space<vmem>>[vector<16xi32>, vector<16xi32>], vector<16xf32>,
      %get3A_619 = arith.constant 5 : i32
      %get3A_620 = arith.index_cast %get3A_619 : i32 to index
      %get3A_621 = arith.constant 112 : index
      %get3A_622 = tpu.vector_load %arg4[%get3A_620, %get3A_621] {strides = array<i32>} : memref<8x128xi32, #tpu.memory_space<vmem>>, vector<16xi32>,
      %shift_right_logical3A_623 = arith.constant 7 : i32
      %shift_right_logical3A_624 = vector.broadcast %shift_right_logical3A_623 : i32 to vector<16xi32>
      %shift_right_logical3A_625 = arith.shrui %get3A_622, %shift_right_logical3A_624 : vector<16xi32>
      %and3A_626 = arith.constant 127 : i32
      %and3A_627 = vector.broadcast %and3A_626 : i32 to vector<16xi32>
      %and3A_628 = arith.andi %get3A_622, %and3A_627 : vector<16xi32>
      %broadcast_in_dim3A_629 = arith.constant 1.000000e+00 : f32
      %broadcast_in_dim3A_630 = vector.broadcast %broadcast_in_dim3A_629 : f32 to vector<16xf32>
      tpu.vector_store_idx %arg5[%shift_right_logical3A_625, %and3A_628], %broadcast_in_dim3A_630 {add = true} : memref<80x128xf32, #tpu.memory_space<vmem>>[vector<16xi32>, vector<16xi32>], vector<16xf32>,
      %get3A_631 = arith.constant 6 : i32
      %get3A_632 = arith.index_cast %get3A_631 : i32 to index
      %get3A_633 = arith.constant 0 : index
      %get3A_634 = tpu.vector_load %arg4[%get3A_632, %get3A_633] {strides = array<i32>} : memref<8x128xi32, #tpu.memory_space<vmem>>, vector<16xi32>,
      %shift_right_logical3A_635 = arith.constant 7 : i32
      %shift_right_logical3A_636 = vector.broadcast %shift_right_logical3A_635 : i32 to vector<16xi32>
      %shift_right_logical3A_637 = arith.shrui %get3A_634, %shift_right_logical3A_636 : vector<16xi32>
      %and3A_638 = arith.constant 127 : i32
      %and3A_639 = vector.broadcast %and3A_638 : i32 to vector<16xi32>
      %and3A_640 = arith.andi %get3A_634, %and3A_639 : vector<16xi32>
      %broadcast_in_dim3A_641 = arith.constant 1.000000e+00 : f32
      %broadcast_in_dim3A_642 = vector.broadcast %broadcast_in_dim3A_641 : f32 to vector<16xf32>
      tpu.vector_store_idx %arg5[%shift_right_logical3A_637, %and3A_640], %broadcast_in_dim3A_642 {add = true} : memref<80x128xf32, #tpu.memory_space<vmem>>[vector<16xi32>, vector<16xi32>], vector<16xf32>,
      %get3A_643 = arith.constant 6 : i32
      %get3A_644 = arith.index_cast %get3A_643 : i32 to index
      %get3A_645 = arith.constant 16 : index
      %get3A_646 = tpu.vector_load %arg4[%get3A_644, %get3A_645] {strides = array<i32>} : memref<8x128xi32, #tpu.memory_space<vmem>>, vector<16xi32>,
      %shift_right_logical3A_647 = arith.constant 7 : i32
      %shift_right_logical3A_648 = vector.broadcast %shift_right_logical3A_647 : i32 to vector<16xi32>
      %shift_right_logical3A_649 = arith.shrui %get3A_646, %shift_right_logical3A_648 : vector<16xi32>
      %and3A_650 = arith.constant 127 : i32
      %and3A_651 = vector.broadcast %and3A_650 : i32 to vector<16xi32>
      %and3A_652 = arith.andi %get3A_646, %and3A_651 : vector<16xi32>
      %broadcast_in_dim3A_653 = arith.constant 1.000000e+00 : f32
      %broadcast_in_dim3A_654 = vector.broadcast %broadcast_in_dim3A_653 : f32 to vector<16xf32>
      tpu.vector_store_idx %arg5[%shift_right_logical3A_649, %and3A_652], %broadcast_in_dim3A_654 {add = true} : memref<80x128xf32, #tpu.memory_space<vmem>>[vector<16xi32>, vector<16xi32>], vector<16xf32>,
      %get3A_655 = arith.constant 6 : i32
      %get3A_656 = arith.index_cast %get3A_655 : i32 to index
      %get3A_657 = arith.constant 32 : index
      %get3A_658 = tpu.vector_load %arg4[%get3A_656, %get3A_657] {strides = array<i32>} : memref<8x128xi32, #tpu.memory_space<vmem>>, vector<16xi32>,
      %shift_right_logical3A_659 = arith.constant 7 : i32
      %shift_right_logical3A_660 = vector.broadcast %shift_right_logical3A_659 : i32 to vector<16xi32>
      %shift_right_logical3A_661 = arith.shrui %get3A_658, %shift_right_logical3A_660 : vector<16xi32>
      %and3A_662 = arith.constant 127 : i32
      %and3A_663 = vector.broadcast %and3A_662 : i32 to vector<16xi32>
      %and3A_664 = arith.andi %get3A_658, %and3A_663 : vector<16xi32>
      %broadcast_in_dim3A_665 = arith.constant 1.000000e+00 : f32
      %broadcast_in_dim3A_666 = vector.broadcast %broadcast_in_dim3A_665 : f32 to vector<16xf32>
      tpu.vector_store_idx %arg5[%shift_right_logical3A_661, %and3A_664], %broadcast_in_dim3A_666 {add = true} : memref<80x128xf32, #tpu.memory_space<vmem>>[vector<16xi32>, vector<16xi32>], vector<16xf32>,
      %get3A_667 = arith.constant 6 : i32
      %get3A_668 = arith.index_cast %get3A_667 : i32 to index
      %get3A_669 = arith.constant 48 : index
      %get3A_670 = tpu.vector_load %arg4[%get3A_668, %get3A_669] {strides = array<i32>} : memref<8x128xi32, #tpu.memory_space<vmem>>, vector<16xi32>,
      %shift_right_logical3A_671 = arith.constant 7 : i32
      %shift_right_logical3A_672 = vector.broadcast %shift_right_logical3A_671 : i32 to vector<16xi32>
      %shift_right_logical3A_673 = arith.shrui %get3A_670, %shift_right_logical3A_672 : vector<16xi32>
      %and3A_674 = arith.constant 127 : i32
      %and3A_675 = vector.broadcast %and3A_674 : i32 to vector<16xi32>
      %and3A_676 = arith.andi %get3A_670, %and3A_675 : vector<16xi32>
      %broadcast_in_dim3A_677 = arith.constant 1.000000e+00 : f32
      %broadcast_in_dim3A_678 = vector.broadcast %broadcast_in_dim3A_677 : f32 to vector<16xf32>
      tpu.vector_store_idx %arg5[%shift_right_logical3A_673, %and3A_676], %broadcast_in_dim3A_678 {add = true} : memref<80x128xf32, #tpu.memory_space<vmem>>[vector<16xi32>, vector<16xi32>], vector<16xf32>,
      %get3A_679 = arith.constant 6 : i32
      %get3A_680 = arith.index_cast %get3A_679 : i32 to index
      %get3A_681 = arith.constant 64 : index
      %get3A_682 = tpu.vector_load %arg4[%get3A_680, %get3A_681] {strides = array<i32>} : memref<8x128xi32, #tpu.memory_space<vmem>>, vector<16xi32>,
      %shift_right_logical3A_683 = arith.constant 7 : i32
      %shift_right_logical3A_684 = vector.broadcast %shift_right_logical3A_683 : i32 to vector<16xi32>
      %shift_right_logical3A_685 = arith.shrui %get3A_682, %shift_right_logical3A_684 : vector<16xi32>
      %and3A_686 = arith.constant 127 : i32
      %and3A_687 = vector.broadcast %and3A_686 : i32 to vector<16xi32>
      %and3A_688 = arith.andi %get3A_682, %and3A_687 : vector<16xi32>
      %broadcast_in_dim3A_689 = arith.constant 1.000000e+00 : f32
      %broadcast_in_dim3A_690 = vector.broadcast %broadcast_in_dim3A_689 : f32 to vector<16xf32>
      tpu.vector_store_idx %arg5[%shift_right_logical3A_685, %and3A_688], %broadcast_in_dim3A_690 {add = true} : memref<80x128xf32, #tpu.memory_space<vmem>>[vector<16xi32>, vector<16xi32>], vector<16xf32>,
      %get3A_691 = arith.constant 6 : i32
      %get3A_692 = arith.index_cast %get3A_691 : i32 to index
      %get3A_693 = arith.constant 80 : index
      %get3A_694 = tpu.vector_load %arg4[%get3A_692, %get3A_693] {strides = array<i32>} : memref<8x128xi32, #tpu.memory_space<vmem>>, vector<16xi32>,
      %shift_right_logical3A_695 = arith.constant 7 : i32
      %shift_right_logical3A_696 = vector.broadcast %shift_right_logical3A_695 : i32 to vector<16xi32>
      %shift_right_logical3A_697 = arith.shrui %get3A_694, %shift_right_logical3A_696 : vector<16xi32>
      %and3A_698 = arith.constant 127 : i32
      %and3A_699 = vector.broadcast %and3A_698 : i32 to vector<16xi32>
      %and3A_700 = arith.andi %get3A_694, %and3A_699 : vector<16xi32>
      %broadcast_in_dim3A_701 = arith.constant 1.000000e+00 : f32
      %broadcast_in_dim3A_702 = vector.broadcast %broadcast_in_dim3A_701 : f32 to vector<16xf32>
      tpu.vector_store_idx %arg5[%shift_right_logical3A_697, %and3A_700], %broadcast_in_dim3A_702 {add = true} : memref<80x128xf32, #tpu.memory_space<vmem>>[vector<16xi32>, vector<16xi32>], vector<16xf32>,
      %get3A_703 = arith.constant 6 : i32
      %get3A_704 = arith.index_cast %get3A_703 : i32 to index
      %get3A_705 = arith.constant 96 : index
      %get3A_706 = tpu.vector_load %arg4[%get3A_704, %get3A_705] {strides = array<i32>} : memref<8x128xi32, #tpu.memory_space<vmem>>, vector<16xi32>,
      %shift_right_logical3A_707 = arith.constant 7 : i32
      %shift_right_logical3A_708 = vector.broadcast %shift_right_logical3A_707 : i32 to vector<16xi32>
      %shift_right_logical3A_709 = arith.shrui %get3A_706, %shift_right_logical3A_708 : vector<16xi32>
      %and3A_710 = arith.constant 127 : i32
      %and3A_711 = vector.broadcast %and3A_710 : i32 to vector<16xi32>
      %and3A_712 = arith.andi %get3A_706, %and3A_711 : vector<16xi32>
      %broadcast_in_dim3A_713 = arith.constant 1.000000e+00 : f32
      %broadcast_in_dim3A_714 = vector.broadcast %broadcast_in_dim3A_713 : f32 to vector<16xf32>
      tpu.vector_store_idx %arg5[%shift_right_logical3A_709, %and3A_712], %broadcast_in_dim3A_714 {add = true} : memref<80x128xf32, #tpu.memory_space<vmem>>[vector<16xi32>, vector<16xi32>], vector<16xf32>,
      %get3A_715 = arith.constant 6 : i32
      %get3A_716 = arith.index_cast %get3A_715 : i32 to index
      %get3A_717 = arith.constant 112 : index
      %get3A_718 = tpu.vector_load %arg4[%get3A_716, %get3A_717] {strides = array<i32>} : memref<8x128xi32, #tpu.memory_space<vmem>>, vector<16xi32>,
      %shift_right_logical3A_719 = arith.constant 7 : i32
      %shift_right_logical3A_720 = vector.broadcast %shift_right_logical3A_719 : i32 to vector<16xi32>
      %shift_right_logical3A_721 = arith.shrui %get3A_718, %shift_right_logical3A_720 : vector<16xi32>
      %and3A_722 = arith.constant 127 : i32
      %and3A_723 = vector.broadcast %and3A_722 : i32 to vector<16xi32>
      %and3A_724 = arith.andi %get3A_718, %and3A_723 : vector<16xi32>
      %broadcast_in_dim3A_725 = arith.constant 1.000000e+00 : f32
      %broadcast_in_dim3A_726 = vector.broadcast %broadcast_in_dim3A_725 : f32 to vector<16xf32>
      tpu.vector_store_idx %arg5[%shift_right_logical3A_721, %and3A_724], %broadcast_in_dim3A_726 {add = true} : memref<80x128xf32, #tpu.memory_space<vmem>>[vector<16xi32>, vector<16xi32>], vector<16xf32>,
      %get3A_727 = arith.constant 7 : i32
      %get3A_728 = arith.index_cast %get3A_727 : i32 to index
      %get3A_729 = arith.constant 0 : index
      %get3A_730 = tpu.vector_load %arg4[%get3A_728, %get3A_729] {strides = array<i32>} : memref<8x128xi32, #tpu.memory_space<vmem>>, vector<16xi32>,
      %shift_right_logical3A_731 = arith.constant 7 : i32
      %shift_right_logical3A_732 = vector.broadcast %shift_right_logical3A_731 : i32 to vector<16xi32>
      %shift_right_logical3A_733 = arith.shrui %get3A_730, %shift_right_logical3A_732 : vector<16xi32>
      %and3A_734 = arith.constant 127 : i32
      %and3A_735 = vector.broadcast %and3A_734 : i32 to vector<16xi32>
      %and3A_736 = arith.andi %get3A_730, %and3A_735 : vector<16xi32>
      %broadcast_in_dim3A_737 = arith.constant 1.000000e+00 : f32
      %broadcast_in_dim3A_738 = vector.broadcast %broadcast_in_dim3A_737 : f32 to vector<16xf32>
      tpu.vector_store_idx %arg5[%shift_right_logical3A_733, %and3A_736], %broadcast_in_dim3A_738 {add = true} : memref<80x128xf32, #tpu.memory_space<vmem>>[vector<16xi32>, vector<16xi32>], vector<16xf32>,
      %get3A_739 = arith.constant 7 : i32
      %get3A_740 = arith.index_cast %get3A_739 : i32 to index
      %get3A_741 = arith.constant 16 : index
      %get3A_742 = tpu.vector_load %arg4[%get3A_740, %get3A_741] {strides = array<i32>} : memref<8x128xi32, #tpu.memory_space<vmem>>, vector<16xi32>,
      %shift_right_logical3A_743 = arith.constant 7 : i32
      %shift_right_logical3A_744 = vector.broadcast %shift_right_logical3A_743 : i32 to vector<16xi32>
      %shift_right_logical3A_745 = arith.shrui %get3A_742, %shift_right_logical3A_744 : vector<16xi32>
      %and3A_746 = arith.constant 127 : i32
      %and3A_747 = vector.broadcast %and3A_746 : i32 to vector<16xi32>
      %and3A_748 = arith.andi %get3A_742, %and3A_747 : vector<16xi32>
      %broadcast_in_dim3A_749 = arith.constant 1.000000e+00 : f32
      %broadcast_in_dim3A_750 = vector.broadcast %broadcast_in_dim3A_749 : f32 to vector<16xf32>
      tpu.vector_store_idx %arg5[%shift_right_logical3A_745, %and3A_748], %broadcast_in_dim3A_750 {add = true} : memref<80x128xf32, #tpu.memory_space<vmem>>[vector<16xi32>, vector<16xi32>], vector<16xf32>,
      %get3A_751 = arith.constant 7 : i32
      %get3A_752 = arith.index_cast %get3A_751 : i32 to index
      %get3A_753 = arith.constant 32 : index
      %get3A_754 = tpu.vector_load %arg4[%get3A_752, %get3A_753] {strides = array<i32>} : memref<8x128xi32, #tpu.memory_space<vmem>>, vector<16xi32>,
      %shift_right_logical3A_755 = arith.constant 7 : i32
      %shift_right_logical3A_756 = vector.broadcast %shift_right_logical3A_755 : i32 to vector<16xi32>
      %shift_right_logical3A_757 = arith.shrui %get3A_754, %shift_right_logical3A_756 : vector<16xi32>
      %and3A_758 = arith.constant 127 : i32
      %and3A_759 = vector.broadcast %and3A_758 : i32 to vector<16xi32>
      %and3A_760 = arith.andi %get3A_754, %and3A_759 : vector<16xi32>
      %broadcast_in_dim3A_761 = arith.constant 1.000000e+00 : f32
      %broadcast_in_dim3A_762 = vector.broadcast %broadcast_in_dim3A_761 : f32 to vector<16xf32>
      tpu.vector_store_idx %arg5[%shift_right_logical3A_757, %and3A_760], %broadcast_in_dim3A_762 {add = true} : memref<80x128xf32, #tpu.memory_space<vmem>>[vector<16xi32>, vector<16xi32>], vector<16xf32>,
      %get3A_763 = arith.constant 7 : i32
      %get3A_764 = arith.index_cast %get3A_763 : i32 to index
      %get3A_765 = arith.constant 48 : index
      %get3A_766 = tpu.vector_load %arg4[%get3A_764, %get3A_765] {strides = array<i32>} : memref<8x128xi32, #tpu.memory_space<vmem>>, vector<16xi32>,
      %shift_right_logical3A_767 = arith.constant 7 : i32
      %shift_right_logical3A_768 = vector.broadcast %shift_right_logical3A_767 : i32 to vector<16xi32>
      %shift_right_logical3A_769 = arith.shrui %get3A_766, %shift_right_logical3A_768 : vector<16xi32>
      %and3A_770 = arith.constant 127 : i32
      %and3A_771 = vector.broadcast %and3A_770 : i32 to vector<16xi32>
      %and3A_772 = arith.andi %get3A_766, %and3A_771 : vector<16xi32>
      %broadcast_in_dim3A_773 = arith.constant 1.000000e+00 : f32
      %broadcast_in_dim3A_774 = vector.broadcast %broadcast_in_dim3A_773 : f32 to vector<16xf32>
      tpu.vector_store_idx %arg5[%shift_right_logical3A_769, %and3A_772], %broadcast_in_dim3A_774 {add = true} : memref<80x128xf32, #tpu.memory_space<vmem>>[vector<16xi32>, vector<16xi32>], vector<16xf32>,
      %get3A_775 = arith.constant 7 : i32
      %get3A_776 = arith.index_cast %get3A_775 : i32 to index
      %get3A_777 = arith.constant 64 : index
      %get3A_778 = tpu.vector_load %arg4[%get3A_776, %get3A_777] {strides = array<i32>} : memref<8x128xi32, #tpu.memory_space<vmem>>, vector<16xi32>,
      %shift_right_logical3A_779 = arith.constant 7 : i32
      %shift_right_logical3A_780 = vector.broadcast %shift_right_logical3A_779 : i32 to vector<16xi32>
      %shift_right_logical3A_781 = arith.shrui %get3A_778, %shift_right_logical3A_780 : vector<16xi32>
      %and3A_782 = arith.constant 127 : i32
      %and3A_783 = vector.broadcast %and3A_782 : i32 to vector<16xi32>
      %and3A_784 = arith.andi %get3A_778, %and3A_783 : vector<16xi32>
      %broadcast_in_dim3A_785 = arith.constant 1.000000e+00 : f32
      %broadcast_in_dim3A_786 = vector.broadcast %broadcast_in_dim3A_785 : f32 to vector<16xf32>
      tpu.vector_store_idx %arg5[%shift_right_logical3A_781, %and3A_784], %broadcast_in_dim3A_786 {add = true} : memref<80x128xf32, #tpu.memory_space<vmem>>[vector<16xi32>, vector<16xi32>], vector<16xf32>,
      %get3A_787 = arith.constant 7 : i32
      %get3A_788 = arith.index_cast %get3A_787 : i32 to index
      %get3A_789 = arith.constant 80 : index
      %get3A_790 = tpu.vector_load %arg4[%get3A_788, %get3A_789] {strides = array<i32>} : memref<8x128xi32, #tpu.memory_space<vmem>>, vector<16xi32>,
      %shift_right_logical3A_791 = arith.constant 7 : i32
      %shift_right_logical3A_792 = vector.broadcast %shift_right_logical3A_791 : i32 to vector<16xi32>
      %shift_right_logical3A_793 = arith.shrui %get3A_790, %shift_right_logical3A_792 : vector<16xi32>
      %and3A_794 = arith.constant 127 : i32
      %and3A_795 = vector.broadcast %and3A_794 : i32 to vector<16xi32>
      %and3A_796 = arith.andi %get3A_790, %and3A_795 : vector<16xi32>
      %broadcast_in_dim3A_797 = arith.constant 1.000000e+00 : f32
      %broadcast_in_dim3A_798 = vector.broadcast %broadcast_in_dim3A_797 : f32 to vector<16xf32>
      tpu.vector_store_idx %arg5[%shift_right_logical3A_793, %and3A_796], %broadcast_in_dim3A_798 {add = true} : memref<80x128xf32, #tpu.memory_space<vmem>>[vector<16xi32>, vector<16xi32>], vector<16xf32>,
      %get3A_799 = arith.constant 7 : i32
      %get3A_800 = arith.index_cast %get3A_799 : i32 to index
      %get3A_801 = arith.constant 96 : index
      %get3A_802 = tpu.vector_load %arg4[%get3A_800, %get3A_801] {strides = array<i32>} : memref<8x128xi32, #tpu.memory_space<vmem>>, vector<16xi32>,
      %shift_right_logical3A_803 = arith.constant 7 : i32
      %shift_right_logical3A_804 = vector.broadcast %shift_right_logical3A_803 : i32 to vector<16xi32>
      %shift_right_logical3A_805 = arith.shrui %get3A_802, %shift_right_logical3A_804 : vector<16xi32>
      %and3A_806 = arith.constant 127 : i32
      %and3A_807 = vector.broadcast %and3A_806 : i32 to vector<16xi32>
      %and3A_808 = arith.andi %get3A_802, %and3A_807 : vector<16xi32>
      %broadcast_in_dim3A_809 = arith.constant 1.000000e+00 : f32
      %broadcast_in_dim3A_810 = vector.broadcast %broadcast_in_dim3A_809 : f32 to vector<16xf32>
      tpu.vector_store_idx %arg5[%shift_right_logical3A_805, %and3A_808], %broadcast_in_dim3A_810 {add = true} : memref<80x128xf32, #tpu.memory_space<vmem>>[vector<16xi32>, vector<16xi32>], vector<16xf32>,
      %get3A_811 = arith.constant 7 : i32
      %get3A_812 = arith.index_cast %get3A_811 : i32 to index
      %get3A_813 = arith.constant 112 : index
      %get3A_814 = tpu.vector_load %arg4[%get3A_812, %get3A_813] {strides = array<i32>} : memref<8x128xi32, #tpu.memory_space<vmem>>, vector<16xi32>,
      %shift_right_logical3A_815 = arith.constant 7 : i32
      %shift_right_logical3A_816 = vector.broadcast %shift_right_logical3A_815 : i32 to vector<16xi32>
      %shift_right_logical3A_817 = arith.shrui %get3A_814, %shift_right_logical3A_816 : vector<16xi32>
      %and3A_818 = arith.constant 127 : i32
      %and3A_819 = vector.broadcast %and3A_818 : i32 to vector<16xi32>
      %and3A_820 = arith.andi %get3A_814, %and3A_819 : vector<16xi32>
      %broadcast_in_dim3A_821 = arith.constant 1.000000e+00 : f32
      %broadcast_in_dim3A_822 = vector.broadcast %broadcast_in_dim3A_821 : f32 to vector<16xf32>
      tpu.vector_store_idx %arg5[%shift_right_logical3A_817, %and3A_820], %broadcast_in_dim3A_822 {add = true} : memref<80x128xf32, #tpu.memory_space<vmem>>[vector<16xi32>, vector<16xi32>], vector<16xf32>,
      %scan3A_823 = arith.constant 0 : i32
      scf.yield %scan3A_823 : i32
    }
    %scan3A_17 = arith.constant 10 : i32
    %iota3A = tpu.iota {dimensions = array<i32: 0>} : vector<16xi32>
    %add3A_18 = arith.constant 0 : i32
    %add3A_19 = vector.broadcast %add3A_18 : i32 to vector<16xi32>
    %add3A_20 = arith.addi %iota3A, %add3A_19 : vector<16xi32>
    %swap3A = arith.constant 0 : index
    %swap3A_21 = tpu.vector_load %arg7[%swap3A] {strides = array<i32>} : memref<80xi32, #tpu.memory_space<vmem>>, vector<16xi32>,
    tpu.vector_store %arg7[%swap3A], %add3A_20 {strides = array<i32>} : memref<80xi32, #tpu.memory_space<vmem>>, vector<16xi32>,
    %iota3A_22 = tpu.iota {dimensions = array<i32: 0>} : vector<16xi32>
    %add3A_23 = arith.constant 16 : i32
    %add3A_24 = vector.broadcast %add3A_23 : i32 to vector<16xi32>
    %add3A_25 = arith.addi %iota3A_22, %add3A_24 : vector<16xi32>
    %swap3A_26 = arith.constant 16 : index
    %swap3A_27 = tpu.vector_load %arg7[%swap3A_26] {strides = array<i32>} : memref<80xi32, #tpu.memory_space<vmem>>, vector<16xi32>,
    tpu.vector_store %arg7[%swap3A_26], %add3A_25 {strides = array<i32>} : memref<80xi32, #tpu.memory_space<vmem>>, vector<16xi32>,
    %iota3A_28 = tpu.iota {dimensions = array<i32: 0>} : vector<16xi32>
    %add3A_29 = arith.constant 32 : i32
    %add3A_30 = vector.broadcast %add3A_29 : i32 to vector<16xi32>
    %add3A_31 = arith.addi %iota3A_28, %add3A_30 : vector<16xi32>
    %swap3A_32 = arith.constant 32 : index
    %swap3A_33 = tpu.vector_load %arg7[%swap3A_32] {strides = array<i32>} : memref<80xi32, #tpu.memory_space<vmem>>, vector<16xi32>,
    tpu.vector_store %arg7[%swap3A_32], %add3A_31 {strides = array<i32>} : memref<80xi32, #tpu.memory_space<vmem>>, vector<16xi32>,
    %iota3A_34 = tpu.iota {dimensions = array<i32: 0>} : vector<16xi32>
    %add3A_35 = arith.constant 48 : i32
    %add3A_36 = vector.broadcast %add3A_35 : i32 to vector<16xi32>
    %add3A_37 = arith.addi %iota3A_34, %add3A_36 : vector<16xi32>
    %swap3A_38 = arith.constant 48 : index
    %swap3A_39 = tpu.vector_load %arg7[%swap3A_38] {strides = array<i32>} : memref<80xi32, #tpu.memory_space<vmem>>, vector<16xi32>,
    tpu.vector_store %arg7[%swap3A_38], %add3A_37 {strides = array<i32>} : memref<80xi32, #tpu.memory_space<vmem>>, vector<16xi32>,
    %iota3A_40 = tpu.iota {dimensions = array<i32: 0>} : vector<16xi32>
    %add3A_41 = arith.constant 64 : i32
    %add3A_42 = vector.broadcast %add3A_41 : i32 to vector<16xi32>
    %add3A_43 = arith.addi %iota3A_40, %add3A_42 : vector<16xi32>
    %swap3A_44 = arith.constant 64 : index
    %swap3A_45 = tpu.vector_load %arg7[%swap3A_44] {strides = array<i32>} : memref<80xi32, #tpu.memory_space<vmem>>, vector<16xi32>,
    tpu.vector_store %arg7[%swap3A_44], %add3A_43 {strides = array<i32>} : memref<80xi32, #tpu.memory_space<vmem>>, vector<16xi32>,
    "tpu.region"() ({
      %run_scoped3A = tpu.sem_alloc : memref<!tpu.dma_semaphore, #tpu.memory_space<semaphore_mem>>
      %dma_start3A = arith.constant 0 : i32
      %dma_start3A_54 = arith.constant 0 : i32
      %dma_start3A_55 = tpu.memref_slice %arg8[%dma_start3A, %dma_start3A_54] : memref<80x128xf32, #tpu.memory_space<vmem_shared>> -> memref<80x128xf32, #tpu.memory_space<vmem_shared>>
      tpu.enqueue_indirect_dma source(%arg5 : memref<80x128xf32, #tpu.memory_space<vmem>>) target(%dma_start3A_55 : memref<80x128xf32, #tpu.memory_space<vmem_shared>>) offsets(%arg7 : memref<80xi32, #tpu.memory_space<vmem>>) semaphore(%run_scoped3A : memref<!tpu.dma_semaphore, #tpu.memory_space<semaphore_mem>>) {add = true}
      %dma_wait3A = arith.constant 0 : i32
      %dma_wait3A_56 = arith.constant 0 : i32
      %dma_wait3A_57 = tpu.memref_slice %arg8[%dma_wait3A, %dma_wait3A_56] : memref<80x128xf32, #tpu.memory_space<vmem_shared>> -> memref<80x128xf32, #tpu.memory_space<vmem_shared>>
      tpu.wait_indirect_dma semaphore(%run_scoped3A : memref<!tpu.dma_semaphore, #tpu.memory_space<semaphore_mem>>) src(%arg5 : memref<80x128xf32, #tpu.memory_space<vmem>>) dst(%dma_wait3A_57 : memref<80x128xf32, #tpu.memory_space<vmem_shared>>)
      tpu.yield
    }) : () -> ()
    %barrier3A_46 = arith.constant 0 : index
    tpu.barrier barrier_id(%barrier3A_46)
    "tpu.region"() ({
      %run_scoped3A = tpu.sem_alloc : memref<!tpu.dma_semaphore, #tpu.memory_space<semaphore_mem>>
      tpu.enqueue_dma source(%arg8 : memref<80x128xf32, #tpu.memory_space<vmem_shared>>) target(%arg5 : memref<80x128xf32, #tpu.memory_space<vmem>>) target_semaphore(%run_scoped3A : memref<!tpu.dma_semaphore, #tpu.memory_space<semaphore_mem>>)
      tpu.wait_dma2 semaphore(%run_scoped3A : memref<!tpu.dma_semaphore, #tpu.memory_space<semaphore_mem>>) src(%arg8 : memref<80x128xf32, #tpu.memory_space<vmem_shared>>) dst(%arg5 : memref<80x128xf32, #tpu.memory_space<vmem>>)
      tpu.yield
    }) : () -> ()
    %scan3A_47 = arith.constant 0 : i32
    %scan3A_48 = arith.constant 0 : i32
    %scan3A_49 = arith.constant 5 : i32
    %scan3A_50 = arith.addi %scan3A_48, %scan3A_49 : i32
    %scan3A_51 = arith.constant 1 : i32
    %scan3A_52 = scf.for %scan3A_54 = %scan3A_48 to %scan3A_50 step %scan3A_51 iter_args(%scan3A_55 = %scan3A_47) -> (i32)  : i32 {
      %scan3A_56 = arith.constant 0 : i32
      %scan3A_57 = arith.constant 0 : i32
      %scan3A_58 = arith.constant 128 : i32
      %scan3A_59 = arith.addi %scan3A_57, %scan3A_58 : i32
      %scan3A_60 = arith.constant 1 : i32
      %scan3A_61 = scf.for %scan3A_69 = %scan3A_57 to %scan3A_59 step %scan3A_60 iter_args(%scan3A_70 = %scan3A_56) -> (i32)  : i32 {
        %mul3A_71 = arith.constant 5 : i32
        %mul3A_72 = arith.muli %arg1, %mul3A_71 : i32
        %add3A_73 = arith.addi %mul3A_72, %scan3A_54 : i32
        %broadcast_in_dim3A = vector.broadcast %add3A_73 : i32 to vector<16xi32>
        %broadcast_in_dim3A_74 = vector.broadcast %scan3A_69 : i32 to vector<16xi32>
        %gather3A = tpu.vector_load_idx %arg5[%broadcast_in_dim3A, %broadcast_in_dim3A_74] : memref<80x128xf32, #tpu.memory_space<vmem>>[vector<16xi32>, vector<16xi32>], vector<16xf32>,
        %swap3A_75 = arith.index_cast %scan3A_69 : i32 to index
        %swap3A_76 = arith.constant 0 : index
        %swap3A_77 = tpu.vector_load %arg6[%swap3A_75, %swap3A_76] {strides = array<i32>} : memref<128x16xf32, #tpu.memory_space<vmem>>, vector<16xf32>,
        tpu.vector_store %arg6[%swap3A_75, %swap3A_76], %gather3A {strides = array<i32>} : memref<128x16xf32, #tpu.memory_space<vmem>>, vector<16xf32>,
        %scan3A_78 = arith.constant 0 : i32
        scf.yield %scan3A_78 : i32
      }
      %scan3A_62 = arith.constant 128 : i32
      %mul3A_63 = arith.constant 640 : i32
      %mul3A_64 = arith.muli %arg1, %mul3A_63 : i32
      %mul3A_65 = arith.constant 128 : i32
      %mul3A_66 = arith.muli %scan3A_54, %mul3A_65 : i32
      %add3A_67 = arith.addi %mul3A_64, %mul3A_66 : i32
      "tpu.region"() ({
        %run_scoped3A = tpu.sem_alloc : memref<!tpu.dma_semaphore, #tpu.memory_space<semaphore_mem>>
        %dma_start3A = arith.constant 0 : i32
        %dma_start3A_69 = tpu.memref_slice %arg3[%arg0, %add3A_67, %dma_start3A] : memref<2x10240x16xf32, #tpu.memory_space<hbm>> -> memref<1x128x16xf32, #tpu.memory_space<hbm>>
        %dma_start3A_70 = tpu.memref_squeeze %dma_start3A_69 : memref<1x128x16xf32, #tpu.memory_space<hbm>> -> memref<128x16xf32, #tpu.memory_space<hbm>>
        %dma_start3A_71 = arith.constant 0 : i32
        %dma_start3A_72 = tpu.memref_slice %arg3[%arg0, %add3A_67, %dma_start3A_71] : memref<2x10240x16xf32, #tpu.memory_space<hbm>> -> memref<1x128x16xf32, #tpu.memory_space<hbm>>
        %dma_start3A_73 = tpu.memref_squeeze %dma_start3A_72 : memref<1x128x16xf32, #tpu.memory_space<hbm>> -> memref<128x16xf32, #tpu.memory_space<hbm>>
        tpu.enqueue_dma source(%arg6 : memref<128x16xf32, #tpu.memory_space<vmem>>) target(%dma_start3A_73 : memref<128x16xf32, #tpu.memory_space<hbm>>) target_semaphore(%run_scoped3A : memref<!tpu.dma_semaphore, #tpu.memory_space<semaphore_mem>>)
        %dma_wait3A = arith.constant 0 : i32
        %dma_wait3A_74 = tpu.memref_slice %arg3[%arg0, %add3A_67, %dma_wait3A] : memref<2x10240x16xf32, #tpu.memory_space<hbm>> -> memref<1x128x16xf32, #tpu.memory_space<hbm>>
        %dma_wait3A_75 = tpu.memref_squeeze %dma_wait3A_74 : memref<1x128x16xf32, #tpu.memory_space<hbm>> -> memref<128x16xf32, #tpu.memory_space<hbm>>
        %dma_wait3A_76 = arith.constant 0 : i32
        %dma_wait3A_77 = tpu.memref_slice %arg3[%arg0, %add3A_67, %dma_wait3A_76] : memref<2x10240x16xf32, #tpu.memory_space<hbm>> -> memref<1x128x16xf32, #tpu.memory_space<hbm>>
        %dma_wait3A_78 = tpu.memref_squeeze %dma_wait3A_77 : memref<1x128x16xf32, #tpu.memory_space<hbm>> -> memref<128x16xf32, #tpu.memory_space<hbm>>
        tpu.wait_dma2 semaphore(%run_scoped3A : memref<!tpu.dma_semaphore, #tpu.memory_space<semaphore_mem>>) src(%arg6 : memref<128x16xf32, #tpu.memory_space<vmem>>) dst(%dma_wait3A_78 : memref<128x16xf32, #tpu.memory_space<hbm>>)
        tpu.yield
      }) : () -> ()
      %scan3A_68 = arith.constant 0 : i32
      scf.yield %scan3A_68 : i32
    }
    %scan3A_53 = arith.constant 5 : i32
    return
  }
}

#map = affine_map<(d0, d1) -> (0, 0)>
#map1 = affine_map<(d0, d1) -> (0, 0, 0)>
module attributes {stable_mosaic.version = 14 : i64} {
  func.func @body(%arg0: i32, %arg1: i32, %arg2: memref<2560x128xi32, #tpu.memory_space<hbm>>, %arg3: memref<2560x128xi32, #tpu.memory_space<hbm>>, %arg4: memref<10000x128xf32, #tpu.memory_space<hbm>>, %arg5: memref<2x10240x128xf32, #tpu.memory_space<hbm>>, %arg6: memref<16x128xi32, #tpu.memory_space<vmem>>, %arg7: memref<16x128xi32, #tpu.memory_space<vmem>>, %arg8: memref<128x128xf32, #tpu.memory_space<vmem>>, %arg9: memref<128x128xf32, #tpu.memory_space<vmem>>, %arg10: memref<16x128xf32, #tpu.memory_space<vmem>>, %arg11: memref<10240x128xf32, #tpu.memory_space<vmem_shared>>, %arg12: memref<!tpu.dma_semaphore, #tpu.memory_space<semaphore_mem>>, %arg13: memref<!tpu.dma_semaphore, #tpu.memory_space<semaphore_mem>>, %arg14: memref<!tpu.dma_semaphore, #tpu.memory_space<semaphore_mem>>, %arg15: memref<!tpu.dma_semaphore, #tpu.memory_space<semaphore_mem>>) attributes {dimension_semantics = [#tpu.dimension_semantics<core_parallel>, #tpu.dimension_semantics<subcore_parallel>], iteration_bounds = array<i64: 2, 16>, scalar_prefetch = 0 : i64, scratch_operands = 10 : i64, tpu.core_type = #tpu.core_type<sc_vector_subcore>, window_params = [{transform_indices = #map}, {transform_indices = #map}, {transform_indices = #map}, {transform_indices = #map1}]} {
    %mul3A = arith.constant 16 : i32
    %mul3A_0 = arith.muli %arg0, %mul3A : i32
    %add3A = arith.addi %mul3A_0, %arg1 : i32
    %broadcast_in_dim3A = arith.constant 0.000000e+00 : f32
    %broadcast_in_dim3A_1 = vector.broadcast %broadcast_in_dim3A : f32 to vector<16xf32>
    %swap3A = arith.constant 0 : i32
    %swap3A_2 = arith.index_cast %swap3A : i32 to index
    %swap3A_3 = arith.constant 0 : index
    %swap3A_4 = tpu.vector_load %arg10[%swap3A_2, %swap3A_3] {strides = array<i32>} : memref<16x128xf32, #tpu.memory_space<vmem>>, vector<1x16xf32>,
    %swap3A_5 = vector.shape_cast %swap3A_4 : vector<1x16xf32> to vector<16xf32>
    %swap3A_6 = vector.shape_cast %broadcast_in_dim3A_1 : vector<16xf32> to vector<1x16xf32>
    tpu.vector_store %arg10[%swap3A_2, %swap3A_3], %swap3A_6 {strides = array<i32>} : memref<16x128xf32, #tpu.memory_space<vmem>>, vector<1x16xf32>,
    %swap3A_7 = arith.constant 0 : i32
    %swap3A_8 = arith.index_cast %swap3A_7 : i32 to index
    %swap3A_9 = arith.constant 16 : index
    %swap3A_10 = tpu.vector_load %arg10[%swap3A_8, %swap3A_9] {strides = array<i32>} : memref<16x128xf32, #tpu.memory_space<vmem>>, vector<1x16xf32>,
    %swap3A_11 = vector.shape_cast %swap3A_10 : vector<1x16xf32> to vector<16xf32>
    %swap3A_12 = vector.shape_cast %broadcast_in_dim3A_1 : vector<16xf32> to vector<1x16xf32>
    tpu.vector_store %arg10[%swap3A_8, %swap3A_9], %swap3A_12 {strides = array<i32>} : memref<16x128xf32, #tpu.memory_space<vmem>>, vector<1x16xf32>,
    %swap3A_13 = arith.constant 0 : i32
    %swap3A_14 = arith.index_cast %swap3A_13 : i32 to index
    %swap3A_15 = arith.constant 32 : index
    %swap3A_16 = tpu.vector_load %arg10[%swap3A_14, %swap3A_15] {strides = array<i32>} : memref<16x128xf32, #tpu.memory_space<vmem>>, vector<1x16xf32>,
    %swap3A_17 = vector.shape_cast %swap3A_16 : vector<1x16xf32> to vector<16xf32>
    %swap3A_18 = vector.shape_cast %broadcast_in_dim3A_1 : vector<16xf32> to vector<1x16xf32>
    tpu.vector_store %arg10[%swap3A_14, %swap3A_15], %swap3A_18 {strides = array<i32>} : memref<16x128xf32, #tpu.memory_space<vmem>>, vector<1x16xf32>,
    %swap3A_19 = arith.constant 0 : i32
    %swap3A_20 = arith.index_cast %swap3A_19 : i32 to index
    %swap3A_21 = arith.constant 48 : index
    %swap3A_22 = tpu.vector_load %arg10[%swap3A_20, %swap3A_21] {strides = array<i32>} : memref<16x128xf32, #tpu.memory_space<vmem>>, vector<1x16xf32>,
    %swap3A_23 = vector.shape_cast %swap3A_22 : vector<1x16xf32> to vector<16xf32>
    %swap3A_24 = vector.shape_cast %broadcast_in_dim3A_1 : vector<16xf32> to vector<1x16xf32>
    tpu.vector_store %arg10[%swap3A_20, %swap3A_21], %swap3A_24 {strides = array<i32>} : memref<16x128xf32, #tpu.memory_space<vmem>>, vector<1x16xf32>,
    %swap3A_25 = arith.constant 0 : i32
    %swap3A_26 = arith.index_cast %swap3A_25 : i32 to index
    %swap3A_27 = arith.constant 64 : index
    %swap3A_28 = tpu.vector_load %arg10[%swap3A_26, %swap3A_27] {strides = array<i32>} : memref<16x128xf32, #tpu.memory_space<vmem>>, vector<1x16xf32>,
    %swap3A_29 = vector.shape_cast %swap3A_28 : vector<1x16xf32> to vector<16xf32>
    %swap3A_30 = vector.shape_cast %broadcast_in_dim3A_1 : vector<16xf32> to vector<1x16xf32>
    tpu.vector_store %arg10[%swap3A_26, %swap3A_27], %swap3A_30 {strides = array<i32>} : memref<16x128xf32, #tpu.memory_space<vmem>>, vector<1x16xf32>,
    %swap3A_31 = arith.constant 0 : i32
    %swap3A_32 = arith.index_cast %swap3A_31 : i32 to index
    %swap3A_33 = arith.constant 80 : index
    %swap3A_34 = tpu.vector_load %arg10[%swap3A_32, %swap3A_33] {strides = array<i32>} : memref<16x128xf32, #tpu.memory_space<vmem>>, vector<1x16xf32>,
    %swap3A_35 = vector.shape_cast %swap3A_34 : vector<1x16xf32> to vector<16xf32>
    %swap3A_36 = vector.shape_cast %broadcast_in_dim3A_1 : vector<16xf32> to vector<1x16xf32>
    tpu.vector_store %arg10[%swap3A_32, %swap3A_33], %swap3A_36 {strides = array<i32>} : memref<16x128xf32, #tpu.memory_space<vmem>>, vector<1x16xf32>,
    %swap3A_37 = arith.constant 0 : i32
    %swap3A_38 = arith.index_cast %swap3A_37 : i32 to index
    %swap3A_39 = arith.constant 96 : index
    %swap3A_40 = tpu.vector_load %arg10[%swap3A_38, %swap3A_39] {strides = array<i32>} : memref<16x128xf32, #tpu.memory_space<vmem>>, vector<1x16xf32>,
    %swap3A_41 = vector.shape_cast %swap3A_40 : vector<1x16xf32> to vector<16xf32>
    %swap3A_42 = vector.shape_cast %broadcast_in_dim3A_1 : vector<16xf32> to vector<1x16xf32>
    tpu.vector_store %arg10[%swap3A_38, %swap3A_39], %swap3A_42 {strides = array<i32>} : memref<16x128xf32, #tpu.memory_space<vmem>>, vector<1x16xf32>,
    %swap3A_43 = arith.constant 0 : i32
    %swap3A_44 = arith.index_cast %swap3A_43 : i32 to index
    %swap3A_45 = arith.constant 112 : index
    %swap3A_46 = tpu.vector_load %arg10[%swap3A_44, %swap3A_45] {strides = array<i32>} : memref<16x128xf32, #tpu.memory_space<vmem>>, vector<1x16xf32>,
    %swap3A_47 = vector.shape_cast %swap3A_46 : vector<1x16xf32> to vector<16xf32>
    %swap3A_48 = vector.shape_cast %broadcast_in_dim3A_1 : vector<16xf32> to vector<1x16xf32>
    tpu.vector_store %arg10[%swap3A_44, %swap3A_45], %swap3A_48 {strides = array<i32>} : memref<16x128xf32, #tpu.memory_space<vmem>>, vector<1x16xf32>,
    %swap3A_49 = arith.constant 1 : i32
    %swap3A_50 = arith.index_cast %swap3A_49 : i32 to index
    %swap3A_51 = arith.constant 0 : index
    %swap3A_52 = tpu.vector_load %arg10[%swap3A_50, %swap3A_51] {strides = array<i32>} : memref<16x128xf32, #tpu.memory_space<vmem>>, vector<1x16xf32>,
    %swap3A_53 = vector.shape_cast %swap3A_52 : vector<1x16xf32> to vector<16xf32>
    %swap3A_54 = vector.shape_cast %broadcast_in_dim3A_1 : vector<16xf32> to vector<1x16xf32>
    tpu.vector_store %arg10[%swap3A_50, %swap3A_51], %swap3A_54 {strides = array<i32>} : memref<16x128xf32, #tpu.memory_space<vmem>>, vector<1x16xf32>,
    %swap3A_55 = arith.constant 1 : i32
    %swap3A_56 = arith.index_cast %swap3A_55 : i32 to index
    %swap3A_57 = arith.constant 16 : index
    %swap3A_58 = tpu.vector_load %arg10[%swap3A_56, %swap3A_57] {strides = array<i32>} : memref<16x128xf32, #tpu.memory_space<vmem>>, vector<1x16xf32>,
    %swap3A_59 = vector.shape_cast %swap3A_58 : vector<1x16xf32> to vector<16xf32>
    %swap3A_60 = vector.shape_cast %broadcast_in_dim3A_1 : vector<16xf32> to vector<1x16xf32>
    tpu.vector_store %arg10[%swap3A_56, %swap3A_57], %swap3A_60 {strides = array<i32>} : memref<16x128xf32, #tpu.memory_space<vmem>>, vector<1x16xf32>,
    %swap3A_61 = arith.constant 1 : i32
    %swap3A_62 = arith.index_cast %swap3A_61 : i32 to index
    %swap3A_63 = arith.constant 32 : index
    %swap3A_64 = tpu.vector_load %arg10[%swap3A_62, %swap3A_63] {strides = array<i32>} : memref<16x128xf32, #tpu.memory_space<vmem>>, vector<1x16xf32>,
    %swap3A_65 = vector.shape_cast %swap3A_64 : vector<1x16xf32> to vector<16xf32>
    %swap3A_66 = vector.shape_cast %broadcast_in_dim3A_1 : vector<16xf32> to vector<1x16xf32>
    tpu.vector_store %arg10[%swap3A_62, %swap3A_63], %swap3A_66 {strides = array<i32>} : memref<16x128xf32, #tpu.memory_space<vmem>>, vector<1x16xf32>,
    %swap3A_67 = arith.constant 1 : i32
    %swap3A_68 = arith.index_cast %swap3A_67 : i32 to index
    %swap3A_69 = arith.constant 48 : index
    %swap3A_70 = tpu.vector_load %arg10[%swap3A_68, %swap3A_69] {strides = array<i32>} : memref<16x128xf32, #tpu.memory_space<vmem>>, vector<1x16xf32>,
    %swap3A_71 = vector.shape_cast %swap3A_70 : vector<1x16xf32> to vector<16xf32>
    %swap3A_72 = vector.shape_cast %broadcast_in_dim3A_1 : vector<16xf32> to vector<1x16xf32>
    tpu.vector_store %arg10[%swap3A_68, %swap3A_69], %swap3A_72 {strides = array<i32>} : memref<16x128xf32, #tpu.memory_space<vmem>>, vector<1x16xf32>,
    %swap3A_73 = arith.constant 1 : i32
    %swap3A_74 = arith.index_cast %swap3A_73 : i32 to index
    %swap3A_75 = arith.constant 64 : index
    %swap3A_76 = tpu.vector_load %arg10[%swap3A_74, %swap3A_75] {strides = array<i32>} : memref<16x128xf32, #tpu.memory_space<vmem>>, vector<1x16xf32>,
    %swap3A_77 = vector.shape_cast %swap3A_76 : vector<1x16xf32> to vector<16xf32>
    %swap3A_78 = vector.shape_cast %broadcast_in_dim3A_1 : vector<16xf32> to vector<1x16xf32>
    tpu.vector_store %arg10[%swap3A_74, %swap3A_75], %swap3A_78 {strides = array<i32>} : memref<16x128xf32, #tpu.memory_space<vmem>>, vector<1x16xf32>,
    %swap3A_79 = arith.constant 1 : i32
    %swap3A_80 = arith.index_cast %swap3A_79 : i32 to index
    %swap3A_81 = arith.constant 80 : index
    %swap3A_82 = tpu.vector_load %arg10[%swap3A_80, %swap3A_81] {strides = array<i32>} : memref<16x128xf32, #tpu.memory_space<vmem>>, vector<1x16xf32>,
    %swap3A_83 = vector.shape_cast %swap3A_82 : vector<1x16xf32> to vector<16xf32>
    %swap3A_84 = vector.shape_cast %broadcast_in_dim3A_1 : vector<16xf32> to vector<1x16xf32>
    tpu.vector_store %arg10[%swap3A_80, %swap3A_81], %swap3A_84 {strides = array<i32>} : memref<16x128xf32, #tpu.memory_space<vmem>>, vector<1x16xf32>,
    %swap3A_85 = arith.constant 1 : i32
    %swap3A_86 = arith.index_cast %swap3A_85 : i32 to index
    %swap3A_87 = arith.constant 96 : index
    %swap3A_88 = tpu.vector_load %arg10[%swap3A_86, %swap3A_87] {strides = array<i32>} : memref<16x128xf32, #tpu.memory_space<vmem>>, vector<1x16xf32>,
    %swap3A_89 = vector.shape_cast %swap3A_88 : vector<1x16xf32> to vector<16xf32>
    %swap3A_90 = vector.shape_cast %broadcast_in_dim3A_1 : vector<16xf32> to vector<1x16xf32>
    tpu.vector_store %arg10[%swap3A_86, %swap3A_87], %swap3A_90 {strides = array<i32>} : memref<16x128xf32, #tpu.memory_space<vmem>>, vector<1x16xf32>,
    %swap3A_91 = arith.constant 1 : i32
    %swap3A_92 = arith.index_cast %swap3A_91 : i32 to index
    %swap3A_93 = arith.constant 112 : index
    %swap3A_94 = tpu.vector_load %arg10[%swap3A_92, %swap3A_93] {strides = array<i32>} : memref<16x128xf32, #tpu.memory_space<vmem>>, vector<1x16xf32>,
    %swap3A_95 = vector.shape_cast %swap3A_94 : vector<1x16xf32> to vector<16xf32>
    %swap3A_96 = vector.shape_cast %broadcast_in_dim3A_1 : vector<16xf32> to vector<1x16xf32>
    tpu.vector_store %arg10[%swap3A_92, %swap3A_93], %swap3A_96 {strides = array<i32>} : memref<16x128xf32, #tpu.memory_space<vmem>>, vector<1x16xf32>,
    %swap3A_97 = arith.constant 2 : i32
    %swap3A_98 = arith.index_cast %swap3A_97 : i32 to index
    %swap3A_99 = arith.constant 0 : index
    %swap3A_100 = tpu.vector_load %arg10[%swap3A_98, %swap3A_99] {strides = array<i32>} : memref<16x128xf32, #tpu.memory_space<vmem>>, vector<1x16xf32>,
    %swap3A_101 = vector.shape_cast %swap3A_100 : vector<1x16xf32> to vector<16xf32>
    %swap3A_102 = vector.shape_cast %broadcast_in_dim3A_1 : vector<16xf32> to vector<1x16xf32>
    tpu.vector_store %arg10[%swap3A_98, %swap3A_99], %swap3A_102 {strides = array<i32>} : memref<16x128xf32, #tpu.memory_space<vmem>>, vector<1x16xf32>,
    %swap3A_103 = arith.constant 2 : i32
    %swap3A_104 = arith.index_cast %swap3A_103 : i32 to index
    %swap3A_105 = arith.constant 16 : index
    %swap3A_106 = tpu.vector_load %arg10[%swap3A_104, %swap3A_105] {strides = array<i32>} : memref<16x128xf32, #tpu.memory_space<vmem>>, vector<1x16xf32>,
    %swap3A_107 = vector.shape_cast %swap3A_106 : vector<1x16xf32> to vector<16xf32>
    %swap3A_108 = vector.shape_cast %broadcast_in_dim3A_1 : vector<16xf32> to vector<1x16xf32>
    tpu.vector_store %arg10[%swap3A_104, %swap3A_105], %swap3A_108 {strides = array<i32>} : memref<16x128xf32, #tpu.memory_space<vmem>>, vector<1x16xf32>,
    %swap3A_109 = arith.constant 2 : i32
    %swap3A_110 = arith.index_cast %swap3A_109 : i32 to index
    %swap3A_111 = arith.constant 32 : index
    %swap3A_112 = tpu.vector_load %arg10[%swap3A_110, %swap3A_111] {strides = array<i32>} : memref<16x128xf32, #tpu.memory_space<vmem>>, vector<1x16xf32>,
    %swap3A_113 = vector.shape_cast %swap3A_112 : vector<1x16xf32> to vector<16xf32>
    %swap3A_114 = vector.shape_cast %broadcast_in_dim3A_1 : vector<16xf32> to vector<1x16xf32>
    tpu.vector_store %arg10[%swap3A_110, %swap3A_111], %swap3A_114 {strides = array<i32>} : memref<16x128xf32, #tpu.memory_space<vmem>>, vector<1x16xf32>,
    %swap3A_115 = arith.constant 2 : i32
    %swap3A_116 = arith.index_cast %swap3A_115 : i32 to index
    %swap3A_117 = arith.constant 48 : index
    %swap3A_118 = tpu.vector_load %arg10[%swap3A_116, %swap3A_117] {strides = array<i32>} : memref<16x128xf32, #tpu.memory_space<vmem>>, vector<1x16xf32>,
    %swap3A_119 = vector.shape_cast %swap3A_118 : vector<1x16xf32> to vector<16xf32>
    %swap3A_120 = vector.shape_cast %broadcast_in_dim3A_1 : vector<16xf32> to vector<1x16xf32>
    tpu.vector_store %arg10[%swap3A_116, %swap3A_117], %swap3A_120 {strides = array<i32>} : memref<16x128xf32, #tpu.memory_space<vmem>>, vector<1x16xf32>,
    %swap3A_121 = arith.constant 2 : i32
    %swap3A_122 = arith.index_cast %swap3A_121 : i32 to index
    %swap3A_123 = arith.constant 64 : index
    %swap3A_124 = tpu.vector_load %arg10[%swap3A_122, %swap3A_123] {strides = array<i32>} : memref<16x128xf32, #tpu.memory_space<vmem>>, vector<1x16xf32>,
    %swap3A_125 = vector.shape_cast %swap3A_124 : vector<1x16xf32> to vector<16xf32>
    %swap3A_126 = vector.shape_cast %broadcast_in_dim3A_1 : vector<16xf32> to vector<1x16xf32>
    tpu.vector_store %arg10[%swap3A_122, %swap3A_123], %swap3A_126 {strides = array<i32>} : memref<16x128xf32, #tpu.memory_space<vmem>>, vector<1x16xf32>,
    %swap3A_127 = arith.constant 2 : i32
    %swap3A_128 = arith.index_cast %swap3A_127 : i32 to index
    %swap3A_129 = arith.constant 80 : index
    %swap3A_130 = tpu.vector_load %arg10[%swap3A_128, %swap3A_129] {strides = array<i32>} : memref<16x128xf32, #tpu.memory_space<vmem>>, vector<1x16xf32>,
    %swap3A_131 = vector.shape_cast %swap3A_130 : vector<1x16xf32> to vector<16xf32>
    %swap3A_132 = vector.shape_cast %broadcast_in_dim3A_1 : vector<16xf32> to vector<1x16xf32>
    tpu.vector_store %arg10[%swap3A_128, %swap3A_129], %swap3A_132 {strides = array<i32>} : memref<16x128xf32, #tpu.memory_space<vmem>>, vector<1x16xf32>,
    %swap3A_133 = arith.constant 2 : i32
    %swap3A_134 = arith.index_cast %swap3A_133 : i32 to index
    %swap3A_135 = arith.constant 96 : index
    %swap3A_136 = tpu.vector_load %arg10[%swap3A_134, %swap3A_135] {strides = array<i32>} : memref<16x128xf32, #tpu.memory_space<vmem>>, vector<1x16xf32>,
    %swap3A_137 = vector.shape_cast %swap3A_136 : vector<1x16xf32> to vector<16xf32>
    %swap3A_138 = vector.shape_cast %broadcast_in_dim3A_1 : vector<16xf32> to vector<1x16xf32>
    tpu.vector_store %arg10[%swap3A_134, %swap3A_135], %swap3A_138 {strides = array<i32>} : memref<16x128xf32, #tpu.memory_space<vmem>>, vector<1x16xf32>,
    %swap3A_139 = arith.constant 2 : i32
    %swap3A_140 = arith.index_cast %swap3A_139 : i32 to index
    %swap3A_141 = arith.constant 112 : index
    %swap3A_142 = tpu.vector_load %arg10[%swap3A_140, %swap3A_141] {strides = array<i32>} : memref<16x128xf32, #tpu.memory_space<vmem>>, vector<1x16xf32>,
    %swap3A_143 = vector.shape_cast %swap3A_142 : vector<1x16xf32> to vector<16xf32>
    %swap3A_144 = vector.shape_cast %broadcast_in_dim3A_1 : vector<16xf32> to vector<1x16xf32>
    tpu.vector_store %arg10[%swap3A_140, %swap3A_141], %swap3A_144 {strides = array<i32>} : memref<16x128xf32, #tpu.memory_space<vmem>>, vector<1x16xf32>,
    %swap3A_145 = arith.constant 3 : i32
    %swap3A_146 = arith.index_cast %swap3A_145 : i32 to index
    %swap3A_147 = arith.constant 0 : index
    %swap3A_148 = tpu.vector_load %arg10[%swap3A_146, %swap3A_147] {strides = array<i32>} : memref<16x128xf32, #tpu.memory_space<vmem>>, vector<1x16xf32>,
    %swap3A_149 = vector.shape_cast %swap3A_148 : vector<1x16xf32> to vector<16xf32>
    %swap3A_150 = vector.shape_cast %broadcast_in_dim3A_1 : vector<16xf32> to vector<1x16xf32>
    tpu.vector_store %arg10[%swap3A_146, %swap3A_147], %swap3A_150 {strides = array<i32>} : memref<16x128xf32, #tpu.memory_space<vmem>>, vector<1x16xf32>,
    %swap3A_151 = arith.constant 3 : i32
    %swap3A_152 = arith.index_cast %swap3A_151 : i32 to index
    %swap3A_153 = arith.constant 16 : index
    %swap3A_154 = tpu.vector_load %arg10[%swap3A_152, %swap3A_153] {strides = array<i32>} : memref<16x128xf32, #tpu.memory_space<vmem>>, vector<1x16xf32>,
    %swap3A_155 = vector.shape_cast %swap3A_154 : vector<1x16xf32> to vector<16xf32>
    %swap3A_156 = vector.shape_cast %broadcast_in_dim3A_1 : vector<16xf32> to vector<1x16xf32>
    tpu.vector_store %arg10[%swap3A_152, %swap3A_153], %swap3A_156 {strides = array<i32>} : memref<16x128xf32, #tpu.memory_space<vmem>>, vector<1x16xf32>,
    %swap3A_157 = arith.constant 3 : i32
    %swap3A_158 = arith.index_cast %swap3A_157 : i32 to index
    %swap3A_159 = arith.constant 32 : index
    %swap3A_160 = tpu.vector_load %arg10[%swap3A_158, %swap3A_159] {strides = array<i32>} : memref<16x128xf32, #tpu.memory_space<vmem>>, vector<1x16xf32>,
    %swap3A_161 = vector.shape_cast %swap3A_160 : vector<1x16xf32> to vector<16xf32>
    %swap3A_162 = vector.shape_cast %broadcast_in_dim3A_1 : vector<16xf32> to vector<1x16xf32>
    tpu.vector_store %arg10[%swap3A_158, %swap3A_159], %swap3A_162 {strides = array<i32>} : memref<16x128xf32, #tpu.memory_space<vmem>>, vector<1x16xf32>,
    %swap3A_163 = arith.constant 3 : i32
    %swap3A_164 = arith.index_cast %swap3A_163 : i32 to index
    %swap3A_165 = arith.constant 48 : index
    %swap3A_166 = tpu.vector_load %arg10[%swap3A_164, %swap3A_165] {strides = array<i32>} : memref<16x128xf32, #tpu.memory_space<vmem>>, vector<1x16xf32>,
    %swap3A_167 = vector.shape_cast %swap3A_166 : vector<1x16xf32> to vector<16xf32>
    %swap3A_168 = vector.shape_cast %broadcast_in_dim3A_1 : vector<16xf32> to vector<1x16xf32>
    tpu.vector_store %arg10[%swap3A_164, %swap3A_165], %swap3A_168 {strides = array<i32>} : memref<16x128xf32, #tpu.memory_space<vmem>>, vector<1x16xf32>,
    %swap3A_169 = arith.constant 3 : i32
    %swap3A_170 = arith.index_cast %swap3A_169 : i32 to index
    %swap3A_171 = arith.constant 64 : index
    %swap3A_172 = tpu.vector_load %arg10[%swap3A_170, %swap3A_171] {strides = array<i32>} : memref<16x128xf32, #tpu.memory_space<vmem>>, vector<1x16xf32>,
    %swap3A_173 = vector.shape_cast %swap3A_172 : vector<1x16xf32> to vector<16xf32>
    %swap3A_174 = vector.shape_cast %broadcast_in_dim3A_1 : vector<16xf32> to vector<1x16xf32>
    tpu.vector_store %arg10[%swap3A_170, %swap3A_171], %swap3A_174 {strides = array<i32>} : memref<16x128xf32, #tpu.memory_space<vmem>>, vector<1x16xf32>,
    %swap3A_175 = arith.constant 3 : i32
    %swap3A_176 = arith.index_cast %swap3A_175 : i32 to index
    %swap3A_177 = arith.constant 80 : index
    %swap3A_178 = tpu.vector_load %arg10[%swap3A_176, %swap3A_177] {strides = array<i32>} : memref<16x128xf32, #tpu.memory_space<vmem>>, vector<1x16xf32>,
    %swap3A_179 = vector.shape_cast %swap3A_178 : vector<1x16xf32> to vector<16xf32>
    %swap3A_180 = vector.shape_cast %broadcast_in_dim3A_1 : vector<16xf32> to vector<1x16xf32>
    tpu.vector_store %arg10[%swap3A_176, %swap3A_177], %swap3A_180 {strides = array<i32>} : memref<16x128xf32, #tpu.memory_space<vmem>>, vector<1x16xf32>,
    %swap3A_181 = arith.constant 3 : i32
    %swap3A_182 = arith.index_cast %swap3A_181 : i32 to index
    %swap3A_183 = arith.constant 96 : index
    %swap3A_184 = tpu.vector_load %arg10[%swap3A_182, %swap3A_183] {strides = array<i32>} : memref<16x128xf32, #tpu.memory_space<vmem>>, vector<1x16xf32>,
    %swap3A_185 = vector.shape_cast %swap3A_184 : vector<1x16xf32> to vector<16xf32>
    %swap3A_186 = vector.shape_cast %broadcast_in_dim3A_1 : vector<16xf32> to vector<1x16xf32>
    tpu.vector_store %arg10[%swap3A_182, %swap3A_183], %swap3A_186 {strides = array<i32>} : memref<16x128xf32, #tpu.memory_space<vmem>>, vector<1x16xf32>,
    %swap3A_187 = arith.constant 3 : i32
    %swap3A_188 = arith.index_cast %swap3A_187 : i32 to index
    %swap3A_189 = arith.constant 112 : index
    %swap3A_190 = tpu.vector_load %arg10[%swap3A_188, %swap3A_189] {strides = array<i32>} : memref<16x128xf32, #tpu.memory_space<vmem>>, vector<1x16xf32>,
    %swap3A_191 = vector.shape_cast %swap3A_190 : vector<1x16xf32> to vector<16xf32>
    %swap3A_192 = vector.shape_cast %broadcast_in_dim3A_1 : vector<16xf32> to vector<1x16xf32>
    tpu.vector_store %arg10[%swap3A_188, %swap3A_189], %swap3A_192 {strides = array<i32>} : memref<16x128xf32, #tpu.memory_space<vmem>>, vector<1x16xf32>,
    %swap3A_193 = arith.constant 4 : i32
    %swap3A_194 = arith.index_cast %swap3A_193 : i32 to index
    %swap3A_195 = arith.constant 0 : index
    %swap3A_196 = tpu.vector_load %arg10[%swap3A_194, %swap3A_195] {strides = array<i32>} : memref<16x128xf32, #tpu.memory_space<vmem>>, vector<1x16xf32>,
    %swap3A_197 = vector.shape_cast %swap3A_196 : vector<1x16xf32> to vector<16xf32>
    %swap3A_198 = vector.shape_cast %broadcast_in_dim3A_1 : vector<16xf32> to vector<1x16xf32>
    tpu.vector_store %arg10[%swap3A_194, %swap3A_195], %swap3A_198 {strides = array<i32>} : memref<16x128xf32, #tpu.memory_space<vmem>>, vector<1x16xf32>,
    %swap3A_199 = arith.constant 4 : i32
    %swap3A_200 = arith.index_cast %swap3A_199 : i32 to index
    %swap3A_201 = arith.constant 16 : index
    %swap3A_202 = tpu.vector_load %arg10[%swap3A_200, %swap3A_201] {strides = array<i32>} : memref<16x128xf32, #tpu.memory_space<vmem>>, vector<1x16xf32>,
    %swap3A_203 = vector.shape_cast %swap3A_202 : vector<1x16xf32> to vector<16xf32>
    %swap3A_204 = vector.shape_cast %broadcast_in_dim3A_1 : vector<16xf32> to vector<1x16xf32>
    tpu.vector_store %arg10[%swap3A_200, %swap3A_201], %swap3A_204 {strides = array<i32>} : memref<16x128xf32, #tpu.memory_space<vmem>>, vector<1x16xf32>,
    %swap3A_205 = arith.constant 4 : i32
    %swap3A_206 = arith.index_cast %swap3A_205 : i32 to index
    %swap3A_207 = arith.constant 32 : index
    %swap3A_208 = tpu.vector_load %arg10[%swap3A_206, %swap3A_207] {strides = array<i32>} : memref<16x128xf32, #tpu.memory_space<vmem>>, vector<1x16xf32>,
    %swap3A_209 = vector.shape_cast %swap3A_208 : vector<1x16xf32> to vector<16xf32>
    %swap3A_210 = vector.shape_cast %broadcast_in_dim3A_1 : vector<16xf32> to vector<1x16xf32>
    tpu.vector_store %arg10[%swap3A_206, %swap3A_207], %swap3A_210 {strides = array<i32>} : memref<16x128xf32, #tpu.memory_space<vmem>>, vector<1x16xf32>,
    %swap3A_211 = arith.constant 4 : i32
    %swap3A_212 = arith.index_cast %swap3A_211 : i32 to index
    %swap3A_213 = arith.constant 48 : index
    %swap3A_214 = tpu.vector_load %arg10[%swap3A_212, %swap3A_213] {strides = array<i32>} : memref<16x128xf32, #tpu.memory_space<vmem>>, vector<1x16xf32>,
    %swap3A_215 = vector.shape_cast %swap3A_214 : vector<1x16xf32> to vector<16xf32>
    %swap3A_216 = vector.shape_cast %broadcast_in_dim3A_1 : vector<16xf32> to vector<1x16xf32>
    tpu.vector_store %arg10[%swap3A_212, %swap3A_213], %swap3A_216 {strides = array<i32>} : memref<16x128xf32, #tpu.memory_space<vmem>>, vector<1x16xf32>,
    %swap3A_217 = arith.constant 4 : i32
    %swap3A_218 = arith.index_cast %swap3A_217 : i32 to index
    %swap3A_219 = arith.constant 64 : index
    %swap3A_220 = tpu.vector_load %arg10[%swap3A_218, %swap3A_219] {strides = array<i32>} : memref<16x128xf32, #tpu.memory_space<vmem>>, vector<1x16xf32>,
    %swap3A_221 = vector.shape_cast %swap3A_220 : vector<1x16xf32> to vector<16xf32>
    %swap3A_222 = vector.shape_cast %broadcast_in_dim3A_1 : vector<16xf32> to vector<1x16xf32>
    tpu.vector_store %arg10[%swap3A_218, %swap3A_219], %swap3A_222 {strides = array<i32>} : memref<16x128xf32, #tpu.memory_space<vmem>>, vector<1x16xf32>,
    %swap3A_223 = arith.constant 4 : i32
    %swap3A_224 = arith.index_cast %swap3A_223 : i32 to index
    %swap3A_225 = arith.constant 80 : index
    %swap3A_226 = tpu.vector_load %arg10[%swap3A_224, %swap3A_225] {strides = array<i32>} : memref<16x128xf32, #tpu.memory_space<vmem>>, vector<1x16xf32>,
    %swap3A_227 = vector.shape_cast %swap3A_226 : vector<1x16xf32> to vector<16xf32>
    %swap3A_228 = vector.shape_cast %broadcast_in_dim3A_1 : vector<16xf32> to vector<1x16xf32>
    tpu.vector_store %arg10[%swap3A_224, %swap3A_225], %swap3A_228 {strides = array<i32>} : memref<16x128xf32, #tpu.memory_space<vmem>>, vector<1x16xf32>,
    %swap3A_229 = arith.constant 4 : i32
    %swap3A_230 = arith.index_cast %swap3A_229 : i32 to index
    %swap3A_231 = arith.constant 96 : index
    %swap3A_232 = tpu.vector_load %arg10[%swap3A_230, %swap3A_231] {strides = array<i32>} : memref<16x128xf32, #tpu.memory_space<vmem>>, vector<1x16xf32>,
    %swap3A_233 = vector.shape_cast %swap3A_232 : vector<1x16xf32> to vector<16xf32>
    %swap3A_234 = vector.shape_cast %broadcast_in_dim3A_1 : vector<16xf32> to vector<1x16xf32>
    tpu.vector_store %arg10[%swap3A_230, %swap3A_231], %swap3A_234 {strides = array<i32>} : memref<16x128xf32, #tpu.memory_space<vmem>>, vector<1x16xf32>,
    %swap3A_235 = arith.constant 4 : i32
    %swap3A_236 = arith.index_cast %swap3A_235 : i32 to index
    %swap3A_237 = arith.constant 112 : index
    %swap3A_238 = tpu.vector_load %arg10[%swap3A_236, %swap3A_237] {strides = array<i32>} : memref<16x128xf32, #tpu.memory_space<vmem>>, vector<1x16xf32>,
    %swap3A_239 = vector.shape_cast %swap3A_238 : vector<1x16xf32> to vector<16xf32>
    %swap3A_240 = vector.shape_cast %broadcast_in_dim3A_1 : vector<16xf32> to vector<1x16xf32>
    tpu.vector_store %arg10[%swap3A_236, %swap3A_237], %swap3A_240 {strides = array<i32>} : memref<16x128xf32, #tpu.memory_space<vmem>>, vector<1x16xf32>,
    %swap3A_241 = arith.constant 5 : i32
    %swap3A_242 = arith.index_cast %swap3A_241 : i32 to index
    %swap3A_243 = arith.constant 0 : index
    %swap3A_244 = tpu.vector_load %arg10[%swap3A_242, %swap3A_243] {strides = array<i32>} : memref<16x128xf32, #tpu.memory_space<vmem>>, vector<1x16xf32>,
    %swap3A_245 = vector.shape_cast %swap3A_244 : vector<1x16xf32> to vector<16xf32>
    %swap3A_246 = vector.shape_cast %broadcast_in_dim3A_1 : vector<16xf32> to vector<1x16xf32>
    tpu.vector_store %arg10[%swap3A_242, %swap3A_243], %swap3A_246 {strides = array<i32>} : memref<16x128xf32, #tpu.memory_space<vmem>>, vector<1x16xf32>,
    %swap3A_247 = arith.constant 5 : i32
    %swap3A_248 = arith.index_cast %swap3A_247 : i32 to index
    %swap3A_249 = arith.constant 16 : index
    %swap3A_250 = tpu.vector_load %arg10[%swap3A_248, %swap3A_249] {strides = array<i32>} : memref<16x128xf32, #tpu.memory_space<vmem>>, vector<1x16xf32>,
    %swap3A_251 = vector.shape_cast %swap3A_250 : vector<1x16xf32> to vector<16xf32>
    %swap3A_252 = vector.shape_cast %broadcast_in_dim3A_1 : vector<16xf32> to vector<1x16xf32>
    tpu.vector_store %arg10[%swap3A_248, %swap3A_249], %swap3A_252 {strides = array<i32>} : memref<16x128xf32, #tpu.memory_space<vmem>>, vector<1x16xf32>,
    %swap3A_253 = arith.constant 5 : i32
    %swap3A_254 = arith.index_cast %swap3A_253 : i32 to index
    %swap3A_255 = arith.constant 32 : index
    %swap3A_256 = tpu.vector_load %arg10[%swap3A_254, %swap3A_255] {strides = array<i32>} : memref<16x128xf32, #tpu.memory_space<vmem>>, vector<1x16xf32>,
    %swap3A_257 = vector.shape_cast %swap3A_256 : vector<1x16xf32> to vector<16xf32>
    %swap3A_258 = vector.shape_cast %broadcast_in_dim3A_1 : vector<16xf32> to vector<1x16xf32>
    tpu.vector_store %arg10[%swap3A_254, %swap3A_255], %swap3A_258 {strides = array<i32>} : memref<16x128xf32, #tpu.memory_space<vmem>>, vector<1x16xf32>,
    %swap3A_259 = arith.constant 5 : i32
    %swap3A_260 = arith.index_cast %swap3A_259 : i32 to index
    %swap3A_261 = arith.constant 48 : index
    %swap3A_262 = tpu.vector_load %arg10[%swap3A_260, %swap3A_261] {strides = array<i32>} : memref<16x128xf32, #tpu.memory_space<vmem>>, vector<1x16xf32>,
    %swap3A_263 = vector.shape_cast %swap3A_262 : vector<1x16xf32> to vector<16xf32>
    %swap3A_264 = vector.shape_cast %broadcast_in_dim3A_1 : vector<16xf32> to vector<1x16xf32>
    tpu.vector_store %arg10[%swap3A_260, %swap3A_261], %swap3A_264 {strides = array<i32>} : memref<16x128xf32, #tpu.memory_space<vmem>>, vector<1x16xf32>,
    %swap3A_265 = arith.constant 5 : i32
    %swap3A_266 = arith.index_cast %swap3A_265 : i32 to index
    %swap3A_267 = arith.constant 64 : index
    %swap3A_268 = tpu.vector_load %arg10[%swap3A_266, %swap3A_267] {strides = array<i32>} : memref<16x128xf32, #tpu.memory_space<vmem>>, vector<1x16xf32>,
    %swap3A_269 = vector.shape_cast %swap3A_268 : vector<1x16xf32> to vector<16xf32>
    %swap3A_270 = vector.shape_cast %broadcast_in_dim3A_1 : vector<16xf32> to vector<1x16xf32>
    tpu.vector_store %arg10[%swap3A_266, %swap3A_267], %swap3A_270 {strides = array<i32>} : memref<16x128xf32, #tpu.memory_space<vmem>>, vector<1x16xf32>,
    %swap3A_271 = arith.constant 5 : i32
    %swap3A_272 = arith.index_cast %swap3A_271 : i32 to index
    %swap3A_273 = arith.constant 80 : index
    %swap3A_274 = tpu.vector_load %arg10[%swap3A_272, %swap3A_273] {strides = array<i32>} : memref<16x128xf32, #tpu.memory_space<vmem>>, vector<1x16xf32>,
    %swap3A_275 = vector.shape_cast %swap3A_274 : vector<1x16xf32> to vector<16xf32>
    %swap3A_276 = vector.shape_cast %broadcast_in_dim3A_1 : vector<16xf32> to vector<1x16xf32>
    tpu.vector_store %arg10[%swap3A_272, %swap3A_273], %swap3A_276 {strides = array<i32>} : memref<16x128xf32, #tpu.memory_space<vmem>>, vector<1x16xf32>,
    %swap3A_277 = arith.constant 5 : i32
    %swap3A_278 = arith.index_cast %swap3A_277 : i32 to index
    %swap3A_279 = arith.constant 96 : index
    %swap3A_280 = tpu.vector_load %arg10[%swap3A_278, %swap3A_279] {strides = array<i32>} : memref<16x128xf32, #tpu.memory_space<vmem>>, vector<1x16xf32>,
    %swap3A_281 = vector.shape_cast %swap3A_280 : vector<1x16xf32> to vector<16xf32>
    %swap3A_282 = vector.shape_cast %broadcast_in_dim3A_1 : vector<16xf32> to vector<1x16xf32>
    tpu.vector_store %arg10[%swap3A_278, %swap3A_279], %swap3A_282 {strides = array<i32>} : memref<16x128xf32, #tpu.memory_space<vmem>>, vector<1x16xf32>,
    %swap3A_283 = arith.constant 5 : i32
    %swap3A_284 = arith.index_cast %swap3A_283 : i32 to index
    %swap3A_285 = arith.constant 112 : index
    %swap3A_286 = tpu.vector_load %arg10[%swap3A_284, %swap3A_285] {strides = array<i32>} : memref<16x128xf32, #tpu.memory_space<vmem>>, vector<1x16xf32>,
    %swap3A_287 = vector.shape_cast %swap3A_286 : vector<1x16xf32> to vector<16xf32>
    %swap3A_288 = vector.shape_cast %broadcast_in_dim3A_1 : vector<16xf32> to vector<1x16xf32>
    tpu.vector_store %arg10[%swap3A_284, %swap3A_285], %swap3A_288 {strides = array<i32>} : memref<16x128xf32, #tpu.memory_space<vmem>>, vector<1x16xf32>,
    %swap3A_289 = arith.constant 6 : i32
    %swap3A_290 = arith.index_cast %swap3A_289 : i32 to index
    %swap3A_291 = arith.constant 0 : index
    %swap3A_292 = tpu.vector_load %arg10[%swap3A_290, %swap3A_291] {strides = array<i32>} : memref<16x128xf32, #tpu.memory_space<vmem>>, vector<1x16xf32>,
    %swap3A_293 = vector.shape_cast %swap3A_292 : vector<1x16xf32> to vector<16xf32>
    %swap3A_294 = vector.shape_cast %broadcast_in_dim3A_1 : vector<16xf32> to vector<1x16xf32>
    tpu.vector_store %arg10[%swap3A_290, %swap3A_291], %swap3A_294 {strides = array<i32>} : memref<16x128xf32, #tpu.memory_space<vmem>>, vector<1x16xf32>,
    %swap3A_295 = arith.constant 6 : i32
    %swap3A_296 = arith.index_cast %swap3A_295 : i32 to index
    %swap3A_297 = arith.constant 16 : index
    %swap3A_298 = tpu.vector_load %arg10[%swap3A_296, %swap3A_297] {strides = array<i32>} : memref<16x128xf32, #tpu.memory_space<vmem>>, vector<1x16xf32>,
    %swap3A_299 = vector.shape_cast %swap3A_298 : vector<1x16xf32> to vector<16xf32>
    %swap3A_300 = vector.shape_cast %broadcast_in_dim3A_1 : vector<16xf32> to vector<1x16xf32>
    tpu.vector_store %arg10[%swap3A_296, %swap3A_297], %swap3A_300 {strides = array<i32>} : memref<16x128xf32, #tpu.memory_space<vmem>>, vector<1x16xf32>,
    %swap3A_301 = arith.constant 6 : i32
    %swap3A_302 = arith.index_cast %swap3A_301 : i32 to index
    %swap3A_303 = arith.constant 32 : index
    %swap3A_304 = tpu.vector_load %arg10[%swap3A_302, %swap3A_303] {strides = array<i32>} : memref<16x128xf32, #tpu.memory_space<vmem>>, vector<1x16xf32>,
    %swap3A_305 = vector.shape_cast %swap3A_304 : vector<1x16xf32> to vector<16xf32>
    %swap3A_306 = vector.shape_cast %broadcast_in_dim3A_1 : vector<16xf32> to vector<1x16xf32>
    tpu.vector_store %arg10[%swap3A_302, %swap3A_303], %swap3A_306 {strides = array<i32>} : memref<16x128xf32, #tpu.memory_space<vmem>>, vector<1x16xf32>,
    %swap3A_307 = arith.constant 6 : i32
    %swap3A_308 = arith.index_cast %swap3A_307 : i32 to index
    %swap3A_309 = arith.constant 48 : index
    %swap3A_310 = tpu.vector_load %arg10[%swap3A_308, %swap3A_309] {strides = array<i32>} : memref<16x128xf32, #tpu.memory_space<vmem>>, vector<1x16xf32>,
    %swap3A_311 = vector.shape_cast %swap3A_310 : vector<1x16xf32> to vector<16xf32>
    %swap3A_312 = vector.shape_cast %broadcast_in_dim3A_1 : vector<16xf32> to vector<1x16xf32>
    tpu.vector_store %arg10[%swap3A_308, %swap3A_309], %swap3A_312 {strides = array<i32>} : memref<16x128xf32, #tpu.memory_space<vmem>>, vector<1x16xf32>,
    %swap3A_313 = arith.constant 6 : i32
    %swap3A_314 = arith.index_cast %swap3A_313 : i32 to index
    %swap3A_315 = arith.constant 64 : index
    %swap3A_316 = tpu.vector_load %arg10[%swap3A_314, %swap3A_315] {strides = array<i32>} : memref<16x128xf32, #tpu.memory_space<vmem>>, vector<1x16xf32>,
    %swap3A_317 = vector.shape_cast %swap3A_316 : vector<1x16xf32> to vector<16xf32>
    %swap3A_318 = vector.shape_cast %broadcast_in_dim3A_1 : vector<16xf32> to vector<1x16xf32>
    tpu.vector_store %arg10[%swap3A_314, %swap3A_315], %swap3A_318 {strides = array<i32>} : memref<16x128xf32, #tpu.memory_space<vmem>>, vector<1x16xf32>,
    %swap3A_319 = arith.constant 6 : i32
    %swap3A_320 = arith.index_cast %swap3A_319 : i32 to index
    %swap3A_321 = arith.constant 80 : index
    %swap3A_322 = tpu.vector_load %arg10[%swap3A_320, %swap3A_321] {strides = array<i32>} : memref<16x128xf32, #tpu.memory_space<vmem>>, vector<1x16xf32>,
    %swap3A_323 = vector.shape_cast %swap3A_322 : vector<1x16xf32> to vector<16xf32>
    %swap3A_324 = vector.shape_cast %broadcast_in_dim3A_1 : vector<16xf32> to vector<1x16xf32>
    tpu.vector_store %arg10[%swap3A_320, %swap3A_321], %swap3A_324 {strides = array<i32>} : memref<16x128xf32, #tpu.memory_space<vmem>>, vector<1x16xf32>,
    %swap3A_325 = arith.constant 6 : i32
    %swap3A_326 = arith.index_cast %swap3A_325 : i32 to index
    %swap3A_327 = arith.constant 96 : index
    %swap3A_328 = tpu.vector_load %arg10[%swap3A_326, %swap3A_327] {strides = array<i32>} : memref<16x128xf32, #tpu.memory_space<vmem>>, vector<1x16xf32>,
    %swap3A_329 = vector.shape_cast %swap3A_328 : vector<1x16xf32> to vector<16xf32>
    %swap3A_330 = vector.shape_cast %broadcast_in_dim3A_1 : vector<16xf32> to vector<1x16xf32>
    tpu.vector_store %arg10[%swap3A_326, %swap3A_327], %swap3A_330 {strides = array<i32>} : memref<16x128xf32, #tpu.memory_space<vmem>>, vector<1x16xf32>,
    %swap3A_331 = arith.constant 6 : i32
    %swap3A_332 = arith.index_cast %swap3A_331 : i32 to index
    %swap3A_333 = arith.constant 112 : index
    %swap3A_334 = tpu.vector_load %arg10[%swap3A_332, %swap3A_333] {strides = array<i32>} : memref<16x128xf32, #tpu.memory_space<vmem>>, vector<1x16xf32>,
    %swap3A_335 = vector.shape_cast %swap3A_334 : vector<1x16xf32> to vector<16xf32>
    %swap3A_336 = vector.shape_cast %broadcast_in_dim3A_1 : vector<16xf32> to vector<1x16xf32>
    tpu.vector_store %arg10[%swap3A_332, %swap3A_333], %swap3A_336 {strides = array<i32>} : memref<16x128xf32, #tpu.memory_space<vmem>>, vector<1x16xf32>,
    %swap3A_337 = arith.constant 7 : i32
    %swap3A_338 = arith.index_cast %swap3A_337 : i32 to index
    %swap3A_339 = arith.constant 0 : index
    %swap3A_340 = tpu.vector_load %arg10[%swap3A_338, %swap3A_339] {strides = array<i32>} : memref<16x128xf32, #tpu.memory_space<vmem>>, vector<1x16xf32>,
    %swap3A_341 = vector.shape_cast %swap3A_340 : vector<1x16xf32> to vector<16xf32>
    %swap3A_342 = vector.shape_cast %broadcast_in_dim3A_1 : vector<16xf32> to vector<1x16xf32>
    tpu.vector_store %arg10[%swap3A_338, %swap3A_339], %swap3A_342 {strides = array<i32>} : memref<16x128xf32, #tpu.memory_space<vmem>>, vector<1x16xf32>,
    %swap3A_343 = arith.constant 7 : i32
    %swap3A_344 = arith.index_cast %swap3A_343 : i32 to index
    %swap3A_345 = arith.constant 16 : index
    %swap3A_346 = tpu.vector_load %arg10[%swap3A_344, %swap3A_345] {strides = array<i32>} : memref<16x128xf32, #tpu.memory_space<vmem>>, vector<1x16xf32>,
    %swap3A_347 = vector.shape_cast %swap3A_346 : vector<1x16xf32> to vector<16xf32>
    %swap3A_348 = vector.shape_cast %broadcast_in_dim3A_1 : vector<16xf32> to vector<1x16xf32>
    tpu.vector_store %arg10[%swap3A_344, %swap3A_345], %swap3A_348 {strides = array<i32>} : memref<16x128xf32, #tpu.memory_space<vmem>>, vector<1x16xf32>,
    %swap3A_349 = arith.constant 7 : i32
    %swap3A_350 = arith.index_cast %swap3A_349 : i32 to index
    %swap3A_351 = arith.constant 32 : index
    %swap3A_352 = tpu.vector_load %arg10[%swap3A_350, %swap3A_351] {strides = array<i32>} : memref<16x128xf32, #tpu.memory_space<vmem>>, vector<1x16xf32>,
    %swap3A_353 = vector.shape_cast %swap3A_352 : vector<1x16xf32> to vector<16xf32>
    %swap3A_354 = vector.shape_cast %broadcast_in_dim3A_1 : vector<16xf32> to vector<1x16xf32>
    tpu.vector_store %arg10[%swap3A_350, %swap3A_351], %swap3A_354 {strides = array<i32>} : memref<16x128xf32, #tpu.memory_space<vmem>>, vector<1x16xf32>,
    %swap3A_355 = arith.constant 7 : i32
    %swap3A_356 = arith.index_cast %swap3A_355 : i32 to index
    %swap3A_357 = arith.constant 48 : index
    %swap3A_358 = tpu.vector_load %arg10[%swap3A_356, %swap3A_357] {strides = array<i32>} : memref<16x128xf32, #tpu.memory_space<vmem>>, vector<1x16xf32>,
    %swap3A_359 = vector.shape_cast %swap3A_358 : vector<1x16xf32> to vector<16xf32>
    %swap3A_360 = vector.shape_cast %broadcast_in_dim3A_1 : vector<16xf32> to vector<1x16xf32>
    tpu.vector_store %arg10[%swap3A_356, %swap3A_357], %swap3A_360 {strides = array<i32>} : memref<16x128xf32, #tpu.memory_space<vmem>>, vector<1x16xf32>,
    %swap3A_361 = arith.constant 7 : i32
    %swap3A_362 = arith.index_cast %swap3A_361 : i32 to index
    %swap3A_363 = arith.constant 64 : index
    %swap3A_364 = tpu.vector_load %arg10[%swap3A_362, %swap3A_363] {strides = array<i32>} : memref<16x128xf32, #tpu.memory_space<vmem>>, vector<1x16xf32>,
    %swap3A_365 = vector.shape_cast %swap3A_364 : vector<1x16xf32> to vector<16xf32>
    %swap3A_366 = vector.shape_cast %broadcast_in_dim3A_1 : vector<16xf32> to vector<1x16xf32>
    tpu.vector_store %arg10[%swap3A_362, %swap3A_363], %swap3A_366 {strides = array<i32>} : memref<16x128xf32, #tpu.memory_space<vmem>>, vector<1x16xf32>,
    %swap3A_367 = arith.constant 7 : i32
    %swap3A_368 = arith.index_cast %swap3A_367 : i32 to index
    %swap3A_369 = arith.constant 80 : index
    %swap3A_370 = tpu.vector_load %arg10[%swap3A_368, %swap3A_369] {strides = array<i32>} : memref<16x128xf32, #tpu.memory_space<vmem>>, vector<1x16xf32>,
    %swap3A_371 = vector.shape_cast %swap3A_370 : vector<1x16xf32> to vector<16xf32>
    %swap3A_372 = vector.shape_cast %broadcast_in_dim3A_1 : vector<16xf32> to vector<1x16xf32>
    tpu.vector_store %arg10[%swap3A_368, %swap3A_369], %swap3A_372 {strides = array<i32>} : memref<16x128xf32, #tpu.memory_space<vmem>>, vector<1x16xf32>,
    %swap3A_373 = arith.constant 7 : i32
    %swap3A_374 = arith.index_cast %swap3A_373 : i32 to index
    %swap3A_375 = arith.constant 96 : index
    %swap3A_376 = tpu.vector_load %arg10[%swap3A_374, %swap3A_375] {strides = array<i32>} : memref<16x128xf32, #tpu.memory_space<vmem>>, vector<1x16xf32>,
    %swap3A_377 = vector.shape_cast %swap3A_376 : vector<1x16xf32> to vector<16xf32>
    %swap3A_378 = vector.shape_cast %broadcast_in_dim3A_1 : vector<16xf32> to vector<1x16xf32>
    tpu.vector_store %arg10[%swap3A_374, %swap3A_375], %swap3A_378 {strides = array<i32>} : memref<16x128xf32, #tpu.memory_space<vmem>>, vector<1x16xf32>,
    %swap3A_379 = arith.constant 7 : i32
    %swap3A_380 = arith.index_cast %swap3A_379 : i32 to index
    %swap3A_381 = arith.constant 112 : index
    %swap3A_382 = tpu.vector_load %arg10[%swap3A_380, %swap3A_381] {strides = array<i32>} : memref<16x128xf32, #tpu.memory_space<vmem>>, vector<1x16xf32>,
    %swap3A_383 = vector.shape_cast %swap3A_382 : vector<1x16xf32> to vector<16xf32>
    %swap3A_384 = vector.shape_cast %broadcast_in_dim3A_1 : vector<16xf32> to vector<1x16xf32>
    tpu.vector_store %arg10[%swap3A_380, %swap3A_381], %swap3A_384 {strides = array<i32>} : memref<16x128xf32, #tpu.memory_space<vmem>>, vector<1x16xf32>,
    %swap3A_385 = arith.constant 8 : i32
    %swap3A_386 = arith.index_cast %swap3A_385 : i32 to index
    %swap3A_387 = arith.constant 0 : index
    %swap3A_388 = tpu.vector_load %arg10[%swap3A_386, %swap3A_387] {strides = array<i32>} : memref<16x128xf32, #tpu.memory_space<vmem>>, vector<1x16xf32>,
    %swap3A_389 = vector.shape_cast %swap3A_388 : vector<1x16xf32> to vector<16xf32>
    %swap3A_390 = vector.shape_cast %broadcast_in_dim3A_1 : vector<16xf32> to vector<1x16xf32>
    tpu.vector_store %arg10[%swap3A_386, %swap3A_387], %swap3A_390 {strides = array<i32>} : memref<16x128xf32, #tpu.memory_space<vmem>>, vector<1x16xf32>,
    %swap3A_391 = arith.constant 8 : i32
    %swap3A_392 = arith.index_cast %swap3A_391 : i32 to index
    %swap3A_393 = arith.constant 16 : index
    %swap3A_394 = tpu.vector_load %arg10[%swap3A_392, %swap3A_393] {strides = array<i32>} : memref<16x128xf32, #tpu.memory_space<vmem>>, vector<1x16xf32>,
    %swap3A_395 = vector.shape_cast %swap3A_394 : vector<1x16xf32> to vector<16xf32>
    %swap3A_396 = vector.shape_cast %broadcast_in_dim3A_1 : vector<16xf32> to vector<1x16xf32>
    tpu.vector_store %arg10[%swap3A_392, %swap3A_393], %swap3A_396 {strides = array<i32>} : memref<16x128xf32, #tpu.memory_space<vmem>>, vector<1x16xf32>,
    %swap3A_397 = arith.constant 8 : i32
    %swap3A_398 = arith.index_cast %swap3A_397 : i32 to index
    %swap3A_399 = arith.constant 32 : index
    %swap3A_400 = tpu.vector_load %arg10[%swap3A_398, %swap3A_399] {strides = array<i32>} : memref<16x128xf32, #tpu.memory_space<vmem>>, vector<1x16xf32>,
    %swap3A_401 = vector.shape_cast %swap3A_400 : vector<1x16xf32> to vector<16xf32>
    %swap3A_402 = vector.shape_cast %broadcast_in_dim3A_1 : vector<16xf32> to vector<1x16xf32>
    tpu.vector_store %arg10[%swap3A_398, %swap3A_399], %swap3A_402 {strides = array<i32>} : memref<16x128xf32, #tpu.memory_space<vmem>>, vector<1x16xf32>,
    %swap3A_403 = arith.constant 8 : i32
    %swap3A_404 = arith.index_cast %swap3A_403 : i32 to index
    %swap3A_405 = arith.constant 48 : index
    %swap3A_406 = tpu.vector_load %arg10[%swap3A_404, %swap3A_405] {strides = array<i32>} : memref<16x128xf32, #tpu.memory_space<vmem>>, vector<1x16xf32>,
    %swap3A_407 = vector.shape_cast %swap3A_406 : vector<1x16xf32> to vector<16xf32>
    %swap3A_408 = vector.shape_cast %broadcast_in_dim3A_1 : vector<16xf32> to vector<1x16xf32>
    tpu.vector_store %arg10[%swap3A_404, %swap3A_405], %swap3A_408 {strides = array<i32>} : memref<16x128xf32, #tpu.memory_space<vmem>>, vector<1x16xf32>,
    %swap3A_409 = arith.constant 8 : i32
    %swap3A_410 = arith.index_cast %swap3A_409 : i32 to index
    %swap3A_411 = arith.constant 64 : index
    %swap3A_412 = tpu.vector_load %arg10[%swap3A_410, %swap3A_411] {strides = array<i32>} : memref<16x128xf32, #tpu.memory_space<vmem>>, vector<1x16xf32>,
    %swap3A_413 = vector.shape_cast %swap3A_412 : vector<1x16xf32> to vector<16xf32>
    %swap3A_414 = vector.shape_cast %broadcast_in_dim3A_1 : vector<16xf32> to vector<1x16xf32>
    tpu.vector_store %arg10[%swap3A_410, %swap3A_411], %swap3A_414 {strides = array<i32>} : memref<16x128xf32, #tpu.memory_space<vmem>>, vector<1x16xf32>,
    %swap3A_415 = arith.constant 8 : i32
    %swap3A_416 = arith.index_cast %swap3A_415 : i32 to index
    %swap3A_417 = arith.constant 80 : index
    %swap3A_418 = tpu.vector_load %arg10[%swap3A_416, %swap3A_417] {strides = array<i32>} : memref<16x128xf32, #tpu.memory_space<vmem>>, vector<1x16xf32>,
    %swap3A_419 = vector.shape_cast %swap3A_418 : vector<1x16xf32> to vector<16xf32>
    %swap3A_420 = vector.shape_cast %broadcast_in_dim3A_1 : vector<16xf32> to vector<1x16xf32>
    tpu.vector_store %arg10[%swap3A_416, %swap3A_417], %swap3A_420 {strides = array<i32>} : memref<16x128xf32, #tpu.memory_space<vmem>>, vector<1x16xf32>,
    %swap3A_421 = arith.constant 8 : i32
    %swap3A_422 = arith.index_cast %swap3A_421 : i32 to index
    %swap3A_423 = arith.constant 96 : index
    %swap3A_424 = tpu.vector_load %arg10[%swap3A_422, %swap3A_423] {strides = array<i32>} : memref<16x128xf32, #tpu.memory_space<vmem>>, vector<1x16xf32>,
    %swap3A_425 = vector.shape_cast %swap3A_424 : vector<1x16xf32> to vector<16xf32>
    %swap3A_426 = vector.shape_cast %broadcast_in_dim3A_1 : vector<16xf32> to vector<1x16xf32>
    tpu.vector_store %arg10[%swap3A_422, %swap3A_423], %swap3A_426 {strides = array<i32>} : memref<16x128xf32, #tpu.memory_space<vmem>>, vector<1x16xf32>,
    %swap3A_427 = arith.constant 8 : i32
    %swap3A_428 = arith.index_cast %swap3A_427 : i32 to index
    %swap3A_429 = arith.constant 112 : index
    %swap3A_430 = tpu.vector_load %arg10[%swap3A_428, %swap3A_429] {strides = array<i32>} : memref<16x128xf32, #tpu.memory_space<vmem>>, vector<1x16xf32>,
    %swap3A_431 = vector.shape_cast %swap3A_430 : vector<1x16xf32> to vector<16xf32>
    %swap3A_432 = vector.shape_cast %broadcast_in_dim3A_1 : vector<16xf32> to vector<1x16xf32>
    tpu.vector_store %arg10[%swap3A_428, %swap3A_429], %swap3A_432 {strides = array<i32>} : memref<16x128xf32, #tpu.memory_space<vmem>>, vector<1x16xf32>,
    %swap3A_433 = arith.constant 9 : i32
    %swap3A_434 = arith.index_cast %swap3A_433 : i32 to index
    %swap3A_435 = arith.constant 0 : index
    %swap3A_436 = tpu.vector_load %arg10[%swap3A_434, %swap3A_435] {strides = array<i32>} : memref<16x128xf32, #tpu.memory_space<vmem>>, vector<1x16xf32>,
    %swap3A_437 = vector.shape_cast %swap3A_436 : vector<1x16xf32> to vector<16xf32>
    %swap3A_438 = vector.shape_cast %broadcast_in_dim3A_1 : vector<16xf32> to vector<1x16xf32>
    tpu.vector_store %arg10[%swap3A_434, %swap3A_435], %swap3A_438 {strides = array<i32>} : memref<16x128xf32, #tpu.memory_space<vmem>>, vector<1x16xf32>,
    %swap3A_439 = arith.constant 9 : i32
    %swap3A_440 = arith.index_cast %swap3A_439 : i32 to index
    %swap3A_441 = arith.constant 16 : index
    %swap3A_442 = tpu.vector_load %arg10[%swap3A_440, %swap3A_441] {strides = array<i32>} : memref<16x128xf32, #tpu.memory_space<vmem>>, vector<1x16xf32>,
    %swap3A_443 = vector.shape_cast %swap3A_442 : vector<1x16xf32> to vector<16xf32>
    %swap3A_444 = vector.shape_cast %broadcast_in_dim3A_1 : vector<16xf32> to vector<1x16xf32>
    tpu.vector_store %arg10[%swap3A_440, %swap3A_441], %swap3A_444 {strides = array<i32>} : memref<16x128xf32, #tpu.memory_space<vmem>>, vector<1x16xf32>,
    %swap3A_445 = arith.constant 9 : i32
    %swap3A_446 = arith.index_cast %swap3A_445 : i32 to index
    %swap3A_447 = arith.constant 32 : index
    %swap3A_448 = tpu.vector_load %arg10[%swap3A_446, %swap3A_447] {strides = array<i32>} : memref<16x128xf32, #tpu.memory_space<vmem>>, vector<1x16xf32>,
    %swap3A_449 = vector.shape_cast %swap3A_448 : vector<1x16xf32> to vector<16xf32>
    %swap3A_450 = vector.shape_cast %broadcast_in_dim3A_1 : vector<16xf32> to vector<1x16xf32>
    tpu.vector_store %arg10[%swap3A_446, %swap3A_447], %swap3A_450 {strides = array<i32>} : memref<16x128xf32, #tpu.memory_space<vmem>>, vector<1x16xf32>,
    %swap3A_451 = arith.constant 9 : i32
    %swap3A_452 = arith.index_cast %swap3A_451 : i32 to index
    %swap3A_453 = arith.constant 48 : index
    %swap3A_454 = tpu.vector_load %arg10[%swap3A_452, %swap3A_453] {strides = array<i32>} : memref<16x128xf32, #tpu.memory_space<vmem>>, vector<1x16xf32>,
    %swap3A_455 = vector.shape_cast %swap3A_454 : vector<1x16xf32> to vector<16xf32>
    %swap3A_456 = vector.shape_cast %broadcast_in_dim3A_1 : vector<16xf32> to vector<1x16xf32>
    tpu.vector_store %arg10[%swap3A_452, %swap3A_453], %swap3A_456 {strides = array<i32>} : memref<16x128xf32, #tpu.memory_space<vmem>>, vector<1x16xf32>,
    %swap3A_457 = arith.constant 9 : i32
    %swap3A_458 = arith.index_cast %swap3A_457 : i32 to index
    %swap3A_459 = arith.constant 64 : index
    %swap3A_460 = tpu.vector_load %arg10[%swap3A_458, %swap3A_459] {strides = array<i32>} : memref<16x128xf32, #tpu.memory_space<vmem>>, vector<1x16xf32>,
    %swap3A_461 = vector.shape_cast %swap3A_460 : vector<1x16xf32> to vector<16xf32>
    %swap3A_462 = vector.shape_cast %broadcast_in_dim3A_1 : vector<16xf32> to vector<1x16xf32>
    tpu.vector_store %arg10[%swap3A_458, %swap3A_459], %swap3A_462 {strides = array<i32>} : memref<16x128xf32, #tpu.memory_space<vmem>>, vector<1x16xf32>,
    %swap3A_463 = arith.constant 9 : i32
    %swap3A_464 = arith.index_cast %swap3A_463 : i32 to index
    %swap3A_465 = arith.constant 80 : index
    %swap3A_466 = tpu.vector_load %arg10[%swap3A_464, %swap3A_465] {strides = array<i32>} : memref<16x128xf32, #tpu.memory_space<vmem>>, vector<1x16xf32>,
    %swap3A_467 = vector.shape_cast %swap3A_466 : vector<1x16xf32> to vector<16xf32>
    %swap3A_468 = vector.shape_cast %broadcast_in_dim3A_1 : vector<16xf32> to vector<1x16xf32>
    tpu.vector_store %arg10[%swap3A_464, %swap3A_465], %swap3A_468 {strides = array<i32>} : memref<16x128xf32, #tpu.memory_space<vmem>>, vector<1x16xf32>,
    %swap3A_469 = arith.constant 9 : i32
    %swap3A_470 = arith.index_cast %swap3A_469 : i32 to index
    %swap3A_471 = arith.constant 96 : index
    %swap3A_472 = tpu.vector_load %arg10[%swap3A_470, %swap3A_471] {strides = array<i32>} : memref<16x128xf32, #tpu.memory_space<vmem>>, vector<1x16xf32>,
    %swap3A_473 = vector.shape_cast %swap3A_472 : vector<1x16xf32> to vector<16xf32>
    %swap3A_474 = vector.shape_cast %broadcast_in_dim3A_1 : vector<16xf32> to vector<1x16xf32>
    tpu.vector_store %arg10[%swap3A_470, %swap3A_471], %swap3A_474 {strides = array<i32>} : memref<16x128xf32, #tpu.memory_space<vmem>>, vector<1x16xf32>,
    %swap3A_475 = arith.constant 9 : i32
    %swap3A_476 = arith.index_cast %swap3A_475 : i32 to index
    %swap3A_477 = arith.constant 112 : index
    %swap3A_478 = tpu.vector_load %arg10[%swap3A_476, %swap3A_477] {strides = array<i32>} : memref<16x128xf32, #tpu.memory_space<vmem>>, vector<1x16xf32>,
    %swap3A_479 = vector.shape_cast %swap3A_478 : vector<1x16xf32> to vector<16xf32>
    %swap3A_480 = vector.shape_cast %broadcast_in_dim3A_1 : vector<16xf32> to vector<1x16xf32>
    tpu.vector_store %arg10[%swap3A_476, %swap3A_477], %swap3A_480 {strides = array<i32>} : memref<16x128xf32, #tpu.memory_space<vmem>>, vector<1x16xf32>,
    %swap3A_481 = arith.constant 10 : i32
    %swap3A_482 = arith.index_cast %swap3A_481 : i32 to index
    %swap3A_483 = arith.constant 0 : index
    %swap3A_484 = tpu.vector_load %arg10[%swap3A_482, %swap3A_483] {strides = array<i32>} : memref<16x128xf32, #tpu.memory_space<vmem>>, vector<1x16xf32>,
    %swap3A_485 = vector.shape_cast %swap3A_484 : vector<1x16xf32> to vector<16xf32>
    %swap3A_486 = vector.shape_cast %broadcast_in_dim3A_1 : vector<16xf32> to vector<1x16xf32>
    tpu.vector_store %arg10[%swap3A_482, %swap3A_483], %swap3A_486 {strides = array<i32>} : memref<16x128xf32, #tpu.memory_space<vmem>>, vector<1x16xf32>,
    %swap3A_487 = arith.constant 10 : i32
    %swap3A_488 = arith.index_cast %swap3A_487 : i32 to index
    %swap3A_489 = arith.constant 16 : index
    %swap3A_490 = tpu.vector_load %arg10[%swap3A_488, %swap3A_489] {strides = array<i32>} : memref<16x128xf32, #tpu.memory_space<vmem>>, vector<1x16xf32>,
    %swap3A_491 = vector.shape_cast %swap3A_490 : vector<1x16xf32> to vector<16xf32>
    %swap3A_492 = vector.shape_cast %broadcast_in_dim3A_1 : vector<16xf32> to vector<1x16xf32>
    tpu.vector_store %arg10[%swap3A_488, %swap3A_489], %swap3A_492 {strides = array<i32>} : memref<16x128xf32, #tpu.memory_space<vmem>>, vector<1x16xf32>,
    %swap3A_493 = arith.constant 10 : i32
    %swap3A_494 = arith.index_cast %swap3A_493 : i32 to index
    %swap3A_495 = arith.constant 32 : index
    %swap3A_496 = tpu.vector_load %arg10[%swap3A_494, %swap3A_495] {strides = array<i32>} : memref<16x128xf32, #tpu.memory_space<vmem>>, vector<1x16xf32>,
    %swap3A_497 = vector.shape_cast %swap3A_496 : vector<1x16xf32> to vector<16xf32>
    %swap3A_498 = vector.shape_cast %broadcast_in_dim3A_1 : vector<16xf32> to vector<1x16xf32>
    tpu.vector_store %arg10[%swap3A_494, %swap3A_495], %swap3A_498 {strides = array<i32>} : memref<16x128xf32, #tpu.memory_space<vmem>>, vector<1x16xf32>,
    %swap3A_499 = arith.constant 10 : i32
    %swap3A_500 = arith.index_cast %swap3A_499 : i32 to index
    %swap3A_501 = arith.constant 48 : index
    %swap3A_502 = tpu.vector_load %arg10[%swap3A_500, %swap3A_501] {strides = array<i32>} : memref<16x128xf32, #tpu.memory_space<vmem>>, vector<1x16xf32>,
    %swap3A_503 = vector.shape_cast %swap3A_502 : vector<1x16xf32> to vector<16xf32>
    %swap3A_504 = vector.shape_cast %broadcast_in_dim3A_1 : vector<16xf32> to vector<1x16xf32>
    tpu.vector_store %arg10[%swap3A_500, %swap3A_501], %swap3A_504 {strides = array<i32>} : memref<16x128xf32, #tpu.memory_space<vmem>>, vector<1x16xf32>,
    %swap3A_505 = arith.constant 10 : i32
    %swap3A_506 = arith.index_cast %swap3A_505 : i32 to index
    %swap3A_507 = arith.constant 64 : index
    %swap3A_508 = tpu.vector_load %arg10[%swap3A_506, %swap3A_507] {strides = array<i32>} : memref<16x128xf32, #tpu.memory_space<vmem>>, vector<1x16xf32>,
    %swap3A_509 = vector.shape_cast %swap3A_508 : vector<1x16xf32> to vector<16xf32>
    %swap3A_510 = vector.shape_cast %broadcast_in_dim3A_1 : vector<16xf32> to vector<1x16xf32>
    tpu.vector_store %arg10[%swap3A_506, %swap3A_507], %swap3A_510 {strides = array<i32>} : memref<16x128xf32, #tpu.memory_space<vmem>>, vector<1x16xf32>,
    %swap3A_511 = arith.constant 10 : i32
    %swap3A_512 = arith.index_cast %swap3A_511 : i32 to index
    %swap3A_513 = arith.constant 80 : index
    %swap3A_514 = tpu.vector_load %arg10[%swap3A_512, %swap3A_513] {strides = array<i32>} : memref<16x128xf32, #tpu.memory_space<vmem>>, vector<1x16xf32>,
    %swap3A_515 = vector.shape_cast %swap3A_514 : vector<1x16xf32> to vector<16xf32>
    %swap3A_516 = vector.shape_cast %broadcast_in_dim3A_1 : vector<16xf32> to vector<1x16xf32>
    tpu.vector_store %arg10[%swap3A_512, %swap3A_513], %swap3A_516 {strides = array<i32>} : memref<16x128xf32, #tpu.memory_space<vmem>>, vector<1x16xf32>,
    %swap3A_517 = arith.constant 10 : i32
    %swap3A_518 = arith.index_cast %swap3A_517 : i32 to index
    %swap3A_519 = arith.constant 96 : index
    %swap3A_520 = tpu.vector_load %arg10[%swap3A_518, %swap3A_519] {strides = array<i32>} : memref<16x128xf32, #tpu.memory_space<vmem>>, vector<1x16xf32>,
    %swap3A_521 = vector.shape_cast %swap3A_520 : vector<1x16xf32> to vector<16xf32>
    %swap3A_522 = vector.shape_cast %broadcast_in_dim3A_1 : vector<16xf32> to vector<1x16xf32>
    tpu.vector_store %arg10[%swap3A_518, %swap3A_519], %swap3A_522 {strides = array<i32>} : memref<16x128xf32, #tpu.memory_space<vmem>>, vector<1x16xf32>,
    %swap3A_523 = arith.constant 10 : i32
    %swap3A_524 = arith.index_cast %swap3A_523 : i32 to index
    %swap3A_525 = arith.constant 112 : index
    %swap3A_526 = tpu.vector_load %arg10[%swap3A_524, %swap3A_525] {strides = array<i32>} : memref<16x128xf32, #tpu.memory_space<vmem>>, vector<1x16xf32>,
    %swap3A_527 = vector.shape_cast %swap3A_526 : vector<1x16xf32> to vector<16xf32>
    %swap3A_528 = vector.shape_cast %broadcast_in_dim3A_1 : vector<16xf32> to vector<1x16xf32>
    tpu.vector_store %arg10[%swap3A_524, %swap3A_525], %swap3A_528 {strides = array<i32>} : memref<16x128xf32, #tpu.memory_space<vmem>>, vector<1x16xf32>,
    %swap3A_529 = arith.constant 11 : i32
    %swap3A_530 = arith.index_cast %swap3A_529 : i32 to index
    %swap3A_531 = arith.constant 0 : index
    %swap3A_532 = tpu.vector_load %arg10[%swap3A_530, %swap3A_531] {strides = array<i32>} : memref<16x128xf32, #tpu.memory_space<vmem>>, vector<1x16xf32>,
    %swap3A_533 = vector.shape_cast %swap3A_532 : vector<1x16xf32> to vector<16xf32>
    %swap3A_534 = vector.shape_cast %broadcast_in_dim3A_1 : vector<16xf32> to vector<1x16xf32>
    tpu.vector_store %arg10[%swap3A_530, %swap3A_531], %swap3A_534 {strides = array<i32>} : memref<16x128xf32, #tpu.memory_space<vmem>>, vector<1x16xf32>,
    %swap3A_535 = arith.constant 11 : i32
    %swap3A_536 = arith.index_cast %swap3A_535 : i32 to index
    %swap3A_537 = arith.constant 16 : index
    %swap3A_538 = tpu.vector_load %arg10[%swap3A_536, %swap3A_537] {strides = array<i32>} : memref<16x128xf32, #tpu.memory_space<vmem>>, vector<1x16xf32>,
    %swap3A_539 = vector.shape_cast %swap3A_538 : vector<1x16xf32> to vector<16xf32>
    %swap3A_540 = vector.shape_cast %broadcast_in_dim3A_1 : vector<16xf32> to vector<1x16xf32>
    tpu.vector_store %arg10[%swap3A_536, %swap3A_537], %swap3A_540 {strides = array<i32>} : memref<16x128xf32, #tpu.memory_space<vmem>>, vector<1x16xf32>,
    %swap3A_541 = arith.constant 11 : i32
    %swap3A_542 = arith.index_cast %swap3A_541 : i32 to index
    %swap3A_543 = arith.constant 32 : index
    %swap3A_544 = tpu.vector_load %arg10[%swap3A_542, %swap3A_543] {strides = array<i32>} : memref<16x128xf32, #tpu.memory_space<vmem>>, vector<1x16xf32>,
    %swap3A_545 = vector.shape_cast %swap3A_544 : vector<1x16xf32> to vector<16xf32>
    %swap3A_546 = vector.shape_cast %broadcast_in_dim3A_1 : vector<16xf32> to vector<1x16xf32>
    tpu.vector_store %arg10[%swap3A_542, %swap3A_543], %swap3A_546 {strides = array<i32>} : memref<16x128xf32, #tpu.memory_space<vmem>>, vector<1x16xf32>,
    %swap3A_547 = arith.constant 11 : i32
    %swap3A_548 = arith.index_cast %swap3A_547 : i32 to index
    %swap3A_549 = arith.constant 48 : index
    %swap3A_550 = tpu.vector_load %arg10[%swap3A_548, %swap3A_549] {strides = array<i32>} : memref<16x128xf32, #tpu.memory_space<vmem>>, vector<1x16xf32>,
    %swap3A_551 = vector.shape_cast %swap3A_550 : vector<1x16xf32> to vector<16xf32>
    %swap3A_552 = vector.shape_cast %broadcast_in_dim3A_1 : vector<16xf32> to vector<1x16xf32>
    tpu.vector_store %arg10[%swap3A_548, %swap3A_549], %swap3A_552 {strides = array<i32>} : memref<16x128xf32, #tpu.memory_space<vmem>>, vector<1x16xf32>,
    %swap3A_553 = arith.constant 11 : i32
    %swap3A_554 = arith.index_cast %swap3A_553 : i32 to index
    %swap3A_555 = arith.constant 64 : index
    %swap3A_556 = tpu.vector_load %arg10[%swap3A_554, %swap3A_555] {strides = array<i32>} : memref<16x128xf32, #tpu.memory_space<vmem>>, vector<1x16xf32>,
    %swap3A_557 = vector.shape_cast %swap3A_556 : vector<1x16xf32> to vector<16xf32>
    %swap3A_558 = vector.shape_cast %broadcast_in_dim3A_1 : vector<16xf32> to vector<1x16xf32>
    tpu.vector_store %arg10[%swap3A_554, %swap3A_555], %swap3A_558 {strides = array<i32>} : memref<16x128xf32, #tpu.memory_space<vmem>>, vector<1x16xf32>,
    %swap3A_559 = arith.constant 11 : i32
    %swap3A_560 = arith.index_cast %swap3A_559 : i32 to index
    %swap3A_561 = arith.constant 80 : index
    %swap3A_562 = tpu.vector_load %arg10[%swap3A_560, %swap3A_561] {strides = array<i32>} : memref<16x128xf32, #tpu.memory_space<vmem>>, vector<1x16xf32>,
    %swap3A_563 = vector.shape_cast %swap3A_562 : vector<1x16xf32> to vector<16xf32>
    %swap3A_564 = vector.shape_cast %broadcast_in_dim3A_1 : vector<16xf32> to vector<1x16xf32>
    tpu.vector_store %arg10[%swap3A_560, %swap3A_561], %swap3A_564 {strides = array<i32>} : memref<16x128xf32, #tpu.memory_space<vmem>>, vector<1x16xf32>,
    %swap3A_565 = arith.constant 11 : i32
    %swap3A_566 = arith.index_cast %swap3A_565 : i32 to index
    %swap3A_567 = arith.constant 96 : index
    %swap3A_568 = tpu.vector_load %arg10[%swap3A_566, %swap3A_567] {strides = array<i32>} : memref<16x128xf32, #tpu.memory_space<vmem>>, vector<1x16xf32>,
    %swap3A_569 = vector.shape_cast %swap3A_568 : vector<1x16xf32> to vector<16xf32>
    %swap3A_570 = vector.shape_cast %broadcast_in_dim3A_1 : vector<16xf32> to vector<1x16xf32>
    tpu.vector_store %arg10[%swap3A_566, %swap3A_567], %swap3A_570 {strides = array<i32>} : memref<16x128xf32, #tpu.memory_space<vmem>>, vector<1x16xf32>,
    %swap3A_571 = arith.constant 11 : i32
    %swap3A_572 = arith.index_cast %swap3A_571 : i32 to index
    %swap3A_573 = arith.constant 112 : index
    %swap3A_574 = tpu.vector_load %arg10[%swap3A_572, %swap3A_573] {strides = array<i32>} : memref<16x128xf32, #tpu.memory_space<vmem>>, vector<1x16xf32>,
    %swap3A_575 = vector.shape_cast %swap3A_574 : vector<1x16xf32> to vector<16xf32>
    %swap3A_576 = vector.shape_cast %broadcast_in_dim3A_1 : vector<16xf32> to vector<1x16xf32>
    tpu.vector_store %arg10[%swap3A_572, %swap3A_573], %swap3A_576 {strides = array<i32>} : memref<16x128xf32, #tpu.memory_space<vmem>>, vector<1x16xf32>,
    %swap3A_577 = arith.constant 12 : i32
    %swap3A_578 = arith.index_cast %swap3A_577 : i32 to index
    %swap3A_579 = arith.constant 0 : index
    %swap3A_580 = tpu.vector_load %arg10[%swap3A_578, %swap3A_579] {strides = array<i32>} : memref<16x128xf32, #tpu.memory_space<vmem>>, vector<1x16xf32>,
    %swap3A_581 = vector.shape_cast %swap3A_580 : vector<1x16xf32> to vector<16xf32>
    %swap3A_582 = vector.shape_cast %broadcast_in_dim3A_1 : vector<16xf32> to vector<1x16xf32>
    tpu.vector_store %arg10[%swap3A_578, %swap3A_579], %swap3A_582 {strides = array<i32>} : memref<16x128xf32, #tpu.memory_space<vmem>>, vector<1x16xf32>,
    %swap3A_583 = arith.constant 12 : i32
    %swap3A_584 = arith.index_cast %swap3A_583 : i32 to index
    %swap3A_585 = arith.constant 16 : index
    %swap3A_586 = tpu.vector_load %arg10[%swap3A_584, %swap3A_585] {strides = array<i32>} : memref<16x128xf32, #tpu.memory_space<vmem>>, vector<1x16xf32>,
    %swap3A_587 = vector.shape_cast %swap3A_586 : vector<1x16xf32> to vector<16xf32>
    %swap3A_588 = vector.shape_cast %broadcast_in_dim3A_1 : vector<16xf32> to vector<1x16xf32>
    tpu.vector_store %arg10[%swap3A_584, %swap3A_585], %swap3A_588 {strides = array<i32>} : memref<16x128xf32, #tpu.memory_space<vmem>>, vector<1x16xf32>,
    %swap3A_589 = arith.constant 12 : i32
    %swap3A_590 = arith.index_cast %swap3A_589 : i32 to index
    %swap3A_591 = arith.constant 32 : index
    %swap3A_592 = tpu.vector_load %arg10[%swap3A_590, %swap3A_591] {strides = array<i32>} : memref<16x128xf32, #tpu.memory_space<vmem>>, vector<1x16xf32>,
    %swap3A_593 = vector.shape_cast %swap3A_592 : vector<1x16xf32> to vector<16xf32>
    %swap3A_594 = vector.shape_cast %broadcast_in_dim3A_1 : vector<16xf32> to vector<1x16xf32>
    tpu.vector_store %arg10[%swap3A_590, %swap3A_591], %swap3A_594 {strides = array<i32>} : memref<16x128xf32, #tpu.memory_space<vmem>>, vector<1x16xf32>,
    %swap3A_595 = arith.constant 12 : i32
    %swap3A_596 = arith.index_cast %swap3A_595 : i32 to index
    %swap3A_597 = arith.constant 48 : index
    %swap3A_598 = tpu.vector_load %arg10[%swap3A_596, %swap3A_597] {strides = array<i32>} : memref<16x128xf32, #tpu.memory_space<vmem>>, vector<1x16xf32>,
    %swap3A_599 = vector.shape_cast %swap3A_598 : vector<1x16xf32> to vector<16xf32>
    %swap3A_600 = vector.shape_cast %broadcast_in_dim3A_1 : vector<16xf32> to vector<1x16xf32>
    tpu.vector_store %arg10[%swap3A_596, %swap3A_597], %swap3A_600 {strides = array<i32>} : memref<16x128xf32, #tpu.memory_space<vmem>>, vector<1x16xf32>,
    %swap3A_601 = arith.constant 12 : i32
    %swap3A_602 = arith.index_cast %swap3A_601 : i32 to index
    %swap3A_603 = arith.constant 64 : index
    %swap3A_604 = tpu.vector_load %arg10[%swap3A_602, %swap3A_603] {strides = array<i32>} : memref<16x128xf32, #tpu.memory_space<vmem>>, vector<1x16xf32>,
    %swap3A_605 = vector.shape_cast %swap3A_604 : vector<1x16xf32> to vector<16xf32>
    %swap3A_606 = vector.shape_cast %broadcast_in_dim3A_1 : vector<16xf32> to vector<1x16xf32>
    tpu.vector_store %arg10[%swap3A_602, %swap3A_603], %swap3A_606 {strides = array<i32>} : memref<16x128xf32, #tpu.memory_space<vmem>>, vector<1x16xf32>,
    %swap3A_607 = arith.constant 12 : i32
    %swap3A_608 = arith.index_cast %swap3A_607 : i32 to index
    %swap3A_609 = arith.constant 80 : index
    %swap3A_610 = tpu.vector_load %arg10[%swap3A_608, %swap3A_609] {strides = array<i32>} : memref<16x128xf32, #tpu.memory_space<vmem>>, vector<1x16xf32>,
    %swap3A_611 = vector.shape_cast %swap3A_610 : vector<1x16xf32> to vector<16xf32>
    %swap3A_612 = vector.shape_cast %broadcast_in_dim3A_1 : vector<16xf32> to vector<1x16xf32>
    tpu.vector_store %arg10[%swap3A_608, %swap3A_609], %swap3A_612 {strides = array<i32>} : memref<16x128xf32, #tpu.memory_space<vmem>>, vector<1x16xf32>,
    %swap3A_613 = arith.constant 12 : i32
    %swap3A_614 = arith.index_cast %swap3A_613 : i32 to index
    %swap3A_615 = arith.constant 96 : index
    %swap3A_616 = tpu.vector_load %arg10[%swap3A_614, %swap3A_615] {strides = array<i32>} : memref<16x128xf32, #tpu.memory_space<vmem>>, vector<1x16xf32>,
    %swap3A_617 = vector.shape_cast %swap3A_616 : vector<1x16xf32> to vector<16xf32>
    %swap3A_618 = vector.shape_cast %broadcast_in_dim3A_1 : vector<16xf32> to vector<1x16xf32>
    tpu.vector_store %arg10[%swap3A_614, %swap3A_615], %swap3A_618 {strides = array<i32>} : memref<16x128xf32, #tpu.memory_space<vmem>>, vector<1x16xf32>,
    %swap3A_619 = arith.constant 12 : i32
    %swap3A_620 = arith.index_cast %swap3A_619 : i32 to index
    %swap3A_621 = arith.constant 112 : index
    %swap3A_622 = tpu.vector_load %arg10[%swap3A_620, %swap3A_621] {strides = array<i32>} : memref<16x128xf32, #tpu.memory_space<vmem>>, vector<1x16xf32>,
    %swap3A_623 = vector.shape_cast %swap3A_622 : vector<1x16xf32> to vector<16xf32>
    %swap3A_624 = vector.shape_cast %broadcast_in_dim3A_1 : vector<16xf32> to vector<1x16xf32>
    tpu.vector_store %arg10[%swap3A_620, %swap3A_621], %swap3A_624 {strides = array<i32>} : memref<16x128xf32, #tpu.memory_space<vmem>>, vector<1x16xf32>,
    %swap3A_625 = arith.constant 13 : i32
    %swap3A_626 = arith.index_cast %swap3A_625 : i32 to index
    %swap3A_627 = arith.constant 0 : index
    %swap3A_628 = tpu.vector_load %arg10[%swap3A_626, %swap3A_627] {strides = array<i32>} : memref<16x128xf32, #tpu.memory_space<vmem>>, vector<1x16xf32>,
    %swap3A_629 = vector.shape_cast %swap3A_628 : vector<1x16xf32> to vector<16xf32>
    %swap3A_630 = vector.shape_cast %broadcast_in_dim3A_1 : vector<16xf32> to vector<1x16xf32>
    tpu.vector_store %arg10[%swap3A_626, %swap3A_627], %swap3A_630 {strides = array<i32>} : memref<16x128xf32, #tpu.memory_space<vmem>>, vector<1x16xf32>,
    %swap3A_631 = arith.constant 13 : i32
    %swap3A_632 = arith.index_cast %swap3A_631 : i32 to index
    %swap3A_633 = arith.constant 16 : index
    %swap3A_634 = tpu.vector_load %arg10[%swap3A_632, %swap3A_633] {strides = array<i32>} : memref<16x128xf32, #tpu.memory_space<vmem>>, vector<1x16xf32>,
    %swap3A_635 = vector.shape_cast %swap3A_634 : vector<1x16xf32> to vector<16xf32>
    %swap3A_636 = vector.shape_cast %broadcast_in_dim3A_1 : vector<16xf32> to vector<1x16xf32>
    tpu.vector_store %arg10[%swap3A_632, %swap3A_633], %swap3A_636 {strides = array<i32>} : memref<16x128xf32, #tpu.memory_space<vmem>>, vector<1x16xf32>,
    %swap3A_637 = arith.constant 13 : i32
    %swap3A_638 = arith.index_cast %swap3A_637 : i32 to index
    %swap3A_639 = arith.constant 32 : index
    %swap3A_640 = tpu.vector_load %arg10[%swap3A_638, %swap3A_639] {strides = array<i32>} : memref<16x128xf32, #tpu.memory_space<vmem>>, vector<1x16xf32>,
    %swap3A_641 = vector.shape_cast %swap3A_640 : vector<1x16xf32> to vector<16xf32>
    %swap3A_642 = vector.shape_cast %broadcast_in_dim3A_1 : vector<16xf32> to vector<1x16xf32>
    tpu.vector_store %arg10[%swap3A_638, %swap3A_639], %swap3A_642 {strides = array<i32>} : memref<16x128xf32, #tpu.memory_space<vmem>>, vector<1x16xf32>,
    %swap3A_643 = arith.constant 13 : i32
    %swap3A_644 = arith.index_cast %swap3A_643 : i32 to index
    %swap3A_645 = arith.constant 48 : index
    %swap3A_646 = tpu.vector_load %arg10[%swap3A_644, %swap3A_645] {strides = array<i32>} : memref<16x128xf32, #tpu.memory_space<vmem>>, vector<1x16xf32>,
    %swap3A_647 = vector.shape_cast %swap3A_646 : vector<1x16xf32> to vector<16xf32>
    %swap3A_648 = vector.shape_cast %broadcast_in_dim3A_1 : vector<16xf32> to vector<1x16xf32>
    tpu.vector_store %arg10[%swap3A_644, %swap3A_645], %swap3A_648 {strides = array<i32>} : memref<16x128xf32, #tpu.memory_space<vmem>>, vector<1x16xf32>,
    %swap3A_649 = arith.constant 13 : i32
    %swap3A_650 = arith.index_cast %swap3A_649 : i32 to index
    %swap3A_651 = arith.constant 64 : index
    %swap3A_652 = tpu.vector_load %arg10[%swap3A_650, %swap3A_651] {strides = array<i32>} : memref<16x128xf32, #tpu.memory_space<vmem>>, vector<1x16xf32>,
    %swap3A_653 = vector.shape_cast %swap3A_652 : vector<1x16xf32> to vector<16xf32>
    %swap3A_654 = vector.shape_cast %broadcast_in_dim3A_1 : vector<16xf32> to vector<1x16xf32>
    tpu.vector_store %arg10[%swap3A_650, %swap3A_651], %swap3A_654 {strides = array<i32>} : memref<16x128xf32, #tpu.memory_space<vmem>>, vector<1x16xf32>,
    %swap3A_655 = arith.constant 13 : i32
    %swap3A_656 = arith.index_cast %swap3A_655 : i32 to index
    %swap3A_657 = arith.constant 80 : index
    %swap3A_658 = tpu.vector_load %arg10[%swap3A_656, %swap3A_657] {strides = array<i32>} : memref<16x128xf32, #tpu.memory_space<vmem>>, vector<1x16xf32>,
    %swap3A_659 = vector.shape_cast %swap3A_658 : vector<1x16xf32> to vector<16xf32>
    %swap3A_660 = vector.shape_cast %broadcast_in_dim3A_1 : vector<16xf32> to vector<1x16xf32>
    tpu.vector_store %arg10[%swap3A_656, %swap3A_657], %swap3A_660 {strides = array<i32>} : memref<16x128xf32, #tpu.memory_space<vmem>>, vector<1x16xf32>,
    %swap3A_661 = arith.constant 13 : i32
    %swap3A_662 = arith.index_cast %swap3A_661 : i32 to index
    %swap3A_663 = arith.constant 96 : index
    %swap3A_664 = tpu.vector_load %arg10[%swap3A_662, %swap3A_663] {strides = array<i32>} : memref<16x128xf32, #tpu.memory_space<vmem>>, vector<1x16xf32>,
    %swap3A_665 = vector.shape_cast %swap3A_664 : vector<1x16xf32> to vector<16xf32>
    %swap3A_666 = vector.shape_cast %broadcast_in_dim3A_1 : vector<16xf32> to vector<1x16xf32>
    tpu.vector_store %arg10[%swap3A_662, %swap3A_663], %swap3A_666 {strides = array<i32>} : memref<16x128xf32, #tpu.memory_space<vmem>>, vector<1x16xf32>,
    %swap3A_667 = arith.constant 13 : i32
    %swap3A_668 = arith.index_cast %swap3A_667 : i32 to index
    %swap3A_669 = arith.constant 112 : index
    %swap3A_670 = tpu.vector_load %arg10[%swap3A_668, %swap3A_669] {strides = array<i32>} : memref<16x128xf32, #tpu.memory_space<vmem>>, vector<1x16xf32>,
    %swap3A_671 = vector.shape_cast %swap3A_670 : vector<1x16xf32> to vector<16xf32>
    %swap3A_672 = vector.shape_cast %broadcast_in_dim3A_1 : vector<16xf32> to vector<1x16xf32>
    tpu.vector_store %arg10[%swap3A_668, %swap3A_669], %swap3A_672 {strides = array<i32>} : memref<16x128xf32, #tpu.memory_space<vmem>>, vector<1x16xf32>,
    %swap3A_673 = arith.constant 14 : i32
    %swap3A_674 = arith.index_cast %swap3A_673 : i32 to index
    %swap3A_675 = arith.constant 0 : index
    %swap3A_676 = tpu.vector_load %arg10[%swap3A_674, %swap3A_675] {strides = array<i32>} : memref<16x128xf32, #tpu.memory_space<vmem>>, vector<1x16xf32>,
    %swap3A_677 = vector.shape_cast %swap3A_676 : vector<1x16xf32> to vector<16xf32>
    %swap3A_678 = vector.shape_cast %broadcast_in_dim3A_1 : vector<16xf32> to vector<1x16xf32>
    tpu.vector_store %arg10[%swap3A_674, %swap3A_675], %swap3A_678 {strides = array<i32>} : memref<16x128xf32, #tpu.memory_space<vmem>>, vector<1x16xf32>,
    %swap3A_679 = arith.constant 14 : i32
    %swap3A_680 = arith.index_cast %swap3A_679 : i32 to index
    %swap3A_681 = arith.constant 16 : index
    %swap3A_682 = tpu.vector_load %arg10[%swap3A_680, %swap3A_681] {strides = array<i32>} : memref<16x128xf32, #tpu.memory_space<vmem>>, vector<1x16xf32>,
    %swap3A_683 = vector.shape_cast %swap3A_682 : vector<1x16xf32> to vector<16xf32>
    %swap3A_684 = vector.shape_cast %broadcast_in_dim3A_1 : vector<16xf32> to vector<1x16xf32>
    tpu.vector_store %arg10[%swap3A_680, %swap3A_681], %swap3A_684 {strides = array<i32>} : memref<16x128xf32, #tpu.memory_space<vmem>>, vector<1x16xf32>,
    %swap3A_685 = arith.constant 14 : i32
    %swap3A_686 = arith.index_cast %swap3A_685 : i32 to index
    %swap3A_687 = arith.constant 32 : index
    %swap3A_688 = tpu.vector_load %arg10[%swap3A_686, %swap3A_687] {strides = array<i32>} : memref<16x128xf32, #tpu.memory_space<vmem>>, vector<1x16xf32>,
    %swap3A_689 = vector.shape_cast %swap3A_688 : vector<1x16xf32> to vector<16xf32>
    %swap3A_690 = vector.shape_cast %broadcast_in_dim3A_1 : vector<16xf32> to vector<1x16xf32>
    tpu.vector_store %arg10[%swap3A_686, %swap3A_687], %swap3A_690 {strides = array<i32>} : memref<16x128xf32, #tpu.memory_space<vmem>>, vector<1x16xf32>,
    %swap3A_691 = arith.constant 14 : i32
    %swap3A_692 = arith.index_cast %swap3A_691 : i32 to index
    %swap3A_693 = arith.constant 48 : index
    %swap3A_694 = tpu.vector_load %arg10[%swap3A_692, %swap3A_693] {strides = array<i32>} : memref<16x128xf32, #tpu.memory_space<vmem>>, vector<1x16xf32>,
    %swap3A_695 = vector.shape_cast %swap3A_694 : vector<1x16xf32> to vector<16xf32>
    %swap3A_696 = vector.shape_cast %broadcast_in_dim3A_1 : vector<16xf32> to vector<1x16xf32>
    tpu.vector_store %arg10[%swap3A_692, %swap3A_693], %swap3A_696 {strides = array<i32>} : memref<16x128xf32, #tpu.memory_space<vmem>>, vector<1x16xf32>,
    %swap3A_697 = arith.constant 14 : i32
    %swap3A_698 = arith.index_cast %swap3A_697 : i32 to index
    %swap3A_699 = arith.constant 64 : index
    %swap3A_700 = tpu.vector_load %arg10[%swap3A_698, %swap3A_699] {strides = array<i32>} : memref<16x128xf32, #tpu.memory_space<vmem>>, vector<1x16xf32>,
    %swap3A_701 = vector.shape_cast %swap3A_700 : vector<1x16xf32> to vector<16xf32>
    %swap3A_702 = vector.shape_cast %broadcast_in_dim3A_1 : vector<16xf32> to vector<1x16xf32>
    tpu.vector_store %arg10[%swap3A_698, %swap3A_699], %swap3A_702 {strides = array<i32>} : memref<16x128xf32, #tpu.memory_space<vmem>>, vector<1x16xf32>,
    %swap3A_703 = arith.constant 14 : i32
    %swap3A_704 = arith.index_cast %swap3A_703 : i32 to index
    %swap3A_705 = arith.constant 80 : index
    %swap3A_706 = tpu.vector_load %arg10[%swap3A_704, %swap3A_705] {strides = array<i32>} : memref<16x128xf32, #tpu.memory_space<vmem>>, vector<1x16xf32>,
    %swap3A_707 = vector.shape_cast %swap3A_706 : vector<1x16xf32> to vector<16xf32>
    %swap3A_708 = vector.shape_cast %broadcast_in_dim3A_1 : vector<16xf32> to vector<1x16xf32>
    tpu.vector_store %arg10[%swap3A_704, %swap3A_705], %swap3A_708 {strides = array<i32>} : memref<16x128xf32, #tpu.memory_space<vmem>>, vector<1x16xf32>,
    %swap3A_709 = arith.constant 14 : i32
    %swap3A_710 = arith.index_cast %swap3A_709 : i32 to index
    %swap3A_711 = arith.constant 96 : index
    %swap3A_712 = tpu.vector_load %arg10[%swap3A_710, %swap3A_711] {strides = array<i32>} : memref<16x128xf32, #tpu.memory_space<vmem>>, vector<1x16xf32>,
    %swap3A_713 = vector.shape_cast %swap3A_712 : vector<1x16xf32> to vector<16xf32>
    %swap3A_714 = vector.shape_cast %broadcast_in_dim3A_1 : vector<16xf32> to vector<1x16xf32>
    tpu.vector_store %arg10[%swap3A_710, %swap3A_711], %swap3A_714 {strides = array<i32>} : memref<16x128xf32, #tpu.memory_space<vmem>>, vector<1x16xf32>,
    %swap3A_715 = arith.constant 14 : i32
    %swap3A_716 = arith.index_cast %swap3A_715 : i32 to index
    %swap3A_717 = arith.constant 112 : index
    %swap3A_718 = tpu.vector_load %arg10[%swap3A_716, %swap3A_717] {strides = array<i32>} : memref<16x128xf32, #tpu.memory_space<vmem>>, vector<1x16xf32>,
    %swap3A_719 = vector.shape_cast %swap3A_718 : vector<1x16xf32> to vector<16xf32>
    %swap3A_720 = vector.shape_cast %broadcast_in_dim3A_1 : vector<16xf32> to vector<1x16xf32>
    tpu.vector_store %arg10[%swap3A_716, %swap3A_717], %swap3A_720 {strides = array<i32>} : memref<16x128xf32, #tpu.memory_space<vmem>>, vector<1x16xf32>,
    %swap3A_721 = arith.constant 15 : i32
    %swap3A_722 = arith.index_cast %swap3A_721 : i32 to index
    %swap3A_723 = arith.constant 0 : index
    %swap3A_724 = tpu.vector_load %arg10[%swap3A_722, %swap3A_723] {strides = array<i32>} : memref<16x128xf32, #tpu.memory_space<vmem>>, vector<1x16xf32>,
    %swap3A_725 = vector.shape_cast %swap3A_724 : vector<1x16xf32> to vector<16xf32>
    %swap3A_726 = vector.shape_cast %broadcast_in_dim3A_1 : vector<16xf32> to vector<1x16xf32>
    tpu.vector_store %arg10[%swap3A_722, %swap3A_723], %swap3A_726 {strides = array<i32>} : memref<16x128xf32, #tpu.memory_space<vmem>>, vector<1x16xf32>,
    %swap3A_727 = arith.constant 15 : i32
    %swap3A_728 = arith.index_cast %swap3A_727 : i32 to index
    %swap3A_729 = arith.constant 16 : index
    %swap3A_730 = tpu.vector_load %arg10[%swap3A_728, %swap3A_729] {strides = array<i32>} : memref<16x128xf32, #tpu.memory_space<vmem>>, vector<1x16xf32>,
    %swap3A_731 = vector.shape_cast %swap3A_730 : vector<1x16xf32> to vector<16xf32>
    %swap3A_732 = vector.shape_cast %broadcast_in_dim3A_1 : vector<16xf32> to vector<1x16xf32>
    tpu.vector_store %arg10[%swap3A_728, %swap3A_729], %swap3A_732 {strides = array<i32>} : memref<16x128xf32, #tpu.memory_space<vmem>>, vector<1x16xf32>,
    %swap3A_733 = arith.constant 15 : i32
    %swap3A_734 = arith.index_cast %swap3A_733 : i32 to index
    %swap3A_735 = arith.constant 32 : index
    %swap3A_736 = tpu.vector_load %arg10[%swap3A_734, %swap3A_735] {strides = array<i32>} : memref<16x128xf32, #tpu.memory_space<vmem>>, vector<1x16xf32>,
    %swap3A_737 = vector.shape_cast %swap3A_736 : vector<1x16xf32> to vector<16xf32>
    %swap3A_738 = vector.shape_cast %broadcast_in_dim3A_1 : vector<16xf32> to vector<1x16xf32>
    tpu.vector_store %arg10[%swap3A_734, %swap3A_735], %swap3A_738 {strides = array<i32>} : memref<16x128xf32, #tpu.memory_space<vmem>>, vector<1x16xf32>,
    %swap3A_739 = arith.constant 15 : i32
    %swap3A_740 = arith.index_cast %swap3A_739 : i32 to index
    %swap3A_741 = arith.constant 48 : index
    %swap3A_742 = tpu.vector_load %arg10[%swap3A_740, %swap3A_741] {strides = array<i32>} : memref<16x128xf32, #tpu.memory_space<vmem>>, vector<1x16xf32>,
    %swap3A_743 = vector.shape_cast %swap3A_742 : vector<1x16xf32> to vector<16xf32>
    %swap3A_744 = vector.shape_cast %broadcast_in_dim3A_1 : vector<16xf32> to vector<1x16xf32>
    tpu.vector_store %arg10[%swap3A_740, %swap3A_741], %swap3A_744 {strides = array<i32>} : memref<16x128xf32, #tpu.memory_space<vmem>>, vector<1x16xf32>,
    %swap3A_745 = arith.constant 15 : i32
    %swap3A_746 = arith.index_cast %swap3A_745 : i32 to index
    %swap3A_747 = arith.constant 64 : index
    %swap3A_748 = tpu.vector_load %arg10[%swap3A_746, %swap3A_747] {strides = array<i32>} : memref<16x128xf32, #tpu.memory_space<vmem>>, vector<1x16xf32>,
    %swap3A_749 = vector.shape_cast %swap3A_748 : vector<1x16xf32> to vector<16xf32>
    %swap3A_750 = vector.shape_cast %broadcast_in_dim3A_1 : vector<16xf32> to vector<1x16xf32>
    tpu.vector_store %arg10[%swap3A_746, %swap3A_747], %swap3A_750 {strides = array<i32>} : memref<16x128xf32, #tpu.memory_space<vmem>>, vector<1x16xf32>,
    %swap3A_751 = arith.constant 15 : i32
    %swap3A_752 = arith.index_cast %swap3A_751 : i32 to index
    %swap3A_753 = arith.constant 80 : index
    %swap3A_754 = tpu.vector_load %arg10[%swap3A_752, %swap3A_753] {strides = array<i32>} : memref<16x128xf32, #tpu.memory_space<vmem>>, vector<1x16xf32>,
    %swap3A_755 = vector.shape_cast %swap3A_754 : vector<1x16xf32> to vector<16xf32>
    %swap3A_756 = vector.shape_cast %broadcast_in_dim3A_1 : vector<16xf32> to vector<1x16xf32>
    tpu.vector_store %arg10[%swap3A_752, %swap3A_753], %swap3A_756 {strides = array<i32>} : memref<16x128xf32, #tpu.memory_space<vmem>>, vector<1x16xf32>,
    %swap3A_757 = arith.constant 15 : i32
    %swap3A_758 = arith.index_cast %swap3A_757 : i32 to index
    %swap3A_759 = arith.constant 96 : index
    %swap3A_760 = tpu.vector_load %arg10[%swap3A_758, %swap3A_759] {strides = array<i32>} : memref<16x128xf32, #tpu.memory_space<vmem>>, vector<1x16xf32>,
    %swap3A_761 = vector.shape_cast %swap3A_760 : vector<1x16xf32> to vector<16xf32>
    %swap3A_762 = vector.shape_cast %broadcast_in_dim3A_1 : vector<16xf32> to vector<1x16xf32>
    tpu.vector_store %arg10[%swap3A_758, %swap3A_759], %swap3A_762 {strides = array<i32>} : memref<16x128xf32, #tpu.memory_space<vmem>>, vector<1x16xf32>,
    %swap3A_763 = arith.constant 15 : i32
    %swap3A_764 = arith.index_cast %swap3A_763 : i32 to index
    %swap3A_765 = arith.constant 112 : index
    %swap3A_766 = tpu.vector_load %arg10[%swap3A_764, %swap3A_765] {strides = array<i32>} : memref<16x128xf32, #tpu.memory_space<vmem>>, vector<1x16xf32>,
    %swap3A_767 = vector.shape_cast %swap3A_766 : vector<1x16xf32> to vector<16xf32>
    %swap3A_768 = vector.shape_cast %broadcast_in_dim3A_1 : vector<16xf32> to vector<1x16xf32>
    tpu.vector_store %arg10[%swap3A_764, %swap3A_765], %swap3A_768 {strides = array<i32>} : memref<16x128xf32, #tpu.memory_space<vmem>>, vector<1x16xf32>,
    %scan3A = arith.constant 0 : i32
    %scan3A_769 = arith.constant 0 : i32
    %scan3A_770 = arith.constant 40 : i32
    %scan3A_771 = arith.addi %scan3A_769, %scan3A_770 : i32
    %scan3A_772 = arith.constant 1 : i32
    %scan3A_773 = scf.for %scan3A_804 = %scan3A_769 to %scan3A_771 step %scan3A_772 iter_args(%scan3A_805 = %scan3A) -> (i32)  : i32 {
      %mul3A_806 = arith.constant 640 : i32
      %mul3A_807 = arith.muli %arg1, %mul3A_806 : i32
      %mul3A_808 = arith.constant 16 : i32
      %mul3A_809 = arith.muli %scan3A_804, %mul3A_808 : i32
      %add3A_810 = arith.addi %mul3A_807, %mul3A_809 : i32
      "tpu.region"() ({
        %run_scoped3A = tpu.sem_alloc : memref<!tpu.dma_semaphore, #tpu.memory_space<semaphore_mem>>
        %dma_start3A_812 = arith.constant 0 : i32
        %dma_start3A_813 = tpu.memref_slice %arg11[%add3A_810, %dma_start3A_812] : memref<10240x128xf32, #tpu.memory_space<vmem_shared>> -> memref<16x128xf32, #tpu.memory_space<vmem_shared>>
        %dma_start3A_814 = arith.constant 0 : i32
        %dma_start3A_815 = tpu.memref_slice %arg11[%add3A_810, %dma_start3A_814] : memref<10240x128xf32, #tpu.memory_space<vmem_shared>> -> memref<16x128xf32, #tpu.memory_space<vmem_shared>>
        tpu.enqueue_dma source(%arg10 : memref<16x128xf32, #tpu.memory_space<vmem>>) target(%dma_start3A_815 : memref<16x128xf32, #tpu.memory_space<vmem_shared>>) target_semaphore(%run_scoped3A : memref<!tpu.dma_semaphore, #tpu.memory_space<semaphore_mem>>)
        %dma_wait3A_816 = arith.constant 0 : i32
        %dma_wait3A_817 = tpu.memref_slice %arg11[%add3A_810, %dma_wait3A_816] : memref<10240x128xf32, #tpu.memory_space<vmem_shared>> -> memref<16x128xf32, #tpu.memory_space<vmem_shared>>
        %dma_wait3A_818 = arith.constant 0 : i32
        %dma_wait3A_819 = tpu.memref_slice %arg11[%add3A_810, %dma_wait3A_818] : memref<10240x128xf32, #tpu.memory_space<vmem_shared>> -> memref<16x128xf32, #tpu.memory_space<vmem_shared>>
        tpu.wait_dma2 semaphore(%run_scoped3A : memref<!tpu.dma_semaphore, #tpu.memory_space<semaphore_mem>>) src(%arg10 : memref<16x128xf32, #tpu.memory_space<vmem>>) dst(%dma_wait3A_819 : memref<16x128xf32, #tpu.memory_space<vmem_shared>>)
        tpu.yield
      }) : () -> ()
      %scan3A_811 = arith.constant 0 : i32
      scf.yield %scan3A_811 : i32
    }
    %scan3A_774 = arith.constant 40 : i32
    %mul3A_775 = arith.constant 80 : i32
    %mul3A_776 = arith.muli %add3A, %mul3A_775 : i32
    %barrier3A = arith.constant 0 : index
    tpu.barrier barrier_id(%barrier3A)
    "tpu.region"() ({
      %run_scoped3A = tpu.sem_alloc : memref<!tpu.dma_semaphore, #tpu.memory_space<semaphore_mem>>
      %dma_start3A_804 = arith.constant 0 : i32
      %dma_start3A_805 = arith.constant 0 : i32
      %dma_start3A_806 = tpu.memref_slice %arg6[%dma_start3A_804, %dma_start3A_805] : memref<16x128xi32, #tpu.memory_space<vmem>> -> memref<8x128xi32, #tpu.memory_space<vmem>>
      %dma_start3A_807 = arith.constant 0 : i32
      %dma_start3A_808 = tpu.memref_slice %arg2[%mul3A_776, %dma_start3A_807] : memref<2560x128xi32, #tpu.memory_space<hbm>> -> memref<8x128xi32, #tpu.memory_space<hbm>>
      %dma_start3A_809 = arith.constant 0 : i32
      %dma_start3A_810 = arith.constant 0 : i32
      %dma_start3A_811 = tpu.memref_slice %arg6[%dma_start3A_809, %dma_start3A_810] : memref<16x128xi32, #tpu.memory_space<vmem>> -> memref<8x128xi32, #tpu.memory_space<vmem>>
      %dma_start3A_812 = arith.constant 0 : i32
      %dma_start3A_813 = tpu.memref_slice %arg2[%mul3A_776, %dma_start3A_812] : memref<2560x128xi32, #tpu.memory_space<hbm>> -> memref<8x128xi32, #tpu.memory_space<hbm>>
      tpu.enqueue_dma source(%dma_start3A_813 : memref<8x128xi32, #tpu.memory_space<hbm>>) target(%dma_start3A_811 : memref<8x128xi32, #tpu.memory_space<vmem>>) target_semaphore(%run_scoped3A : memref<!tpu.dma_semaphore, #tpu.memory_space<semaphore_mem>>)
      %dma_wait3A_814 = arith.constant 0 : i32
      %dma_wait3A_815 = arith.constant 0 : i32
      %dma_wait3A_816 = tpu.memref_slice %arg6[%dma_wait3A_814, %dma_wait3A_815] : memref<16x128xi32, #tpu.memory_space<vmem>> -> memref<8x128xi32, #tpu.memory_space<vmem>>
      %dma_wait3A_817 = arith.constant 0 : i32
      %dma_wait3A_818 = tpu.memref_slice %arg2[%mul3A_776, %dma_wait3A_817] : memref<2560x128xi32, #tpu.memory_space<hbm>> -> memref<8x128xi32, #tpu.memory_space<hbm>>
      %dma_wait3A_819 = arith.constant 0 : i32
      %dma_wait3A_820 = arith.constant 0 : i32
      %dma_wait3A_821 = tpu.memref_slice %arg6[%dma_wait3A_819, %dma_wait3A_820] : memref<16x128xi32, #tpu.memory_space<vmem>> -> memref<8x128xi32, #tpu.memory_space<vmem>>
      %dma_wait3A_822 = arith.constant 0 : i32
      %dma_wait3A_823 = tpu.memref_slice %arg2[%mul3A_776, %dma_wait3A_822] : memref<2560x128xi32, #tpu.memory_space<hbm>> -> memref<8x128xi32, #tpu.memory_space<hbm>>
      tpu.wait_dma2 semaphore(%run_scoped3A : memref<!tpu.dma_semaphore, #tpu.memory_space<semaphore_mem>>) src(%dma_wait3A_823 : memref<8x128xi32, #tpu.memory_space<hbm>>) dst(%dma_wait3A_821 : memref<8x128xi32, #tpu.memory_space<vmem>>)
      tpu.yield
    }) : () -> ()
    "tpu.region"() ({
      %run_scoped3A = tpu.sem_alloc : memref<!tpu.dma_semaphore, #tpu.memory_space<semaphore_mem>>
      %dma_start3A_804 = arith.constant 0 : i32
      %dma_start3A_805 = arith.constant 0 : i32
      %dma_start3A_806 = tpu.memref_slice %arg7[%dma_start3A_804, %dma_start3A_805] : memref<16x128xi32, #tpu.memory_space<vmem>> -> memref<8x128xi32, #tpu.memory_space<vmem>>
      %dma_start3A_807 = arith.constant 0 : i32
      %dma_start3A_808 = tpu.memref_slice %arg3[%mul3A_776, %dma_start3A_807] : memref<2560x128xi32, #tpu.memory_space<hbm>> -> memref<8x128xi32, #tpu.memory_space<hbm>>
      %dma_start3A_809 = arith.constant 0 : i32
      %dma_start3A_810 = arith.constant 0 : i32
      %dma_start3A_811 = tpu.memref_slice %arg7[%dma_start3A_809, %dma_start3A_810] : memref<16x128xi32, #tpu.memory_space<vmem>> -> memref<8x128xi32, #tpu.memory_space<vmem>>
      %dma_start3A_812 = arith.constant 0 : i32
      %dma_start3A_813 = tpu.memref_slice %arg3[%mul3A_776, %dma_start3A_812] : memref<2560x128xi32, #tpu.memory_space<hbm>> -> memref<8x128xi32, #tpu.memory_space<hbm>>
      tpu.enqueue_dma source(%dma_start3A_813 : memref<8x128xi32, #tpu.memory_space<hbm>>) target(%dma_start3A_811 : memref<8x128xi32, #tpu.memory_space<vmem>>) target_semaphore(%run_scoped3A : memref<!tpu.dma_semaphore, #tpu.memory_space<semaphore_mem>>)
      %dma_wait3A_814 = arith.constant 0 : i32
      %dma_wait3A_815 = arith.constant 0 : i32
      %dma_wait3A_816 = tpu.memref_slice %arg7[%dma_wait3A_814, %dma_wait3A_815] : memref<16x128xi32, #tpu.memory_space<vmem>> -> memref<8x128xi32, #tpu.memory_space<vmem>>
      %dma_wait3A_817 = arith.constant 0 : i32
      %dma_wait3A_818 = tpu.memref_slice %arg3[%mul3A_776, %dma_wait3A_817] : memref<2560x128xi32, #tpu.memory_space<hbm>> -> memref<8x128xi32, #tpu.memory_space<hbm>>
      %dma_wait3A_819 = arith.constant 0 : i32
      %dma_wait3A_820 = arith.constant 0 : i32
      %dma_wait3A_821 = tpu.memref_slice %arg7[%dma_wait3A_819, %dma_wait3A_820] : memref<16x128xi32, #tpu.memory_space<vmem>> -> memref<8x128xi32, #tpu.memory_space<vmem>>
      %dma_wait3A_822 = arith.constant 0 : i32
      %dma_wait3A_823 = tpu.memref_slice %arg3[%mul3A_776, %dma_wait3A_822] : memref<2560x128xi32, #tpu.memory_space<hbm>> -> memref<8x128xi32, #tpu.memory_space<hbm>>
      tpu.wait_dma2 semaphore(%run_scoped3A : memref<!tpu.dma_semaphore, #tpu.memory_space<semaphore_mem>>) src(%dma_wait3A_823 : memref<8x128xi32, #tpu.memory_space<hbm>>) dst(%dma_wait3A_821 : memref<8x128xi32, #tpu.memory_space<vmem>>)
      tpu.yield
    }) : () -> ()
    %dma_start3A = arith.constant 0 : i32
    %dma_start3A_777 = arith.constant 0 : i32
    %dma_start3A_778 = tpu.memref_slice %arg6[%dma_start3A, %dma_start3A_777] : memref<16x128xi32, #tpu.memory_space<vmem>> -> memref<1x128xi32, #tpu.memory_space<vmem>>
    %dma_start3A_779 = tpu.memref_squeeze %dma_start3A_778 : memref<1x128xi32, #tpu.memory_space<vmem>> -> memref<128xi32, #tpu.memory_space<vmem>>
    %dma_start3A_780 = arith.constant 0 : i32
    %dma_start3A_781 = arith.constant 0 : i32
    %dma_start3A_782 = tpu.memref_slice %arg4[%dma_start3A_780, %dma_start3A_781] : memref<10000x128xf32, #tpu.memory_space<hbm>> -> memref<10000x128xf32, #tpu.memory_space<hbm>>
    tpu.enqueue_indirect_dma source(%dma_start3A_782 : memref<10000x128xf32, #tpu.memory_space<hbm>>) target(%arg8 : memref<128x128xf32, #tpu.memory_space<vmem>>) offsets(%dma_start3A_779 : memref<128xi32, #tpu.memory_space<vmem>>) semaphore(%arg12 : memref<!tpu.dma_semaphore, #tpu.memory_space<semaphore_mem>>)
    %scan3A_783 = arith.constant 0 : i32
    %scan3A_784 = arith.constant 0 : i32
    %scan3A_785 = arith.constant 10 : i32
    %scan3A_786 = arith.addi %scan3A_784, %scan3A_785 : i32
    %scan3A_787 = arith.constant 1 : i32
    %scan3A_788 = scf.for %scan3A_804 = %scan3A_784 to %scan3A_786 step %scan3A_787 iter_args(%scan3A_805 = %scan3A_783) -> (i32)  : i32 {
      %jit3A = arith.constant 2 : i32
      %eq3A = arith.constant 0 : i32
      %eq3A_806 = arith.cmpi eq, %jit3A, %eq3A : i32
      %jit3A_807 = arith.constant 1 : i32
      %select_n3A = arith.select %eq3A_806, %jit3A_807, %jit3A : i32
      %rem3A = arith.remsi %scan3A_804, %select_n3A : i32
      %ne3A = arith.constant 0 : i32
      %ne3A_808 = arith.cmpi ne, %rem3A, %ne3A : i32
      %lt3A = arith.constant 0 : i32
      %lt3A_809 = arith.cmpi slt, %rem3A, %lt3A : i32
      %lt3A_810 = arith.constant 0 : i32
      %lt3A_811 = arith.cmpi slt, %select_n3A, %lt3A_810 : i32
      %ne3A_812 = arith.xori %lt3A_809, %lt3A_811 : i1
      %and3A = arith.andi %ne3A_812, %ne3A_808 : i1
      %add3A_813 = arith.addi %rem3A, %select_n3A : i32
      %select_n3A_814 = arith.select %and3A, %add3A_813, %rem3A : i32
      %mul3A_815 = arith.constant 8 : i32
      %mul3A_816 = arith.muli %select_n3A_814, %mul3A_815 : i32
      %sub3A = arith.constant 8 : i32
      %sub3A_817 = arith.subi %sub3A, %mul3A_816 : i32
      %dma_wait3A_818 = arith.constant 0 : i32
      %dma_wait3A_819 = arith.constant 0 : i32
      %dma_wait3A_820 = tpu.memref_slice %arg6[%dma_wait3A_818, %dma_wait3A_819] : memref<16x128xi32, #tpu.memory_space<vmem>> -> memref<1x128xi32, #tpu.memory_space<vmem>>
      %dma_wait3A_821 = tpu.memref_squeeze %dma_wait3A_820 : memref<1x128xi32, #tpu.memory_space<vmem>> -> memref<128xi32, #tpu.memory_space<vmem>>
      %dma_wait3A_822 = arith.constant 0 : i32
      %dma_wait3A_823 = arith.constant 0 : i32
      %dma_wait3A_824 = tpu.memref_slice %arg4[%dma_wait3A_822, %dma_wait3A_823] : memref<10000x128xf32, #tpu.memory_space<hbm>> -> memref<10000x128xf32, #tpu.memory_space<hbm>>
      tpu.wait_indirect_dma semaphore(%arg12 : memref<!tpu.dma_semaphore, #tpu.memory_space<semaphore_mem>>) src(%dma_wait3A_824 : memref<10000x128xf32, #tpu.memory_space<hbm>>) dst(%arg8 : memref<128x128xf32, #tpu.memory_space<vmem>>)
      %gt3A = arith.constant 0 : i32
      %gt3A_825 = arith.cmpi sgt, %scan3A_804, %gt3A : i32
      %convert_element_type3A = arith.extui %gt3A_825 : i1 to i32
      %cond3A = arith.constant 0 : i32
      %cond3A_826 = arith.cmpi ne, %convert_element_type3A, %cond3A : i32
      scf.if %cond3A_826 {
        %dma_wait3A_1074 = arith.constant 0 : i32
        %dma_wait3A_1075 = arith.constant 0 : i32
        %dma_wait3A_1076 = tpu.memref_slice %arg7[%dma_wait3A_1074, %dma_wait3A_1075] : memref<16x128xi32, #tpu.memory_space<vmem>> -> memref<1x128xi32, #tpu.memory_space<vmem>>
        %dma_wait3A_1077 = tpu.memref_squeeze %dma_wait3A_1076 : memref<1x128xi32, #tpu.memory_space<vmem>> -> memref<128xi32, #tpu.memory_space<vmem>>
        %dma_wait3A_1078 = arith.constant 0 : i32
        %dma_wait3A_1079 = arith.constant 0 : i32
        %dma_wait3A_1080 = tpu.memref_slice %arg11[%dma_wait3A_1078, %dma_wait3A_1079] : memref<10240x128xf32, #tpu.memory_space<vmem_shared>> -> memref<10240x128xf32, #tpu.memory_space<vmem_shared>>
        tpu.wait_indirect_dma semaphore(%arg15 : memref<!tpu.dma_semaphore, #tpu.memory_space<semaphore_mem>>) src(%arg9 : memref<128x128xf32, #tpu.memory_space<vmem>>) dst(%dma_wait3A_1080 : memref<10240x128xf32, #tpu.memory_space<vmem_shared>>)
      } else {
      }
      %add3A_827 = arith.constant 0 : i32
      %add3A_828 = arith.addi %mul3A_816, %add3A_827 : i32
      %dma_start3A_829 = arith.constant 0 : i32
      %dma_start3A_830 = tpu.memref_slice %arg7[%add3A_828, %dma_start3A_829] : memref<16x128xi32, #tpu.memory_space<vmem>> -> memref<1x128xi32, #tpu.memory_space<vmem>>
      %dma_start3A_831 = tpu.memref_squeeze %dma_start3A_830 : memref<1x128xi32, #tpu.memory_space<vmem>> -> memref<128xi32, #tpu.memory_space<vmem>>
      %dma_start3A_832 = arith.constant 0 : i32
      %dma_start3A_833 = arith.constant 0 : i32
      %dma_start3A_834 = tpu.memref_slice %arg11[%dma_start3A_832, %dma_start3A_833] : memref<10240x128xf32, #tpu.memory_space<vmem_shared>> -> memref<10240x128xf32, #tpu.memory_space<vmem_shared>>
      tpu.enqueue_indirect_dma source(%arg8 : memref<128x128xf32, #tpu.memory_space<vmem>>) target(%dma_start3A_834 : memref<10240x128xf32, #tpu.memory_space<vmem_shared>>) offsets(%dma_start3A_831 : memref<128xi32, #tpu.memory_space<vmem>>) semaphore(%arg14 : memref<!tpu.dma_semaphore, #tpu.memory_space<semaphore_mem>>) {add = true}
      %add3A_835 = arith.constant 0 : i32
      %add3A_836 = arith.addi %mul3A_816, %add3A_835 : i32
      %add3A_837 = arith.constant 1 : i32
      %add3A_838 = arith.addi %add3A_836, %add3A_837 : i32
      %dma_start3A_839 = arith.constant 0 : i32
      %dma_start3A_840 = tpu.memref_slice %arg6[%add3A_838, %dma_start3A_839] : memref<16x128xi32, #tpu.memory_space<vmem>> -> memref<1x128xi32, #tpu.memory_space<vmem>>
      %dma_start3A_841 = tpu.memref_squeeze %dma_start3A_840 : memref<1x128xi32, #tpu.memory_space<vmem>> -> memref<128xi32, #tpu.memory_space<vmem>>
      %dma_start3A_842 = arith.constant 0 : i32
      %dma_start3A_843 = arith.constant 0 : i32
      %dma_start3A_844 = tpu.memref_slice %arg4[%dma_start3A_842, %dma_start3A_843] : memref<10000x128xf32, #tpu.memory_space<hbm>> -> memref<10000x128xf32, #tpu.memory_space<hbm>>
      tpu.enqueue_indirect_dma source(%dma_start3A_844 : memref<10000x128xf32, #tpu.memory_space<hbm>>) target(%arg9 : memref<128x128xf32, #tpu.memory_space<vmem>>) offsets(%dma_start3A_841 : memref<128xi32, #tpu.memory_space<vmem>>) semaphore(%arg13 : memref<!tpu.dma_semaphore, #tpu.memory_space<semaphore_mem>>)
      %add3A_845 = arith.constant 1 : i32
      %add3A_846 = arith.addi %scan3A_804, %add3A_845 : i32
      %lt3A_847 = arith.constant 10 : i32
      %lt3A_848 = arith.cmpi slt, %add3A_846, %lt3A_847 : i32
      %convert_element_type3A_849 = arith.extui %lt3A_848 : i1 to i32
      %cond3A_850 = arith.constant 0 : i32
      %cond3A_851 = arith.cmpi ne, %convert_element_type3A_849, %cond3A_850 : i32
      scf.if %cond3A_851 {
        %add3A_1074 = arith.constant 1 : i32
        %add3A_1075 = arith.addi %scan3A_804, %add3A_1074 : i32
        %mul3A_1076 = arith.constant 8 : i32
        %mul3A_1077 = arith.muli %add3A_1075, %mul3A_1076 : i32
        %add3A_1078 = arith.addi %mul3A_776, %mul3A_1077 : i32
        "tpu.region"() ({
          %run_scoped3A = tpu.sem_alloc : memref<!tpu.dma_semaphore, #tpu.memory_space<semaphore_mem>>
          %dma_start3A_1079 = arith.constant 0 : i32
          %dma_start3A_1080 = tpu.memref_slice %arg6[%sub3A_817, %dma_start3A_1079] : memref<16x128xi32, #tpu.memory_space<vmem>> -> memref<8x128xi32, #tpu.memory_space<vmem>>
          %dma_start3A_1081 = arith.constant 0 : i32
          %dma_start3A_1082 = tpu.memref_slice %arg2[%add3A_1078, %dma_start3A_1081] : memref<2560x128xi32, #tpu.memory_space<hbm>> -> memref<8x128xi32, #tpu.memory_space<hbm>>
          %dma_start3A_1083 = arith.constant 0 : i32
          %dma_start3A_1084 = tpu.memref_slice %arg6[%sub3A_817, %dma_start3A_1083] : memref<16x128xi32, #tpu.memory_space<vmem>> -> memref<8x128xi32, #tpu.memory_space<vmem>>
          %dma_start3A_1085 = arith.constant 0 : i32
          %dma_start3A_1086 = tpu.memref_slice %arg2[%add3A_1078, %dma_start3A_1085] : memref<2560x128xi32, #tpu.memory_space<hbm>> -> memref<8x128xi32, #tpu.memory_space<hbm>>
          tpu.enqueue_dma source(%dma_start3A_1086 : memref<8x128xi32, #tpu.memory_space<hbm>>) target(%dma_start3A_1084 : memref<8x128xi32, #tpu.memory_space<vmem>>) target_semaphore(%run_scoped3A : memref<!tpu.dma_semaphore, #tpu.memory_space<semaphore_mem>>)
          %dma_wait3A_1087 = arith.constant 0 : i32
          %dma_wait3A_1088 = tpu.memref_slice %arg6[%sub3A_817, %dma_wait3A_1087] : memref<16x128xi32, #tpu.memory_space<vmem>> -> memref<8x128xi32, #tpu.memory_space<vmem>>
          %dma_wait3A_1089 = arith.constant 0 : i32
          %dma_wait3A_1090 = tpu.memref_slice %arg2[%add3A_1078, %dma_wait3A_1089] : memref<2560x128xi32, #tpu.memory_space<hbm>> -> memref<8x128xi32, #tpu.memory_space<hbm>>
          %dma_wait3A_1091 = arith.constant 0 : i32
          %dma_wait3A_1092 = tpu.memref_slice %arg6[%sub3A_817, %dma_wait3A_1091] : memref<16x128xi32, #tpu.memory_space<vmem>> -> memref<8x128xi32, #tpu.memory_space<vmem>>
          %dma_wait3A_1093 = arith.constant 0 : i32
          %dma_wait3A_1094 = tpu.memref_slice %arg2[%add3A_1078, %dma_wait3A_1093] : memref<2560x128xi32, #tpu.memory_space<hbm>> -> memref<8x128xi32, #tpu.memory_space<hbm>>
          tpu.wait_dma2 semaphore(%run_scoped3A : memref<!tpu.dma_semaphore, #tpu.memory_space<semaphore_mem>>) src(%dma_wait3A_1094 : memref<8x128xi32, #tpu.memory_space<hbm>>) dst(%dma_wait3A_1092 : memref<8x128xi32, #tpu.memory_space<vmem>>)
          tpu.yield
        }) : () -> ()
        "tpu.region"() ({
          %run_scoped3A = tpu.sem_alloc : memref<!tpu.dma_semaphore, #tpu.memory_space<semaphore_mem>>
          %dma_start3A_1079 = arith.constant 0 : i32
          %dma_start3A_1080 = tpu.memref_slice %arg7[%sub3A_817, %dma_start3A_1079] : memref<16x128xi32, #tpu.memory_space<vmem>> -> memref<8x128xi32, #tpu.memory_space<vmem>>
          %dma_start3A_1081 = arith.constant 0 : i32
          %dma_start3A_1082 = tpu.memref_slice %arg3[%add3A_1078, %dma_start3A_1081] : memref<2560x128xi32, #tpu.memory_space<hbm>> -> memref<8x128xi32, #tpu.memory_space<hbm>>
          %dma_start3A_1083 = arith.constant 0 : i32
          %dma_start3A_1084 = tpu.memref_slice %arg7[%sub3A_817, %dma_start3A_1083] : memref<16x128xi32, #tpu.memory_space<vmem>> -> memref<8x128xi32, #tpu.memory_space<vmem>>
          %dma_start3A_1085 = arith.constant 0 : i32
          %dma_start3A_1086 = tpu.memref_slice %arg3[%add3A_1078, %dma_start3A_1085] : memref<2560x128xi32, #tpu.memory_space<hbm>> -> memref<8x128xi32, #tpu.memory_space<hbm>>
          tpu.enqueue_dma source(%dma_start3A_1086 : memref<8x128xi32, #tpu.memory_space<hbm>>) target(%dma_start3A_1084 : memref<8x128xi32, #tpu.memory_space<vmem>>) target_semaphore(%run_scoped3A : memref<!tpu.dma_semaphore, #tpu.memory_space<semaphore_mem>>)
          %dma_wait3A_1087 = arith.constant 0 : i32
          %dma_wait3A_1088 = tpu.memref_slice %arg7[%sub3A_817, %dma_wait3A_1087] : memref<16x128xi32, #tpu.memory_space<vmem>> -> memref<8x128xi32, #tpu.memory_space<vmem>>
          %dma_wait3A_1089 = arith.constant 0 : i32
          %dma_wait3A_1090 = tpu.memref_slice %arg3[%add3A_1078, %dma_wait3A_1089] : memref<2560x128xi32, #tpu.memory_space<hbm>> -> memref<8x128xi32, #tpu.memory_space<hbm>>
          %dma_wait3A_1091 = arith.constant 0 : i32
          %dma_wait3A_1092 = tpu.memref_slice %arg7[%sub3A_817, %dma_wait3A_1091] : memref<16x128xi32, #tpu.memory_space<vmem>> -> memref<8x128xi32, #tpu.memory_space<vmem>>
          %dma_wait3A_1093 = arith.constant 0 : i32
          %dma_wait3A_1094 = tpu.memref_slice %arg3[%add3A_1078, %dma_wait3A_1093] : memref<2560x128xi32, #tpu.memory_space<hbm>> -> memref<8x128xi32, #tpu.memory_space<hbm>>
          tpu.wait_dma2 semaphore(%run_scoped3A : memref<!tpu.dma_semaphore, #tpu.memory_space<semaphore_mem>>) src(%dma_wait3A_1094 : memref<8x128xi32, #tpu.memory_space<hbm>>) dst(%dma_wait3A_1092 : memref<8x128xi32, #tpu.memory_space<vmem>>)
          tpu.yield
        }) : () -> ()
      } else {
      }
      %dma_wait3A_852 = arith.constant 0 : i32
      %dma_wait3A_853 = arith.constant 0 : i32
      %dma_wait3A_854 = tpu.memref_slice %arg6[%dma_wait3A_852, %dma_wait3A_853] : memref<16x128xi32, #tpu.memory_space<vmem>> -> memref<1x128xi32, #tpu.memory_space<vmem>>
      %dma_wait3A_855 = tpu.memref_squeeze %dma_wait3A_854 : memref<1x128xi32, #tpu.memory_space<vmem>> -> memref<128xi32, #tpu.memory_space<vmem>>
      %dma_wait3A_856 = arith.constant 0 : i32
      %dma_wait3A_857 = arith.constant 0 : i32
      %dma_wait3A_858 = tpu.memref_slice %arg4[%dma_wait3A_856, %dma_wait3A_857] : memref<10000x128xf32, #tpu.memory_space<hbm>> -> memref<10000x128xf32, #tpu.memory_space<hbm>>
      tpu.wait_indirect_dma semaphore(%arg13 : memref<!tpu.dma_semaphore, #tpu.memory_space<semaphore_mem>>) src(%dma_wait3A_858 : memref<10000x128xf32, #tpu.memory_space<hbm>>) dst(%arg9 : memref<128x128xf32, #tpu.memory_space<vmem>>)
      %dma_wait3A_859 = arith.constant 0 : i32
      %dma_wait3A_860 = arith.constant 0 : i32
      %dma_wait3A_861 = tpu.memref_slice %arg7[%dma_wait3A_859, %dma_wait3A_860] : memref<16x128xi32, #tpu.memory_space<vmem>> -> memref<1x128xi32, #tpu.memory_space<vmem>>
      %dma_wait3A_862 = tpu.memref_squeeze %dma_wait3A_861 : memref<1x128xi32, #tpu.memory_space<vmem>> -> memref<128xi32, #tpu.memory_space<vmem>>
      %dma_wait3A_863 = arith.constant 0 : i32
      %dma_wait3A_864 = arith.constant 0 : i32
      %dma_wait3A_865 = tpu.memref_slice %arg11[%dma_wait3A_863, %dma_wait3A_864] : memref<10240x128xf32, #tpu.memory_space<vmem_shared>> -> memref<10240x128xf32, #tpu.memory_space<vmem_shared>>
      tpu.wait_indirect_dma semaphore(%arg14 : memref<!tpu.dma_semaphore, #tpu.memory_space<semaphore_mem>>) src(%arg8 : memref<128x128xf32, #tpu.memory_space<vmem>>) dst(%dma_wait3A_865 : memref<10240x128xf32, #tpu.memory_space<vmem_shared>>)
      %add3A_866 = arith.constant 1 : i32
      %add3A_867 = arith.addi %mul3A_816, %add3A_866 : i32
      %dma_start3A_868 = arith.constant 0 : i32
      %dma_start3A_869 = tpu.memref_slice %arg7[%add3A_867, %dma_start3A_868] : memref<16x128xi32, #tpu.memory_space<vmem>> -> memref<1x128xi32, #tpu.memory_space<vmem>>
      %dma_start3A_870 = tpu.memref_squeeze %dma_start3A_869 : memref<1x128xi32, #tpu.memory_space<vmem>> -> memref<128xi32, #tpu.memory_space<vmem>>
      %dma_start3A_871 = arith.constant 0 : i32
      %dma_start3A_872 = arith.constant 0 : i32
      %dma_start3A_873 = tpu.memref_slice %arg11[%dma_start3A_871, %dma_start3A_872] : memref<10240x128xf32, #tpu.memory_space<vmem_shared>> -> memref<10240x128xf32, #tpu.memory_space<vmem_shared>>
      tpu.enqueue_indirect_dma source(%arg9 : memref<128x128xf32, #tpu.memory_space<vmem>>) target(%dma_start3A_873 : memref<10240x128xf32, #tpu.memory_space<vmem_shared>>) offsets(%dma_start3A_870 : memref<128xi32, #tpu.memory_space<vmem>>) semaphore(%arg15 : memref<!tpu.dma_semaphore, #tpu.memory_space<semaphore_mem>>) {add = true}
      %add3A_874 = arith.constant 1 : i32
      %add3A_875 = arith.addi %mul3A_816, %add3A_874 : i32
      %add3A_876 = arith.constant 1 : i32
      %add3A_877 = arith.addi %add3A_875, %add3A_876 : i32
      %dma_start3A_878 = arith.constant 0 : i32
      %dma_start3A_879 = tpu.memref_slice %arg6[%add3A_877, %dma_start3A_878] : memref<16x128xi32, #tpu.memory_space<vmem>> -> memref<1x128xi32, #tpu.memory_space<vmem>>
      %dma_start3A_880 = tpu.memref_squeeze %dma_start3A_879 : memref<1x128xi32, #tpu.memory_space<vmem>> -> memref<128xi32, #tpu.memory_space<vmem>>
      %dma_start3A_881 = arith.constant 0 : i32
      %dma_start3A_882 = arith.constant 0 : i32
      %dma_start3A_883 = tpu.memref_slice %arg4[%dma_start3A_881, %dma_start3A_882] : memref<10000x128xf32, #tpu.memory_space<hbm>> -> memref<10000x128xf32, #tpu.memory_space<hbm>>
      tpu.enqueue_indirect_dma source(%dma_start3A_883 : memref<10000x128xf32, #tpu.memory_space<hbm>>) target(%arg8 : memref<128x128xf32, #tpu.memory_space<vmem>>) offsets(%dma_start3A_880 : memref<128xi32, #tpu.memory_space<vmem>>) semaphore(%arg12 : memref<!tpu.dma_semaphore, #tpu.memory_space<semaphore_mem>>)
      %dma_wait3A_884 = arith.constant 0 : i32
      %dma_wait3A_885 = arith.constant 0 : i32
      %dma_wait3A_886 = tpu.memref_slice %arg6[%dma_wait3A_884, %dma_wait3A_885] : memref<16x128xi32, #tpu.memory_space<vmem>> -> memref<1x128xi32, #tpu.memory_space<vmem>>
      %dma_wait3A_887 = tpu.memref_squeeze %dma_wait3A_886 : memref<1x128xi32, #tpu.memory_space<vmem>> -> memref<128xi32, #tpu.memory_space<vmem>>
      %dma_wait3A_888 = arith.constant 0 : i32
      %dma_wait3A_889 = arith.constant 0 : i32
      %dma_wait3A_890 = tpu.memref_slice %arg4[%dma_wait3A_888, %dma_wait3A_889] : memref<10000x128xf32, #tpu.memory_space<hbm>> -> memref<10000x128xf32, #tpu.memory_space<hbm>>
      tpu.wait_indirect_dma semaphore(%arg12 : memref<!tpu.dma_semaphore, #tpu.memory_space<semaphore_mem>>) src(%dma_wait3A_890 : memref<10000x128xf32, #tpu.memory_space<hbm>>) dst(%arg8 : memref<128x128xf32, #tpu.memory_space<vmem>>)
      %dma_wait3A_891 = arith.constant 0 : i32
      %dma_wait3A_892 = arith.constant 0 : i32
      %dma_wait3A_893 = tpu.memref_slice %arg7[%dma_wait3A_891, %dma_wait3A_892] : memref<16x128xi32, #tpu.memory_space<vmem>> -> memref<1x128xi32, #tpu.memory_space<vmem>>
      %dma_wait3A_894 = tpu.memref_squeeze %dma_wait3A_893 : memref<1x128xi32, #tpu.memory_space<vmem>> -> memref<128xi32, #tpu.memory_space<vmem>>
      %dma_wait3A_895 = arith.constant 0 : i32
      %dma_wait3A_896 = arith.constant 0 : i32
      %dma_wait3A_897 = tpu.memref_slice %arg11[%dma_wait3A_895, %dma_wait3A_896] : memref<10240x128xf32, #tpu.memory_space<vmem_shared>> -> memref<10240x128xf32, #tpu.memory_space<vmem_shared>>
      tpu.wait_indirect_dma semaphore(%arg15 : memref<!tpu.dma_semaphore, #tpu.memory_space<semaphore_mem>>) src(%arg9 : memref<128x128xf32, #tpu.memory_space<vmem>>) dst(%dma_wait3A_897 : memref<10240x128xf32, #tpu.memory_space<vmem_shared>>)
      %add3A_898 = arith.constant 2 : i32
      %add3A_899 = arith.addi %mul3A_816, %add3A_898 : i32
      %dma_start3A_900 = arith.constant 0 : i32
      %dma_start3A_901 = tpu.memref_slice %arg7[%add3A_899, %dma_start3A_900] : memref<16x128xi32, #tpu.memory_space<vmem>> -> memref<1x128xi32, #tpu.memory_space<vmem>>
      %dma_start3A_902 = tpu.memref_squeeze %dma_start3A_901 : memref<1x128xi32, #tpu.memory_space<vmem>> -> memref<128xi32, #tpu.memory_space<vmem>>
      %dma_start3A_903 = arith.constant 0 : i32
      %dma_start3A_904 = arith.constant 0 : i32
      %dma_start3A_905 = tpu.memref_slice %arg11[%dma_start3A_903, %dma_start3A_904] : memref<10240x128xf32, #tpu.memory_space<vmem_shared>> -> memref<10240x128xf32, #tpu.memory_space<vmem_shared>>
      tpu.enqueue_indirect_dma source(%arg8 : memref<128x128xf32, #tpu.memory_space<vmem>>) target(%dma_start3A_905 : memref<10240x128xf32, #tpu.memory_space<vmem_shared>>) offsets(%dma_start3A_902 : memref<128xi32, #tpu.memory_space<vmem>>) semaphore(%arg14 : memref<!tpu.dma_semaphore, #tpu.memory_space<semaphore_mem>>) {add = true}
      %add3A_906 = arith.constant 2 : i32
      %add3A_907 = arith.addi %mul3A_816, %add3A_906 : i32
      %add3A_908 = arith.constant 1 : i32
      %add3A_909 = arith.addi %add3A_907, %add3A_908 : i32
      %dma_start3A_910 = arith.constant 0 : i32
      %dma_start3A_911 = tpu.memref_slice %arg6[%add3A_909, %dma_start3A_910] : memref<16x128xi32, #tpu.memory_space<vmem>> -> memref<1x128xi32, #tpu.memory_space<vmem>>
      %dma_start3A_912 = tpu.memref_squeeze %dma_start3A_911 : memref<1x128xi32, #tpu.memory_space<vmem>> -> memref<128xi32, #tpu.memory_space<vmem>>
      %dma_start3A_913 = arith.constant 0 : i32
      %dma_start3A_914 = arith.constant 0 : i32
      %dma_start3A_915 = tpu.memref_slice %arg4[%dma_start3A_913, %dma_start3A_914] : memref<10000x128xf32, #tpu.memory_space<hbm>> -> memref<10000x128xf32, #tpu.memory_space<hbm>>
      tpu.enqueue_indirect_dma source(%dma_start3A_915 : memref<10000x128xf32, #tpu.memory_space<hbm>>) target(%arg9 : memref<128x128xf32, #tpu.memory_space<vmem>>) offsets(%dma_start3A_912 : memref<128xi32, #tpu.memory_space<vmem>>) semaphore(%arg13 : memref<!tpu.dma_semaphore, #tpu.memory_space<semaphore_mem>>)
      %dma_wait3A_916 = arith.constant 0 : i32
      %dma_wait3A_917 = arith.constant 0 : i32
      %dma_wait3A_918 = tpu.memref_slice %arg6[%dma_wait3A_916, %dma_wait3A_917] : memref<16x128xi32, #tpu.memory_space<vmem>> -> memref<1x128xi32, #tpu.memory_space<vmem>>
      %dma_wait3A_919 = tpu.memref_squeeze %dma_wait3A_918 : memref<1x128xi32, #tpu.memory_space<vmem>> -> memref<128xi32, #tpu.memory_space<vmem>>
      %dma_wait3A_920 = arith.constant 0 : i32
      %dma_wait3A_921 = arith.constant 0 : i32
      %dma_wait3A_922 = tpu.memref_slice %arg4[%dma_wait3A_920, %dma_wait3A_921] : memref<10000x128xf32, #tpu.memory_space<hbm>> -> memref<10000x128xf32, #tpu.memory_space<hbm>>
      tpu.wait_indirect_dma semaphore(%arg13 : memref<!tpu.dma_semaphore, #tpu.memory_space<semaphore_mem>>) src(%dma_wait3A_922 : memref<10000x128xf32, #tpu.memory_space<hbm>>) dst(%arg9 : memref<128x128xf32, #tpu.memory_space<vmem>>)
      %dma_wait3A_923 = arith.constant 0 : i32
      %dma_wait3A_924 = arith.constant 0 : i32
      %dma_wait3A_925 = tpu.memref_slice %arg7[%dma_wait3A_923, %dma_wait3A_924] : memref<16x128xi32, #tpu.memory_space<vmem>> -> memref<1x128xi32, #tpu.memory_space<vmem>>
      %dma_wait3A_926 = tpu.memref_squeeze %dma_wait3A_925 : memref<1x128xi32, #tpu.memory_space<vmem>> -> memref<128xi32, #tpu.memory_space<vmem>>
      %dma_wait3A_927 = arith.constant 0 : i32
      %dma_wait3A_928 = arith.constant 0 : i32
      %dma_wait3A_929 = tpu.memref_slice %arg11[%dma_wait3A_927, %dma_wait3A_928] : memref<10240x128xf32, #tpu.memory_space<vmem_shared>> -> memref<10240x128xf32, #tpu.memory_space<vmem_shared>>
      tpu.wait_indirect_dma semaphore(%arg14 : memref<!tpu.dma_semaphore, #tpu.memory_space<semaphore_mem>>) src(%arg8 : memref<128x128xf32, #tpu.memory_space<vmem>>) dst(%dma_wait3A_929 : memref<10240x128xf32, #tpu.memory_space<vmem_shared>>)
      %add3A_930 = arith.constant 3 : i32
      %add3A_931 = arith.addi %mul3A_816, %add3A_930 : i32
      %dma_start3A_932 = arith.constant 0 : i32
      %dma_start3A_933 = tpu.memref_slice %arg7[%add3A_931, %dma_start3A_932] : memref<16x128xi32, #tpu.memory_space<vmem>> -> memref<1x128xi32, #tpu.memory_space<vmem>>
      %dma_start3A_934 = tpu.memref_squeeze %dma_start3A_933 : memref<1x128xi32, #tpu.memory_space<vmem>> -> memref<128xi32, #tpu.memory_space<vmem>>
      %dma_start3A_935 = arith.constant 0 : i32
      %dma_start3A_936 = arith.constant 0 : i32
      %dma_start3A_937 = tpu.memref_slice %arg11[%dma_start3A_935, %dma_start3A_936] : memref<10240x128xf32, #tpu.memory_space<vmem_shared>> -> memref<10240x128xf32, #tpu.memory_space<vmem_shared>>
      tpu.enqueue_indirect_dma source(%arg9 : memref<128x128xf32, #tpu.memory_space<vmem>>) target(%dma_start3A_937 : memref<10240x128xf32, #tpu.memory_space<vmem_shared>>) offsets(%dma_start3A_934 : memref<128xi32, #tpu.memory_space<vmem>>) semaphore(%arg15 : memref<!tpu.dma_semaphore, #tpu.memory_space<semaphore_mem>>) {add = true}
      %add3A_938 = arith.constant 3 : i32
      %add3A_939 = arith.addi %mul3A_816, %add3A_938 : i32
      %add3A_940 = arith.constant 1 : i32
      %add3A_941 = arith.addi %add3A_939, %add3A_940 : i32
      %dma_start3A_942 = arith.constant 0 : i32
      %dma_start3A_943 = tpu.memref_slice %arg6[%add3A_941, %dma_start3A_942] : memref<16x128xi32, #tpu.memory_space<vmem>> -> memref<1x128xi32, #tpu.memory_space<vmem>>
      %dma_start3A_944 = tpu.memref_squeeze %dma_start3A_943 : memref<1x128xi32, #tpu.memory_space<vmem>> -> memref<128xi32, #tpu.memory_space<vmem>>
      %dma_start3A_945 = arith.constant 0 : i32
      %dma_start3A_946 = arith.constant 0 : i32
      %dma_start3A_947 = tpu.memref_slice %arg4[%dma_start3A_945, %dma_start3A_946] : memref<10000x128xf32, #tpu.memory_space<hbm>> -> memref<10000x128xf32, #tpu.memory_space<hbm>>
      tpu.enqueue_indirect_dma source(%dma_start3A_947 : memref<10000x128xf32, #tpu.memory_space<hbm>>) target(%arg8 : memref<128x128xf32, #tpu.memory_space<vmem>>) offsets(%dma_start3A_944 : memref<128xi32, #tpu.memory_space<vmem>>) semaphore(%arg12 : memref<!tpu.dma_semaphore, #tpu.memory_space<semaphore_mem>>)
      %dma_wait3A_948 = arith.constant 0 : i32
      %dma_wait3A_949 = arith.constant 0 : i32
      %dma_wait3A_950 = tpu.memref_slice %arg6[%dma_wait3A_948, %dma_wait3A_949] : memref<16x128xi32, #tpu.memory_space<vmem>> -> memref<1x128xi32, #tpu.memory_space<vmem>>
      %dma_wait3A_951 = tpu.memref_squeeze %dma_wait3A_950 : memref<1x128xi32, #tpu.memory_space<vmem>> -> memref<128xi32, #tpu.memory_space<vmem>>
      %dma_wait3A_952 = arith.constant 0 : i32
      %dma_wait3A_953 = arith.constant 0 : i32
      %dma_wait3A_954 = tpu.memref_slice %arg4[%dma_wait3A_952, %dma_wait3A_953] : memref<10000x128xf32, #tpu.memory_space<hbm>> -> memref<10000x128xf32, #tpu.memory_space<hbm>>
      tpu.wait_indirect_dma semaphore(%arg12 : memref<!tpu.dma_semaphore, #tpu.memory_space<semaphore_mem>>) src(%dma_wait3A_954 : memref<10000x128xf32, #tpu.memory_space<hbm>>) dst(%arg8 : memref<128x128xf32, #tpu.memory_space<vmem>>)
      %dma_wait3A_955 = arith.constant 0 : i32
      %dma_wait3A_956 = arith.constant 0 : i32
      %dma_wait3A_957 = tpu.memref_slice %arg7[%dma_wait3A_955, %dma_wait3A_956] : memref<16x128xi32, #tpu.memory_space<vmem>> -> memref<1x128xi32, #tpu.memory_space<vmem>>
      %dma_wait3A_958 = tpu.memref_squeeze %dma_wait3A_957 : memref<1x128xi32, #tpu.memory_space<vmem>> -> memref<128xi32, #tpu.memory_space<vmem>>
      %dma_wait3A_959 = arith.constant 0 : i32
      %dma_wait3A_960 = arith.constant 0 : i32
      %dma_wait3A_961 = tpu.memref_slice %arg11[%dma_wait3A_959, %dma_wait3A_960] : memref<10240x128xf32, #tpu.memory_space<vmem_shared>> -> memref<10240x128xf32, #tpu.memory_space<vmem_shared>>
      tpu.wait_indirect_dma semaphore(%arg15 : memref<!tpu.dma_semaphore, #tpu.memory_space<semaphore_mem>>) src(%arg9 : memref<128x128xf32, #tpu.memory_space<vmem>>) dst(%dma_wait3A_961 : memref<10240x128xf32, #tpu.memory_space<vmem_shared>>)
      %add3A_962 = arith.constant 4 : i32
      %add3A_963 = arith.addi %mul3A_816, %add3A_962 : i32
      %dma_start3A_964 = arith.constant 0 : i32
      %dma_start3A_965 = tpu.memref_slice %arg7[%add3A_963, %dma_start3A_964] : memref<16x128xi32, #tpu.memory_space<vmem>> -> memref<1x128xi32, #tpu.memory_space<vmem>>
      %dma_start3A_966 = tpu.memref_squeeze %dma_start3A_965 : memref<1x128xi32, #tpu.memory_space<vmem>> -> memref<128xi32, #tpu.memory_space<vmem>>
      %dma_start3A_967 = arith.constant 0 : i32
      %dma_start3A_968 = arith.constant 0 : i32
      %dma_start3A_969 = tpu.memref_slice %arg11[%dma_start3A_967, %dma_start3A_968] : memref<10240x128xf32, #tpu.memory_space<vmem_shared>> -> memref<10240x128xf32, #tpu.memory_space<vmem_shared>>
      tpu.enqueue_indirect_dma source(%arg8 : memref<128x128xf32, #tpu.memory_space<vmem>>) target(%dma_start3A_969 : memref<10240x128xf32, #tpu.memory_space<vmem_shared>>) offsets(%dma_start3A_966 : memref<128xi32, #tpu.memory_space<vmem>>) semaphore(%arg14 : memref<!tpu.dma_semaphore, #tpu.memory_space<semaphore_mem>>) {add = true}
      %add3A_970 = arith.constant 4 : i32
      %add3A_971 = arith.addi %mul3A_816, %add3A_970 : i32
      %add3A_972 = arith.constant 1 : i32
      %add3A_973 = arith.addi %add3A_971, %add3A_972 : i32
      %dma_start3A_974 = arith.constant 0 : i32
      %dma_start3A_975 = tpu.memref_slice %arg6[%add3A_973, %dma_start3A_974] : memref<16x128xi32, #tpu.memory_space<vmem>> -> memref<1x128xi32, #tpu.memory_space<vmem>>
      %dma_start3A_976 = tpu.memref_squeeze %dma_start3A_975 : memref<1x128xi32, #tpu.memory_space<vmem>> -> memref<128xi32, #tpu.memory_space<vmem>>
      %dma_start3A_977 = arith.constant 0 : i32
      %dma_start3A_978 = arith.constant 0 : i32
      %dma_start3A_979 = tpu.memref_slice %arg4[%dma_start3A_977, %dma_start3A_978] : memref<10000x128xf32, #tpu.memory_space<hbm>> -> memref<10000x128xf32, #tpu.memory_space<hbm>>
      tpu.enqueue_indirect_dma source(%dma_start3A_979 : memref<10000x128xf32, #tpu.memory_space<hbm>>) target(%arg9 : memref<128x128xf32, #tpu.memory_space<vmem>>) offsets(%dma_start3A_976 : memref<128xi32, #tpu.memory_space<vmem>>) semaphore(%arg13 : memref<!tpu.dma_semaphore, #tpu.memory_space<semaphore_mem>>)
      %dma_wait3A_980 = arith.constant 0 : i32
      %dma_wait3A_981 = arith.constant 0 : i32
      %dma_wait3A_982 = tpu.memref_slice %arg6[%dma_wait3A_980, %dma_wait3A_981] : memref<16x128xi32, #tpu.memory_space<vmem>> -> memref<1x128xi32, #tpu.memory_space<vmem>>
      %dma_wait3A_983 = tpu.memref_squeeze %dma_wait3A_982 : memref<1x128xi32, #tpu.memory_space<vmem>> -> memref<128xi32, #tpu.memory_space<vmem>>
      %dma_wait3A_984 = arith.constant 0 : i32
      %dma_wait3A_985 = arith.constant 0 : i32
      %dma_wait3A_986 = tpu.memref_slice %arg4[%dma_wait3A_984, %dma_wait3A_985] : memref<10000x128xf32, #tpu.memory_space<hbm>> -> memref<10000x128xf32, #tpu.memory_space<hbm>>
      tpu.wait_indirect_dma semaphore(%arg13 : memref<!tpu.dma_semaphore, #tpu.memory_space<semaphore_mem>>) src(%dma_wait3A_986 : memref<10000x128xf32, #tpu.memory_space<hbm>>) dst(%arg9 : memref<128x128xf32, #tpu.memory_space<vmem>>)
      %dma_wait3A_987 = arith.constant 0 : i32
      %dma_wait3A_988 = arith.constant 0 : i32
      %dma_wait3A_989 = tpu.memref_slice %arg7[%dma_wait3A_987, %dma_wait3A_988] : memref<16x128xi32, #tpu.memory_space<vmem>> -> memref<1x128xi32, #tpu.memory_space<vmem>>
      %dma_wait3A_990 = tpu.memref_squeeze %dma_wait3A_989 : memref<1x128xi32, #tpu.memory_space<vmem>> -> memref<128xi32, #tpu.memory_space<vmem>>
      %dma_wait3A_991 = arith.constant 0 : i32
      %dma_wait3A_992 = arith.constant 0 : i32
      %dma_wait3A_993 = tpu.memref_slice %arg11[%dma_wait3A_991, %dma_wait3A_992] : memref<10240x128xf32, #tpu.memory_space<vmem_shared>> -> memref<10240x128xf32, #tpu.memory_space<vmem_shared>>
      tpu.wait_indirect_dma semaphore(%arg14 : memref<!tpu.dma_semaphore, #tpu.memory_space<semaphore_mem>>) src(%arg8 : memref<128x128xf32, #tpu.memory_space<vmem>>) dst(%dma_wait3A_993 : memref<10240x128xf32, #tpu.memory_space<vmem_shared>>)
      %add3A_994 = arith.constant 5 : i32
      %add3A_995 = arith.addi %mul3A_816, %add3A_994 : i32
      %dma_start3A_996 = arith.constant 0 : i32
      %dma_start3A_997 = tpu.memref_slice %arg7[%add3A_995, %dma_start3A_996] : memref<16x128xi32, #tpu.memory_space<vmem>> -> memref<1x128xi32, #tpu.memory_space<vmem>>
      %dma_start3A_998 = tpu.memref_squeeze %dma_start3A_997 : memref<1x128xi32, #tpu.memory_space<vmem>> -> memref<128xi32, #tpu.memory_space<vmem>>
      %dma_start3A_999 = arith.constant 0 : i32
      %dma_start3A_1000 = arith.constant 0 : i32
      %dma_start3A_1001 = tpu.memref_slice %arg11[%dma_start3A_999, %dma_start3A_1000] : memref<10240x128xf32, #tpu.memory_space<vmem_shared>> -> memref<10240x128xf32, #tpu.memory_space<vmem_shared>>
      tpu.enqueue_indirect_dma source(%arg9 : memref<128x128xf32, #tpu.memory_space<vmem>>) target(%dma_start3A_1001 : memref<10240x128xf32, #tpu.memory_space<vmem_shared>>) offsets(%dma_start3A_998 : memref<128xi32, #tpu.memory_space<vmem>>) semaphore(%arg15 : memref<!tpu.dma_semaphore, #tpu.memory_space<semaphore_mem>>) {add = true}
      %add3A_1002 = arith.constant 5 : i32
      %add3A_1003 = arith.addi %mul3A_816, %add3A_1002 : i32
      %add3A_1004 = arith.constant 1 : i32
      %add3A_1005 = arith.addi %add3A_1003, %add3A_1004 : i32
      %dma_start3A_1006 = arith.constant 0 : i32
      %dma_start3A_1007 = tpu.memref_slice %arg6[%add3A_1005, %dma_start3A_1006] : memref<16x128xi32, #tpu.memory_space<vmem>> -> memref<1x128xi32, #tpu.memory_space<vmem>>
      %dma_start3A_1008 = tpu.memref_squeeze %dma_start3A_1007 : memref<1x128xi32, #tpu.memory_space<vmem>> -> memref<128xi32, #tpu.memory_space<vmem>>
      %dma_start3A_1009 = arith.constant 0 : i32
      %dma_start3A_1010 = arith.constant 0 : i32
      %dma_start3A_1011 = tpu.memref_slice %arg4[%dma_start3A_1009, %dma_start3A_1010] : memref<10000x128xf32, #tpu.memory_space<hbm>> -> memref<10000x128xf32, #tpu.memory_space<hbm>>
      tpu.enqueue_indirect_dma source(%dma_start3A_1011 : memref<10000x128xf32, #tpu.memory_space<hbm>>) target(%arg8 : memref<128x128xf32, #tpu.memory_space<vmem>>) offsets(%dma_start3A_1008 : memref<128xi32, #tpu.memory_space<vmem>>) semaphore(%arg12 : memref<!tpu.dma_semaphore, #tpu.memory_space<semaphore_mem>>)
      %dma_wait3A_1012 = arith.constant 0 : i32
      %dma_wait3A_1013 = arith.constant 0 : i32
      %dma_wait3A_1014 = tpu.memref_slice %arg6[%dma_wait3A_1012, %dma_wait3A_1013] : memref<16x128xi32, #tpu.memory_space<vmem>> -> memref<1x128xi32, #tpu.memory_space<vmem>>
      %dma_wait3A_1015 = tpu.memref_squeeze %dma_wait3A_1014 : memref<1x128xi32, #tpu.memory_space<vmem>> -> memref<128xi32, #tpu.memory_space<vmem>>
      %dma_wait3A_1016 = arith.constant 0 : i32
      %dma_wait3A_1017 = arith.constant 0 : i32
      %dma_wait3A_1018 = tpu.memref_slice %arg4[%dma_wait3A_1016, %dma_wait3A_1017] : memref<10000x128xf32, #tpu.memory_space<hbm>> -> memref<10000x128xf32, #tpu.memory_space<hbm>>
      tpu.wait_indirect_dma semaphore(%arg12 : memref<!tpu.dma_semaphore, #tpu.memory_space<semaphore_mem>>) src(%dma_wait3A_1018 : memref<10000x128xf32, #tpu.memory_space<hbm>>) dst(%arg8 : memref<128x128xf32, #tpu.memory_space<vmem>>)
      %dma_wait3A_1019 = arith.constant 0 : i32
      %dma_wait3A_1020 = arith.constant 0 : i32
      %dma_wait3A_1021 = tpu.memref_slice %arg7[%dma_wait3A_1019, %dma_wait3A_1020] : memref<16x128xi32, #tpu.memory_space<vmem>> -> memref<1x128xi32, #tpu.memory_space<vmem>>
      %dma_wait3A_1022 = tpu.memref_squeeze %dma_wait3A_1021 : memref<1x128xi32, #tpu.memory_space<vmem>> -> memref<128xi32, #tpu.memory_space<vmem>>
      %dma_wait3A_1023 = arith.constant 0 : i32
      %dma_wait3A_1024 = arith.constant 0 : i32
      %dma_wait3A_1025 = tpu.memref_slice %arg11[%dma_wait3A_1023, %dma_wait3A_1024] : memref<10240x128xf32, #tpu.memory_space<vmem_shared>> -> memref<10240x128xf32, #tpu.memory_space<vmem_shared>>
      tpu.wait_indirect_dma semaphore(%arg15 : memref<!tpu.dma_semaphore, #tpu.memory_space<semaphore_mem>>) src(%arg9 : memref<128x128xf32, #tpu.memory_space<vmem>>) dst(%dma_wait3A_1025 : memref<10240x128xf32, #tpu.memory_space<vmem_shared>>)
      %add3A_1026 = arith.constant 6 : i32
      %add3A_1027 = arith.addi %mul3A_816, %add3A_1026 : i32
      %dma_start3A_1028 = arith.constant 0 : i32
      %dma_start3A_1029 = tpu.memref_slice %arg7[%add3A_1027, %dma_start3A_1028] : memref<16x128xi32, #tpu.memory_space<vmem>> -> memref<1x128xi32, #tpu.memory_space<vmem>>
      %dma_start3A_1030 = tpu.memref_squeeze %dma_start3A_1029 : memref<1x128xi32, #tpu.memory_space<vmem>> -> memref<128xi32, #tpu.memory_space<vmem>>
      %dma_start3A_1031 = arith.constant 0 : i32
      %dma_start3A_1032 = arith.constant 0 : i32
      %dma_start3A_1033 = tpu.memref_slice %arg11[%dma_start3A_1031, %dma_start3A_1032] : memref<10240x128xf32, #tpu.memory_space<vmem_shared>> -> memref<10240x128xf32, #tpu.memory_space<vmem_shared>>
      tpu.enqueue_indirect_dma source(%arg8 : memref<128x128xf32, #tpu.memory_space<vmem>>) target(%dma_start3A_1033 : memref<10240x128xf32, #tpu.memory_space<vmem_shared>>) offsets(%dma_start3A_1030 : memref<128xi32, #tpu.memory_space<vmem>>) semaphore(%arg14 : memref<!tpu.dma_semaphore, #tpu.memory_space<semaphore_mem>>) {add = true}
      %add3A_1034 = arith.constant 6 : i32
      %add3A_1035 = arith.addi %mul3A_816, %add3A_1034 : i32
      %add3A_1036 = arith.constant 1 : i32
      %add3A_1037 = arith.addi %add3A_1035, %add3A_1036 : i32
      %dma_start3A_1038 = arith.constant 0 : i32
      %dma_start3A_1039 = tpu.memref_slice %arg6[%add3A_1037, %dma_start3A_1038] : memref<16x128xi32, #tpu.memory_space<vmem>> -> memref<1x128xi32, #tpu.memory_space<vmem>>
      %dma_start3A_1040 = tpu.memref_squeeze %dma_start3A_1039 : memref<1x128xi32, #tpu.memory_space<vmem>> -> memref<128xi32, #tpu.memory_space<vmem>>
      %dma_start3A_1041 = arith.constant 0 : i32
      %dma_start3A_1042 = arith.constant 0 : i32
      %dma_start3A_1043 = tpu.memref_slice %arg4[%dma_start3A_1041, %dma_start3A_1042] : memref<10000x128xf32, #tpu.memory_space<hbm>> -> memref<10000x128xf32, #tpu.memory_space<hbm>>
      tpu.enqueue_indirect_dma source(%dma_start3A_1043 : memref<10000x128xf32, #tpu.memory_space<hbm>>) target(%arg9 : memref<128x128xf32, #tpu.memory_space<vmem>>) offsets(%dma_start3A_1040 : memref<128xi32, #tpu.memory_space<vmem>>) semaphore(%arg13 : memref<!tpu.dma_semaphore, #tpu.memory_space<semaphore_mem>>)
      %dma_wait3A_1044 = arith.constant 0 : i32
      %dma_wait3A_1045 = arith.constant 0 : i32
      %dma_wait3A_1046 = tpu.memref_slice %arg6[%dma_wait3A_1044, %dma_wait3A_1045] : memref<16x128xi32, #tpu.memory_space<vmem>> -> memref<1x128xi32, #tpu.memory_space<vmem>>
      %dma_wait3A_1047 = tpu.memref_squeeze %dma_wait3A_1046 : memref<1x128xi32, #tpu.memory_space<vmem>> -> memref<128xi32, #tpu.memory_space<vmem>>
      %dma_wait3A_1048 = arith.constant 0 : i32
      %dma_wait3A_1049 = arith.constant 0 : i32
      %dma_wait3A_1050 = tpu.memref_slice %arg4[%dma_wait3A_1048, %dma_wait3A_1049] : memref<10000x128xf32, #tpu.memory_space<hbm>> -> memref<10000x128xf32, #tpu.memory_space<hbm>>
      tpu.wait_indirect_dma semaphore(%arg13 : memref<!tpu.dma_semaphore, #tpu.memory_space<semaphore_mem>>) src(%dma_wait3A_1050 : memref<10000x128xf32, #tpu.memory_space<hbm>>) dst(%arg9 : memref<128x128xf32, #tpu.memory_space<vmem>>)
      %dma_wait3A_1051 = arith.constant 0 : i32
      %dma_wait3A_1052 = arith.constant 0 : i32
      %dma_wait3A_1053 = tpu.memref_slice %arg7[%dma_wait3A_1051, %dma_wait3A_1052] : memref<16x128xi32, #tpu.memory_space<vmem>> -> memref<1x128xi32, #tpu.memory_space<vmem>>
      %dma_wait3A_1054 = tpu.memref_squeeze %dma_wait3A_1053 : memref<1x128xi32, #tpu.memory_space<vmem>> -> memref<128xi32, #tpu.memory_space<vmem>>
      %dma_wait3A_1055 = arith.constant 0 : i32
      %dma_wait3A_1056 = arith.constant 0 : i32
      %dma_wait3A_1057 = tpu.memref_slice %arg11[%dma_wait3A_1055, %dma_wait3A_1056] : memref<10240x128xf32, #tpu.memory_space<vmem_shared>> -> memref<10240x128xf32, #tpu.memory_space<vmem_shared>>
      tpu.wait_indirect_dma semaphore(%arg14 : memref<!tpu.dma_semaphore, #tpu.memory_space<semaphore_mem>>) src(%arg8 : memref<128x128xf32, #tpu.memory_space<vmem>>) dst(%dma_wait3A_1057 : memref<10240x128xf32, #tpu.memory_space<vmem_shared>>)
      %add3A_1058 = arith.constant 7 : i32
      %add3A_1059 = arith.addi %mul3A_816, %add3A_1058 : i32
      %dma_start3A_1060 = arith.constant 0 : i32
      %dma_start3A_1061 = tpu.memref_slice %arg7[%add3A_1059, %dma_start3A_1060] : memref<16x128xi32, #tpu.memory_space<vmem>> -> memref<1x128xi32, #tpu.memory_space<vmem>>
      %dma_start3A_1062 = tpu.memref_squeeze %dma_start3A_1061 : memref<1x128xi32, #tpu.memory_space<vmem>> -> memref<128xi32, #tpu.memory_space<vmem>>
      %dma_start3A_1063 = arith.constant 0 : i32
      %dma_start3A_1064 = arith.constant 0 : i32
      %dma_start3A_1065 = tpu.memref_slice %arg11[%dma_start3A_1063, %dma_start3A_1064] : memref<10240x128xf32, #tpu.memory_space<vmem_shared>> -> memref<10240x128xf32, #tpu.memory_space<vmem_shared>>
      tpu.enqueue_indirect_dma source(%arg9 : memref<128x128xf32, #tpu.memory_space<vmem>>) target(%dma_start3A_1065 : memref<10240x128xf32, #tpu.memory_space<vmem_shared>>) offsets(%dma_start3A_1062 : memref<128xi32, #tpu.memory_space<vmem>>) semaphore(%arg15 : memref<!tpu.dma_semaphore, #tpu.memory_space<semaphore_mem>>) {add = true}
      %add3A_1066 = arith.constant 1 : i32
      %add3A_1067 = arith.addi %scan3A_804, %add3A_1066 : i32
      %lt3A_1068 = arith.constant 10 : i32
      %lt3A_1069 = arith.cmpi slt, %add3A_1067, %lt3A_1068 : i32
      %convert_element_type3A_1070 = arith.extui %lt3A_1069 : i1 to i32
      %cond3A_1071 = arith.constant 0 : i32
      %cond3A_1072 = arith.cmpi ne, %convert_element_type3A_1070, %cond3A_1071 : i32
      scf.if %cond3A_1072 {
        %dma_start3A_1074 = arith.constant 0 : i32
        %dma_start3A_1075 = tpu.memref_slice %arg6[%sub3A_817, %dma_start3A_1074] : memref<16x128xi32, #tpu.memory_space<vmem>> -> memref<1x128xi32, #tpu.memory_space<vmem>>
        %dma_start3A_1076 = tpu.memref_squeeze %dma_start3A_1075 : memref<1x128xi32, #tpu.memory_space<vmem>> -> memref<128xi32, #tpu.memory_space<vmem>>
        %dma_start3A_1077 = arith.constant 0 : i32
        %dma_start3A_1078 = arith.constant 0 : i32
        %dma_start3A_1079 = tpu.memref_slice %arg4[%dma_start3A_1077, %dma_start3A_1078] : memref<10000x128xf32, #tpu.memory_space<hbm>> -> memref<10000x128xf32, #tpu.memory_space<hbm>>
        tpu.enqueue_indirect_dma source(%dma_start3A_1079 : memref<10000x128xf32, #tpu.memory_space<hbm>>) target(%arg8 : memref<128x128xf32, #tpu.memory_space<vmem>>) offsets(%dma_start3A_1076 : memref<128xi32, #tpu.memory_space<vmem>>) semaphore(%arg12 : memref<!tpu.dma_semaphore, #tpu.memory_space<semaphore_mem>>)
      } else {
      }
      %scan3A_1073 = arith.constant 0 : i32
      scf.yield %scan3A_1073 : i32
    }
    %scan3A_789 = arith.constant 10 : i32
    %dma_wait3A = arith.constant 0 : i32
    %dma_wait3A_790 = arith.constant 0 : i32
    %dma_wait3A_791 = tpu.memref_slice %arg7[%dma_wait3A, %dma_wait3A_790] : memref<16x128xi32, #tpu.memory_space<vmem>> -> memref<1x128xi32, #tpu.memory_space<vmem>>
    %dma_wait3A_792 = tpu.memref_squeeze %dma_wait3A_791 : memref<1x128xi32, #tpu.memory_space<vmem>> -> memref<128xi32, #tpu.memory_space<vmem>>
    %dma_wait3A_793 = arith.constant 0 : i32
    %dma_wait3A_794 = arith.constant 0 : i32
    %dma_wait3A_795 = tpu.memref_slice %arg11[%dma_wait3A_793, %dma_wait3A_794] : memref<10240x128xf32, #tpu.memory_space<vmem_shared>> -> memref<10240x128xf32, #tpu.memory_space<vmem_shared>>
    tpu.wait_indirect_dma semaphore(%arg15 : memref<!tpu.dma_semaphore, #tpu.memory_space<semaphore_mem>>) src(%arg9 : memref<128x128xf32, #tpu.memory_space<vmem>>) dst(%dma_wait3A_795 : memref<10240x128xf32, #tpu.memory_space<vmem_shared>>)
    %barrier3A_796 = arith.constant 0 : index
    tpu.barrier barrier_id(%barrier3A_796)
    %scan3A_797 = arith.constant 0 : i32
    %scan3A_798 = arith.constant 0 : i32
    %scan3A_799 = arith.constant 5 : i32
    %scan3A_800 = arith.addi %scan3A_798, %scan3A_799 : i32
    %scan3A_801 = arith.constant 1 : i32
    %scan3A_802 = scf.for %scan3A_804 = %scan3A_798 to %scan3A_800 step %scan3A_801 iter_args(%scan3A_805 = %scan3A_797) -> (i32)  : i32 {
      %mul3A_806 = arith.constant 640 : i32
      %mul3A_807 = arith.muli %arg1, %mul3A_806 : i32
      %mul3A_808 = arith.constant 128 : i32
      %mul3A_809 = arith.muli %scan3A_804, %mul3A_808 : i32
      %add3A_810 = arith.addi %mul3A_807, %mul3A_809 : i32
      "tpu.region"() ({
        %run_scoped3A = tpu.sem_alloc : memref<!tpu.dma_semaphore, #tpu.memory_space<semaphore_mem>>
        %dma_start3A_812 = arith.constant 0 : i32
        %dma_start3A_813 = tpu.memref_slice %arg5[%arg0, %add3A_810, %dma_start3A_812] : memref<2x10240x128xf32, #tpu.memory_space<hbm>> -> memref<1x128x128xf32, #tpu.memory_space<hbm>>
        %dma_start3A_814 = tpu.memref_squeeze %dma_start3A_813 : memref<1x128x128xf32, #tpu.memory_space<hbm>> -> memref<128x128xf32, #tpu.memory_space<hbm>>
        %dma_start3A_815 = arith.constant 0 : i32
        %dma_start3A_816 = tpu.memref_slice %arg11[%add3A_810, %dma_start3A_815] : memref<10240x128xf32, #tpu.memory_space<vmem_shared>> -> memref<128x128xf32, #tpu.memory_space<vmem_shared>>
        tpu.enqueue_dma source(%dma_start3A_816 : memref<128x128xf32, #tpu.memory_space<vmem_shared>>) target(%dma_start3A_814 : memref<128x128xf32, #tpu.memory_space<hbm>>) target_semaphore(%run_scoped3A : memref<!tpu.dma_semaphore, #tpu.memory_space<semaphore_mem>>)
        %dma_wait3A_817 = arith.constant 0 : i32
        %dma_wait3A_818 = tpu.memref_slice %arg5[%arg0, %add3A_810, %dma_wait3A_817] : memref<2x10240x128xf32, #tpu.memory_space<hbm>> -> memref<1x128x128xf32, #tpu.memory_space<hbm>>
        %dma_wait3A_819 = tpu.memref_squeeze %dma_wait3A_818 : memref<1x128x128xf32, #tpu.memory_space<hbm>> -> memref<128x128xf32, #tpu.memory_space<hbm>>
        %dma_wait3A_820 = arith.constant 0 : i32
        %dma_wait3A_821 = tpu.memref_slice %arg11[%add3A_810, %dma_wait3A_820] : memref<10240x128xf32, #tpu.memory_space<vmem_shared>> -> memref<128x128xf32, #tpu.memory_space<vmem_shared>>
        tpu.wait_dma2 semaphore(%run_scoped3A : memref<!tpu.dma_semaphore, #tpu.memory_space<semaphore_mem>>) src(%dma_wait3A_821 : memref<128x128xf32, #tpu.memory_space<vmem_shared>>) dst(%dma_wait3A_819 : memref<128x128xf32, #tpu.memory_space<hbm>>)
        tpu.yield
      }) : () -> ()
      %scan3A_811 = arith.constant 0 : i32
      scf.yield %scan3A_811 : i32
    }
    %scan3A_803 = arith.constant 5 : i32
    return
  }
}

#map = affine_map<(d0, d1) -> (0, 0)>
#map1 = affine_map<(d0, d1) -> (0, 0, 0)>
module attributes {stable_mosaic.version = 14 : i64} {
  func.func @body(%arg0: i32, %arg1: i32, %arg2: memref<2560x128xi32, #tpu.memory_space<hbm>>, %arg3: memref<2560x128xi32, #tpu.memory_space<hbm>>, %arg4: memref<10000x128xf32, #tpu.memory_space<hbm>>, %arg5: memref<2x10240x128xf32, #tpu.memory_space<hbm>>, %arg6: memref<16x128xi32, #tpu.memory_space<vmem>>, %arg7: memref<16x128xi32, #tpu.memory_space<vmem>>, %arg8: memref<128x128xf32, #tpu.memory_space<vmem>>, %arg9: memref<128x128xf32, #tpu.memory_space<vmem>>, %arg10: memref<16x128xf32, #tpu.memory_space<vmem>>, %arg11: memref<10240x128xf32, #tpu.memory_space<vmem_shared>>, %arg12: memref<!tpu.dma_semaphore, #tpu.memory_space<semaphore_mem>>, %arg13: memref<!tpu.dma_semaphore, #tpu.memory_space<semaphore_mem>>, %arg14: memref<!tpu.dma_semaphore, #tpu.memory_space<semaphore_mem>>, %arg15: memref<!tpu.dma_semaphore, #tpu.memory_space<semaphore_mem>>) attributes {dimension_semantics = [#tpu.dimension_semantics<core_parallel>, #tpu.dimension_semantics<subcore_parallel>], iteration_bounds = array<i64: 2, 16>, scalar_prefetch = 0 : i64, scratch_operands = 10 : i64, tpu.core_type = #tpu.core_type<sc_vector_subcore>, window_params = [{transform_indices = #map}, {transform_indices = #map}, {transform_indices = #map}, {transform_indices = #map1}]} {
    %mul3A = arith.constant 16 : i32
    %mul3A_0 = arith.muli %arg0, %mul3A : i32
    %add3A = arith.addi %mul3A_0, %arg1 : i32
    %broadcast_in_dim3A = arith.constant 0.000000e+00 : f32
    %broadcast_in_dim3A_1 = vector.broadcast %broadcast_in_dim3A : f32 to vector<16xf32>
    %swap3A = arith.constant 0 : i32
    %swap3A_2 = arith.index_cast %swap3A : i32 to index
    %swap3A_3 = arith.constant 0 : index
    %swap3A_4 = tpu.vector_load %arg10[%swap3A_2, %swap3A_3] {strides = array<i32>} : memref<16x128xf32, #tpu.memory_space<vmem>>, vector<1x16xf32>,
    %swap3A_5 = vector.shape_cast %swap3A_4 : vector<1x16xf32> to vector<16xf32>
    %swap3A_6 = vector.shape_cast %broadcast_in_dim3A_1 : vector<16xf32> to vector<1x16xf32>
    tpu.vector_store %arg10[%swap3A_2, %swap3A_3], %swap3A_6 {strides = array<i32>} : memref<16x128xf32, #tpu.memory_space<vmem>>, vector<1x16xf32>,
    %swap3A_7 = arith.constant 0 : i32
    %swap3A_8 = arith.index_cast %swap3A_7 : i32 to index
    %swap3A_9 = arith.constant 16 : index
    %swap3A_10 = tpu.vector_load %arg10[%swap3A_8, %swap3A_9] {strides = array<i32>} : memref<16x128xf32, #tpu.memory_space<vmem>>, vector<1x16xf32>,
    %swap3A_11 = vector.shape_cast %swap3A_10 : vector<1x16xf32> to vector<16xf32>
    %swap3A_12 = vector.shape_cast %broadcast_in_dim3A_1 : vector<16xf32> to vector<1x16xf32>
    tpu.vector_store %arg10[%swap3A_8, %swap3A_9], %swap3A_12 {strides = array<i32>} : memref<16x128xf32, #tpu.memory_space<vmem>>, vector<1x16xf32>,
    %swap3A_13 = arith.constant 0 : i32
    %swap3A_14 = arith.index_cast %swap3A_13 : i32 to index
    %swap3A_15 = arith.constant 32 : index
    %swap3A_16 = tpu.vector_load %arg10[%swap3A_14, %swap3A_15] {strides = array<i32>} : memref<16x128xf32, #tpu.memory_space<vmem>>, vector<1x16xf32>,
    %swap3A_17 = vector.shape_cast %swap3A_16 : vector<1x16xf32> to vector<16xf32>
    %swap3A_18 = vector.shape_cast %broadcast_in_dim3A_1 : vector<16xf32> to vector<1x16xf32>
    tpu.vector_store %arg10[%swap3A_14, %swap3A_15], %swap3A_18 {strides = array<i32>} : memref<16x128xf32, #tpu.memory_space<vmem>>, vector<1x16xf32>,
    %swap3A_19 = arith.constant 0 : i32
    %swap3A_20 = arith.index_cast %swap3A_19 : i32 to index
    %swap3A_21 = arith.constant 48 : index
    %swap3A_22 = tpu.vector_load %arg10[%swap3A_20, %swap3A_21] {strides = array<i32>} : memref<16x128xf32, #tpu.memory_space<vmem>>, vector<1x16xf32>,
    %swap3A_23 = vector.shape_cast %swap3A_22 : vector<1x16xf32> to vector<16xf32>
    %swap3A_24 = vector.shape_cast %broadcast_in_dim3A_1 : vector<16xf32> to vector<1x16xf32>
    tpu.vector_store %arg10[%swap3A_20, %swap3A_21], %swap3A_24 {strides = array<i32>} : memref<16x128xf32, #tpu.memory_space<vmem>>, vector<1x16xf32>,
    %swap3A_25 = arith.constant 0 : i32
    %swap3A_26 = arith.index_cast %swap3A_25 : i32 to index
    %swap3A_27 = arith.constant 64 : index
    %swap3A_28 = tpu.vector_load %arg10[%swap3A_26, %swap3A_27] {strides = array<i32>} : memref<16x128xf32, #tpu.memory_space<vmem>>, vector<1x16xf32>,
    %swap3A_29 = vector.shape_cast %swap3A_28 : vector<1x16xf32> to vector<16xf32>
    %swap3A_30 = vector.shape_cast %broadcast_in_dim3A_1 : vector<16xf32> to vector<1x16xf32>
    tpu.vector_store %arg10[%swap3A_26, %swap3A_27], %swap3A_30 {strides = array<i32>} : memref<16x128xf32, #tpu.memory_space<vmem>>, vector<1x16xf32>,
    %swap3A_31 = arith.constant 0 : i32
    %swap3A_32 = arith.index_cast %swap3A_31 : i32 to index
    %swap3A_33 = arith.constant 80 : index
    %swap3A_34 = tpu.vector_load %arg10[%swap3A_32, %swap3A_33] {strides = array<i32>} : memref<16x128xf32, #tpu.memory_space<vmem>>, vector<1x16xf32>,
    %swap3A_35 = vector.shape_cast %swap3A_34 : vector<1x16xf32> to vector<16xf32>
    %swap3A_36 = vector.shape_cast %broadcast_in_dim3A_1 : vector<16xf32> to vector<1x16xf32>
    tpu.vector_store %arg10[%swap3A_32, %swap3A_33], %swap3A_36 {strides = array<i32>} : memref<16x128xf32, #tpu.memory_space<vmem>>, vector<1x16xf32>,
    %swap3A_37 = arith.constant 0 : i32
    %swap3A_38 = arith.index_cast %swap3A_37 : i32 to index
    %swap3A_39 = arith.constant 96 : index
    %swap3A_40 = tpu.vector_load %arg10[%swap3A_38, %swap3A_39] {strides = array<i32>} : memref<16x128xf32, #tpu.memory_space<vmem>>, vector<1x16xf32>,
    %swap3A_41 = vector.shape_cast %swap3A_40 : vector<1x16xf32> to vector<16xf32>
    %swap3A_42 = vector.shape_cast %broadcast_in_dim3A_1 : vector<16xf32> to vector<1x16xf32>
    tpu.vector_store %arg10[%swap3A_38, %swap3A_39], %swap3A_42 {strides = array<i32>} : memref<16x128xf32, #tpu.memory_space<vmem>>, vector<1x16xf32>,
    %swap3A_43 = arith.constant 0 : i32
    %swap3A_44 = arith.index_cast %swap3A_43 : i32 to index
    %swap3A_45 = arith.constant 112 : index
    %swap3A_46 = tpu.vector_load %arg10[%swap3A_44, %swap3A_45] {strides = array<i32>} : memref<16x128xf32, #tpu.memory_space<vmem>>, vector<1x16xf32>,
    %swap3A_47 = vector.shape_cast %swap3A_46 : vector<1x16xf32> to vector<16xf32>
    %swap3A_48 = vector.shape_cast %broadcast_in_dim3A_1 : vector<16xf32> to vector<1x16xf32>
    tpu.vector_store %arg10[%swap3A_44, %swap3A_45], %swap3A_48 {strides = array<i32>} : memref<16x128xf32, #tpu.memory_space<vmem>>, vector<1x16xf32>,
    %swap3A_49 = arith.constant 1 : i32
    %swap3A_50 = arith.index_cast %swap3A_49 : i32 to index
    %swap3A_51 = arith.constant 0 : index
    %swap3A_52 = tpu.vector_load %arg10[%swap3A_50, %swap3A_51] {strides = array<i32>} : memref<16x128xf32, #tpu.memory_space<vmem>>, vector<1x16xf32>,
    %swap3A_53 = vector.shape_cast %swap3A_52 : vector<1x16xf32> to vector<16xf32>
    %swap3A_54 = vector.shape_cast %broadcast_in_dim3A_1 : vector<16xf32> to vector<1x16xf32>
    tpu.vector_store %arg10[%swap3A_50, %swap3A_51], %swap3A_54 {strides = array<i32>} : memref<16x128xf32, #tpu.memory_space<vmem>>, vector<1x16xf32>,
    %swap3A_55 = arith.constant 1 : i32
    %swap3A_56 = arith.index_cast %swap3A_55 : i32 to index
    %swap3A_57 = arith.constant 16 : index
    %swap3A_58 = tpu.vector_load %arg10[%swap3A_56, %swap3A_57] {strides = array<i32>} : memref<16x128xf32, #tpu.memory_space<vmem>>, vector<1x16xf32>,
    %swap3A_59 = vector.shape_cast %swap3A_58 : vector<1x16xf32> to vector<16xf32>
    %swap3A_60 = vector.shape_cast %broadcast_in_dim3A_1 : vector<16xf32> to vector<1x16xf32>
    tpu.vector_store %arg10[%swap3A_56, %swap3A_57], %swap3A_60 {strides = array<i32>} : memref<16x128xf32, #tpu.memory_space<vmem>>, vector<1x16xf32>,
    %swap3A_61 = arith.constant 1 : i32
    %swap3A_62 = arith.index_cast %swap3A_61 : i32 to index
    %swap3A_63 = arith.constant 32 : index
    %swap3A_64 = tpu.vector_load %arg10[%swap3A_62, %swap3A_63] {strides = array<i32>} : memref<16x128xf32, #tpu.memory_space<vmem>>, vector<1x16xf32>,
    %swap3A_65 = vector.shape_cast %swap3A_64 : vector<1x16xf32> to vector<16xf32>
    %swap3A_66 = vector.shape_cast %broadcast_in_dim3A_1 : vector<16xf32> to vector<1x16xf32>
    tpu.vector_store %arg10[%swap3A_62, %swap3A_63], %swap3A_66 {strides = array<i32>} : memref<16x128xf32, #tpu.memory_space<vmem>>, vector<1x16xf32>,
    %swap3A_67 = arith.constant 1 : i32
    %swap3A_68 = arith.index_cast %swap3A_67 : i32 to index
    %swap3A_69 = arith.constant 48 : index
    %swap3A_70 = tpu.vector_load %arg10[%swap3A_68, %swap3A_69] {strides = array<i32>} : memref<16x128xf32, #tpu.memory_space<vmem>>, vector<1x16xf32>,
    %swap3A_71 = vector.shape_cast %swap3A_70 : vector<1x16xf32> to vector<16xf32>
    %swap3A_72 = vector.shape_cast %broadcast_in_dim3A_1 : vector<16xf32> to vector<1x16xf32>
    tpu.vector_store %arg10[%swap3A_68, %swap3A_69], %swap3A_72 {strides = array<i32>} : memref<16x128xf32, #tpu.memory_space<vmem>>, vector<1x16xf32>,
    %swap3A_73 = arith.constant 1 : i32
    %swap3A_74 = arith.index_cast %swap3A_73 : i32 to index
    %swap3A_75 = arith.constant 64 : index
    %swap3A_76 = tpu.vector_load %arg10[%swap3A_74, %swap3A_75] {strides = array<i32>} : memref<16x128xf32, #tpu.memory_space<vmem>>, vector<1x16xf32>,
    %swap3A_77 = vector.shape_cast %swap3A_76 : vector<1x16xf32> to vector<16xf32>
    %swap3A_78 = vector.shape_cast %broadcast_in_dim3A_1 : vector<16xf32> to vector<1x16xf32>
    tpu.vector_store %arg10[%swap3A_74, %swap3A_75], %swap3A_78 {strides = array<i32>} : memref<16x128xf32, #tpu.memory_space<vmem>>, vector<1x16xf32>,
    %swap3A_79 = arith.constant 1 : i32
    %swap3A_80 = arith.index_cast %swap3A_79 : i32 to index
    %swap3A_81 = arith.constant 80 : index
    %swap3A_82 = tpu.vector_load %arg10[%swap3A_80, %swap3A_81] {strides = array<i32>} : memref<16x128xf32, #tpu.memory_space<vmem>>, vector<1x16xf32>,
    %swap3A_83 = vector.shape_cast %swap3A_82 : vector<1x16xf32> to vector<16xf32>
    %swap3A_84 = vector.shape_cast %broadcast_in_dim3A_1 : vector<16xf32> to vector<1x16xf32>
    tpu.vector_store %arg10[%swap3A_80, %swap3A_81], %swap3A_84 {strides = array<i32>} : memref<16x128xf32, #tpu.memory_space<vmem>>, vector<1x16xf32>,
    %swap3A_85 = arith.constant 1 : i32
    %swap3A_86 = arith.index_cast %swap3A_85 : i32 to index
    %swap3A_87 = arith.constant 96 : index
    %swap3A_88 = tpu.vector_load %arg10[%swap3A_86, %swap3A_87] {strides = array<i32>} : memref<16x128xf32, #tpu.memory_space<vmem>>, vector<1x16xf32>,
    %swap3A_89 = vector.shape_cast %swap3A_88 : vector<1x16xf32> to vector<16xf32>
    %swap3A_90 = vector.shape_cast %broadcast_in_dim3A_1 : vector<16xf32> to vector<1x16xf32>
    tpu.vector_store %arg10[%swap3A_86, %swap3A_87], %swap3A_90 {strides = array<i32>} : memref<16x128xf32, #tpu.memory_space<vmem>>, vector<1x16xf32>,
    %swap3A_91 = arith.constant 1 : i32
    %swap3A_92 = arith.index_cast %swap3A_91 : i32 to index
    %swap3A_93 = arith.constant 112 : index
    %swap3A_94 = tpu.vector_load %arg10[%swap3A_92, %swap3A_93] {strides = array<i32>} : memref<16x128xf32, #tpu.memory_space<vmem>>, vector<1x16xf32>,
    %swap3A_95 = vector.shape_cast %swap3A_94 : vector<1x16xf32> to vector<16xf32>
    %swap3A_96 = vector.shape_cast %broadcast_in_dim3A_1 : vector<16xf32> to vector<1x16xf32>
    tpu.vector_store %arg10[%swap3A_92, %swap3A_93], %swap3A_96 {strides = array<i32>} : memref<16x128xf32, #tpu.memory_space<vmem>>, vector<1x16xf32>,
    %swap3A_97 = arith.constant 2 : i32
    %swap3A_98 = arith.index_cast %swap3A_97 : i32 to index
    %swap3A_99 = arith.constant 0 : index
    %swap3A_100 = tpu.vector_load %arg10[%swap3A_98, %swap3A_99] {strides = array<i32>} : memref<16x128xf32, #tpu.memory_space<vmem>>, vector<1x16xf32>,
    %swap3A_101 = vector.shape_cast %swap3A_100 : vector<1x16xf32> to vector<16xf32>
    %swap3A_102 = vector.shape_cast %broadcast_in_dim3A_1 : vector<16xf32> to vector<1x16xf32>
    tpu.vector_store %arg10[%swap3A_98, %swap3A_99], %swap3A_102 {strides = array<i32>} : memref<16x128xf32, #tpu.memory_space<vmem>>, vector<1x16xf32>,
    %swap3A_103 = arith.constant 2 : i32
    %swap3A_104 = arith.index_cast %swap3A_103 : i32 to index
    %swap3A_105 = arith.constant 16 : index
    %swap3A_106 = tpu.vector_load %arg10[%swap3A_104, %swap3A_105] {strides = array<i32>} : memref<16x128xf32, #tpu.memory_space<vmem>>, vector<1x16xf32>,
    %swap3A_107 = vector.shape_cast %swap3A_106 : vector<1x16xf32> to vector<16xf32>
    %swap3A_108 = vector.shape_cast %broadcast_in_dim3A_1 : vector<16xf32> to vector<1x16xf32>
    tpu.vector_store %arg10[%swap3A_104, %swap3A_105], %swap3A_108 {strides = array<i32>} : memref<16x128xf32, #tpu.memory_space<vmem>>, vector<1x16xf32>,
    %swap3A_109 = arith.constant 2 : i32
    %swap3A_110 = arith.index_cast %swap3A_109 : i32 to index
    %swap3A_111 = arith.constant 32 : index
    %swap3A_112 = tpu.vector_load %arg10[%swap3A_110, %swap3A_111] {strides = array<i32>} : memref<16x128xf32, #tpu.memory_space<vmem>>, vector<1x16xf32>,
    %swap3A_113 = vector.shape_cast %swap3A_112 : vector<1x16xf32> to vector<16xf32>
    %swap3A_114 = vector.shape_cast %broadcast_in_dim3A_1 : vector<16xf32> to vector<1x16xf32>
    tpu.vector_store %arg10[%swap3A_110, %swap3A_111], %swap3A_114 {strides = array<i32>} : memref<16x128xf32, #tpu.memory_space<vmem>>, vector<1x16xf32>,
    %swap3A_115 = arith.constant 2 : i32
    %swap3A_116 = arith.index_cast %swap3A_115 : i32 to index
    %swap3A_117 = arith.constant 48 : index
    %swap3A_118 = tpu.vector_load %arg10[%swap3A_116, %swap3A_117] {strides = array<i32>} : memref<16x128xf32, #tpu.memory_space<vmem>>, vector<1x16xf32>,
    %swap3A_119 = vector.shape_cast %swap3A_118 : vector<1x16xf32> to vector<16xf32>
    %swap3A_120 = vector.shape_cast %broadcast_in_dim3A_1 : vector<16xf32> to vector<1x16xf32>
    tpu.vector_store %arg10[%swap3A_116, %swap3A_117], %swap3A_120 {strides = array<i32>} : memref<16x128xf32, #tpu.memory_space<vmem>>, vector<1x16xf32>,
    %swap3A_121 = arith.constant 2 : i32
    %swap3A_122 = arith.index_cast %swap3A_121 : i32 to index
    %swap3A_123 = arith.constant 64 : index
    %swap3A_124 = tpu.vector_load %arg10[%swap3A_122, %swap3A_123] {strides = array<i32>} : memref<16x128xf32, #tpu.memory_space<vmem>>, vector<1x16xf32>,
    %swap3A_125 = vector.shape_cast %swap3A_124 : vector<1x16xf32> to vector<16xf32>
    %swap3A_126 = vector.shape_cast %broadcast_in_dim3A_1 : vector<16xf32> to vector<1x16xf32>
    tpu.vector_store %arg10[%swap3A_122, %swap3A_123], %swap3A_126 {strides = array<i32>} : memref<16x128xf32, #tpu.memory_space<vmem>>, vector<1x16xf32>,
    %swap3A_127 = arith.constant 2 : i32
    %swap3A_128 = arith.index_cast %swap3A_127 : i32 to index
    %swap3A_129 = arith.constant 80 : index
    %swap3A_130 = tpu.vector_load %arg10[%swap3A_128, %swap3A_129] {strides = array<i32>} : memref<16x128xf32, #tpu.memory_space<vmem>>, vector<1x16xf32>,
    %swap3A_131 = vector.shape_cast %swap3A_130 : vector<1x16xf32> to vector<16xf32>
    %swap3A_132 = vector.shape_cast %broadcast_in_dim3A_1 : vector<16xf32> to vector<1x16xf32>
    tpu.vector_store %arg10[%swap3A_128, %swap3A_129], %swap3A_132 {strides = array<i32>} : memref<16x128xf32, #tpu.memory_space<vmem>>, vector<1x16xf32>,
    %swap3A_133 = arith.constant 2 : i32
    %swap3A_134 = arith.index_cast %swap3A_133 : i32 to index
    %swap3A_135 = arith.constant 96 : index
    %swap3A_136 = tpu.vector_load %arg10[%swap3A_134, %swap3A_135] {strides = array<i32>} : memref<16x128xf32, #tpu.memory_space<vmem>>, vector<1x16xf32>,
    %swap3A_137 = vector.shape_cast %swap3A_136 : vector<1x16xf32> to vector<16xf32>
    %swap3A_138 = vector.shape_cast %broadcast_in_dim3A_1 : vector<16xf32> to vector<1x16xf32>
    tpu.vector_store %arg10[%swap3A_134, %swap3A_135], %swap3A_138 {strides = array<i32>} : memref<16x128xf32, #tpu.memory_space<vmem>>, vector<1x16xf32>,
    %swap3A_139 = arith.constant 2 : i32
    %swap3A_140 = arith.index_cast %swap3A_139 : i32 to index
    %swap3A_141 = arith.constant 112 : index
    %swap3A_142 = tpu.vector_load %arg10[%swap3A_140, %swap3A_141] {strides = array<i32>} : memref<16x128xf32, #tpu.memory_space<vmem>>, vector<1x16xf32>,
    %swap3A_143 = vector.shape_cast %swap3A_142 : vector<1x16xf32> to vector<16xf32>
    %swap3A_144 = vector.shape_cast %broadcast_in_dim3A_1 : vector<16xf32> to vector<1x16xf32>
    tpu.vector_store %arg10[%swap3A_140, %swap3A_141], %swap3A_144 {strides = array<i32>} : memref<16x128xf32, #tpu.memory_space<vmem>>, vector<1x16xf32>,
    %swap3A_145 = arith.constant 3 : i32
    %swap3A_146 = arith.index_cast %swap3A_145 : i32 to index
    %swap3A_147 = arith.constant 0 : index
    %swap3A_148 = tpu.vector_load %arg10[%swap3A_146, %swap3A_147] {strides = array<i32>} : memref<16x128xf32, #tpu.memory_space<vmem>>, vector<1x16xf32>,
    %swap3A_149 = vector.shape_cast %swap3A_148 : vector<1x16xf32> to vector<16xf32>
    %swap3A_150 = vector.shape_cast %broadcast_in_dim3A_1 : vector<16xf32> to vector<1x16xf32>
    tpu.vector_store %arg10[%swap3A_146, %swap3A_147], %swap3A_150 {strides = array<i32>} : memref<16x128xf32, #tpu.memory_space<vmem>>, vector<1x16xf32>,
    %swap3A_151 = arith.constant 3 : i32
    %swap3A_152 = arith.index_cast %swap3A_151 : i32 to index
    %swap3A_153 = arith.constant 16 : index
    %swap3A_154 = tpu.vector_load %arg10[%swap3A_152, %swap3A_153] {strides = array<i32>} : memref<16x128xf32, #tpu.memory_space<vmem>>, vector<1x16xf32>,
    %swap3A_155 = vector.shape_cast %swap3A_154 : vector<1x16xf32> to vector<16xf32>
    %swap3A_156 = vector.shape_cast %broadcast_in_dim3A_1 : vector<16xf32> to vector<1x16xf32>
    tpu.vector_store %arg10[%swap3A_152, %swap3A_153], %swap3A_156 {strides = array<i32>} : memref<16x128xf32, #tpu.memory_space<vmem>>, vector<1x16xf32>,
    %swap3A_157 = arith.constant 3 : i32
    %swap3A_158 = arith.index_cast %swap3A_157 : i32 to index
    %swap3A_159 = arith.constant 32 : index
    %swap3A_160 = tpu.vector_load %arg10[%swap3A_158, %swap3A_159] {strides = array<i32>} : memref<16x128xf32, #tpu.memory_space<vmem>>, vector<1x16xf32>,
    %swap3A_161 = vector.shape_cast %swap3A_160 : vector<1x16xf32> to vector<16xf32>
    %swap3A_162 = vector.shape_cast %broadcast_in_dim3A_1 : vector<16xf32> to vector<1x16xf32>
    tpu.vector_store %arg10[%swap3A_158, %swap3A_159], %swap3A_162 {strides = array<i32>} : memref<16x128xf32, #tpu.memory_space<vmem>>, vector<1x16xf32>,
    %swap3A_163 = arith.constant 3 : i32
    %swap3A_164 = arith.index_cast %swap3A_163 : i32 to index
    %swap3A_165 = arith.constant 48 : index
    %swap3A_166 = tpu.vector_load %arg10[%swap3A_164, %swap3A_165] {strides = array<i32>} : memref<16x128xf32, #tpu.memory_space<vmem>>, vector<1x16xf32>,
    %swap3A_167 = vector.shape_cast %swap3A_166 : vector<1x16xf32> to vector<16xf32>
    %swap3A_168 = vector.shape_cast %broadcast_in_dim3A_1 : vector<16xf32> to vector<1x16xf32>
    tpu.vector_store %arg10[%swap3A_164, %swap3A_165], %swap3A_168 {strides = array<i32>} : memref<16x128xf32, #tpu.memory_space<vmem>>, vector<1x16xf32>,
    %swap3A_169 = arith.constant 3 : i32
    %swap3A_170 = arith.index_cast %swap3A_169 : i32 to index
    %swap3A_171 = arith.constant 64 : index
    %swap3A_172 = tpu.vector_load %arg10[%swap3A_170, %swap3A_171] {strides = array<i32>} : memref<16x128xf32, #tpu.memory_space<vmem>>, vector<1x16xf32>,
    %swap3A_173 = vector.shape_cast %swap3A_172 : vector<1x16xf32> to vector<16xf32>
    %swap3A_174 = vector.shape_cast %broadcast_in_dim3A_1 : vector<16xf32> to vector<1x16xf32>
    tpu.vector_store %arg10[%swap3A_170, %swap3A_171], %swap3A_174 {strides = array<i32>} : memref<16x128xf32, #tpu.memory_space<vmem>>, vector<1x16xf32>,
    %swap3A_175 = arith.constant 3 : i32
    %swap3A_176 = arith.index_cast %swap3A_175 : i32 to index
    %swap3A_177 = arith.constant 80 : index
    %swap3A_178 = tpu.vector_load %arg10[%swap3A_176, %swap3A_177] {strides = array<i32>} : memref<16x128xf32, #tpu.memory_space<vmem>>, vector<1x16xf32>,
    %swap3A_179 = vector.shape_cast %swap3A_178 : vector<1x16xf32> to vector<16xf32>
    %swap3A_180 = vector.shape_cast %broadcast_in_dim3A_1 : vector<16xf32> to vector<1x16xf32>
    tpu.vector_store %arg10[%swap3A_176, %swap3A_177], %swap3A_180 {strides = array<i32>} : memref<16x128xf32, #tpu.memory_space<vmem>>, vector<1x16xf32>,
    %swap3A_181 = arith.constant 3 : i32
    %swap3A_182 = arith.index_cast %swap3A_181 : i32 to index
    %swap3A_183 = arith.constant 96 : index
    %swap3A_184 = tpu.vector_load %arg10[%swap3A_182, %swap3A_183] {strides = array<i32>} : memref<16x128xf32, #tpu.memory_space<vmem>>, vector<1x16xf32>,
    %swap3A_185 = vector.shape_cast %swap3A_184 : vector<1x16xf32> to vector<16xf32>
    %swap3A_186 = vector.shape_cast %broadcast_in_dim3A_1 : vector<16xf32> to vector<1x16xf32>
    tpu.vector_store %arg10[%swap3A_182, %swap3A_183], %swap3A_186 {strides = array<i32>} : memref<16x128xf32, #tpu.memory_space<vmem>>, vector<1x16xf32>,
    %swap3A_187 = arith.constant 3 : i32
    %swap3A_188 = arith.index_cast %swap3A_187 : i32 to index
    %swap3A_189 = arith.constant 112 : index
    %swap3A_190 = tpu.vector_load %arg10[%swap3A_188, %swap3A_189] {strides = array<i32>} : memref<16x128xf32, #tpu.memory_space<vmem>>, vector<1x16xf32>,
    %swap3A_191 = vector.shape_cast %swap3A_190 : vector<1x16xf32> to vector<16xf32>
    %swap3A_192 = vector.shape_cast %broadcast_in_dim3A_1 : vector<16xf32> to vector<1x16xf32>
    tpu.vector_store %arg10[%swap3A_188, %swap3A_189], %swap3A_192 {strides = array<i32>} : memref<16x128xf32, #tpu.memory_space<vmem>>, vector<1x16xf32>,
    %swap3A_193 = arith.constant 4 : i32
    %swap3A_194 = arith.index_cast %swap3A_193 : i32 to index
    %swap3A_195 = arith.constant 0 : index
    %swap3A_196 = tpu.vector_load %arg10[%swap3A_194, %swap3A_195] {strides = array<i32>} : memref<16x128xf32, #tpu.memory_space<vmem>>, vector<1x16xf32>,
    %swap3A_197 = vector.shape_cast %swap3A_196 : vector<1x16xf32> to vector<16xf32>
    %swap3A_198 = vector.shape_cast %broadcast_in_dim3A_1 : vector<16xf32> to vector<1x16xf32>
    tpu.vector_store %arg10[%swap3A_194, %swap3A_195], %swap3A_198 {strides = array<i32>} : memref<16x128xf32, #tpu.memory_space<vmem>>, vector<1x16xf32>,
    %swap3A_199 = arith.constant 4 : i32
    %swap3A_200 = arith.index_cast %swap3A_199 : i32 to index
    %swap3A_201 = arith.constant 16 : index
    %swap3A_202 = tpu.vector_load %arg10[%swap3A_200, %swap3A_201] {strides = array<i32>} : memref<16x128xf32, #tpu.memory_space<vmem>>, vector<1x16xf32>,
    %swap3A_203 = vector.shape_cast %swap3A_202 : vector<1x16xf32> to vector<16xf32>
    %swap3A_204 = vector.shape_cast %broadcast_in_dim3A_1 : vector<16xf32> to vector<1x16xf32>
    tpu.vector_store %arg10[%swap3A_200, %swap3A_201], %swap3A_204 {strides = array<i32>} : memref<16x128xf32, #tpu.memory_space<vmem>>, vector<1x16xf32>,
    %swap3A_205 = arith.constant 4 : i32
    %swap3A_206 = arith.index_cast %swap3A_205 : i32 to index
    %swap3A_207 = arith.constant 32 : index
    %swap3A_208 = tpu.vector_load %arg10[%swap3A_206, %swap3A_207] {strides = array<i32>} : memref<16x128xf32, #tpu.memory_space<vmem>>, vector<1x16xf32>,
    %swap3A_209 = vector.shape_cast %swap3A_208 : vector<1x16xf32> to vector<16xf32>
    %swap3A_210 = vector.shape_cast %broadcast_in_dim3A_1 : vector<16xf32> to vector<1x16xf32>
    tpu.vector_store %arg10[%swap3A_206, %swap3A_207], %swap3A_210 {strides = array<i32>} : memref<16x128xf32, #tpu.memory_space<vmem>>, vector<1x16xf32>,
    %swap3A_211 = arith.constant 4 : i32
    %swap3A_212 = arith.index_cast %swap3A_211 : i32 to index
    %swap3A_213 = arith.constant 48 : index
    %swap3A_214 = tpu.vector_load %arg10[%swap3A_212, %swap3A_213] {strides = array<i32>} : memref<16x128xf32, #tpu.memory_space<vmem>>, vector<1x16xf32>,
    %swap3A_215 = vector.shape_cast %swap3A_214 : vector<1x16xf32> to vector<16xf32>
    %swap3A_216 = vector.shape_cast %broadcast_in_dim3A_1 : vector<16xf32> to vector<1x16xf32>
    tpu.vector_store %arg10[%swap3A_212, %swap3A_213], %swap3A_216 {strides = array<i32>} : memref<16x128xf32, #tpu.memory_space<vmem>>, vector<1x16xf32>,
    %swap3A_217 = arith.constant 4 : i32
    %swap3A_218 = arith.index_cast %swap3A_217 : i32 to index
    %swap3A_219 = arith.constant 64 : index
    %swap3A_220 = tpu.vector_load %arg10[%swap3A_218, %swap3A_219] {strides = array<i32>} : memref<16x128xf32, #tpu.memory_space<vmem>>, vector<1x16xf32>,
    %swap3A_221 = vector.shape_cast %swap3A_220 : vector<1x16xf32> to vector<16xf32>
    %swap3A_222 = vector.shape_cast %broadcast_in_dim3A_1 : vector<16xf32> to vector<1x16xf32>
    tpu.vector_store %arg10[%swap3A_218, %swap3A_219], %swap3A_222 {strides = array<i32>} : memref<16x128xf32, #tpu.memory_space<vmem>>, vector<1x16xf32>,
    %swap3A_223 = arith.constant 4 : i32
    %swap3A_224 = arith.index_cast %swap3A_223 : i32 to index
    %swap3A_225 = arith.constant 80 : index
    %swap3A_226 = tpu.vector_load %arg10[%swap3A_224, %swap3A_225] {strides = array<i32>} : memref<16x128xf32, #tpu.memory_space<vmem>>, vector<1x16xf32>,
    %swap3A_227 = vector.shape_cast %swap3A_226 : vector<1x16xf32> to vector<16xf32>
    %swap3A_228 = vector.shape_cast %broadcast_in_dim3A_1 : vector<16xf32> to vector<1x16xf32>
    tpu.vector_store %arg10[%swap3A_224, %swap3A_225], %swap3A_228 {strides = array<i32>} : memref<16x128xf32, #tpu.memory_space<vmem>>, vector<1x16xf32>,
    %swap3A_229 = arith.constant 4 : i32
    %swap3A_230 = arith.index_cast %swap3A_229 : i32 to index
    %swap3A_231 = arith.constant 96 : index
    %swap3A_232 = tpu.vector_load %arg10[%swap3A_230, %swap3A_231] {strides = array<i32>} : memref<16x128xf32, #tpu.memory_space<vmem>>, vector<1x16xf32>,
    %swap3A_233 = vector.shape_cast %swap3A_232 : vector<1x16xf32> to vector<16xf32>
    %swap3A_234 = vector.shape_cast %broadcast_in_dim3A_1 : vector<16xf32> to vector<1x16xf32>
    tpu.vector_store %arg10[%swap3A_230, %swap3A_231], %swap3A_234 {strides = array<i32>} : memref<16x128xf32, #tpu.memory_space<vmem>>, vector<1x16xf32>,
    %swap3A_235 = arith.constant 4 : i32
    %swap3A_236 = arith.index_cast %swap3A_235 : i32 to index
    %swap3A_237 = arith.constant 112 : index
    %swap3A_238 = tpu.vector_load %arg10[%swap3A_236, %swap3A_237] {strides = array<i32>} : memref<16x128xf32, #tpu.memory_space<vmem>>, vector<1x16xf32>,
    %swap3A_239 = vector.shape_cast %swap3A_238 : vector<1x16xf32> to vector<16xf32>
    %swap3A_240 = vector.shape_cast %broadcast_in_dim3A_1 : vector<16xf32> to vector<1x16xf32>
    tpu.vector_store %arg10[%swap3A_236, %swap3A_237], %swap3A_240 {strides = array<i32>} : memref<16x128xf32, #tpu.memory_space<vmem>>, vector<1x16xf32>,
    %swap3A_241 = arith.constant 5 : i32
    %swap3A_242 = arith.index_cast %swap3A_241 : i32 to index
    %swap3A_243 = arith.constant 0 : index
    %swap3A_244 = tpu.vector_load %arg10[%swap3A_242, %swap3A_243] {strides = array<i32>} : memref<16x128xf32, #tpu.memory_space<vmem>>, vector<1x16xf32>,
    %swap3A_245 = vector.shape_cast %swap3A_244 : vector<1x16xf32> to vector<16xf32>
    %swap3A_246 = vector.shape_cast %broadcast_in_dim3A_1 : vector<16xf32> to vector<1x16xf32>
    tpu.vector_store %arg10[%swap3A_242, %swap3A_243], %swap3A_246 {strides = array<i32>} : memref<16x128xf32, #tpu.memory_space<vmem>>, vector<1x16xf32>,
    %swap3A_247 = arith.constant 5 : i32
    %swap3A_248 = arith.index_cast %swap3A_247 : i32 to index
    %swap3A_249 = arith.constant 16 : index
    %swap3A_250 = tpu.vector_load %arg10[%swap3A_248, %swap3A_249] {strides = array<i32>} : memref<16x128xf32, #tpu.memory_space<vmem>>, vector<1x16xf32>,
    %swap3A_251 = vector.shape_cast %swap3A_250 : vector<1x16xf32> to vector<16xf32>
    %swap3A_252 = vector.shape_cast %broadcast_in_dim3A_1 : vector<16xf32> to vector<1x16xf32>
    tpu.vector_store %arg10[%swap3A_248, %swap3A_249], %swap3A_252 {strides = array<i32>} : memref<16x128xf32, #tpu.memory_space<vmem>>, vector<1x16xf32>,
    %swap3A_253 = arith.constant 5 : i32
    %swap3A_254 = arith.index_cast %swap3A_253 : i32 to index
    %swap3A_255 = arith.constant 32 : index
    %swap3A_256 = tpu.vector_load %arg10[%swap3A_254, %swap3A_255] {strides = array<i32>} : memref<16x128xf32, #tpu.memory_space<vmem>>, vector<1x16xf32>,
    %swap3A_257 = vector.shape_cast %swap3A_256 : vector<1x16xf32> to vector<16xf32>
    %swap3A_258 = vector.shape_cast %broadcast_in_dim3A_1 : vector<16xf32> to vector<1x16xf32>
    tpu.vector_store %arg10[%swap3A_254, %swap3A_255], %swap3A_258 {strides = array<i32>} : memref<16x128xf32, #tpu.memory_space<vmem>>, vector<1x16xf32>,
    %swap3A_259 = arith.constant 5 : i32
    %swap3A_260 = arith.index_cast %swap3A_259 : i32 to index
    %swap3A_261 = arith.constant 48 : index
    %swap3A_262 = tpu.vector_load %arg10[%swap3A_260, %swap3A_261] {strides = array<i32>} : memref<16x128xf32, #tpu.memory_space<vmem>>, vector<1x16xf32>,
    %swap3A_263 = vector.shape_cast %swap3A_262 : vector<1x16xf32> to vector<16xf32>
    %swap3A_264 = vector.shape_cast %broadcast_in_dim3A_1 : vector<16xf32> to vector<1x16xf32>
    tpu.vector_store %arg10[%swap3A_260, %swap3A_261], %swap3A_264 {strides = array<i32>} : memref<16x128xf32, #tpu.memory_space<vmem>>, vector<1x16xf32>,
    %swap3A_265 = arith.constant 5 : i32
    %swap3A_266 = arith.index_cast %swap3A_265 : i32 to index
    %swap3A_267 = arith.constant 64 : index
    %swap3A_268 = tpu.vector_load %arg10[%swap3A_266, %swap3A_267] {strides = array<i32>} : memref<16x128xf32, #tpu.memory_space<vmem>>, vector<1x16xf32>,
    %swap3A_269 = vector.shape_cast %swap3A_268 : vector<1x16xf32> to vector<16xf32>
    %swap3A_270 = vector.shape_cast %broadcast_in_dim3A_1 : vector<16xf32> to vector<1x16xf32>
    tpu.vector_store %arg10[%swap3A_266, %swap3A_267], %swap3A_270 {strides = array<i32>} : memref<16x128xf32, #tpu.memory_space<vmem>>, vector<1x16xf32>,
    %swap3A_271 = arith.constant 5 : i32
    %swap3A_272 = arith.index_cast %swap3A_271 : i32 to index
    %swap3A_273 = arith.constant 80 : index
    %swap3A_274 = tpu.vector_load %arg10[%swap3A_272, %swap3A_273] {strides = array<i32>} : memref<16x128xf32, #tpu.memory_space<vmem>>, vector<1x16xf32>,
    %swap3A_275 = vector.shape_cast %swap3A_274 : vector<1x16xf32> to vector<16xf32>
    %swap3A_276 = vector.shape_cast %broadcast_in_dim3A_1 : vector<16xf32> to vector<1x16xf32>
    tpu.vector_store %arg10[%swap3A_272, %swap3A_273], %swap3A_276 {strides = array<i32>} : memref<16x128xf32, #tpu.memory_space<vmem>>, vector<1x16xf32>,
    %swap3A_277 = arith.constant 5 : i32
    %swap3A_278 = arith.index_cast %swap3A_277 : i32 to index
    %swap3A_279 = arith.constant 96 : index
    %swap3A_280 = tpu.vector_load %arg10[%swap3A_278, %swap3A_279] {strides = array<i32>} : memref<16x128xf32, #tpu.memory_space<vmem>>, vector<1x16xf32>,
    %swap3A_281 = vector.shape_cast %swap3A_280 : vector<1x16xf32> to vector<16xf32>
    %swap3A_282 = vector.shape_cast %broadcast_in_dim3A_1 : vector<16xf32> to vector<1x16xf32>
    tpu.vector_store %arg10[%swap3A_278, %swap3A_279], %swap3A_282 {strides = array<i32>} : memref<16x128xf32, #tpu.memory_space<vmem>>, vector<1x16xf32>,
    %swap3A_283 = arith.constant 5 : i32
    %swap3A_284 = arith.index_cast %swap3A_283 : i32 to index
    %swap3A_285 = arith.constant 112 : index
    %swap3A_286 = tpu.vector_load %arg10[%swap3A_284, %swap3A_285] {strides = array<i32>} : memref<16x128xf32, #tpu.memory_space<vmem>>, vector<1x16xf32>,
    %swap3A_287 = vector.shape_cast %swap3A_286 : vector<1x16xf32> to vector<16xf32>
    %swap3A_288 = vector.shape_cast %broadcast_in_dim3A_1 : vector<16xf32> to vector<1x16xf32>
    tpu.vector_store %arg10[%swap3A_284, %swap3A_285], %swap3A_288 {strides = array<i32>} : memref<16x128xf32, #tpu.memory_space<vmem>>, vector<1x16xf32>,
    %swap3A_289 = arith.constant 6 : i32
    %swap3A_290 = arith.index_cast %swap3A_289 : i32 to index
    %swap3A_291 = arith.constant 0 : index
    %swap3A_292 = tpu.vector_load %arg10[%swap3A_290, %swap3A_291] {strides = array<i32>} : memref<16x128xf32, #tpu.memory_space<vmem>>, vector<1x16xf32>,
    %swap3A_293 = vector.shape_cast %swap3A_292 : vector<1x16xf32> to vector<16xf32>
    %swap3A_294 = vector.shape_cast %broadcast_in_dim3A_1 : vector<16xf32> to vector<1x16xf32>
    tpu.vector_store %arg10[%swap3A_290, %swap3A_291], %swap3A_294 {strides = array<i32>} : memref<16x128xf32, #tpu.memory_space<vmem>>, vector<1x16xf32>,
    %swap3A_295 = arith.constant 6 : i32
    %swap3A_296 = arith.index_cast %swap3A_295 : i32 to index
    %swap3A_297 = arith.constant 16 : index
    %swap3A_298 = tpu.vector_load %arg10[%swap3A_296, %swap3A_297] {strides = array<i32>} : memref<16x128xf32, #tpu.memory_space<vmem>>, vector<1x16xf32>,
    %swap3A_299 = vector.shape_cast %swap3A_298 : vector<1x16xf32> to vector<16xf32>
    %swap3A_300 = vector.shape_cast %broadcast_in_dim3A_1 : vector<16xf32> to vector<1x16xf32>
    tpu.vector_store %arg10[%swap3A_296, %swap3A_297], %swap3A_300 {strides = array<i32>} : memref<16x128xf32, #tpu.memory_space<vmem>>, vector<1x16xf32>,
    %swap3A_301 = arith.constant 6 : i32
    %swap3A_302 = arith.index_cast %swap3A_301 : i32 to index
    %swap3A_303 = arith.constant 32 : index
    %swap3A_304 = tpu.vector_load %arg10[%swap3A_302, %swap3A_303] {strides = array<i32>} : memref<16x128xf32, #tpu.memory_space<vmem>>, vector<1x16xf32>,
    %swap3A_305 = vector.shape_cast %swap3A_304 : vector<1x16xf32> to vector<16xf32>
    %swap3A_306 = vector.shape_cast %broadcast_in_dim3A_1 : vector<16xf32> to vector<1x16xf32>
    tpu.vector_store %arg10[%swap3A_302, %swap3A_303], %swap3A_306 {strides = array<i32>} : memref<16x128xf32, #tpu.memory_space<vmem>>, vector<1x16xf32>,
    %swap3A_307 = arith.constant 6 : i32
    %swap3A_308 = arith.index_cast %swap3A_307 : i32 to index
    %swap3A_309 = arith.constant 48 : index
    %swap3A_310 = tpu.vector_load %arg10[%swap3A_308, %swap3A_309] {strides = array<i32>} : memref<16x128xf32, #tpu.memory_space<vmem>>, vector<1x16xf32>,
    %swap3A_311 = vector.shape_cast %swap3A_310 : vector<1x16xf32> to vector<16xf32>
    %swap3A_312 = vector.shape_cast %broadcast_in_dim3A_1 : vector<16xf32> to vector<1x16xf32>
    tpu.vector_store %arg10[%swap3A_308, %swap3A_309], %swap3A_312 {strides = array<i32>} : memref<16x128xf32, #tpu.memory_space<vmem>>, vector<1x16xf32>,
    %swap3A_313 = arith.constant 6 : i32
    %swap3A_314 = arith.index_cast %swap3A_313 : i32 to index
    %swap3A_315 = arith.constant 64 : index
    %swap3A_316 = tpu.vector_load %arg10[%swap3A_314, %swap3A_315] {strides = array<i32>} : memref<16x128xf32, #tpu.memory_space<vmem>>, vector<1x16xf32>,
    %swap3A_317 = vector.shape_cast %swap3A_316 : vector<1x16xf32> to vector<16xf32>
    %swap3A_318 = vector.shape_cast %broadcast_in_dim3A_1 : vector<16xf32> to vector<1x16xf32>
    tpu.vector_store %arg10[%swap3A_314, %swap3A_315], %swap3A_318 {strides = array<i32>} : memref<16x128xf32, #tpu.memory_space<vmem>>, vector<1x16xf32>,
    %swap3A_319 = arith.constant 6 : i32
    %swap3A_320 = arith.index_cast %swap3A_319 : i32 to index
    %swap3A_321 = arith.constant 80 : index
    %swap3A_322 = tpu.vector_load %arg10[%swap3A_320, %swap3A_321] {strides = array<i32>} : memref<16x128xf32, #tpu.memory_space<vmem>>, vector<1x16xf32>,
    %swap3A_323 = vector.shape_cast %swap3A_322 : vector<1x16xf32> to vector<16xf32>
    %swap3A_324 = vector.shape_cast %broadcast_in_dim3A_1 : vector<16xf32> to vector<1x16xf32>
    tpu.vector_store %arg10[%swap3A_320, %swap3A_321], %swap3A_324 {strides = array<i32>} : memref<16x128xf32, #tpu.memory_space<vmem>>, vector<1x16xf32>,
    %swap3A_325 = arith.constant 6 : i32
    %swap3A_326 = arith.index_cast %swap3A_325 : i32 to index
    %swap3A_327 = arith.constant 96 : index
    %swap3A_328 = tpu.vector_load %arg10[%swap3A_326, %swap3A_327] {strides = array<i32>} : memref<16x128xf32, #tpu.memory_space<vmem>>, vector<1x16xf32>,
    %swap3A_329 = vector.shape_cast %swap3A_328 : vector<1x16xf32> to vector<16xf32>
    %swap3A_330 = vector.shape_cast %broadcast_in_dim3A_1 : vector<16xf32> to vector<1x16xf32>
    tpu.vector_store %arg10[%swap3A_326, %swap3A_327], %swap3A_330 {strides = array<i32>} : memref<16x128xf32, #tpu.memory_space<vmem>>, vector<1x16xf32>,
    %swap3A_331 = arith.constant 6 : i32
    %swap3A_332 = arith.index_cast %swap3A_331 : i32 to index
    %swap3A_333 = arith.constant 112 : index
    %swap3A_334 = tpu.vector_load %arg10[%swap3A_332, %swap3A_333] {strides = array<i32>} : memref<16x128xf32, #tpu.memory_space<vmem>>, vector<1x16xf32>,
    %swap3A_335 = vector.shape_cast %swap3A_334 : vector<1x16xf32> to vector<16xf32>
    %swap3A_336 = vector.shape_cast %broadcast_in_dim3A_1 : vector<16xf32> to vector<1x16xf32>
    tpu.vector_store %arg10[%swap3A_332, %swap3A_333], %swap3A_336 {strides = array<i32>} : memref<16x128xf32, #tpu.memory_space<vmem>>, vector<1x16xf32>,
    %swap3A_337 = arith.constant 7 : i32
    %swap3A_338 = arith.index_cast %swap3A_337 : i32 to index
    %swap3A_339 = arith.constant 0 : index
    %swap3A_340 = tpu.vector_load %arg10[%swap3A_338, %swap3A_339] {strides = array<i32>} : memref<16x128xf32, #tpu.memory_space<vmem>>, vector<1x16xf32>,
    %swap3A_341 = vector.shape_cast %swap3A_340 : vector<1x16xf32> to vector<16xf32>
    %swap3A_342 = vector.shape_cast %broadcast_in_dim3A_1 : vector<16xf32> to vector<1x16xf32>
    tpu.vector_store %arg10[%swap3A_338, %swap3A_339], %swap3A_342 {strides = array<i32>} : memref<16x128xf32, #tpu.memory_space<vmem>>, vector<1x16xf32>,
    %swap3A_343 = arith.constant 7 : i32
    %swap3A_344 = arith.index_cast %swap3A_343 : i32 to index
    %swap3A_345 = arith.constant 16 : index
    %swap3A_346 = tpu.vector_load %arg10[%swap3A_344, %swap3A_345] {strides = array<i32>} : memref<16x128xf32, #tpu.memory_space<vmem>>, vector<1x16xf32>,
    %swap3A_347 = vector.shape_cast %swap3A_346 : vector<1x16xf32> to vector<16xf32>
    %swap3A_348 = vector.shape_cast %broadcast_in_dim3A_1 : vector<16xf32> to vector<1x16xf32>
    tpu.vector_store %arg10[%swap3A_344, %swap3A_345], %swap3A_348 {strides = array<i32>} : memref<16x128xf32, #tpu.memory_space<vmem>>, vector<1x16xf32>,
    %swap3A_349 = arith.constant 7 : i32
    %swap3A_350 = arith.index_cast %swap3A_349 : i32 to index
    %swap3A_351 = arith.constant 32 : index
    %swap3A_352 = tpu.vector_load %arg10[%swap3A_350, %swap3A_351] {strides = array<i32>} : memref<16x128xf32, #tpu.memory_space<vmem>>, vector<1x16xf32>,
    %swap3A_353 = vector.shape_cast %swap3A_352 : vector<1x16xf32> to vector<16xf32>
    %swap3A_354 = vector.shape_cast %broadcast_in_dim3A_1 : vector<16xf32> to vector<1x16xf32>
    tpu.vector_store %arg10[%swap3A_350, %swap3A_351], %swap3A_354 {strides = array<i32>} : memref<16x128xf32, #tpu.memory_space<vmem>>, vector<1x16xf32>,
    %swap3A_355 = arith.constant 7 : i32
    %swap3A_356 = arith.index_cast %swap3A_355 : i32 to index
    %swap3A_357 = arith.constant 48 : index
    %swap3A_358 = tpu.vector_load %arg10[%swap3A_356, %swap3A_357] {strides = array<i32>} : memref<16x128xf32, #tpu.memory_space<vmem>>, vector<1x16xf32>,
    %swap3A_359 = vector.shape_cast %swap3A_358 : vector<1x16xf32> to vector<16xf32>
    %swap3A_360 = vector.shape_cast %broadcast_in_dim3A_1 : vector<16xf32> to vector<1x16xf32>
    tpu.vector_store %arg10[%swap3A_356, %swap3A_357], %swap3A_360 {strides = array<i32>} : memref<16x128xf32, #tpu.memory_space<vmem>>, vector<1x16xf32>,
    %swap3A_361 = arith.constant 7 : i32
    %swap3A_362 = arith.index_cast %swap3A_361 : i32 to index
    %swap3A_363 = arith.constant 64 : index
    %swap3A_364 = tpu.vector_load %arg10[%swap3A_362, %swap3A_363] {strides = array<i32>} : memref<16x128xf32, #tpu.memory_space<vmem>>, vector<1x16xf32>,
    %swap3A_365 = vector.shape_cast %swap3A_364 : vector<1x16xf32> to vector<16xf32>
    %swap3A_366 = vector.shape_cast %broadcast_in_dim3A_1 : vector<16xf32> to vector<1x16xf32>
    tpu.vector_store %arg10[%swap3A_362, %swap3A_363], %swap3A_366 {strides = array<i32>} : memref<16x128xf32, #tpu.memory_space<vmem>>, vector<1x16xf32>,
    %swap3A_367 = arith.constant 7 : i32
    %swap3A_368 = arith.index_cast %swap3A_367 : i32 to index
    %swap3A_369 = arith.constant 80 : index
    %swap3A_370 = tpu.vector_load %arg10[%swap3A_368, %swap3A_369] {strides = array<i32>} : memref<16x128xf32, #tpu.memory_space<vmem>>, vector<1x16xf32>,
    %swap3A_371 = vector.shape_cast %swap3A_370 : vector<1x16xf32> to vector<16xf32>
    %swap3A_372 = vector.shape_cast %broadcast_in_dim3A_1 : vector<16xf32> to vector<1x16xf32>
    tpu.vector_store %arg10[%swap3A_368, %swap3A_369], %swap3A_372 {strides = array<i32>} : memref<16x128xf32, #tpu.memory_space<vmem>>, vector<1x16xf32>,
    %swap3A_373 = arith.constant 7 : i32
    %swap3A_374 = arith.index_cast %swap3A_373 : i32 to index
    %swap3A_375 = arith.constant 96 : index
    %swap3A_376 = tpu.vector_load %arg10[%swap3A_374, %swap3A_375] {strides = array<i32>} : memref<16x128xf32, #tpu.memory_space<vmem>>, vector<1x16xf32>,
    %swap3A_377 = vector.shape_cast %swap3A_376 : vector<1x16xf32> to vector<16xf32>
    %swap3A_378 = vector.shape_cast %broadcast_in_dim3A_1 : vector<16xf32> to vector<1x16xf32>
    tpu.vector_store %arg10[%swap3A_374, %swap3A_375], %swap3A_378 {strides = array<i32>} : memref<16x128xf32, #tpu.memory_space<vmem>>, vector<1x16xf32>,
    %swap3A_379 = arith.constant 7 : i32
    %swap3A_380 = arith.index_cast %swap3A_379 : i32 to index
    %swap3A_381 = arith.constant 112 : index
    %swap3A_382 = tpu.vector_load %arg10[%swap3A_380, %swap3A_381] {strides = array<i32>} : memref<16x128xf32, #tpu.memory_space<vmem>>, vector<1x16xf32>,
    %swap3A_383 = vector.shape_cast %swap3A_382 : vector<1x16xf32> to vector<16xf32>
    %swap3A_384 = vector.shape_cast %broadcast_in_dim3A_1 : vector<16xf32> to vector<1x16xf32>
    tpu.vector_store %arg10[%swap3A_380, %swap3A_381], %swap3A_384 {strides = array<i32>} : memref<16x128xf32, #tpu.memory_space<vmem>>, vector<1x16xf32>,
    %swap3A_385 = arith.constant 8 : i32
    %swap3A_386 = arith.index_cast %swap3A_385 : i32 to index
    %swap3A_387 = arith.constant 0 : index
    %swap3A_388 = tpu.vector_load %arg10[%swap3A_386, %swap3A_387] {strides = array<i32>} : memref<16x128xf32, #tpu.memory_space<vmem>>, vector<1x16xf32>,
    %swap3A_389 = vector.shape_cast %swap3A_388 : vector<1x16xf32> to vector<16xf32>
    %swap3A_390 = vector.shape_cast %broadcast_in_dim3A_1 : vector<16xf32> to vector<1x16xf32>
    tpu.vector_store %arg10[%swap3A_386, %swap3A_387], %swap3A_390 {strides = array<i32>} : memref<16x128xf32, #tpu.memory_space<vmem>>, vector<1x16xf32>,
    %swap3A_391 = arith.constant 8 : i32
    %swap3A_392 = arith.index_cast %swap3A_391 : i32 to index
    %swap3A_393 = arith.constant 16 : index
    %swap3A_394 = tpu.vector_load %arg10[%swap3A_392, %swap3A_393] {strides = array<i32>} : memref<16x128xf32, #tpu.memory_space<vmem>>, vector<1x16xf32>,
    %swap3A_395 = vector.shape_cast %swap3A_394 : vector<1x16xf32> to vector<16xf32>
    %swap3A_396 = vector.shape_cast %broadcast_in_dim3A_1 : vector<16xf32> to vector<1x16xf32>
    tpu.vector_store %arg10[%swap3A_392, %swap3A_393], %swap3A_396 {strides = array<i32>} : memref<16x128xf32, #tpu.memory_space<vmem>>, vector<1x16xf32>,
    %swap3A_397 = arith.constant 8 : i32
    %swap3A_398 = arith.index_cast %swap3A_397 : i32 to index
    %swap3A_399 = arith.constant 32 : index
    %swap3A_400 = tpu.vector_load %arg10[%swap3A_398, %swap3A_399] {strides = array<i32>} : memref<16x128xf32, #tpu.memory_space<vmem>>, vector<1x16xf32>,
    %swap3A_401 = vector.shape_cast %swap3A_400 : vector<1x16xf32> to vector<16xf32>
    %swap3A_402 = vector.shape_cast %broadcast_in_dim3A_1 : vector<16xf32> to vector<1x16xf32>
    tpu.vector_store %arg10[%swap3A_398, %swap3A_399], %swap3A_402 {strides = array<i32>} : memref<16x128xf32, #tpu.memory_space<vmem>>, vector<1x16xf32>,
    %swap3A_403 = arith.constant 8 : i32
    %swap3A_404 = arith.index_cast %swap3A_403 : i32 to index
    %swap3A_405 = arith.constant 48 : index
    %swap3A_406 = tpu.vector_load %arg10[%swap3A_404, %swap3A_405] {strides = array<i32>} : memref<16x128xf32, #tpu.memory_space<vmem>>, vector<1x16xf32>,
    %swap3A_407 = vector.shape_cast %swap3A_406 : vector<1x16xf32> to vector<16xf32>
    %swap3A_408 = vector.shape_cast %broadcast_in_dim3A_1 : vector<16xf32> to vector<1x16xf32>
    tpu.vector_store %arg10[%swap3A_404, %swap3A_405], %swap3A_408 {strides = array<i32>} : memref<16x128xf32, #tpu.memory_space<vmem>>, vector<1x16xf32>,
    %swap3A_409 = arith.constant 8 : i32
    %swap3A_410 = arith.index_cast %swap3A_409 : i32 to index
    %swap3A_411 = arith.constant 64 : index
    %swap3A_412 = tpu.vector_load %arg10[%swap3A_410, %swap3A_411] {strides = array<i32>} : memref<16x128xf32, #tpu.memory_space<vmem>>, vector<1x16xf32>,
    %swap3A_413 = vector.shape_cast %swap3A_412 : vector<1x16xf32> to vector<16xf32>
    %swap3A_414 = vector.shape_cast %broadcast_in_dim3A_1 : vector<16xf32> to vector<1x16xf32>
    tpu.vector_store %arg10[%swap3A_410, %swap3A_411], %swap3A_414 {strides = array<i32>} : memref<16x128xf32, #tpu.memory_space<vmem>>, vector<1x16xf32>,
    %swap3A_415 = arith.constant 8 : i32
    %swap3A_416 = arith.index_cast %swap3A_415 : i32 to index
    %swap3A_417 = arith.constant 80 : index
    %swap3A_418 = tpu.vector_load %arg10[%swap3A_416, %swap3A_417] {strides = array<i32>} : memref<16x128xf32, #tpu.memory_space<vmem>>, vector<1x16xf32>,
    %swap3A_419 = vector.shape_cast %swap3A_418 : vector<1x16xf32> to vector<16xf32>
    %swap3A_420 = vector.shape_cast %broadcast_in_dim3A_1 : vector<16xf32> to vector<1x16xf32>
    tpu.vector_store %arg10[%swap3A_416, %swap3A_417], %swap3A_420 {strides = array<i32>} : memref<16x128xf32, #tpu.memory_space<vmem>>, vector<1x16xf32>,
    %swap3A_421 = arith.constant 8 : i32
    %swap3A_422 = arith.index_cast %swap3A_421 : i32 to index
    %swap3A_423 = arith.constant 96 : index
    %swap3A_424 = tpu.vector_load %arg10[%swap3A_422, %swap3A_423] {strides = array<i32>} : memref<16x128xf32, #tpu.memory_space<vmem>>, vector<1x16xf32>,
    %swap3A_425 = vector.shape_cast %swap3A_424 : vector<1x16xf32> to vector<16xf32>
    %swap3A_426 = vector.shape_cast %broadcast_in_dim3A_1 : vector<16xf32> to vector<1x16xf32>
    tpu.vector_store %arg10[%swap3A_422, %swap3A_423], %swap3A_426 {strides = array<i32>} : memref<16x128xf32, #tpu.memory_space<vmem>>, vector<1x16xf32>,
    %swap3A_427 = arith.constant 8 : i32
    %swap3A_428 = arith.index_cast %swap3A_427 : i32 to index
    %swap3A_429 = arith.constant 112 : index
    %swap3A_430 = tpu.vector_load %arg10[%swap3A_428, %swap3A_429] {strides = array<i32>} : memref<16x128xf32, #tpu.memory_space<vmem>>, vector<1x16xf32>,
    %swap3A_431 = vector.shape_cast %swap3A_430 : vector<1x16xf32> to vector<16xf32>
    %swap3A_432 = vector.shape_cast %broadcast_in_dim3A_1 : vector<16xf32> to vector<1x16xf32>
    tpu.vector_store %arg10[%swap3A_428, %swap3A_429], %swap3A_432 {strides = array<i32>} : memref<16x128xf32, #tpu.memory_space<vmem>>, vector<1x16xf32>,
    %swap3A_433 = arith.constant 9 : i32
    %swap3A_434 = arith.index_cast %swap3A_433 : i32 to index
    %swap3A_435 = arith.constant 0 : index
    %swap3A_436 = tpu.vector_load %arg10[%swap3A_434, %swap3A_435] {strides = array<i32>} : memref<16x128xf32, #tpu.memory_space<vmem>>, vector<1x16xf32>,
    %swap3A_437 = vector.shape_cast %swap3A_436 : vector<1x16xf32> to vector<16xf32>
    %swap3A_438 = vector.shape_cast %broadcast_in_dim3A_1 : vector<16xf32> to vector<1x16xf32>
    tpu.vector_store %arg10[%swap3A_434, %swap3A_435], %swap3A_438 {strides = array<i32>} : memref<16x128xf32, #tpu.memory_space<vmem>>, vector<1x16xf32>,
    %swap3A_439 = arith.constant 9 : i32
    %swap3A_440 = arith.index_cast %swap3A_439 : i32 to index
    %swap3A_441 = arith.constant 16 : index
    %swap3A_442 = tpu.vector_load %arg10[%swap3A_440, %swap3A_441] {strides = array<i32>} : memref<16x128xf32, #tpu.memory_space<vmem>>, vector<1x16xf32>,
    %swap3A_443 = vector.shape_cast %swap3A_442 : vector<1x16xf32> to vector<16xf32>
    %swap3A_444 = vector.shape_cast %broadcast_in_dim3A_1 : vector<16xf32> to vector<1x16xf32>
    tpu.vector_store %arg10[%swap3A_440, %swap3A_441], %swap3A_444 {strides = array<i32>} : memref<16x128xf32, #tpu.memory_space<vmem>>, vector<1x16xf32>,
    %swap3A_445 = arith.constant 9 : i32
    %swap3A_446 = arith.index_cast %swap3A_445 : i32 to index
    %swap3A_447 = arith.constant 32 : index
    %swap3A_448 = tpu.vector_load %arg10[%swap3A_446, %swap3A_447] {strides = array<i32>} : memref<16x128xf32, #tpu.memory_space<vmem>>, vector<1x16xf32>,
    %swap3A_449 = vector.shape_cast %swap3A_448 : vector<1x16xf32> to vector<16xf32>
    %swap3A_450 = vector.shape_cast %broadcast_in_dim3A_1 : vector<16xf32> to vector<1x16xf32>
    tpu.vector_store %arg10[%swap3A_446, %swap3A_447], %swap3A_450 {strides = array<i32>} : memref<16x128xf32, #tpu.memory_space<vmem>>, vector<1x16xf32>,
    %swap3A_451 = arith.constant 9 : i32
    %swap3A_452 = arith.index_cast %swap3A_451 : i32 to index
    %swap3A_453 = arith.constant 48 : index
    %swap3A_454 = tpu.vector_load %arg10[%swap3A_452, %swap3A_453] {strides = array<i32>} : memref<16x128xf32, #tpu.memory_space<vmem>>, vector<1x16xf32>,
    %swap3A_455 = vector.shape_cast %swap3A_454 : vector<1x16xf32> to vector<16xf32>
    %swap3A_456 = vector.shape_cast %broadcast_in_dim3A_1 : vector<16xf32> to vector<1x16xf32>
    tpu.vector_store %arg10[%swap3A_452, %swap3A_453], %swap3A_456 {strides = array<i32>} : memref<16x128xf32, #tpu.memory_space<vmem>>, vector<1x16xf32>,
    %swap3A_457 = arith.constant 9 : i32
    %swap3A_458 = arith.index_cast %swap3A_457 : i32 to index
    %swap3A_459 = arith.constant 64 : index
    %swap3A_460 = tpu.vector_load %arg10[%swap3A_458, %swap3A_459] {strides = array<i32>} : memref<16x128xf32, #tpu.memory_space<vmem>>, vector<1x16xf32>,
    %swap3A_461 = vector.shape_cast %swap3A_460 : vector<1x16xf32> to vector<16xf32>
    %swap3A_462 = vector.shape_cast %broadcast_in_dim3A_1 : vector<16xf32> to vector<1x16xf32>
    tpu.vector_store %arg10[%swap3A_458, %swap3A_459], %swap3A_462 {strides = array<i32>} : memref<16x128xf32, #tpu.memory_space<vmem>>, vector<1x16xf32>,
    %swap3A_463 = arith.constant 9 : i32
    %swap3A_464 = arith.index_cast %swap3A_463 : i32 to index
    %swap3A_465 = arith.constant 80 : index
    %swap3A_466 = tpu.vector_load %arg10[%swap3A_464, %swap3A_465] {strides = array<i32>} : memref<16x128xf32, #tpu.memory_space<vmem>>, vector<1x16xf32>,
    %swap3A_467 = vector.shape_cast %swap3A_466 : vector<1x16xf32> to vector<16xf32>
    %swap3A_468 = vector.shape_cast %broadcast_in_dim3A_1 : vector<16xf32> to vector<1x16xf32>
    tpu.vector_store %arg10[%swap3A_464, %swap3A_465], %swap3A_468 {strides = array<i32>} : memref<16x128xf32, #tpu.memory_space<vmem>>, vector<1x16xf32>,
    %swap3A_469 = arith.constant 9 : i32
    %swap3A_470 = arith.index_cast %swap3A_469 : i32 to index
    %swap3A_471 = arith.constant 96 : index
    %swap3A_472 = tpu.vector_load %arg10[%swap3A_470, %swap3A_471] {strides = array<i32>} : memref<16x128xf32, #tpu.memory_space<vmem>>, vector<1x16xf32>,
    %swap3A_473 = vector.shape_cast %swap3A_472 : vector<1x16xf32> to vector<16xf32>
    %swap3A_474 = vector.shape_cast %broadcast_in_dim3A_1 : vector<16xf32> to vector<1x16xf32>
    tpu.vector_store %arg10[%swap3A_470, %swap3A_471], %swap3A_474 {strides = array<i32>} : memref<16x128xf32, #tpu.memory_space<vmem>>, vector<1x16xf32>,
    %swap3A_475 = arith.constant 9 : i32
    %swap3A_476 = arith.index_cast %swap3A_475 : i32 to index
    %swap3A_477 = arith.constant 112 : index
    %swap3A_478 = tpu.vector_load %arg10[%swap3A_476, %swap3A_477] {strides = array<i32>} : memref<16x128xf32, #tpu.memory_space<vmem>>, vector<1x16xf32>,
    %swap3A_479 = vector.shape_cast %swap3A_478 : vector<1x16xf32> to vector<16xf32>
    %swap3A_480 = vector.shape_cast %broadcast_in_dim3A_1 : vector<16xf32> to vector<1x16xf32>
    tpu.vector_store %arg10[%swap3A_476, %swap3A_477], %swap3A_480 {strides = array<i32>} : memref<16x128xf32, #tpu.memory_space<vmem>>, vector<1x16xf32>,
    %swap3A_481 = arith.constant 10 : i32
    %swap3A_482 = arith.index_cast %swap3A_481 : i32 to index
    %swap3A_483 = arith.constant 0 : index
    %swap3A_484 = tpu.vector_load %arg10[%swap3A_482, %swap3A_483] {strides = array<i32>} : memref<16x128xf32, #tpu.memory_space<vmem>>, vector<1x16xf32>,
    %swap3A_485 = vector.shape_cast %swap3A_484 : vector<1x16xf32> to vector<16xf32>
    %swap3A_486 = vector.shape_cast %broadcast_in_dim3A_1 : vector<16xf32> to vector<1x16xf32>
    tpu.vector_store %arg10[%swap3A_482, %swap3A_483], %swap3A_486 {strides = array<i32>} : memref<16x128xf32, #tpu.memory_space<vmem>>, vector<1x16xf32>,
    %swap3A_487 = arith.constant 10 : i32
    %swap3A_488 = arith.index_cast %swap3A_487 : i32 to index
    %swap3A_489 = arith.constant 16 : index
    %swap3A_490 = tpu.vector_load %arg10[%swap3A_488, %swap3A_489] {strides = array<i32>} : memref<16x128xf32, #tpu.memory_space<vmem>>, vector<1x16xf32>,
    %swap3A_491 = vector.shape_cast %swap3A_490 : vector<1x16xf32> to vector<16xf32>
    %swap3A_492 = vector.shape_cast %broadcast_in_dim3A_1 : vector<16xf32> to vector<1x16xf32>
    tpu.vector_store %arg10[%swap3A_488, %swap3A_489], %swap3A_492 {strides = array<i32>} : memref<16x128xf32, #tpu.memory_space<vmem>>, vector<1x16xf32>,
    %swap3A_493 = arith.constant 10 : i32
    %swap3A_494 = arith.index_cast %swap3A_493 : i32 to index
    %swap3A_495 = arith.constant 32 : index
    %swap3A_496 = tpu.vector_load %arg10[%swap3A_494, %swap3A_495] {strides = array<i32>} : memref<16x128xf32, #tpu.memory_space<vmem>>, vector<1x16xf32>,
    %swap3A_497 = vector.shape_cast %swap3A_496 : vector<1x16xf32> to vector<16xf32>
    %swap3A_498 = vector.shape_cast %broadcast_in_dim3A_1 : vector<16xf32> to vector<1x16xf32>
    tpu.vector_store %arg10[%swap3A_494, %swap3A_495], %swap3A_498 {strides = array<i32>} : memref<16x128xf32, #tpu.memory_space<vmem>>, vector<1x16xf32>,
    %swap3A_499 = arith.constant 10 : i32
    %swap3A_500 = arith.index_cast %swap3A_499 : i32 to index
    %swap3A_501 = arith.constant 48 : index
    %swap3A_502 = tpu.vector_load %arg10[%swap3A_500, %swap3A_501] {strides = array<i32>} : memref<16x128xf32, #tpu.memory_space<vmem>>, vector<1x16xf32>,
    %swap3A_503 = vector.shape_cast %swap3A_502 : vector<1x16xf32> to vector<16xf32>
    %swap3A_504 = vector.shape_cast %broadcast_in_dim3A_1 : vector<16xf32> to vector<1x16xf32>
    tpu.vector_store %arg10[%swap3A_500, %swap3A_501], %swap3A_504 {strides = array<i32>} : memref<16x128xf32, #tpu.memory_space<vmem>>, vector<1x16xf32>,
    %swap3A_505 = arith.constant 10 : i32
    %swap3A_506 = arith.index_cast %swap3A_505 : i32 to index
    %swap3A_507 = arith.constant 64 : index
    %swap3A_508 = tpu.vector_load %arg10[%swap3A_506, %swap3A_507] {strides = array<i32>} : memref<16x128xf32, #tpu.memory_space<vmem>>, vector<1x16xf32>,
    %swap3A_509 = vector.shape_cast %swap3A_508 : vector<1x16xf32> to vector<16xf32>
    %swap3A_510 = vector.shape_cast %broadcast_in_dim3A_1 : vector<16xf32> to vector<1x16xf32>
    tpu.vector_store %arg10[%swap3A_506, %swap3A_507], %swap3A_510 {strides = array<i32>} : memref<16x128xf32, #tpu.memory_space<vmem>>, vector<1x16xf32>,
    %swap3A_511 = arith.constant 10 : i32
    %swap3A_512 = arith.index_cast %swap3A_511 : i32 to index
    %swap3A_513 = arith.constant 80 : index
    %swap3A_514 = tpu.vector_load %arg10[%swap3A_512, %swap3A_513] {strides = array<i32>} : memref<16x128xf32, #tpu.memory_space<vmem>>, vector<1x16xf32>,
    %swap3A_515 = vector.shape_cast %swap3A_514 : vector<1x16xf32> to vector<16xf32>
    %swap3A_516 = vector.shape_cast %broadcast_in_dim3A_1 : vector<16xf32> to vector<1x16xf32>
    tpu.vector_store %arg10[%swap3A_512, %swap3A_513], %swap3A_516 {strides = array<i32>} : memref<16x128xf32, #tpu.memory_space<vmem>>, vector<1x16xf32>,
    %swap3A_517 = arith.constant 10 : i32
    %swap3A_518 = arith.index_cast %swap3A_517 : i32 to index
    %swap3A_519 = arith.constant 96 : index
    %swap3A_520 = tpu.vector_load %arg10[%swap3A_518, %swap3A_519] {strides = array<i32>} : memref<16x128xf32, #tpu.memory_space<vmem>>, vector<1x16xf32>,
    %swap3A_521 = vector.shape_cast %swap3A_520 : vector<1x16xf32> to vector<16xf32>
    %swap3A_522 = vector.shape_cast %broadcast_in_dim3A_1 : vector<16xf32> to vector<1x16xf32>
    tpu.vector_store %arg10[%swap3A_518, %swap3A_519], %swap3A_522 {strides = array<i32>} : memref<16x128xf32, #tpu.memory_space<vmem>>, vector<1x16xf32>,
    %swap3A_523 = arith.constant 10 : i32
    %swap3A_524 = arith.index_cast %swap3A_523 : i32 to index
    %swap3A_525 = arith.constant 112 : index
    %swap3A_526 = tpu.vector_load %arg10[%swap3A_524, %swap3A_525] {strides = array<i32>} : memref<16x128xf32, #tpu.memory_space<vmem>>, vector<1x16xf32>,
    %swap3A_527 = vector.shape_cast %swap3A_526 : vector<1x16xf32> to vector<16xf32>
    %swap3A_528 = vector.shape_cast %broadcast_in_dim3A_1 : vector<16xf32> to vector<1x16xf32>
    tpu.vector_store %arg10[%swap3A_524, %swap3A_525], %swap3A_528 {strides = array<i32>} : memref<16x128xf32, #tpu.memory_space<vmem>>, vector<1x16xf32>,
    %swap3A_529 = arith.constant 11 : i32
    %swap3A_530 = arith.index_cast %swap3A_529 : i32 to index
    %swap3A_531 = arith.constant 0 : index
    %swap3A_532 = tpu.vector_load %arg10[%swap3A_530, %swap3A_531] {strides = array<i32>} : memref<16x128xf32, #tpu.memory_space<vmem>>, vector<1x16xf32>,
    %swap3A_533 = vector.shape_cast %swap3A_532 : vector<1x16xf32> to vector<16xf32>
    %swap3A_534 = vector.shape_cast %broadcast_in_dim3A_1 : vector<16xf32> to vector<1x16xf32>
    tpu.vector_store %arg10[%swap3A_530, %swap3A_531], %swap3A_534 {strides = array<i32>} : memref<16x128xf32, #tpu.memory_space<vmem>>, vector<1x16xf32>,
    %swap3A_535 = arith.constant 11 : i32
    %swap3A_536 = arith.index_cast %swap3A_535 : i32 to index
    %swap3A_537 = arith.constant 16 : index
    %swap3A_538 = tpu.vector_load %arg10[%swap3A_536, %swap3A_537] {strides = array<i32>} : memref<16x128xf32, #tpu.memory_space<vmem>>, vector<1x16xf32>,
    %swap3A_539 = vector.shape_cast %swap3A_538 : vector<1x16xf32> to vector<16xf32>
    %swap3A_540 = vector.shape_cast %broadcast_in_dim3A_1 : vector<16xf32> to vector<1x16xf32>
    tpu.vector_store %arg10[%swap3A_536, %swap3A_537], %swap3A_540 {strides = array<i32>} : memref<16x128xf32, #tpu.memory_space<vmem>>, vector<1x16xf32>,
    %swap3A_541 = arith.constant 11 : i32
    %swap3A_542 = arith.index_cast %swap3A_541 : i32 to index
    %swap3A_543 = arith.constant 32 : index
    %swap3A_544 = tpu.vector_load %arg10[%swap3A_542, %swap3A_543] {strides = array<i32>} : memref<16x128xf32, #tpu.memory_space<vmem>>, vector<1x16xf32>,
    %swap3A_545 = vector.shape_cast %swap3A_544 : vector<1x16xf32> to vector<16xf32>
    %swap3A_546 = vector.shape_cast %broadcast_in_dim3A_1 : vector<16xf32> to vector<1x16xf32>
    tpu.vector_store %arg10[%swap3A_542, %swap3A_543], %swap3A_546 {strides = array<i32>} : memref<16x128xf32, #tpu.memory_space<vmem>>, vector<1x16xf32>,
    %swap3A_547 = arith.constant 11 : i32
    %swap3A_548 = arith.index_cast %swap3A_547 : i32 to index
    %swap3A_549 = arith.constant 48 : index
    %swap3A_550 = tpu.vector_load %arg10[%swap3A_548, %swap3A_549] {strides = array<i32>} : memref<16x128xf32, #tpu.memory_space<vmem>>, vector<1x16xf32>,
    %swap3A_551 = vector.shape_cast %swap3A_550 : vector<1x16xf32> to vector<16xf32>
    %swap3A_552 = vector.shape_cast %broadcast_in_dim3A_1 : vector<16xf32> to vector<1x16xf32>
    tpu.vector_store %arg10[%swap3A_548, %swap3A_549], %swap3A_552 {strides = array<i32>} : memref<16x128xf32, #tpu.memory_space<vmem>>, vector<1x16xf32>,
    %swap3A_553 = arith.constant 11 : i32
    %swap3A_554 = arith.index_cast %swap3A_553 : i32 to index
    %swap3A_555 = arith.constant 64 : index
    %swap3A_556 = tpu.vector_load %arg10[%swap3A_554, %swap3A_555] {strides = array<i32>} : memref<16x128xf32, #tpu.memory_space<vmem>>, vector<1x16xf32>,
    %swap3A_557 = vector.shape_cast %swap3A_556 : vector<1x16xf32> to vector<16xf32>
    %swap3A_558 = vector.shape_cast %broadcast_in_dim3A_1 : vector<16xf32> to vector<1x16xf32>
    tpu.vector_store %arg10[%swap3A_554, %swap3A_555], %swap3A_558 {strides = array<i32>} : memref<16x128xf32, #tpu.memory_space<vmem>>, vector<1x16xf32>,
    %swap3A_559 = arith.constant 11 : i32
    %swap3A_560 = arith.index_cast %swap3A_559 : i32 to index
    %swap3A_561 = arith.constant 80 : index
    %swap3A_562 = tpu.vector_load %arg10[%swap3A_560, %swap3A_561] {strides = array<i32>} : memref<16x128xf32, #tpu.memory_space<vmem>>, vector<1x16xf32>,
    %swap3A_563 = vector.shape_cast %swap3A_562 : vector<1x16xf32> to vector<16xf32>
    %swap3A_564 = vector.shape_cast %broadcast_in_dim3A_1 : vector<16xf32> to vector<1x16xf32>
    tpu.vector_store %arg10[%swap3A_560, %swap3A_561], %swap3A_564 {strides = array<i32>} : memref<16x128xf32, #tpu.memory_space<vmem>>, vector<1x16xf32>,
    %swap3A_565 = arith.constant 11 : i32
    %swap3A_566 = arith.index_cast %swap3A_565 : i32 to index
    %swap3A_567 = arith.constant 96 : index
    %swap3A_568 = tpu.vector_load %arg10[%swap3A_566, %swap3A_567] {strides = array<i32>} : memref<16x128xf32, #tpu.memory_space<vmem>>, vector<1x16xf32>,
    %swap3A_569 = vector.shape_cast %swap3A_568 : vector<1x16xf32> to vector<16xf32>
    %swap3A_570 = vector.shape_cast %broadcast_in_dim3A_1 : vector<16xf32> to vector<1x16xf32>
    tpu.vector_store %arg10[%swap3A_566, %swap3A_567], %swap3A_570 {strides = array<i32>} : memref<16x128xf32, #tpu.memory_space<vmem>>, vector<1x16xf32>,
    %swap3A_571 = arith.constant 11 : i32
    %swap3A_572 = arith.index_cast %swap3A_571 : i32 to index
    %swap3A_573 = arith.constant 112 : index
    %swap3A_574 = tpu.vector_load %arg10[%swap3A_572, %swap3A_573] {strides = array<i32>} : memref<16x128xf32, #tpu.memory_space<vmem>>, vector<1x16xf32>,
    %swap3A_575 = vector.shape_cast %swap3A_574 : vector<1x16xf32> to vector<16xf32>
    %swap3A_576 = vector.shape_cast %broadcast_in_dim3A_1 : vector<16xf32> to vector<1x16xf32>
    tpu.vector_store %arg10[%swap3A_572, %swap3A_573], %swap3A_576 {strides = array<i32>} : memref<16x128xf32, #tpu.memory_space<vmem>>, vector<1x16xf32>,
    %swap3A_577 = arith.constant 12 : i32
    %swap3A_578 = arith.index_cast %swap3A_577 : i32 to index
    %swap3A_579 = arith.constant 0 : index
    %swap3A_580 = tpu.vector_load %arg10[%swap3A_578, %swap3A_579] {strides = array<i32>} : memref<16x128xf32, #tpu.memory_space<vmem>>, vector<1x16xf32>,
    %swap3A_581 = vector.shape_cast %swap3A_580 : vector<1x16xf32> to vector<16xf32>
    %swap3A_582 = vector.shape_cast %broadcast_in_dim3A_1 : vector<16xf32> to vector<1x16xf32>
    tpu.vector_store %arg10[%swap3A_578, %swap3A_579], %swap3A_582 {strides = array<i32>} : memref<16x128xf32, #tpu.memory_space<vmem>>, vector<1x16xf32>,
    %swap3A_583 = arith.constant 12 : i32
    %swap3A_584 = arith.index_cast %swap3A_583 : i32 to index
    %swap3A_585 = arith.constant 16 : index
    %swap3A_586 = tpu.vector_load %arg10[%swap3A_584, %swap3A_585] {strides = array<i32>} : memref<16x128xf32, #tpu.memory_space<vmem>>, vector<1x16xf32>,
    %swap3A_587 = vector.shape_cast %swap3A_586 : vector<1x16xf32> to vector<16xf32>
    %swap3A_588 = vector.shape_cast %broadcast_in_dim3A_1 : vector<16xf32> to vector<1x16xf32>
    tpu.vector_store %arg10[%swap3A_584, %swap3A_585], %swap3A_588 {strides = array<i32>} : memref<16x128xf32, #tpu.memory_space<vmem>>, vector<1x16xf32>,
    %swap3A_589 = arith.constant 12 : i32
    %swap3A_590 = arith.index_cast %swap3A_589 : i32 to index
    %swap3A_591 = arith.constant 32 : index
    %swap3A_592 = tpu.vector_load %arg10[%swap3A_590, %swap3A_591] {strides = array<i32>} : memref<16x128xf32, #tpu.memory_space<vmem>>, vector<1x16xf32>,
    %swap3A_593 = vector.shape_cast %swap3A_592 : vector<1x16xf32> to vector<16xf32>
    %swap3A_594 = vector.shape_cast %broadcast_in_dim3A_1 : vector<16xf32> to vector<1x16xf32>
    tpu.vector_store %arg10[%swap3A_590, %swap3A_591], %swap3A_594 {strides = array<i32>} : memref<16x128xf32, #tpu.memory_space<vmem>>, vector<1x16xf32>,
    %swap3A_595 = arith.constant 12 : i32
    %swap3A_596 = arith.index_cast %swap3A_595 : i32 to index
    %swap3A_597 = arith.constant 48 : index
    %swap3A_598 = tpu.vector_load %arg10[%swap3A_596, %swap3A_597] {strides = array<i32>} : memref<16x128xf32, #tpu.memory_space<vmem>>, vector<1x16xf32>,
    %swap3A_599 = vector.shape_cast %swap3A_598 : vector<1x16xf32> to vector<16xf32>
    %swap3A_600 = vector.shape_cast %broadcast_in_dim3A_1 : vector<16xf32> to vector<1x16xf32>
    tpu.vector_store %arg10[%swap3A_596, %swap3A_597], %swap3A_600 {strides = array<i32>} : memref<16x128xf32, #tpu.memory_space<vmem>>, vector<1x16xf32>,
    %swap3A_601 = arith.constant 12 : i32
    %swap3A_602 = arith.index_cast %swap3A_601 : i32 to index
    %swap3A_603 = arith.constant 64 : index
    %swap3A_604 = tpu.vector_load %arg10[%swap3A_602, %swap3A_603] {strides = array<i32>} : memref<16x128xf32, #tpu.memory_space<vmem>>, vector<1x16xf32>,
    %swap3A_605 = vector.shape_cast %swap3A_604 : vector<1x16xf32> to vector<16xf32>
    %swap3A_606 = vector.shape_cast %broadcast_in_dim3A_1 : vector<16xf32> to vector<1x16xf32>
    tpu.vector_store %arg10[%swap3A_602, %swap3A_603], %swap3A_606 {strides = array<i32>} : memref<16x128xf32, #tpu.memory_space<vmem>>, vector<1x16xf32>,
    %swap3A_607 = arith.constant 12 : i32
    %swap3A_608 = arith.index_cast %swap3A_607 : i32 to index
    %swap3A_609 = arith.constant 80 : index
    %swap3A_610 = tpu.vector_load %arg10[%swap3A_608, %swap3A_609] {strides = array<i32>} : memref<16x128xf32, #tpu.memory_space<vmem>>, vector<1x16xf32>,
    %swap3A_611 = vector.shape_cast %swap3A_610 : vector<1x16xf32> to vector<16xf32>
    %swap3A_612 = vector.shape_cast %broadcast_in_dim3A_1 : vector<16xf32> to vector<1x16xf32>
    tpu.vector_store %arg10[%swap3A_608, %swap3A_609], %swap3A_612 {strides = array<i32>} : memref<16x128xf32, #tpu.memory_space<vmem>>, vector<1x16xf32>,
    %swap3A_613 = arith.constant 12 : i32
    %swap3A_614 = arith.index_cast %swap3A_613 : i32 to index
    %swap3A_615 = arith.constant 96 : index
    %swap3A_616 = tpu.vector_load %arg10[%swap3A_614, %swap3A_615] {strides = array<i32>} : memref<16x128xf32, #tpu.memory_space<vmem>>, vector<1x16xf32>,
    %swap3A_617 = vector.shape_cast %swap3A_616 : vector<1x16xf32> to vector<16xf32>
    %swap3A_618 = vector.shape_cast %broadcast_in_dim3A_1 : vector<16xf32> to vector<1x16xf32>
    tpu.vector_store %arg10[%swap3A_614, %swap3A_615], %swap3A_618 {strides = array<i32>} : memref<16x128xf32, #tpu.memory_space<vmem>>, vector<1x16xf32>,
    %swap3A_619 = arith.constant 12 : i32
    %swap3A_620 = arith.index_cast %swap3A_619 : i32 to index
    %swap3A_621 = arith.constant 112 : index
    %swap3A_622 = tpu.vector_load %arg10[%swap3A_620, %swap3A_621] {strides = array<i32>} : memref<16x128xf32, #tpu.memory_space<vmem>>, vector<1x16xf32>,
    %swap3A_623 = vector.shape_cast %swap3A_622 : vector<1x16xf32> to vector<16xf32>
    %swap3A_624 = vector.shape_cast %broadcast_in_dim3A_1 : vector<16xf32> to vector<1x16xf32>
    tpu.vector_store %arg10[%swap3A_620, %swap3A_621], %swap3A_624 {strides = array<i32>} : memref<16x128xf32, #tpu.memory_space<vmem>>, vector<1x16xf32>,
    %swap3A_625 = arith.constant 13 : i32
    %swap3A_626 = arith.index_cast %swap3A_625 : i32 to index
    %swap3A_627 = arith.constant 0 : index
    %swap3A_628 = tpu.vector_load %arg10[%swap3A_626, %swap3A_627] {strides = array<i32>} : memref<16x128xf32, #tpu.memory_space<vmem>>, vector<1x16xf32>,
    %swap3A_629 = vector.shape_cast %swap3A_628 : vector<1x16xf32> to vector<16xf32>
    %swap3A_630 = vector.shape_cast %broadcast_in_dim3A_1 : vector<16xf32> to vector<1x16xf32>
    tpu.vector_store %arg10[%swap3A_626, %swap3A_627], %swap3A_630 {strides = array<i32>} : memref<16x128xf32, #tpu.memory_space<vmem>>, vector<1x16xf32>,
    %swap3A_631 = arith.constant 13 : i32
    %swap3A_632 = arith.index_cast %swap3A_631 : i32 to index
    %swap3A_633 = arith.constant 16 : index
    %swap3A_634 = tpu.vector_load %arg10[%swap3A_632, %swap3A_633] {strides = array<i32>} : memref<16x128xf32, #tpu.memory_space<vmem>>, vector<1x16xf32>,
    %swap3A_635 = vector.shape_cast %swap3A_634 : vector<1x16xf32> to vector<16xf32>
    %swap3A_636 = vector.shape_cast %broadcast_in_dim3A_1 : vector<16xf32> to vector<1x16xf32>
    tpu.vector_store %arg10[%swap3A_632, %swap3A_633], %swap3A_636 {strides = array<i32>} : memref<16x128xf32, #tpu.memory_space<vmem>>, vector<1x16xf32>,
    %swap3A_637 = arith.constant 13 : i32
    %swap3A_638 = arith.index_cast %swap3A_637 : i32 to index
    %swap3A_639 = arith.constant 32 : index
    %swap3A_640 = tpu.vector_load %arg10[%swap3A_638, %swap3A_639] {strides = array<i32>} : memref<16x128xf32, #tpu.memory_space<vmem>>, vector<1x16xf32>,
    %swap3A_641 = vector.shape_cast %swap3A_640 : vector<1x16xf32> to vector<16xf32>
    %swap3A_642 = vector.shape_cast %broadcast_in_dim3A_1 : vector<16xf32> to vector<1x16xf32>
    tpu.vector_store %arg10[%swap3A_638, %swap3A_639], %swap3A_642 {strides = array<i32>} : memref<16x128xf32, #tpu.memory_space<vmem>>, vector<1x16xf32>,
    %swap3A_643 = arith.constant 13 : i32
    %swap3A_644 = arith.index_cast %swap3A_643 : i32 to index
    %swap3A_645 = arith.constant 48 : index
    %swap3A_646 = tpu.vector_load %arg10[%swap3A_644, %swap3A_645] {strides = array<i32>} : memref<16x128xf32, #tpu.memory_space<vmem>>, vector<1x16xf32>,
    %swap3A_647 = vector.shape_cast %swap3A_646 : vector<1x16xf32> to vector<16xf32>
    %swap3A_648 = vector.shape_cast %broadcast_in_dim3A_1 : vector<16xf32> to vector<1x16xf32>
    tpu.vector_store %arg10[%swap3A_644, %swap3A_645], %swap3A_648 {strides = array<i32>} : memref<16x128xf32, #tpu.memory_space<vmem>>, vector<1x16xf32>,
    %swap3A_649 = arith.constant 13 : i32
    %swap3A_650 = arith.index_cast %swap3A_649 : i32 to index
    %swap3A_651 = arith.constant 64 : index
    %swap3A_652 = tpu.vector_load %arg10[%swap3A_650, %swap3A_651] {strides = array<i32>} : memref<16x128xf32, #tpu.memory_space<vmem>>, vector<1x16xf32>,
    %swap3A_653 = vector.shape_cast %swap3A_652 : vector<1x16xf32> to vector<16xf32>
    %swap3A_654 = vector.shape_cast %broadcast_in_dim3A_1 : vector<16xf32> to vector<1x16xf32>
    tpu.vector_store %arg10[%swap3A_650, %swap3A_651], %swap3A_654 {strides = array<i32>} : memref<16x128xf32, #tpu.memory_space<vmem>>, vector<1x16xf32>,
    %swap3A_655 = arith.constant 13 : i32
    %swap3A_656 = arith.index_cast %swap3A_655 : i32 to index
    %swap3A_657 = arith.constant 80 : index
    %swap3A_658 = tpu.vector_load %arg10[%swap3A_656, %swap3A_657] {strides = array<i32>} : memref<16x128xf32, #tpu.memory_space<vmem>>, vector<1x16xf32>,
    %swap3A_659 = vector.shape_cast %swap3A_658 : vector<1x16xf32> to vector<16xf32>
    %swap3A_660 = vector.shape_cast %broadcast_in_dim3A_1 : vector<16xf32> to vector<1x16xf32>
    tpu.vector_store %arg10[%swap3A_656, %swap3A_657], %swap3A_660 {strides = array<i32>} : memref<16x128xf32, #tpu.memory_space<vmem>>, vector<1x16xf32>,
    %swap3A_661 = arith.constant 13 : i32
    %swap3A_662 = arith.index_cast %swap3A_661 : i32 to index
    %swap3A_663 = arith.constant 96 : index
    %swap3A_664 = tpu.vector_load %arg10[%swap3A_662, %swap3A_663] {strides = array<i32>} : memref<16x128xf32, #tpu.memory_space<vmem>>, vector<1x16xf32>,
    %swap3A_665 = vector.shape_cast %swap3A_664 : vector<1x16xf32> to vector<16xf32>
    %swap3A_666 = vector.shape_cast %broadcast_in_dim3A_1 : vector<16xf32> to vector<1x16xf32>
    tpu.vector_store %arg10[%swap3A_662, %swap3A_663], %swap3A_666 {strides = array<i32>} : memref<16x128xf32, #tpu.memory_space<vmem>>, vector<1x16xf32>,
    %swap3A_667 = arith.constant 13 : i32
    %swap3A_668 = arith.index_cast %swap3A_667 : i32 to index
    %swap3A_669 = arith.constant 112 : index
    %swap3A_670 = tpu.vector_load %arg10[%swap3A_668, %swap3A_669] {strides = array<i32>} : memref<16x128xf32, #tpu.memory_space<vmem>>, vector<1x16xf32>,
    %swap3A_671 = vector.shape_cast %swap3A_670 : vector<1x16xf32> to vector<16xf32>
    %swap3A_672 = vector.shape_cast %broadcast_in_dim3A_1 : vector<16xf32> to vector<1x16xf32>
    tpu.vector_store %arg10[%swap3A_668, %swap3A_669], %swap3A_672 {strides = array<i32>} : memref<16x128xf32, #tpu.memory_space<vmem>>, vector<1x16xf32>,
    %swap3A_673 = arith.constant 14 : i32
    %swap3A_674 = arith.index_cast %swap3A_673 : i32 to index
    %swap3A_675 = arith.constant 0 : index
    %swap3A_676 = tpu.vector_load %arg10[%swap3A_674, %swap3A_675] {strides = array<i32>} : memref<16x128xf32, #tpu.memory_space<vmem>>, vector<1x16xf32>,
    %swap3A_677 = vector.shape_cast %swap3A_676 : vector<1x16xf32> to vector<16xf32>
    %swap3A_678 = vector.shape_cast %broadcast_in_dim3A_1 : vector<16xf32> to vector<1x16xf32>
    tpu.vector_store %arg10[%swap3A_674, %swap3A_675], %swap3A_678 {strides = array<i32>} : memref<16x128xf32, #tpu.memory_space<vmem>>, vector<1x16xf32>,
    %swap3A_679 = arith.constant 14 : i32
    %swap3A_680 = arith.index_cast %swap3A_679 : i32 to index
    %swap3A_681 = arith.constant 16 : index
    %swap3A_682 = tpu.vector_load %arg10[%swap3A_680, %swap3A_681] {strides = array<i32>} : memref<16x128xf32, #tpu.memory_space<vmem>>, vector<1x16xf32>,
    %swap3A_683 = vector.shape_cast %swap3A_682 : vector<1x16xf32> to vector<16xf32>
    %swap3A_684 = vector.shape_cast %broadcast_in_dim3A_1 : vector<16xf32> to vector<1x16xf32>
    tpu.vector_store %arg10[%swap3A_680, %swap3A_681], %swap3A_684 {strides = array<i32>} : memref<16x128xf32, #tpu.memory_space<vmem>>, vector<1x16xf32>,
    %swap3A_685 = arith.constant 14 : i32
    %swap3A_686 = arith.index_cast %swap3A_685 : i32 to index
    %swap3A_687 = arith.constant 32 : index
    %swap3A_688 = tpu.vector_load %arg10[%swap3A_686, %swap3A_687] {strides = array<i32>} : memref<16x128xf32, #tpu.memory_space<vmem>>, vector<1x16xf32>,
    %swap3A_689 = vector.shape_cast %swap3A_688 : vector<1x16xf32> to vector<16xf32>
    %swap3A_690 = vector.shape_cast %broadcast_in_dim3A_1 : vector<16xf32> to vector<1x16xf32>
    tpu.vector_store %arg10[%swap3A_686, %swap3A_687], %swap3A_690 {strides = array<i32>} : memref<16x128xf32, #tpu.memory_space<vmem>>, vector<1x16xf32>,
    %swap3A_691 = arith.constant 14 : i32
    %swap3A_692 = arith.index_cast %swap3A_691 : i32 to index
    %swap3A_693 = arith.constant 48 : index
    %swap3A_694 = tpu.vector_load %arg10[%swap3A_692, %swap3A_693] {strides = array<i32>} : memref<16x128xf32, #tpu.memory_space<vmem>>, vector<1x16xf32>,
    %swap3A_695 = vector.shape_cast %swap3A_694 : vector<1x16xf32> to vector<16xf32>
    %swap3A_696 = vector.shape_cast %broadcast_in_dim3A_1 : vector<16xf32> to vector<1x16xf32>
    tpu.vector_store %arg10[%swap3A_692, %swap3A_693], %swap3A_696 {strides = array<i32>} : memref<16x128xf32, #tpu.memory_space<vmem>>, vector<1x16xf32>,
    %swap3A_697 = arith.constant 14 : i32
    %swap3A_698 = arith.index_cast %swap3A_697 : i32 to index
    %swap3A_699 = arith.constant 64 : index
    %swap3A_700 = tpu.vector_load %arg10[%swap3A_698, %swap3A_699] {strides = array<i32>} : memref<16x128xf32, #tpu.memory_space<vmem>>, vector<1x16xf32>,
    %swap3A_701 = vector.shape_cast %swap3A_700 : vector<1x16xf32> to vector<16xf32>
    %swap3A_702 = vector.shape_cast %broadcast_in_dim3A_1 : vector<16xf32> to vector<1x16xf32>
    tpu.vector_store %arg10[%swap3A_698, %swap3A_699], %swap3A_702 {strides = array<i32>} : memref<16x128xf32, #tpu.memory_space<vmem>>, vector<1x16xf32>,
    %swap3A_703 = arith.constant 14 : i32
    %swap3A_704 = arith.index_cast %swap3A_703 : i32 to index
    %swap3A_705 = arith.constant 80 : index
    %swap3A_706 = tpu.vector_load %arg10[%swap3A_704, %swap3A_705] {strides = array<i32>} : memref<16x128xf32, #tpu.memory_space<vmem>>, vector<1x16xf32>,
    %swap3A_707 = vector.shape_cast %swap3A_706 : vector<1x16xf32> to vector<16xf32>
    %swap3A_708 = vector.shape_cast %broadcast_in_dim3A_1 : vector<16xf32> to vector<1x16xf32>
    tpu.vector_store %arg10[%swap3A_704, %swap3A_705], %swap3A_708 {strides = array<i32>} : memref<16x128xf32, #tpu.memory_space<vmem>>, vector<1x16xf32>,
    %swap3A_709 = arith.constant 14 : i32
    %swap3A_710 = arith.index_cast %swap3A_709 : i32 to index
    %swap3A_711 = arith.constant 96 : index
    %swap3A_712 = tpu.vector_load %arg10[%swap3A_710, %swap3A_711] {strides = array<i32>} : memref<16x128xf32, #tpu.memory_space<vmem>>, vector<1x16xf32>,
    %swap3A_713 = vector.shape_cast %swap3A_712 : vector<1x16xf32> to vector<16xf32>
    %swap3A_714 = vector.shape_cast %broadcast_in_dim3A_1 : vector<16xf32> to vector<1x16xf32>
    tpu.vector_store %arg10[%swap3A_710, %swap3A_711], %swap3A_714 {strides = array<i32>} : memref<16x128xf32, #tpu.memory_space<vmem>>, vector<1x16xf32>,
    %swap3A_715 = arith.constant 14 : i32
    %swap3A_716 = arith.index_cast %swap3A_715 : i32 to index
    %swap3A_717 = arith.constant 112 : index
    %swap3A_718 = tpu.vector_load %arg10[%swap3A_716, %swap3A_717] {strides = array<i32>} : memref<16x128xf32, #tpu.memory_space<vmem>>, vector<1x16xf32>,
    %swap3A_719 = vector.shape_cast %swap3A_718 : vector<1x16xf32> to vector<16xf32>
    %swap3A_720 = vector.shape_cast %broadcast_in_dim3A_1 : vector<16xf32> to vector<1x16xf32>
    tpu.vector_store %arg10[%swap3A_716, %swap3A_717], %swap3A_720 {strides = array<i32>} : memref<16x128xf32, #tpu.memory_space<vmem>>, vector<1x16xf32>,
    %swap3A_721 = arith.constant 15 : i32
    %swap3A_722 = arith.index_cast %swap3A_721 : i32 to index
    %swap3A_723 = arith.constant 0 : index
    %swap3A_724 = tpu.vector_load %arg10[%swap3A_722, %swap3A_723] {strides = array<i32>} : memref<16x128xf32, #tpu.memory_space<vmem>>, vector<1x16xf32>,
    %swap3A_725 = vector.shape_cast %swap3A_724 : vector<1x16xf32> to vector<16xf32>
    %swap3A_726 = vector.shape_cast %broadcast_in_dim3A_1 : vector<16xf32> to vector<1x16xf32>
    tpu.vector_store %arg10[%swap3A_722, %swap3A_723], %swap3A_726 {strides = array<i32>} : memref<16x128xf32, #tpu.memory_space<vmem>>, vector<1x16xf32>,
    %swap3A_727 = arith.constant 15 : i32
    %swap3A_728 = arith.index_cast %swap3A_727 : i32 to index
    %swap3A_729 = arith.constant 16 : index
    %swap3A_730 = tpu.vector_load %arg10[%swap3A_728, %swap3A_729] {strides = array<i32>} : memref<16x128xf32, #tpu.memory_space<vmem>>, vector<1x16xf32>,
    %swap3A_731 = vector.shape_cast %swap3A_730 : vector<1x16xf32> to vector<16xf32>
    %swap3A_732 = vector.shape_cast %broadcast_in_dim3A_1 : vector<16xf32> to vector<1x16xf32>
    tpu.vector_store %arg10[%swap3A_728, %swap3A_729], %swap3A_732 {strides = array<i32>} : memref<16x128xf32, #tpu.memory_space<vmem>>, vector<1x16xf32>,
    %swap3A_733 = arith.constant 15 : i32
    %swap3A_734 = arith.index_cast %swap3A_733 : i32 to index
    %swap3A_735 = arith.constant 32 : index
    %swap3A_736 = tpu.vector_load %arg10[%swap3A_734, %swap3A_735] {strides = array<i32>} : memref<16x128xf32, #tpu.memory_space<vmem>>, vector<1x16xf32>,
    %swap3A_737 = vector.shape_cast %swap3A_736 : vector<1x16xf32> to vector<16xf32>
    %swap3A_738 = vector.shape_cast %broadcast_in_dim3A_1 : vector<16xf32> to vector<1x16xf32>
    tpu.vector_store %arg10[%swap3A_734, %swap3A_735], %swap3A_738 {strides = array<i32>} : memref<16x128xf32, #tpu.memory_space<vmem>>, vector<1x16xf32>,
    %swap3A_739 = arith.constant 15 : i32
    %swap3A_740 = arith.index_cast %swap3A_739 : i32 to index
    %swap3A_741 = arith.constant 48 : index
    %swap3A_742 = tpu.vector_load %arg10[%swap3A_740, %swap3A_741] {strides = array<i32>} : memref<16x128xf32, #tpu.memory_space<vmem>>, vector<1x16xf32>,
    %swap3A_743 = vector.shape_cast %swap3A_742 : vector<1x16xf32> to vector<16xf32>
    %swap3A_744 = vector.shape_cast %broadcast_in_dim3A_1 : vector<16xf32> to vector<1x16xf32>
    tpu.vector_store %arg10[%swap3A_740, %swap3A_741], %swap3A_744 {strides = array<i32>} : memref<16x128xf32, #tpu.memory_space<vmem>>, vector<1x16xf32>,
    %swap3A_745 = arith.constant 15 : i32
    %swap3A_746 = arith.index_cast %swap3A_745 : i32 to index
    %swap3A_747 = arith.constant 64 : index
    %swap3A_748 = tpu.vector_load %arg10[%swap3A_746, %swap3A_747] {strides = array<i32>} : memref<16x128xf32, #tpu.memory_space<vmem>>, vector<1x16xf32>,
    %swap3A_749 = vector.shape_cast %swap3A_748 : vector<1x16xf32> to vector<16xf32>
    %swap3A_750 = vector.shape_cast %broadcast_in_dim3A_1 : vector<16xf32> to vector<1x16xf32>
    tpu.vector_store %arg10[%swap3A_746, %swap3A_747], %swap3A_750 {strides = array<i32>} : memref<16x128xf32, #tpu.memory_space<vmem>>, vector<1x16xf32>,
    %swap3A_751 = arith.constant 15 : i32
    %swap3A_752 = arith.index_cast %swap3A_751 : i32 to index
    %swap3A_753 = arith.constant 80 : index
    %swap3A_754 = tpu.vector_load %arg10[%swap3A_752, %swap3A_753] {strides = array<i32>} : memref<16x128xf32, #tpu.memory_space<vmem>>, vector<1x16xf32>,
    %swap3A_755 = vector.shape_cast %swap3A_754 : vector<1x16xf32> to vector<16xf32>
    %swap3A_756 = vector.shape_cast %broadcast_in_dim3A_1 : vector<16xf32> to vector<1x16xf32>
    tpu.vector_store %arg10[%swap3A_752, %swap3A_753], %swap3A_756 {strides = array<i32>} : memref<16x128xf32, #tpu.memory_space<vmem>>, vector<1x16xf32>,
    %swap3A_757 = arith.constant 15 : i32
    %swap3A_758 = arith.index_cast %swap3A_757 : i32 to index
    %swap3A_759 = arith.constant 96 : index
    %swap3A_760 = tpu.vector_load %arg10[%swap3A_758, %swap3A_759] {strides = array<i32>} : memref<16x128xf32, #tpu.memory_space<vmem>>, vector<1x16xf32>,
    %swap3A_761 = vector.shape_cast %swap3A_760 : vector<1x16xf32> to vector<16xf32>
    %swap3A_762 = vector.shape_cast %broadcast_in_dim3A_1 : vector<16xf32> to vector<1x16xf32>
    tpu.vector_store %arg10[%swap3A_758, %swap3A_759], %swap3A_762 {strides = array<i32>} : memref<16x128xf32, #tpu.memory_space<vmem>>, vector<1x16xf32>,
    %swap3A_763 = arith.constant 15 : i32
    %swap3A_764 = arith.index_cast %swap3A_763 : i32 to index
    %swap3A_765 = arith.constant 112 : index
    %swap3A_766 = tpu.vector_load %arg10[%swap3A_764, %swap3A_765] {strides = array<i32>} : memref<16x128xf32, #tpu.memory_space<vmem>>, vector<1x16xf32>,
    %swap3A_767 = vector.shape_cast %swap3A_766 : vector<1x16xf32> to vector<16xf32>
    %swap3A_768 = vector.shape_cast %broadcast_in_dim3A_1 : vector<16xf32> to vector<1x16xf32>
    tpu.vector_store %arg10[%swap3A_764, %swap3A_765], %swap3A_768 {strides = array<i32>} : memref<16x128xf32, #tpu.memory_space<vmem>>, vector<1x16xf32>,
    %scan3A = arith.constant 0 : i32
    %scan3A_769 = arith.constant 0 : i32
    %scan3A_770 = arith.constant 40 : i32
    %scan3A_771 = arith.addi %scan3A_769, %scan3A_770 : i32
    %scan3A_772 = arith.constant 1 : i32
    %scan3A_773 = scf.for %scan3A_804 = %scan3A_769 to %scan3A_771 step %scan3A_772 iter_args(%scan3A_805 = %scan3A) -> (i32)  : i32 {
      %mul3A_806 = arith.constant 640 : i32
      %mul3A_807 = arith.muli %arg1, %mul3A_806 : i32
      %mul3A_808 = arith.constant 16 : i32
      %mul3A_809 = arith.muli %scan3A_804, %mul3A_808 : i32
      %add3A_810 = arith.addi %mul3A_807, %mul3A_809 : i32
      "tpu.region"() ({
        %run_scoped3A = tpu.sem_alloc : memref<!tpu.dma_semaphore, #tpu.memory_space<semaphore_mem>>
        %dma_start3A_812 = arith.constant 0 : i32
        %dma_start3A_813 = tpu.memref_slice %arg11[%add3A_810, %dma_start3A_812] : memref<10240x128xf32, #tpu.memory_space<vmem_shared>> -> memref<16x128xf32, #tpu.memory_space<vmem_shared>>
        %dma_start3A_814 = arith.constant 0 : i32
        %dma_start3A_815 = tpu.memref_slice %arg11[%add3A_810, %dma_start3A_814] : memref<10240x128xf32, #tpu.memory_space<vmem_shared>> -> memref<16x128xf32, #tpu.memory_space<vmem_shared>>
        tpu.enqueue_dma source(%arg10 : memref<16x128xf32, #tpu.memory_space<vmem>>) target(%dma_start3A_815 : memref<16x128xf32, #tpu.memory_space<vmem_shared>>) target_semaphore(%run_scoped3A : memref<!tpu.dma_semaphore, #tpu.memory_space<semaphore_mem>>)
        %dma_wait3A_816 = arith.constant 0 : i32
        %dma_wait3A_817 = tpu.memref_slice %arg11[%add3A_810, %dma_wait3A_816] : memref<10240x128xf32, #tpu.memory_space<vmem_shared>> -> memref<16x128xf32, #tpu.memory_space<vmem_shared>>
        %dma_wait3A_818 = arith.constant 0 : i32
        %dma_wait3A_819 = tpu.memref_slice %arg11[%add3A_810, %dma_wait3A_818] : memref<10240x128xf32, #tpu.memory_space<vmem_shared>> -> memref<16x128xf32, #tpu.memory_space<vmem_shared>>
        tpu.wait_dma2 semaphore(%run_scoped3A : memref<!tpu.dma_semaphore, #tpu.memory_space<semaphore_mem>>) src(%arg10 : memref<16x128xf32, #tpu.memory_space<vmem>>) dst(%dma_wait3A_819 : memref<16x128xf32, #tpu.memory_space<vmem_shared>>)
        tpu.yield
      }) : () -> ()
      %scan3A_811 = arith.constant 0 : i32
      scf.yield %scan3A_811 : i32
    }
    %scan3A_774 = arith.constant 40 : i32
    %mul3A_775 = arith.constant 80 : i32
    %mul3A_776 = arith.muli %add3A, %mul3A_775 : i32
    %barrier3A = arith.constant 0 : index
    tpu.barrier barrier_id(%barrier3A)
    "tpu.region"() ({
      %run_scoped3A = tpu.sem_alloc : memref<!tpu.dma_semaphore, #tpu.memory_space<semaphore_mem>>
      %dma_start3A_804 = arith.constant 0 : i32
      %dma_start3A_805 = arith.constant 0 : i32
      %dma_start3A_806 = tpu.memref_slice %arg6[%dma_start3A_804, %dma_start3A_805] : memref<16x128xi32, #tpu.memory_space<vmem>> -> memref<8x128xi32, #tpu.memory_space<vmem>>
      %dma_start3A_807 = arith.constant 0 : i32
      %dma_start3A_808 = tpu.memref_slice %arg2[%mul3A_776, %dma_start3A_807] : memref<2560x128xi32, #tpu.memory_space<hbm>> -> memref<8x128xi32, #tpu.memory_space<hbm>>
      %dma_start3A_809 = arith.constant 0 : i32
      %dma_start3A_810 = arith.constant 0 : i32
      %dma_start3A_811 = tpu.memref_slice %arg6[%dma_start3A_809, %dma_start3A_810] : memref<16x128xi32, #tpu.memory_space<vmem>> -> memref<8x128xi32, #tpu.memory_space<vmem>>
      %dma_start3A_812 = arith.constant 0 : i32
      %dma_start3A_813 = tpu.memref_slice %arg2[%mul3A_776, %dma_start3A_812] : memref<2560x128xi32, #tpu.memory_space<hbm>> -> memref<8x128xi32, #tpu.memory_space<hbm>>
      tpu.enqueue_dma source(%dma_start3A_813 : memref<8x128xi32, #tpu.memory_space<hbm>>) target(%dma_start3A_811 : memref<8x128xi32, #tpu.memory_space<vmem>>) target_semaphore(%run_scoped3A : memref<!tpu.dma_semaphore, #tpu.memory_space<semaphore_mem>>)
      %dma_wait3A_814 = arith.constant 0 : i32
      %dma_wait3A_815 = arith.constant 0 : i32
      %dma_wait3A_816 = tpu.memref_slice %arg6[%dma_wait3A_814, %dma_wait3A_815] : memref<16x128xi32, #tpu.memory_space<vmem>> -> memref<8x128xi32, #tpu.memory_space<vmem>>
      %dma_wait3A_817 = arith.constant 0 : i32
      %dma_wait3A_818 = tpu.memref_slice %arg2[%mul3A_776, %dma_wait3A_817] : memref<2560x128xi32, #tpu.memory_space<hbm>> -> memref<8x128xi32, #tpu.memory_space<hbm>>
      %dma_wait3A_819 = arith.constant 0 : i32
      %dma_wait3A_820 = arith.constant 0 : i32
      %dma_wait3A_821 = tpu.memref_slice %arg6[%dma_wait3A_819, %dma_wait3A_820] : memref<16x128xi32, #tpu.memory_space<vmem>> -> memref<8x128xi32, #tpu.memory_space<vmem>>
      %dma_wait3A_822 = arith.constant 0 : i32
      %dma_wait3A_823 = tpu.memref_slice %arg2[%mul3A_776, %dma_wait3A_822] : memref<2560x128xi32, #tpu.memory_space<hbm>> -> memref<8x128xi32, #tpu.memory_space<hbm>>
      tpu.wait_dma2 semaphore(%run_scoped3A : memref<!tpu.dma_semaphore, #tpu.memory_space<semaphore_mem>>) src(%dma_wait3A_823 : memref<8x128xi32, #tpu.memory_space<hbm>>) dst(%dma_wait3A_821 : memref<8x128xi32, #tpu.memory_space<vmem>>)
      tpu.yield
    }) : () -> ()
    "tpu.region"() ({
      %run_scoped3A = tpu.sem_alloc : memref<!tpu.dma_semaphore, #tpu.memory_space<semaphore_mem>>
      %dma_start3A_804 = arith.constant 0 : i32
      %dma_start3A_805 = arith.constant 0 : i32
      %dma_start3A_806 = tpu.memref_slice %arg7[%dma_start3A_804, %dma_start3A_805] : memref<16x128xi32, #tpu.memory_space<vmem>> -> memref<8x128xi32, #tpu.memory_space<vmem>>
      %dma_start3A_807 = arith.constant 0 : i32
      %dma_start3A_808 = tpu.memref_slice %arg3[%mul3A_776, %dma_start3A_807] : memref<2560x128xi32, #tpu.memory_space<hbm>> -> memref<8x128xi32, #tpu.memory_space<hbm>>
      %dma_start3A_809 = arith.constant 0 : i32
      %dma_start3A_810 = arith.constant 0 : i32
      %dma_start3A_811 = tpu.memref_slice %arg7[%dma_start3A_809, %dma_start3A_810] : memref<16x128xi32, #tpu.memory_space<vmem>> -> memref<8x128xi32, #tpu.memory_space<vmem>>
      %dma_start3A_812 = arith.constant 0 : i32
      %dma_start3A_813 = tpu.memref_slice %arg3[%mul3A_776, %dma_start3A_812] : memref<2560x128xi32, #tpu.memory_space<hbm>> -> memref<8x128xi32, #tpu.memory_space<hbm>>
      tpu.enqueue_dma source(%dma_start3A_813 : memref<8x128xi32, #tpu.memory_space<hbm>>) target(%dma_start3A_811 : memref<8x128xi32, #tpu.memory_space<vmem>>) target_semaphore(%run_scoped3A : memref<!tpu.dma_semaphore, #tpu.memory_space<semaphore_mem>>)
      %dma_wait3A_814 = arith.constant 0 : i32
      %dma_wait3A_815 = arith.constant 0 : i32
      %dma_wait3A_816 = tpu.memref_slice %arg7[%dma_wait3A_814, %dma_wait3A_815] : memref<16x128xi32, #tpu.memory_space<vmem>> -> memref<8x128xi32, #tpu.memory_space<vmem>>
      %dma_wait3A_817 = arith.constant 0 : i32
      %dma_wait3A_818 = tpu.memref_slice %arg3[%mul3A_776, %dma_wait3A_817] : memref<2560x128xi32, #tpu.memory_space<hbm>> -> memref<8x128xi32, #tpu.memory_space<hbm>>
      %dma_wait3A_819 = arith.constant 0 : i32
      %dma_wait3A_820 = arith.constant 0 : i32
      %dma_wait3A_821 = tpu.memref_slice %arg7[%dma_wait3A_819, %dma_wait3A_820] : memref<16x128xi32, #tpu.memory_space<vmem>> -> memref<8x128xi32, #tpu.memory_space<vmem>>
      %dma_wait3A_822 = arith.constant 0 : i32
      %dma_wait3A_823 = tpu.memref_slice %arg3[%mul3A_776, %dma_wait3A_822] : memref<2560x128xi32, #tpu.memory_space<hbm>> -> memref<8x128xi32, #tpu.memory_space<hbm>>
      tpu.wait_dma2 semaphore(%run_scoped3A : memref<!tpu.dma_semaphore, #tpu.memory_space<semaphore_mem>>) src(%dma_wait3A_823 : memref<8x128xi32, #tpu.memory_space<hbm>>) dst(%dma_wait3A_821 : memref<8x128xi32, #tpu.memory_space<vmem>>)
      tpu.yield
    }) : () -> ()
    %dma_start3A = arith.constant 0 : i32
    %dma_start3A_777 = arith.constant 0 : i32
    %dma_start3A_778 = tpu.memref_slice %arg6[%dma_start3A, %dma_start3A_777] : memref<16x128xi32, #tpu.memory_space<vmem>> -> memref<1x128xi32, #tpu.memory_space<vmem>>
    %dma_start3A_779 = tpu.memref_squeeze %dma_start3A_778 : memref<1x128xi32, #tpu.memory_space<vmem>> -> memref<128xi32, #tpu.memory_space<vmem>>
    %dma_start3A_780 = arith.constant 0 : i32
    %dma_start3A_781 = arith.constant 0 : i32
    %dma_start3A_782 = tpu.memref_slice %arg4[%dma_start3A_780, %dma_start3A_781] : memref<10000x128xf32, #tpu.memory_space<hbm>> -> memref<10000x128xf32, #tpu.memory_space<hbm>>
    tpu.enqueue_indirect_dma source(%dma_start3A_782 : memref<10000x128xf32, #tpu.memory_space<hbm>>) target(%arg8 : memref<128x128xf32, #tpu.memory_space<vmem>>) offsets(%dma_start3A_779 : memref<128xi32, #tpu.memory_space<vmem>>) semaphore(%arg12 : memref<!tpu.dma_semaphore, #tpu.memory_space<semaphore_mem>>)
    %scan3A_783 = arith.constant 0 : i32
    %scan3A_784 = arith.constant 0 : i32
    %scan3A_785 = arith.constant 10 : i32
    %scan3A_786 = arith.addi %scan3A_784, %scan3A_785 : i32
    %scan3A_787 = arith.constant 1 : i32
    %scan3A_788 = scf.for %scan3A_804 = %scan3A_784 to %scan3A_786 step %scan3A_787 iter_args(%scan3A_805 = %scan3A_783) -> (i32)  : i32 {
      %jit3A = arith.constant 2 : i32
      %eq3A = arith.constant 0 : i32
      %eq3A_806 = arith.cmpi eq, %jit3A, %eq3A : i32
      %jit3A_807 = arith.constant 1 : i32
      %select_n3A = arith.select %eq3A_806, %jit3A_807, %jit3A : i32
      %rem3A = arith.remsi %scan3A_804, %select_n3A : i32
      %ne3A = arith.constant 0 : i32
      %ne3A_808 = arith.cmpi ne, %rem3A, %ne3A : i32
      %lt3A = arith.constant 0 : i32
      %lt3A_809 = arith.cmpi slt, %rem3A, %lt3A : i32
      %lt3A_810 = arith.constant 0 : i32
      %lt3A_811 = arith.cmpi slt, %select_n3A, %lt3A_810 : i32
      %ne3A_812 = arith.xori %lt3A_809, %lt3A_811 : i1
      %and3A = arith.andi %ne3A_812, %ne3A_808 : i1
      %add3A_813 = arith.addi %rem3A, %select_n3A : i32
      %select_n3A_814 = arith.select %and3A, %add3A_813, %rem3A : i32
      %mul3A_815 = arith.constant 8 : i32
      %mul3A_816 = arith.muli %select_n3A_814, %mul3A_815 : i32
      %sub3A = arith.constant 8 : i32
      %sub3A_817 = arith.subi %sub3A, %mul3A_816 : i32
      %dma_wait3A_818 = arith.constant 0 : i32
      %dma_wait3A_819 = arith.constant 0 : i32
      %dma_wait3A_820 = tpu.memref_slice %arg6[%dma_wait3A_818, %dma_wait3A_819] : memref<16x128xi32, #tpu.memory_space<vmem>> -> memref<1x128xi32, #tpu.memory_space<vmem>>
      %dma_wait3A_821 = tpu.memref_squeeze %dma_wait3A_820 : memref<1x128xi32, #tpu.memory_space<vmem>> -> memref<128xi32, #tpu.memory_space<vmem>>
      %dma_wait3A_822 = arith.constant 0 : i32
      %dma_wait3A_823 = arith.constant 0 : i32
      %dma_wait3A_824 = tpu.memref_slice %arg4[%dma_wait3A_822, %dma_wait3A_823] : memref<10000x128xf32, #tpu.memory_space<hbm>> -> memref<10000x128xf32, #tpu.memory_space<hbm>>
      tpu.wait_indirect_dma semaphore(%arg12 : memref<!tpu.dma_semaphore, #tpu.memory_space<semaphore_mem>>) src(%dma_wait3A_824 : memref<10000x128xf32, #tpu.memory_space<hbm>>) dst(%arg8 : memref<128x128xf32, #tpu.memory_space<vmem>>)
      %gt3A = arith.constant 0 : i32
      %gt3A_825 = arith.cmpi sgt, %scan3A_804, %gt3A : i32
      %convert_element_type3A = arith.extui %gt3A_825 : i1 to i32
      %cond3A = arith.constant 0 : i32
      %cond3A_826 = arith.cmpi ne, %convert_element_type3A, %cond3A : i32
      scf.if %cond3A_826 {
        %dma_wait3A_1074 = arith.constant 0 : i32
        %dma_wait3A_1075 = arith.constant 0 : i32
        %dma_wait3A_1076 = tpu.memref_slice %arg7[%dma_wait3A_1074, %dma_wait3A_1075] : memref<16x128xi32, #tpu.memory_space<vmem>> -> memref<1x128xi32, #tpu.memory_space<vmem>>
        %dma_wait3A_1077 = tpu.memref_squeeze %dma_wait3A_1076 : memref<1x128xi32, #tpu.memory_space<vmem>> -> memref<128xi32, #tpu.memory_space<vmem>>
        %dma_wait3A_1078 = arith.constant 0 : i32
        %dma_wait3A_1079 = arith.constant 0 : i32
        %dma_wait3A_1080 = tpu.memref_slice %arg11[%dma_wait3A_1078, %dma_wait3A_1079] : memref<10240x128xf32, #tpu.memory_space<vmem_shared>> -> memref<10240x128xf32, #tpu.memory_space<vmem_shared>>
        tpu.wait_indirect_dma semaphore(%arg15 : memref<!tpu.dma_semaphore, #tpu.memory_space<semaphore_mem>>) src(%arg9 : memref<128x128xf32, #tpu.memory_space<vmem>>) dst(%dma_wait3A_1080 : memref<10240x128xf32, #tpu.memory_space<vmem_shared>>)
      } else {
      }
      %add3A_827 = arith.constant 0 : i32
      %add3A_828 = arith.addi %mul3A_816, %add3A_827 : i32
      %dma_start3A_829 = arith.constant 0 : i32
      %dma_start3A_830 = tpu.memref_slice %arg7[%add3A_828, %dma_start3A_829] : memref<16x128xi32, #tpu.memory_space<vmem>> -> memref<1x128xi32, #tpu.memory_space<vmem>>
      %dma_start3A_831 = tpu.memref_squeeze %dma_start3A_830 : memref<1x128xi32, #tpu.memory_space<vmem>> -> memref<128xi32, #tpu.memory_space<vmem>>
      %dma_start3A_832 = arith.constant 0 : i32
      %dma_start3A_833 = arith.constant 0 : i32
      %dma_start3A_834 = tpu.memref_slice %arg11[%dma_start3A_832, %dma_start3A_833] : memref<10240x128xf32, #tpu.memory_space<vmem_shared>> -> memref<10240x128xf32, #tpu.memory_space<vmem_shared>>
      tpu.enqueue_indirect_dma source(%arg8 : memref<128x128xf32, #tpu.memory_space<vmem>>) target(%dma_start3A_834 : memref<10240x128xf32, #tpu.memory_space<vmem_shared>>) offsets(%dma_start3A_831 : memref<128xi32, #tpu.memory_space<vmem>>) semaphore(%arg14 : memref<!tpu.dma_semaphore, #tpu.memory_space<semaphore_mem>>) {add = true}
      %add3A_835 = arith.constant 0 : i32
      %add3A_836 = arith.addi %mul3A_816, %add3A_835 : i32
      %add3A_837 = arith.constant 1 : i32
      %add3A_838 = arith.addi %add3A_836, %add3A_837 : i32
      %dma_start3A_839 = arith.constant 0 : i32
      %dma_start3A_840 = tpu.memref_slice %arg6[%add3A_838, %dma_start3A_839] : memref<16x128xi32, #tpu.memory_space<vmem>> -> memref<1x128xi32, #tpu.memory_space<vmem>>
      %dma_start3A_841 = tpu.memref_squeeze %dma_start3A_840 : memref<1x128xi32, #tpu.memory_space<vmem>> -> memref<128xi32, #tpu.memory_space<vmem>>
      %dma_start3A_842 = arith.constant 0 : i32
      %dma_start3A_843 = arith.constant 0 : i32
      %dma_start3A_844 = tpu.memref_slice %arg4[%dma_start3A_842, %dma_start3A_843] : memref<10000x128xf32, #tpu.memory_space<hbm>> -> memref<10000x128xf32, #tpu.memory_space<hbm>>
      tpu.enqueue_indirect_dma source(%dma_start3A_844 : memref<10000x128xf32, #tpu.memory_space<hbm>>) target(%arg9 : memref<128x128xf32, #tpu.memory_space<vmem>>) offsets(%dma_start3A_841 : memref<128xi32, #tpu.memory_space<vmem>>) semaphore(%arg13 : memref<!tpu.dma_semaphore, #tpu.memory_space<semaphore_mem>>)
      %add3A_845 = arith.constant 1 : i32
      %add3A_846 = arith.addi %scan3A_804, %add3A_845 : i32
      %lt3A_847 = arith.constant 10 : i32
      %lt3A_848 = arith.cmpi slt, %add3A_846, %lt3A_847 : i32
      %convert_element_type3A_849 = arith.extui %lt3A_848 : i1 to i32
      %cond3A_850 = arith.constant 0 : i32
      %cond3A_851 = arith.cmpi ne, %convert_element_type3A_849, %cond3A_850 : i32
      scf.if %cond3A_851 {
        %add3A_1074 = arith.constant 1 : i32
        %add3A_1075 = arith.addi %scan3A_804, %add3A_1074 : i32
        %mul3A_1076 = arith.constant 8 : i32
        %mul3A_1077 = arith.muli %add3A_1075, %mul3A_1076 : i32
        %add3A_1078 = arith.addi %mul3A_776, %mul3A_1077 : i32
        "tpu.region"() ({
          %run_scoped3A = tpu.sem_alloc : memref<!tpu.dma_semaphore, #tpu.memory_space<semaphore_mem>>
          %dma_start3A_1079 = arith.constant 0 : i32
          %dma_start3A_1080 = tpu.memref_slice %arg6[%sub3A_817, %dma_start3A_1079] : memref<16x128xi32, #tpu.memory_space<vmem>> -> memref<8x128xi32, #tpu.memory_space<vmem>>
          %dma_start3A_1081 = arith.constant 0 : i32
          %dma_start3A_1082 = tpu.memref_slice %arg2[%add3A_1078, %dma_start3A_1081] : memref<2560x128xi32, #tpu.memory_space<hbm>> -> memref<8x128xi32, #tpu.memory_space<hbm>>
          %dma_start3A_1083 = arith.constant 0 : i32
          %dma_start3A_1084 = tpu.memref_slice %arg6[%sub3A_817, %dma_start3A_1083] : memref<16x128xi32, #tpu.memory_space<vmem>> -> memref<8x128xi32, #tpu.memory_space<vmem>>
          %dma_start3A_1085 = arith.constant 0 : i32
          %dma_start3A_1086 = tpu.memref_slice %arg2[%add3A_1078, %dma_start3A_1085] : memref<2560x128xi32, #tpu.memory_space<hbm>> -> memref<8x128xi32, #tpu.memory_space<hbm>>
          tpu.enqueue_dma source(%dma_start3A_1086 : memref<8x128xi32, #tpu.memory_space<hbm>>) target(%dma_start3A_1084 : memref<8x128xi32, #tpu.memory_space<vmem>>) target_semaphore(%run_scoped3A : memref<!tpu.dma_semaphore, #tpu.memory_space<semaphore_mem>>)
          %dma_wait3A_1087 = arith.constant 0 : i32
          %dma_wait3A_1088 = tpu.memref_slice %arg6[%sub3A_817, %dma_wait3A_1087] : memref<16x128xi32, #tpu.memory_space<vmem>> -> memref<8x128xi32, #tpu.memory_space<vmem>>
          %dma_wait3A_1089 = arith.constant 0 : i32
          %dma_wait3A_1090 = tpu.memref_slice %arg2[%add3A_1078, %dma_wait3A_1089] : memref<2560x128xi32, #tpu.memory_space<hbm>> -> memref<8x128xi32, #tpu.memory_space<hbm>>
          %dma_wait3A_1091 = arith.constant 0 : i32
          %dma_wait3A_1092 = tpu.memref_slice %arg6[%sub3A_817, %dma_wait3A_1091] : memref<16x128xi32, #tpu.memory_space<vmem>> -> memref<8x128xi32, #tpu.memory_space<vmem>>
          %dma_wait3A_1093 = arith.constant 0 : i32
          %dma_wait3A_1094 = tpu.memref_slice %arg2[%add3A_1078, %dma_wait3A_1093] : memref<2560x128xi32, #tpu.memory_space<hbm>> -> memref<8x128xi32, #tpu.memory_space<hbm>>
          tpu.wait_dma2 semaphore(%run_scoped3A : memref<!tpu.dma_semaphore, #tpu.memory_space<semaphore_mem>>) src(%dma_wait3A_1094 : memref<8x128xi32, #tpu.memory_space<hbm>>) dst(%dma_wait3A_1092 : memref<8x128xi32, #tpu.memory_space<vmem>>)
          tpu.yield
        }) : () -> ()
        "tpu.region"() ({
          %run_scoped3A = tpu.sem_alloc : memref<!tpu.dma_semaphore, #tpu.memory_space<semaphore_mem>>
          %dma_start3A_1079 = arith.constant 0 : i32
          %dma_start3A_1080 = tpu.memref_slice %arg7[%sub3A_817, %dma_start3A_1079] : memref<16x128xi32, #tpu.memory_space<vmem>> -> memref<8x128xi32, #tpu.memory_space<vmem>>
          %dma_start3A_1081 = arith.constant 0 : i32
          %dma_start3A_1082 = tpu.memref_slice %arg3[%add3A_1078, %dma_start3A_1081] : memref<2560x128xi32, #tpu.memory_space<hbm>> -> memref<8x128xi32, #tpu.memory_space<hbm>>
          %dma_start3A_1083 = arith.constant 0 : i32
          %dma_start3A_1084 = tpu.memref_slice %arg7[%sub3A_817, %dma_start3A_1083] : memref<16x128xi32, #tpu.memory_space<vmem>> -> memref<8x128xi32, #tpu.memory_space<vmem>>
          %dma_start3A_1085 = arith.constant 0 : i32
          %dma_start3A_1086 = tpu.memref_slice %arg3[%add3A_1078, %dma_start3A_1085] : memref<2560x128xi32, #tpu.memory_space<hbm>> -> memref<8x128xi32, #tpu.memory_space<hbm>>
          tpu.enqueue_dma source(%dma_start3A_1086 : memref<8x128xi32, #tpu.memory_space<hbm>>) target(%dma_start3A_1084 : memref<8x128xi32, #tpu.memory_space<vmem>>) target_semaphore(%run_scoped3A : memref<!tpu.dma_semaphore, #tpu.memory_space<semaphore_mem>>)
          %dma_wait3A_1087 = arith.constant 0 : i32
          %dma_wait3A_1088 = tpu.memref_slice %arg7[%sub3A_817, %dma_wait3A_1087] : memref<16x128xi32, #tpu.memory_space<vmem>> -> memref<8x128xi32, #tpu.memory_space<vmem>>
          %dma_wait3A_1089 = arith.constant 0 : i32
          %dma_wait3A_1090 = tpu.memref_slice %arg3[%add3A_1078, %dma_wait3A_1089] : memref<2560x128xi32, #tpu.memory_space<hbm>> -> memref<8x128xi32, #tpu.memory_space<hbm>>
          %dma_wait3A_1091 = arith.constant 0 : i32
          %dma_wait3A_1092 = tpu.memref_slice %arg7[%sub3A_817, %dma_wait3A_1091] : memref<16x128xi32, #tpu.memory_space<vmem>> -> memref<8x128xi32, #tpu.memory_space<vmem>>
          %dma_wait3A_1093 = arith.constant 0 : i32
          %dma_wait3A_1094 = tpu.memref_slice %arg3[%add3A_1078, %dma_wait3A_1093] : memref<2560x128xi32, #tpu.memory_space<hbm>> -> memref<8x128xi32, #tpu.memory_space<hbm>>
          tpu.wait_dma2 semaphore(%run_scoped3A : memref<!tpu.dma_semaphore, #tpu.memory_space<semaphore_mem>>) src(%dma_wait3A_1094 : memref<8x128xi32, #tpu.memory_space<hbm>>) dst(%dma_wait3A_1092 : memref<8x128xi32, #tpu.memory_space<vmem>>)
          tpu.yield
        }) : () -> ()
      } else {
      }
      %dma_wait3A_852 = arith.constant 0 : i32
      %dma_wait3A_853 = arith.constant 0 : i32
      %dma_wait3A_854 = tpu.memref_slice %arg6[%dma_wait3A_852, %dma_wait3A_853] : memref<16x128xi32, #tpu.memory_space<vmem>> -> memref<1x128xi32, #tpu.memory_space<vmem>>
      %dma_wait3A_855 = tpu.memref_squeeze %dma_wait3A_854 : memref<1x128xi32, #tpu.memory_space<vmem>> -> memref<128xi32, #tpu.memory_space<vmem>>
      %dma_wait3A_856 = arith.constant 0 : i32
      %dma_wait3A_857 = arith.constant 0 : i32
      %dma_wait3A_858 = tpu.memref_slice %arg4[%dma_wait3A_856, %dma_wait3A_857] : memref<10000x128xf32, #tpu.memory_space<hbm>> -> memref<10000x128xf32, #tpu.memory_space<hbm>>
      tpu.wait_indirect_dma semaphore(%arg13 : memref<!tpu.dma_semaphore, #tpu.memory_space<semaphore_mem>>) src(%dma_wait3A_858 : memref<10000x128xf32, #tpu.memory_space<hbm>>) dst(%arg9 : memref<128x128xf32, #tpu.memory_space<vmem>>)
      %dma_wait3A_859 = arith.constant 0 : i32
      %dma_wait3A_860 = arith.constant 0 : i32
      %dma_wait3A_861 = tpu.memref_slice %arg7[%dma_wait3A_859, %dma_wait3A_860] : memref<16x128xi32, #tpu.memory_space<vmem>> -> memref<1x128xi32, #tpu.memory_space<vmem>>
      %dma_wait3A_862 = tpu.memref_squeeze %dma_wait3A_861 : memref<1x128xi32, #tpu.memory_space<vmem>> -> memref<128xi32, #tpu.memory_space<vmem>>
      %dma_wait3A_863 = arith.constant 0 : i32
      %dma_wait3A_864 = arith.constant 0 : i32
      %dma_wait3A_865 = tpu.memref_slice %arg11[%dma_wait3A_863, %dma_wait3A_864] : memref<10240x128xf32, #tpu.memory_space<vmem_shared>> -> memref<10240x128xf32, #tpu.memory_space<vmem_shared>>
      tpu.wait_indirect_dma semaphore(%arg14 : memref<!tpu.dma_semaphore, #tpu.memory_space<semaphore_mem>>) src(%arg8 : memref<128x128xf32, #tpu.memory_space<vmem>>) dst(%dma_wait3A_865 : memref<10240x128xf32, #tpu.memory_space<vmem_shared>>)
      %add3A_866 = arith.constant 1 : i32
      %add3A_867 = arith.addi %mul3A_816, %add3A_866 : i32
      %dma_start3A_868 = arith.constant 0 : i32
      %dma_start3A_869 = tpu.memref_slice %arg7[%add3A_867, %dma_start3A_868] : memref<16x128xi32, #tpu.memory_space<vmem>> -> memref<1x128xi32, #tpu.memory_space<vmem>>
      %dma_start3A_870 = tpu.memref_squeeze %dma_start3A_869 : memref<1x128xi32, #tpu.memory_space<vmem>> -> memref<128xi32, #tpu.memory_space<vmem>>
      %dma_start3A_871 = arith.constant 0 : i32
      %dma_start3A_872 = arith.constant 0 : i32
      %dma_start3A_873 = tpu.memref_slice %arg11[%dma_start3A_871, %dma_start3A_872] : memref<10240x128xf32, #tpu.memory_space<vmem_shared>> -> memref<10240x128xf32, #tpu.memory_space<vmem_shared>>
      tpu.enqueue_indirect_dma source(%arg9 : memref<128x128xf32, #tpu.memory_space<vmem>>) target(%dma_start3A_873 : memref<10240x128xf32, #tpu.memory_space<vmem_shared>>) offsets(%dma_start3A_870 : memref<128xi32, #tpu.memory_space<vmem>>) semaphore(%arg15 : memref<!tpu.dma_semaphore, #tpu.memory_space<semaphore_mem>>) {add = true}
      %add3A_874 = arith.constant 1 : i32
      %add3A_875 = arith.addi %mul3A_816, %add3A_874 : i32
      %add3A_876 = arith.constant 1 : i32
      %add3A_877 = arith.addi %add3A_875, %add3A_876 : i32
      %dma_start3A_878 = arith.constant 0 : i32
      %dma_start3A_879 = tpu.memref_slice %arg6[%add3A_877, %dma_start3A_878] : memref<16x128xi32, #tpu.memory_space<vmem>> -> memref<1x128xi32, #tpu.memory_space<vmem>>
      %dma_start3A_880 = tpu.memref_squeeze %dma_start3A_879 : memref<1x128xi32, #tpu.memory_space<vmem>> -> memref<128xi32, #tpu.memory_space<vmem>>
      %dma_start3A_881 = arith.constant 0 : i32
      %dma_start3A_882 = arith.constant 0 : i32
      %dma_start3A_883 = tpu.memref_slice %arg4[%dma_start3A_881, %dma_start3A_882] : memref<10000x128xf32, #tpu.memory_space<hbm>> -> memref<10000x128xf32, #tpu.memory_space<hbm>>
      tpu.enqueue_indirect_dma source(%dma_start3A_883 : memref<10000x128xf32, #tpu.memory_space<hbm>>) target(%arg8 : memref<128x128xf32, #tpu.memory_space<vmem>>) offsets(%dma_start3A_880 : memref<128xi32, #tpu.memory_space<vmem>>) semaphore(%arg12 : memref<!tpu.dma_semaphore, #tpu.memory_space<semaphore_mem>>)
      %dma_wait3A_884 = arith.constant 0 : i32
      %dma_wait3A_885 = arith.constant 0 : i32
      %dma_wait3A_886 = tpu.memref_slice %arg6[%dma_wait3A_884, %dma_wait3A_885] : memref<16x128xi32, #tpu.memory_space<vmem>> -> memref<1x128xi32, #tpu.memory_space<vmem>>
      %dma_wait3A_887 = tpu.memref_squeeze %dma_wait3A_886 : memref<1x128xi32, #tpu.memory_space<vmem>> -> memref<128xi32, #tpu.memory_space<vmem>>
      %dma_wait3A_888 = arith.constant 0 : i32
      %dma_wait3A_889 = arith.constant 0 : i32
      %dma_wait3A_890 = tpu.memref_slice %arg4[%dma_wait3A_888, %dma_wait3A_889] : memref<10000x128xf32, #tpu.memory_space<hbm>> -> memref<10000x128xf32, #tpu.memory_space<hbm>>
      tpu.wait_indirect_dma semaphore(%arg12 : memref<!tpu.dma_semaphore, #tpu.memory_space<semaphore_mem>>) src(%dma_wait3A_890 : memref<10000x128xf32, #tpu.memory_space<hbm>>) dst(%arg8 : memref<128x128xf32, #tpu.memory_space<vmem>>)
      %dma_wait3A_891 = arith.constant 0 : i32
      %dma_wait3A_892 = arith.constant 0 : i32
      %dma_wait3A_893 = tpu.memref_slice %arg7[%dma_wait3A_891, %dma_wait3A_892] : memref<16x128xi32, #tpu.memory_space<vmem>> -> memref<1x128xi32, #tpu.memory_space<vmem>>
      %dma_wait3A_894 = tpu.memref_squeeze %dma_wait3A_893 : memref<1x128xi32, #tpu.memory_space<vmem>> -> memref<128xi32, #tpu.memory_space<vmem>>
      %dma_wait3A_895 = arith.constant 0 : i32
      %dma_wait3A_896 = arith.constant 0 : i32
      %dma_wait3A_897 = tpu.memref_slice %arg11[%dma_wait3A_895, %dma_wait3A_896] : memref<10240x128xf32, #tpu.memory_space<vmem_shared>> -> memref<10240x128xf32, #tpu.memory_space<vmem_shared>>
      tpu.wait_indirect_dma semaphore(%arg15 : memref<!tpu.dma_semaphore, #tpu.memory_space<semaphore_mem>>) src(%arg9 : memref<128x128xf32, #tpu.memory_space<vmem>>) dst(%dma_wait3A_897 : memref<10240x128xf32, #tpu.memory_space<vmem_shared>>)
      %add3A_898 = arith.constant 2 : i32
      %add3A_899 = arith.addi %mul3A_816, %add3A_898 : i32
      %dma_start3A_900 = arith.constant 0 : i32
      %dma_start3A_901 = tpu.memref_slice %arg7[%add3A_899, %dma_start3A_900] : memref<16x128xi32, #tpu.memory_space<vmem>> -> memref<1x128xi32, #tpu.memory_space<vmem>>
      %dma_start3A_902 = tpu.memref_squeeze %dma_start3A_901 : memref<1x128xi32, #tpu.memory_space<vmem>> -> memref<128xi32, #tpu.memory_space<vmem>>
      %dma_start3A_903 = arith.constant 0 : i32
      %dma_start3A_904 = arith.constant 0 : i32
      %dma_start3A_905 = tpu.memref_slice %arg11[%dma_start3A_903, %dma_start3A_904] : memref<10240x128xf32, #tpu.memory_space<vmem_shared>> -> memref<10240x128xf32, #tpu.memory_space<vmem_shared>>
      tpu.enqueue_indirect_dma source(%arg8 : memref<128x128xf32, #tpu.memory_space<vmem>>) target(%dma_start3A_905 : memref<10240x128xf32, #tpu.memory_space<vmem_shared>>) offsets(%dma_start3A_902 : memref<128xi32, #tpu.memory_space<vmem>>) semaphore(%arg14 : memref<!tpu.dma_semaphore, #tpu.memory_space<semaphore_mem>>) {add = true}
      %add3A_906 = arith.constant 2 : i32
      %add3A_907 = arith.addi %mul3A_816, %add3A_906 : i32
      %add3A_908 = arith.constant 1 : i32
      %add3A_909 = arith.addi %add3A_907, %add3A_908 : i32
      %dma_start3A_910 = arith.constant 0 : i32
      %dma_start3A_911 = tpu.memref_slice %arg6[%add3A_909, %dma_start3A_910] : memref<16x128xi32, #tpu.memory_space<vmem>> -> memref<1x128xi32, #tpu.memory_space<vmem>>
      %dma_start3A_912 = tpu.memref_squeeze %dma_start3A_911 : memref<1x128xi32, #tpu.memory_space<vmem>> -> memref<128xi32, #tpu.memory_space<vmem>>
      %dma_start3A_913 = arith.constant 0 : i32
      %dma_start3A_914 = arith.constant 0 : i32
      %dma_start3A_915 = tpu.memref_slice %arg4[%dma_start3A_913, %dma_start3A_914] : memref<10000x128xf32, #tpu.memory_space<hbm>> -> memref<10000x128xf32, #tpu.memory_space<hbm>>
      tpu.enqueue_indirect_dma source(%dma_start3A_915 : memref<10000x128xf32, #tpu.memory_space<hbm>>) target(%arg9 : memref<128x128xf32, #tpu.memory_space<vmem>>) offsets(%dma_start3A_912 : memref<128xi32, #tpu.memory_space<vmem>>) semaphore(%arg13 : memref<!tpu.dma_semaphore, #tpu.memory_space<semaphore_mem>>)
      %dma_wait3A_916 = arith.constant 0 : i32
      %dma_wait3A_917 = arith.constant 0 : i32
      %dma_wait3A_918 = tpu.memref_slice %arg6[%dma_wait3A_916, %dma_wait3A_917] : memref<16x128xi32, #tpu.memory_space<vmem>> -> memref<1x128xi32, #tpu.memory_space<vmem>>
      %dma_wait3A_919 = tpu.memref_squeeze %dma_wait3A_918 : memref<1x128xi32, #tpu.memory_space<vmem>> -> memref<128xi32, #tpu.memory_space<vmem>>
      %dma_wait3A_920 = arith.constant 0 : i32
      %dma_wait3A_921 = arith.constant 0 : i32
      %dma_wait3A_922 = tpu.memref_slice %arg4[%dma_wait3A_920, %dma_wait3A_921] : memref<10000x128xf32, #tpu.memory_space<hbm>> -> memref<10000x128xf32, #tpu.memory_space<hbm>>
      tpu.wait_indirect_dma semaphore(%arg13 : memref<!tpu.dma_semaphore, #tpu.memory_space<semaphore_mem>>) src(%dma_wait3A_922 : memref<10000x128xf32, #tpu.memory_space<hbm>>) dst(%arg9 : memref<128x128xf32, #tpu.memory_space<vmem>>)
      %dma_wait3A_923 = arith.constant 0 : i32
      %dma_wait3A_924 = arith.constant 0 : i32
      %dma_wait3A_925 = tpu.memref_slice %arg7[%dma_wait3A_923, %dma_wait3A_924] : memref<16x128xi32, #tpu.memory_space<vmem>> -> memref<1x128xi32, #tpu.memory_space<vmem>>
      %dma_wait3A_926 = tpu.memref_squeeze %dma_wait3A_925 : memref<1x128xi32, #tpu.memory_space<vmem>> -> memref<128xi32, #tpu.memory_space<vmem>>
      %dma_wait3A_927 = arith.constant 0 : i32
      %dma_wait3A_928 = arith.constant 0 : i32
      %dma_wait3A_929 = tpu.memref_slice %arg11[%dma_wait3A_927, %dma_wait3A_928] : memref<10240x128xf32, #tpu.memory_space<vmem_shared>> -> memref<10240x128xf32, #tpu.memory_space<vmem_shared>>
      tpu.wait_indirect_dma semaphore(%arg14 : memref<!tpu.dma_semaphore, #tpu.memory_space<semaphore_mem>>) src(%arg8 : memref<128x128xf32, #tpu.memory_space<vmem>>) dst(%dma_wait3A_929 : memref<10240x128xf32, #tpu.memory_space<vmem_shared>>)
      %add3A_930 = arith.constant 3 : i32
      %add3A_931 = arith.addi %mul3A_816, %add3A_930 : i32
      %dma_start3A_932 = arith.constant 0 : i32
      %dma_start3A_933 = tpu.memref_slice %arg7[%add3A_931, %dma_start3A_932] : memref<16x128xi32, #tpu.memory_space<vmem>> -> memref<1x128xi32, #tpu.memory_space<vmem>>
      %dma_start3A_934 = tpu.memref_squeeze %dma_start3A_933 : memref<1x128xi32, #tpu.memory_space<vmem>> -> memref<128xi32, #tpu.memory_space<vmem>>
      %dma_start3A_935 = arith.constant 0 : i32
      %dma_start3A_936 = arith.constant 0 : i32
      %dma_start3A_937 = tpu.memref_slice %arg11[%dma_start3A_935, %dma_start3A_936] : memref<10240x128xf32, #tpu.memory_space<vmem_shared>> -> memref<10240x128xf32, #tpu.memory_space<vmem_shared>>
      tpu.enqueue_indirect_dma source(%arg9 : memref<128x128xf32, #tpu.memory_space<vmem>>) target(%dma_start3A_937 : memref<10240x128xf32, #tpu.memory_space<vmem_shared>>) offsets(%dma_start3A_934 : memref<128xi32, #tpu.memory_space<vmem>>) semaphore(%arg15 : memref<!tpu.dma_semaphore, #tpu.memory_space<semaphore_mem>>) {add = true}
      %add3A_938 = arith.constant 3 : i32
      %add3A_939 = arith.addi %mul3A_816, %add3A_938 : i32
      %add3A_940 = arith.constant 1 : i32
      %add3A_941 = arith.addi %add3A_939, %add3A_940 : i32
      %dma_start3A_942 = arith.constant 0 : i32
      %dma_start3A_943 = tpu.memref_slice %arg6[%add3A_941, %dma_start3A_942] : memref<16x128xi32, #tpu.memory_space<vmem>> -> memref<1x128xi32, #tpu.memory_space<vmem>>
      %dma_start3A_944 = tpu.memref_squeeze %dma_start3A_943 : memref<1x128xi32, #tpu.memory_space<vmem>> -> memref<128xi32, #tpu.memory_space<vmem>>
      %dma_start3A_945 = arith.constant 0 : i32
      %dma_start3A_946 = arith.constant 0 : i32
      %dma_start3A_947 = tpu.memref_slice %arg4[%dma_start3A_945, %dma_start3A_946] : memref<10000x128xf32, #tpu.memory_space<hbm>> -> memref<10000x128xf32, #tpu.memory_space<hbm>>
      tpu.enqueue_indirect_dma source(%dma_start3A_947 : memref<10000x128xf32, #tpu.memory_space<hbm>>) target(%arg8 : memref<128x128xf32, #tpu.memory_space<vmem>>) offsets(%dma_start3A_944 : memref<128xi32, #tpu.memory_space<vmem>>) semaphore(%arg12 : memref<!tpu.dma_semaphore, #tpu.memory_space<semaphore_mem>>)
      %dma_wait3A_948 = arith.constant 0 : i32
      %dma_wait3A_949 = arith.constant 0 : i32
      %dma_wait3A_950 = tpu.memref_slice %arg6[%dma_wait3A_948, %dma_wait3A_949] : memref<16x128xi32, #tpu.memory_space<vmem>> -> memref<1x128xi32, #tpu.memory_space<vmem>>
      %dma_wait3A_951 = tpu.memref_squeeze %dma_wait3A_950 : memref<1x128xi32, #tpu.memory_space<vmem>> -> memref<128xi32, #tpu.memory_space<vmem>>
      %dma_wait3A_952 = arith.constant 0 : i32
      %dma_wait3A_953 = arith.constant 0 : i32
      %dma_wait3A_954 = tpu.memref_slice %arg4[%dma_wait3A_952, %dma_wait3A_953] : memref<10000x128xf32, #tpu.memory_space<hbm>> -> memref<10000x128xf32, #tpu.memory_space<hbm>>
      tpu.wait_indirect_dma semaphore(%arg12 : memref<!tpu.dma_semaphore, #tpu.memory_space<semaphore_mem>>) src(%dma_wait3A_954 : memref<10000x128xf32, #tpu.memory_space<hbm>>) dst(%arg8 : memref<128x128xf32, #tpu.memory_space<vmem>>)
      %dma_wait3A_955 = arith.constant 0 : i32
      %dma_wait3A_956 = arith.constant 0 : i32
      %dma_wait3A_957 = tpu.memref_slice %arg7[%dma_wait3A_955, %dma_wait3A_956] : memref<16x128xi32, #tpu.memory_space<vmem>> -> memref<1x128xi32, #tpu.memory_space<vmem>>
      %dma_wait3A_958 = tpu.memref_squeeze %dma_wait3A_957 : memref<1x128xi32, #tpu.memory_space<vmem>> -> memref<128xi32, #tpu.memory_space<vmem>>
      %dma_wait3A_959 = arith.constant 0 : i32
      %dma_wait3A_960 = arith.constant 0 : i32
      %dma_wait3A_961 = tpu.memref_slice %arg11[%dma_wait3A_959, %dma_wait3A_960] : memref<10240x128xf32, #tpu.memory_space<vmem_shared>> -> memref<10240x128xf32, #tpu.memory_space<vmem_shared>>
      tpu.wait_indirect_dma semaphore(%arg15 : memref<!tpu.dma_semaphore, #tpu.memory_space<semaphore_mem>>) src(%arg9 : memref<128x128xf32, #tpu.memory_space<vmem>>) dst(%dma_wait3A_961 : memref<10240x128xf32, #tpu.memory_space<vmem_shared>>)
      %add3A_962 = arith.constant 4 : i32
      %add3A_963 = arith.addi %mul3A_816, %add3A_962 : i32
      %dma_start3A_964 = arith.constant 0 : i32
      %dma_start3A_965 = tpu.memref_slice %arg7[%add3A_963, %dma_start3A_964] : memref<16x128xi32, #tpu.memory_space<vmem>> -> memref<1x128xi32, #tpu.memory_space<vmem>>
      %dma_start3A_966 = tpu.memref_squeeze %dma_start3A_965 : memref<1x128xi32, #tpu.memory_space<vmem>> -> memref<128xi32, #tpu.memory_space<vmem>>
      %dma_start3A_967 = arith.constant 0 : i32
      %dma_start3A_968 = arith.constant 0 : i32
      %dma_start3A_969 = tpu.memref_slice %arg11[%dma_start3A_967, %dma_start3A_968] : memref<10240x128xf32, #tpu.memory_space<vmem_shared>> -> memref<10240x128xf32, #tpu.memory_space<vmem_shared>>
      tpu.enqueue_indirect_dma source(%arg8 : memref<128x128xf32, #tpu.memory_space<vmem>>) target(%dma_start3A_969 : memref<10240x128xf32, #tpu.memory_space<vmem_shared>>) offsets(%dma_start3A_966 : memref<128xi32, #tpu.memory_space<vmem>>) semaphore(%arg14 : memref<!tpu.dma_semaphore, #tpu.memory_space<semaphore_mem>>) {add = true}
      %add3A_970 = arith.constant 4 : i32
      %add3A_971 = arith.addi %mul3A_816, %add3A_970 : i32
      %add3A_972 = arith.constant 1 : i32
      %add3A_973 = arith.addi %add3A_971, %add3A_972 : i32
      %dma_start3A_974 = arith.constant 0 : i32
      %dma_start3A_975 = tpu.memref_slice %arg6[%add3A_973, %dma_start3A_974] : memref<16x128xi32, #tpu.memory_space<vmem>> -> memref<1x128xi32, #tpu.memory_space<vmem>>
      %dma_start3A_976 = tpu.memref_squeeze %dma_start3A_975 : memref<1x128xi32, #tpu.memory_space<vmem>> -> memref<128xi32, #tpu.memory_space<vmem>>
      %dma_start3A_977 = arith.constant 0 : i32
      %dma_start3A_978 = arith.constant 0 : i32
      %dma_start3A_979 = tpu.memref_slice %arg4[%dma_start3A_977, %dma_start3A_978] : memref<10000x128xf32, #tpu.memory_space<hbm>> -> memref<10000x128xf32, #tpu.memory_space<hbm>>
      tpu.enqueue_indirect_dma source(%dma_start3A_979 : memref<10000x128xf32, #tpu.memory_space<hbm>>) target(%arg9 : memref<128x128xf32, #tpu.memory_space<vmem>>) offsets(%dma_start3A_976 : memref<128xi32, #tpu.memory_space<vmem>>) semaphore(%arg13 : memref<!tpu.dma_semaphore, #tpu.memory_space<semaphore_mem>>)
      %dma_wait3A_980 = arith.constant 0 : i32
      %dma_wait3A_981 = arith.constant 0 : i32
      %dma_wait3A_982 = tpu.memref_slice %arg6[%dma_wait3A_980, %dma_wait3A_981] : memref<16x128xi32, #tpu.memory_space<vmem>> -> memref<1x128xi32, #tpu.memory_space<vmem>>
      %dma_wait3A_983 = tpu.memref_squeeze %dma_wait3A_982 : memref<1x128xi32, #tpu.memory_space<vmem>> -> memref<128xi32, #tpu.memory_space<vmem>>
      %dma_wait3A_984 = arith.constant 0 : i32
      %dma_wait3A_985 = arith.constant 0 : i32
      %dma_wait3A_986 = tpu.memref_slice %arg4[%dma_wait3A_984, %dma_wait3A_985] : memref<10000x128xf32, #tpu.memory_space<hbm>> -> memref<10000x128xf32, #tpu.memory_space<hbm>>
      tpu.wait_indirect_dma semaphore(%arg13 : memref<!tpu.dma_semaphore, #tpu.memory_space<semaphore_mem>>) src(%dma_wait3A_986 : memref<10000x128xf32, #tpu.memory_space<hbm>>) dst(%arg9 : memref<128x128xf32, #tpu.memory_space<vmem>>)
      %dma_wait3A_987 = arith.constant 0 : i32
      %dma_wait3A_988 = arith.constant 0 : i32
      %dma_wait3A_989 = tpu.memref_slice %arg7[%dma_wait3A_987, %dma_wait3A_988] : memref<16x128xi32, #tpu.memory_space<vmem>> -> memref<1x128xi32, #tpu.memory_space<vmem>>
      %dma_wait3A_990 = tpu.memref_squeeze %dma_wait3A_989 : memref<1x128xi32, #tpu.memory_space<vmem>> -> memref<128xi32, #tpu.memory_space<vmem>>
      %dma_wait3A_991 = arith.constant 0 : i32
      %dma_wait3A_992 = arith.constant 0 : i32
      %dma_wait3A_993 = tpu.memref_slice %arg11[%dma_wait3A_991, %dma_wait3A_992] : memref<10240x128xf32, #tpu.memory_space<vmem_shared>> -> memref<10240x128xf32, #tpu.memory_space<vmem_shared>>
      tpu.wait_indirect_dma semaphore(%arg14 : memref<!tpu.dma_semaphore, #tpu.memory_space<semaphore_mem>>) src(%arg8 : memref<128x128xf32, #tpu.memory_space<vmem>>) dst(%dma_wait3A_993 : memref<10240x128xf32, #tpu.memory_space<vmem_shared>>)
      %add3A_994 = arith.constant 5 : i32
      %add3A_995 = arith.addi %mul3A_816, %add3A_994 : i32
      %dma_start3A_996 = arith.constant 0 : i32
      %dma_start3A_997 = tpu.memref_slice %arg7[%add3A_995, %dma_start3A_996] : memref<16x128xi32, #tpu.memory_space<vmem>> -> memref<1x128xi32, #tpu.memory_space<vmem>>
      %dma_start3A_998 = tpu.memref_squeeze %dma_start3A_997 : memref<1x128xi32, #tpu.memory_space<vmem>> -> memref<128xi32, #tpu.memory_space<vmem>>
      %dma_start3A_999 = arith.constant 0 : i32
      %dma_start3A_1000 = arith.constant 0 : i32
      %dma_start3A_1001 = tpu.memref_slice %arg11[%dma_start3A_999, %dma_start3A_1000] : memref<10240x128xf32, #tpu.memory_space<vmem_shared>> -> memref<10240x128xf32, #tpu.memory_space<vmem_shared>>
      tpu.enqueue_indirect_dma source(%arg9 : memref<128x128xf32, #tpu.memory_space<vmem>>) target(%dma_start3A_1001 : memref<10240x128xf32, #tpu.memory_space<vmem_shared>>) offsets(%dma_start3A_998 : memref<128xi32, #tpu.memory_space<vmem>>) semaphore(%arg15 : memref<!tpu.dma_semaphore, #tpu.memory_space<semaphore_mem>>) {add = true}
      %add3A_1002 = arith.constant 5 : i32
      %add3A_1003 = arith.addi %mul3A_816, %add3A_1002 : i32
      %add3A_1004 = arith.constant 1 : i32
      %add3A_1005 = arith.addi %add3A_1003, %add3A_1004 : i32
      %dma_start3A_1006 = arith.constant 0 : i32
      %dma_start3A_1007 = tpu.memref_slice %arg6[%add3A_1005, %dma_start3A_1006] : memref<16x128xi32, #tpu.memory_space<vmem>> -> memref<1x128xi32, #tpu.memory_space<vmem>>
      %dma_start3A_1008 = tpu.memref_squeeze %dma_start3A_1007 : memref<1x128xi32, #tpu.memory_space<vmem>> -> memref<128xi32, #tpu.memory_space<vmem>>
      %dma_start3A_1009 = arith.constant 0 : i32
      %dma_start3A_1010 = arith.constant 0 : i32
      %dma_start3A_1011 = tpu.memref_slice %arg4[%dma_start3A_1009, %dma_start3A_1010] : memref<10000x128xf32, #tpu.memory_space<hbm>> -> memref<10000x128xf32, #tpu.memory_space<hbm>>
      tpu.enqueue_indirect_dma source(%dma_start3A_1011 : memref<10000x128xf32, #tpu.memory_space<hbm>>) target(%arg8 : memref<128x128xf32, #tpu.memory_space<vmem>>) offsets(%dma_start3A_1008 : memref<128xi32, #tpu.memory_space<vmem>>) semaphore(%arg12 : memref<!tpu.dma_semaphore, #tpu.memory_space<semaphore_mem>>)
      %dma_wait3A_1012 = arith.constant 0 : i32
      %dma_wait3A_1013 = arith.constant 0 : i32
      %dma_wait3A_1014 = tpu.memref_slice %arg6[%dma_wait3A_1012, %dma_wait3A_1013] : memref<16x128xi32, #tpu.memory_space<vmem>> -> memref<1x128xi32, #tpu.memory_space<vmem>>
      %dma_wait3A_1015 = tpu.memref_squeeze %dma_wait3A_1014 : memref<1x128xi32, #tpu.memory_space<vmem>> -> memref<128xi32, #tpu.memory_space<vmem>>
      %dma_wait3A_1016 = arith.constant 0 : i32
      %dma_wait3A_1017 = arith.constant 0 : i32
      %dma_wait3A_1018 = tpu.memref_slice %arg4[%dma_wait3A_1016, %dma_wait3A_1017] : memref<10000x128xf32, #tpu.memory_space<hbm>> -> memref<10000x128xf32, #tpu.memory_space<hbm>>
      tpu.wait_indirect_dma semaphore(%arg12 : memref<!tpu.dma_semaphore, #tpu.memory_space<semaphore_mem>>) src(%dma_wait3A_1018 : memref<10000x128xf32, #tpu.memory_space<hbm>>) dst(%arg8 : memref<128x128xf32, #tpu.memory_space<vmem>>)
      %dma_wait3A_1019 = arith.constant 0 : i32
      %dma_wait3A_1020 = arith.constant 0 : i32
      %dma_wait3A_1021 = tpu.memref_slice %arg7[%dma_wait3A_1019, %dma_wait3A_1020] : memref<16x128xi32, #tpu.memory_space<vmem>> -> memref<1x128xi32, #tpu.memory_space<vmem>>
      %dma_wait3A_1022 = tpu.memref_squeeze %dma_wait3A_1021 : memref<1x128xi32, #tpu.memory_space<vmem>> -> memref<128xi32, #tpu.memory_space<vmem>>
      %dma_wait3A_1023 = arith.constant 0 : i32
      %dma_wait3A_1024 = arith.constant 0 : i32
      %dma_wait3A_1025 = tpu.memref_slice %arg11[%dma_wait3A_1023, %dma_wait3A_1024] : memref<10240x128xf32, #tpu.memory_space<vmem_shared>> -> memref<10240x128xf32, #tpu.memory_space<vmem_shared>>
      tpu.wait_indirect_dma semaphore(%arg15 : memref<!tpu.dma_semaphore, #tpu.memory_space<semaphore_mem>>) src(%arg9 : memref<128x128xf32, #tpu.memory_space<vmem>>) dst(%dma_wait3A_1025 : memref<10240x128xf32, #tpu.memory_space<vmem_shared>>)
      %add3A_1026 = arith.constant 6 : i32
      %add3A_1027 = arith.addi %mul3A_816, %add3A_1026 : i32
      %dma_start3A_1028 = arith.constant 0 : i32
      %dma_start3A_1029 = tpu.memref_slice %arg7[%add3A_1027, %dma_start3A_1028] : memref<16x128xi32, #tpu.memory_space<vmem>> -> memref<1x128xi32, #tpu.memory_space<vmem>>
      %dma_start3A_1030 = tpu.memref_squeeze %dma_start3A_1029 : memref<1x128xi32, #tpu.memory_space<vmem>> -> memref<128xi32, #tpu.memory_space<vmem>>
      %dma_start3A_1031 = arith.constant 0 : i32
      %dma_start3A_1032 = arith.constant 0 : i32
      %dma_start3A_1033 = tpu.memref_slice %arg11[%dma_start3A_1031, %dma_start3A_1032] : memref<10240x128xf32, #tpu.memory_space<vmem_shared>> -> memref<10240x128xf32, #tpu.memory_space<vmem_shared>>
      tpu.enqueue_indirect_dma source(%arg8 : memref<128x128xf32, #tpu.memory_space<vmem>>) target(%dma_start3A_1033 : memref<10240x128xf32, #tpu.memory_space<vmem_shared>>) offsets(%dma_start3A_1030 : memref<128xi32, #tpu.memory_space<vmem>>) semaphore(%arg14 : memref<!tpu.dma_semaphore, #tpu.memory_space<semaphore_mem>>) {add = true}
      %add3A_1034 = arith.constant 6 : i32
      %add3A_1035 = arith.addi %mul3A_816, %add3A_1034 : i32
      %add3A_1036 = arith.constant 1 : i32
      %add3A_1037 = arith.addi %add3A_1035, %add3A_1036 : i32
      %dma_start3A_1038 = arith.constant 0 : i32
      %dma_start3A_1039 = tpu.memref_slice %arg6[%add3A_1037, %dma_start3A_1038] : memref<16x128xi32, #tpu.memory_space<vmem>> -> memref<1x128xi32, #tpu.memory_space<vmem>>
      %dma_start3A_1040 = tpu.memref_squeeze %dma_start3A_1039 : memref<1x128xi32, #tpu.memory_space<vmem>> -> memref<128xi32, #tpu.memory_space<vmem>>
      %dma_start3A_1041 = arith.constant 0 : i32
      %dma_start3A_1042 = arith.constant 0 : i32
      %dma_start3A_1043 = tpu.memref_slice %arg4[%dma_start3A_1041, %dma_start3A_1042] : memref<10000x128xf32, #tpu.memory_space<hbm>> -> memref<10000x128xf32, #tpu.memory_space<hbm>>
      tpu.enqueue_indirect_dma source(%dma_start3A_1043 : memref<10000x128xf32, #tpu.memory_space<hbm>>) target(%arg9 : memref<128x128xf32, #tpu.memory_space<vmem>>) offsets(%dma_start3A_1040 : memref<128xi32, #tpu.memory_space<vmem>>) semaphore(%arg13 : memref<!tpu.dma_semaphore, #tpu.memory_space<semaphore_mem>>)
      %dma_wait3A_1044 = arith.constant 0 : i32
      %dma_wait3A_1045 = arith.constant 0 : i32
      %dma_wait3A_1046 = tpu.memref_slice %arg6[%dma_wait3A_1044, %dma_wait3A_1045] : memref<16x128xi32, #tpu.memory_space<vmem>> -> memref<1x128xi32, #tpu.memory_space<vmem>>
      %dma_wait3A_1047 = tpu.memref_squeeze %dma_wait3A_1046 : memref<1x128xi32, #tpu.memory_space<vmem>> -> memref<128xi32, #tpu.memory_space<vmem>>
      %dma_wait3A_1048 = arith.constant 0 : i32
      %dma_wait3A_1049 = arith.constant 0 : i32
      %dma_wait3A_1050 = tpu.memref_slice %arg4[%dma_wait3A_1048, %dma_wait3A_1049] : memref<10000x128xf32, #tpu.memory_space<hbm>> -> memref<10000x128xf32, #tpu.memory_space<hbm>>
      tpu.wait_indirect_dma semaphore(%arg13 : memref<!tpu.dma_semaphore, #tpu.memory_space<semaphore_mem>>) src(%dma_wait3A_1050 : memref<10000x128xf32, #tpu.memory_space<hbm>>) dst(%arg9 : memref<128x128xf32, #tpu.memory_space<vmem>>)
      %dma_wait3A_1051 = arith.constant 0 : i32
      %dma_wait3A_1052 = arith.constant 0 : i32
      %dma_wait3A_1053 = tpu.memref_slice %arg7[%dma_wait3A_1051, %dma_wait3A_1052] : memref<16x128xi32, #tpu.memory_space<vmem>> -> memref<1x128xi32, #tpu.memory_space<vmem>>
      %dma_wait3A_1054 = tpu.memref_squeeze %dma_wait3A_1053 : memref<1x128xi32, #tpu.memory_space<vmem>> -> memref<128xi32, #tpu.memory_space<vmem>>
      %dma_wait3A_1055 = arith.constant 0 : i32
      %dma_wait3A_1056 = arith.constant 0 : i32
      %dma_wait3A_1057 = tpu.memref_slice %arg11[%dma_wait3A_1055, %dma_wait3A_1056] : memref<10240x128xf32, #tpu.memory_space<vmem_shared>> -> memref<10240x128xf32, #tpu.memory_space<vmem_shared>>
      tpu.wait_indirect_dma semaphore(%arg14 : memref<!tpu.dma_semaphore, #tpu.memory_space<semaphore_mem>>) src(%arg8 : memref<128x128xf32, #tpu.memory_space<vmem>>) dst(%dma_wait3A_1057 : memref<10240x128xf32, #tpu.memory_space<vmem_shared>>)
      %add3A_1058 = arith.constant 7 : i32
      %add3A_1059 = arith.addi %mul3A_816, %add3A_1058 : i32
      %dma_start3A_1060 = arith.constant 0 : i32
      %dma_start3A_1061 = tpu.memref_slice %arg7[%add3A_1059, %dma_start3A_1060] : memref<16x128xi32, #tpu.memory_space<vmem>> -> memref<1x128xi32, #tpu.memory_space<vmem>>
      %dma_start3A_1062 = tpu.memref_squeeze %dma_start3A_1061 : memref<1x128xi32, #tpu.memory_space<vmem>> -> memref<128xi32, #tpu.memory_space<vmem>>
      %dma_start3A_1063 = arith.constant 0 : i32
      %dma_start3A_1064 = arith.constant 0 : i32
      %dma_start3A_1065 = tpu.memref_slice %arg11[%dma_start3A_1063, %dma_start3A_1064] : memref<10240x128xf32, #tpu.memory_space<vmem_shared>> -> memref<10240x128xf32, #tpu.memory_space<vmem_shared>>
      tpu.enqueue_indirect_dma source(%arg9 : memref<128x128xf32, #tpu.memory_space<vmem>>) target(%dma_start3A_1065 : memref<10240x128xf32, #tpu.memory_space<vmem_shared>>) offsets(%dma_start3A_1062 : memref<128xi32, #tpu.memory_space<vmem>>) semaphore(%arg15 : memref<!tpu.dma_semaphore, #tpu.memory_space<semaphore_mem>>) {add = true}
      %add3A_1066 = arith.constant 1 : i32
      %add3A_1067 = arith.addi %scan3A_804, %add3A_1066 : i32
      %lt3A_1068 = arith.constant 10 : i32
      %lt3A_1069 = arith.cmpi slt, %add3A_1067, %lt3A_1068 : i32
      %convert_element_type3A_1070 = arith.extui %lt3A_1069 : i1 to i32
      %cond3A_1071 = arith.constant 0 : i32
      %cond3A_1072 = arith.cmpi ne, %convert_element_type3A_1070, %cond3A_1071 : i32
      scf.if %cond3A_1072 {
        %dma_start3A_1074 = arith.constant 0 : i32
        %dma_start3A_1075 = tpu.memref_slice %arg6[%sub3A_817, %dma_start3A_1074] : memref<16x128xi32, #tpu.memory_space<vmem>> -> memref<1x128xi32, #tpu.memory_space<vmem>>
        %dma_start3A_1076 = tpu.memref_squeeze %dma_start3A_1075 : memref<1x128xi32, #tpu.memory_space<vmem>> -> memref<128xi32, #tpu.memory_space<vmem>>
        %dma_start3A_1077 = arith.constant 0 : i32
        %dma_start3A_1078 = arith.constant 0 : i32
        %dma_start3A_1079 = tpu.memref_slice %arg4[%dma_start3A_1077, %dma_start3A_1078] : memref<10000x128xf32, #tpu.memory_space<hbm>> -> memref<10000x128xf32, #tpu.memory_space<hbm>>
        tpu.enqueue_indirect_dma source(%dma_start3A_1079 : memref<10000x128xf32, #tpu.memory_space<hbm>>) target(%arg8 : memref<128x128xf32, #tpu.memory_space<vmem>>) offsets(%dma_start3A_1076 : memref<128xi32, #tpu.memory_space<vmem>>) semaphore(%arg12 : memref<!tpu.dma_semaphore, #tpu.memory_space<semaphore_mem>>)
      } else {
      }
      %scan3A_1073 = arith.constant 0 : i32
      scf.yield %scan3A_1073 : i32
    }
    %scan3A_789 = arith.constant 10 : i32
    %dma_wait3A = arith.constant 0 : i32
    %dma_wait3A_790 = arith.constant 0 : i32
    %dma_wait3A_791 = tpu.memref_slice %arg7[%dma_wait3A, %dma_wait3A_790] : memref<16x128xi32, #tpu.memory_space<vmem>> -> memref<1x128xi32, #tpu.memory_space<vmem>>
    %dma_wait3A_792 = tpu.memref_squeeze %dma_wait3A_791 : memref<1x128xi32, #tpu.memory_space<vmem>> -> memref<128xi32, #tpu.memory_space<vmem>>
    %dma_wait3A_793 = arith.constant 0 : i32
    %dma_wait3A_794 = arith.constant 0 : i32
    %dma_wait3A_795 = tpu.memref_slice %arg11[%dma_wait3A_793, %dma_wait3A_794] : memref<10240x128xf32, #tpu.memory_space<vmem_shared>> -> memref<10240x128xf32, #tpu.memory_space<vmem_shared>>
    tpu.wait_indirect_dma semaphore(%arg15 : memref<!tpu.dma_semaphore, #tpu.memory_space<semaphore_mem>>) src(%arg9 : memref<128x128xf32, #tpu.memory_space<vmem>>) dst(%dma_wait3A_795 : memref<10240x128xf32, #tpu.memory_space<vmem_shared>>)
    %barrier3A_796 = arith.constant 0 : index
    tpu.barrier barrier_id(%barrier3A_796)
    %scan3A_797 = arith.constant 0 : i32
    %scan3A_798 = arith.constant 0 : i32
    %scan3A_799 = arith.constant 5 : i32
    %scan3A_800 = arith.addi %scan3A_798, %scan3A_799 : i32
    %scan3A_801 = arith.constant 1 : i32
    %scan3A_802 = scf.for %scan3A_804 = %scan3A_798 to %scan3A_800 step %scan3A_801 iter_args(%scan3A_805 = %scan3A_797) -> (i32)  : i32 {
      %mul3A_806 = arith.constant 640 : i32
      %mul3A_807 = arith.muli %arg1, %mul3A_806 : i32
      %mul3A_808 = arith.constant 128 : i32
      %mul3A_809 = arith.muli %scan3A_804, %mul3A_808 : i32
      %add3A_810 = arith.addi %mul3A_807, %mul3A_809 : i32
      "tpu.region"() ({
        %run_scoped3A = tpu.sem_alloc : memref<!tpu.dma_semaphore, #tpu.memory_space<semaphore_mem>>
        %dma_start3A_812 = arith.constant 0 : i32
        %dma_start3A_813 = tpu.memref_slice %arg5[%arg0, %add3A_810, %dma_start3A_812] : memref<2x10240x128xf32, #tpu.memory_space<hbm>> -> memref<1x128x128xf32, #tpu.memory_space<hbm>>
        %dma_start3A_814 = tpu.memref_squeeze %dma_start3A_813 : memref<1x128x128xf32, #tpu.memory_space<hbm>> -> memref<128x128xf32, #tpu.memory_space<hbm>>
        %dma_start3A_815 = arith.constant 0 : i32
        %dma_start3A_816 = tpu.memref_slice %arg11[%add3A_810, %dma_start3A_815] : memref<10240x128xf32, #tpu.memory_space<vmem_shared>> -> memref<128x128xf32, #tpu.memory_space<vmem_shared>>
        tpu.enqueue_dma source(%dma_start3A_816 : memref<128x128xf32, #tpu.memory_space<vmem_shared>>) target(%dma_start3A_814 : memref<128x128xf32, #tpu.memory_space<hbm>>) target_semaphore(%run_scoped3A : memref<!tpu.dma_semaphore, #tpu.memory_space<semaphore_mem>>)
        %dma_wait3A_817 = arith.constant 0 : i32
        %dma_wait3A_818 = tpu.memref_slice %arg5[%arg0, %add3A_810, %dma_wait3A_817] : memref<2x10240x128xf32, #tpu.memory_space<hbm>> -> memref<1x128x128xf32, #tpu.memory_space<hbm>>
        %dma_wait3A_819 = tpu.memref_squeeze %dma_wait3A_818 : memref<1x128x128xf32, #tpu.memory_space<hbm>> -> memref<128x128xf32, #tpu.memory_space<hbm>>
        %dma_wait3A_820 = arith.constant 0 : i32
        %dma_wait3A_821 = tpu.memref_slice %arg11[%add3A_810, %dma_wait3A_820] : memref<10240x128xf32, #tpu.memory_space<vmem_shared>> -> memref<128x128xf32, #tpu.memory_space<vmem_shared>>
        tpu.wait_dma2 semaphore(%run_scoped3A : memref<!tpu.dma_semaphore, #tpu.memory_space<semaphore_mem>>) src(%dma_wait3A_821 : memref<128x128xf32, #tpu.memory_space<vmem_shared>>) dst(%dma_wait3A_819 : memref<128x128xf32, #tpu.memory_space<hbm>>)
        tpu.yield
      }) : () -> ()
      %scan3A_811 = arith.constant 0 : i32
      scf.yield %scan3A_811 : i32
    }
    %scan3A_803 = arith.constant 5 : i32
    return
  }
}

module attributes {stable_mosaic.version = 14 : i64} {
  func.func @_tc1_body(%arg0: i32, %arg1: memref<2x1000x128xf32, #tpu.memory_space<vmem>>, %arg2: memref<2x1000x16xf32, #tpu.memory_space<vmem>>, %arg3: memref<1000x128xf32, #tpu.memory_space<vmem>>, %arg4: memref<128x128xf32, #tpu.memory_space<vmem>>, %arg5: memref<128x128xf32, #tpu.memory_space<vmem>>, %arg6: memref<1x128xf32, #tpu.memory_space<vmem>>, %arg7: memref<1000x128xf32, #tpu.memory_space<vmem>>) attributes {dimension_semantics = [#tpu.dimension_semantics<arbitrary>], iteration_bounds = array<i64: 10>, scalar_prefetch = 0 : i64, scratch_operands = 0 : i64, tpu.core_type = #tpu.core_type<tc>, window_params = [{transform_indices = @transform_0, window_bounds = array<i64: 2, 1000, 128>}, {transform_indices = @transform_1, window_bounds = array<i64: 2, 1000, 16>}, {transform_indices = @transform_2, window_bounds = array<i64: 1000, 128>}, {pipeline_mode = #tpu.pipeline_mode<synchronous>, transform_indices = @transform_3, window_bounds = array<i64: 128, 128>}, {pipeline_mode = #tpu.pipeline_mode<synchronous>, transform_indices = @transform_4, window_bounds = array<i64: 128, 128>}, {pipeline_mode = #tpu.pipeline_mode<synchronous>, transform_indices = @transform_5, window_bounds = array<i64: 1, 128>}, {transform_indices = @transform_6, window_bounds = array<i64: 1000, 128>}]} {
    %get3A = arith.constant 0 : index
    %get3A_0 = arith.constant 0 : index
    %get3A_1 = arith.constant 0 : index
    %get3A_2 = vector.load %arg1[%get3A, %get3A_0, %get3A_1] : memref<2x1000x128xf32, #tpu.memory_space<vmem>>, vector<1x1000x128xf32>
    %get3A_3 = vector.shape_cast %get3A_2 : vector<1x1000x128xf32> to vector<1000x128xf32>
    %get3A_4 = arith.constant 1 : index
    %get3A_5 = arith.constant 0 : index
    %get3A_6 = arith.constant 0 : index
    %get3A_7 = vector.load %arg1[%get3A_4, %get3A_5, %get3A_6] : memref<2x1000x128xf32, #tpu.memory_space<vmem>>, vector<1x1000x128xf32>
    %get3A_8 = vector.shape_cast %get3A_7 : vector<1x1000x128xf32> to vector<1000x128xf32>
    %add3A = arith.addf %get3A_3, %get3A_8 : vector<1000x128xf32>
    %get3A_9 = arith.constant 0 : index
    %get3A_10 = arith.constant 0 : index
    %get3A_11 = arith.constant 0 : index
    %get3A_12 = vector.load %arg2[%get3A_9, %get3A_10, %get3A_11] : memref<2x1000x16xf32, #tpu.memory_space<vmem>>, vector<1x1000x1xf32>
    %get3A_13 = vector.shape_cast %get3A_12 : vector<1x1000x1xf32> to vector<1000x1xf32>
    %get3A_14 = arith.constant 1 : index
    %get3A_15 = arith.constant 0 : index
    %get3A_16 = arith.constant 0 : index
    %get3A_17 = vector.load %arg2[%get3A_14, %get3A_15, %get3A_16] : memref<2x1000x16xf32, #tpu.memory_space<vmem>>, vector<1x1000x1xf32>
    %get3A_18 = vector.shape_cast %get3A_17 : vector<1x1000x1xf32> to vector<1000x1xf32>
    %add3A_19 = arith.addf %get3A_13, %get3A_18 : vector<1000x1xf32>
    %max3A = arith.constant 1.000000e+00 : f32
    %max3A_20 = vector.broadcast %max3A : f32 to vector<1000x1xf32>
    %max3A_21 = arith.maximumf %add3A_19, %max3A_20 : vector<1000x1xf32>
    %div3A = vector.broadcast %max3A_21 : vector<1000x1xf32> to vector<1000x128xf32>
    %div3A_22 = arith.divf %add3A, %div3A : vector<1000x128xf32>
    %get3A_23 = arith.constant 0 : index
    %get3A_24 = arith.constant 0 : index
    %get3A_25 = vector.load %arg4[%get3A_23, %get3A_24] : memref<128x128xf32, #tpu.memory_space<vmem>>, vector<128x128xf32>
    %dot_general3A = arith.constant dense<0.000000e+00> : vector<1000x128xf32>
    %dot_general3A_26 = tpu.matmul %div3A_22, %get3A_25, %dot_general3A {dimension_numbers = #tpu.dot_dimension_numbers<[1], [0], [0], [1], [0, 0, 1, 1], [], []>, transpose_lhs_hint = false} : vector<1000x128xf32>, vector<128x128xf32>, vector<1000x128xf32> -> vector<1000x128xf32>
    %get3A_27 = arith.constant 0 : index
    %get3A_28 = arith.constant 0 : index
    %get3A_29 = vector.load %arg3[%get3A_27, %get3A_28] : memref<1000x128xf32, #tpu.memory_space<vmem>>, vector<1000x128xf32>
    %get3A_30 = arith.constant 0 : index
    %get3A_31 = arith.constant 0 : index
    %get3A_32 = vector.load %arg5[%get3A_30, %get3A_31] : memref<128x128xf32, #tpu.memory_space<vmem>>, vector<128x128xf32>
    %dot_general3A_33 = arith.constant dense<0.000000e+00> : vector<1000x128xf32>
    %dot_general3A_34 = tpu.matmul %get3A_29, %get3A_32, %dot_general3A_33 {dimension_numbers = #tpu.dot_dimension_numbers<[1], [0], [0], [1], [0, 0, 1, 1], [], []>, transpose_lhs_hint = false} : vector<1000x128xf32>, vector<128x128xf32>, vector<1000x128xf32> -> vector<1000x128xf32>
    %add3A_35 = arith.addf %dot_general3A_26, %dot_general3A_34 : vector<1000x128xf32>
    %get3A_36 = arith.constant 0 : index
    %get3A_37 = arith.constant 0 : index
    %get3A_38 = vector.load %arg6[%get3A_36, %get3A_37] : memref<1x128xf32, #tpu.memory_space<vmem>>, vector<1x128xf32>
    %add3A_39 = vector.broadcast %get3A_38 : vector<1x128xf32> to vector<1000x128xf32>
    %add3A_40 = arith.addf %add3A_35, %add3A_39 : vector<1000x128xf32>
    %max3A_41 = arith.constant 0.000000e+00 : f32
    %max3A_42 = vector.broadcast %max3A_41 : f32 to vector<1000x128xf32>
    %max3A_43 = arith.maximumf %add3A_40, %max3A_42 : vector<1000x128xf32>
    %swap3A = arith.constant 0 : index
    %swap3A_44 = arith.constant 0 : index
    %swap3A_45 = vector.load %arg7[%swap3A, %swap3A_44] : memref<1000x128xf32, #tpu.memory_space<vmem>>, vector<1000x128xf32>
    tpu.vector_store %arg7[%swap3A, %swap3A_44], %max3A_43 {strides = array<i32>} : memref<1000x128xf32, #tpu.memory_space<vmem>>, vector<1000x128xf32>,
    return
  }
  func.func @transform_0(%arg0: i32) -> (i32, i32, i32) {
    %c0_i32 = arith.constant 0 : i32
    %c0_i32_0 = arith.constant 0 : i32
    %c0_i32_1 = arith.constant 0 : i32
    return %c0_i32, %arg0, %c0_i32_0 : i32, i32, i32
  }
  func.func @transform_1(%arg0: i32) -> (i32, i32, i32) {
    %c0_i32 = arith.constant 0 : i32
    %c0_i32_0 = arith.constant 0 : i32
    %c0_i32_1 = arith.constant 0 : i32
    return %c0_i32, %arg0, %c0_i32_0 : i32, i32, i32
  }
  func.func @transform_2(%arg0: i32) -> (i32, i32) {
    %c0_i32 = arith.constant 0 : i32
    %c0_i32_0 = arith.constant 0 : i32
    return %arg0, %c0_i32 : i32, i32
  }
  func.func @transform_3(%arg0: i32) -> (i32, i32) {
    %c0_i32 = arith.constant 0 : i32
    %c0_i32_0 = arith.constant 0 : i32
    %c0_i32_1 = arith.constant 0 : i32
    return %c0_i32, %c0_i32_0 : i32, i32
  }
  func.func @transform_4(%arg0: i32) -> (i32, i32) {
    %c0_i32 = arith.constant 0 : i32
    %c0_i32_0 = arith.constant 0 : i32
    %c0_i32_1 = arith.constant 0 : i32
    return %c0_i32, %c0_i32_0 : i32, i32
  }
  func.func @transform_5(%arg0: i32) -> (i32, i32) {
    %c0_i32 = arith.constant 0 : i32
    %c0_i32_0 = arith.constant 0 : i32
    %c0_i32_1 = arith.constant 0 : i32
    return %c0_i32, %c0_i32_0 : i32, i32
  }
  func.func @transform_6(%arg0: i32) -> (i32, i32) {
    %c0_i32 = arith.constant 0 : i32
    %c0_i32_0 = arith.constant 0 : i32
    return %arg0, %c0_i32 : i32, i32
  }
}

module attributes {stable_mosaic.version = 14 : i64} {
  func.func @_tc2_body(%arg0: i32, %arg1: memref<2x1000x128xf32, #tpu.memory_space<vmem>>, %arg2: memref<2x1000x16xf32, #tpu.memory_space<vmem>>, %arg3: memref<1000x128xf32, #tpu.memory_space<vmem>>, %arg4: memref<128x128xf32, #tpu.memory_space<vmem>>, %arg5: memref<128x128xf32, #tpu.memory_space<vmem>>, %arg6: memref<1x128xf32, #tpu.memory_space<vmem>>, %arg7: memref<128x128xf32, #tpu.memory_space<vmem>>, %arg8: memref<1x128xf32, #tpu.memory_space<vmem>>, %arg9: memref<1000x128xf32, #tpu.memory_space<vmem>>) attributes {dimension_semantics = [#tpu.dimension_semantics<arbitrary>], iteration_bounds = array<i64: 10>, scalar_prefetch = 0 : i64, scratch_operands = 0 : i64, tpu.core_type = #tpu.core_type<tc>, window_params = [{transform_indices = @transform_0, window_bounds = array<i64: 2, 1000, 128>}, {transform_indices = @transform_1, window_bounds = array<i64: 2, 1000, 16>}, {transform_indices = @transform_2, window_bounds = array<i64: 1000, 128>}, {pipeline_mode = #tpu.pipeline_mode<synchronous>, transform_indices = @transform_3, window_bounds = array<i64: 128, 128>}, {pipeline_mode = #tpu.pipeline_mode<synchronous>, transform_indices = @transform_4, window_bounds = array<i64: 128, 128>}, {pipeline_mode = #tpu.pipeline_mode<synchronous>, transform_indices = @transform_5, window_bounds = array<i64: 1, 128>}, {pipeline_mode = #tpu.pipeline_mode<synchronous>, transform_indices = @transform_6, window_bounds = array<i64: 128, 128>}, {pipeline_mode = #tpu.pipeline_mode<synchronous>, transform_indices = @transform_7, window_bounds = array<i64: 1, 128>}, {transform_indices = @transform_8, window_bounds = array<i64: 1000, 128>}]} {
    %get3A = arith.constant 0 : index
    %get3A_0 = arith.constant 0 : index
    %get3A_1 = arith.constant 0 : index
    %get3A_2 = vector.load %arg1[%get3A, %get3A_0, %get3A_1] : memref<2x1000x128xf32, #tpu.memory_space<vmem>>, vector<1x1000x128xf32>
    %get3A_3 = vector.shape_cast %get3A_2 : vector<1x1000x128xf32> to vector<1000x128xf32>
    %get3A_4 = arith.constant 1 : index
    %get3A_5 = arith.constant 0 : index
    %get3A_6 = arith.constant 0 : index
    %get3A_7 = vector.load %arg1[%get3A_4, %get3A_5, %get3A_6] : memref<2x1000x128xf32, #tpu.memory_space<vmem>>, vector<1x1000x128xf32>
    %get3A_8 = vector.shape_cast %get3A_7 : vector<1x1000x128xf32> to vector<1000x128xf32>
    %add3A = arith.addf %get3A_3, %get3A_8 : vector<1000x128xf32>
    %get3A_9 = arith.constant 0 : index
    %get3A_10 = arith.constant 0 : index
    %get3A_11 = arith.constant 0 : index
    %get3A_12 = vector.load %arg2[%get3A_9, %get3A_10, %get3A_11] : memref<2x1000x16xf32, #tpu.memory_space<vmem>>, vector<1x1000x1xf32>
    %get3A_13 = vector.shape_cast %get3A_12 : vector<1x1000x1xf32> to vector<1000x1xf32>
    %get3A_14 = arith.constant 1 : index
    %get3A_15 = arith.constant 0 : index
    %get3A_16 = arith.constant 0 : index
    %get3A_17 = vector.load %arg2[%get3A_14, %get3A_15, %get3A_16] : memref<2x1000x16xf32, #tpu.memory_space<vmem>>, vector<1x1000x1xf32>
    %get3A_18 = vector.shape_cast %get3A_17 : vector<1x1000x1xf32> to vector<1000x1xf32>
    %add3A_19 = arith.addf %get3A_13, %get3A_18 : vector<1000x1xf32>
    %max3A = arith.constant 1.000000e+00 : f32
    %max3A_20 = vector.broadcast %max3A : f32 to vector<1000x1xf32>
    %max3A_21 = arith.maximumf %add3A_19, %max3A_20 : vector<1000x1xf32>
    %div3A = vector.broadcast %max3A_21 : vector<1000x1xf32> to vector<1000x128xf32>
    %div3A_22 = arith.divf %add3A, %div3A : vector<1000x128xf32>
    %get3A_23 = arith.constant 0 : index
    %get3A_24 = arith.constant 0 : index
    %get3A_25 = vector.load %arg4[%get3A_23, %get3A_24] : memref<128x128xf32, #tpu.memory_space<vmem>>, vector<128x128xf32>
    %dot_general3A = arith.constant dense<0.000000e+00> : vector<1000x128xf32>
    %dot_general3A_26 = tpu.matmul %div3A_22, %get3A_25, %dot_general3A {dimension_numbers = #tpu.dot_dimension_numbers<[1], [0], [0], [1], [0, 0, 1, 1], [], []>, transpose_lhs_hint = false} : vector<1000x128xf32>, vector<128x128xf32>, vector<1000x128xf32> -> vector<1000x128xf32>
    %get3A_27 = arith.constant 0 : index
    %get3A_28 = arith.constant 0 : index
    %get3A_29 = vector.load %arg3[%get3A_27, %get3A_28] : memref<1000x128xf32, #tpu.memory_space<vmem>>, vector<1000x128xf32>
    %get3A_30 = arith.constant 0 : index
    %get3A_31 = arith.constant 0 : index
    %get3A_32 = vector.load %arg5[%get3A_30, %get3A_31] : memref<128x128xf32, #tpu.memory_space<vmem>>, vector<128x128xf32>
    %dot_general3A_33 = arith.constant dense<0.000000e+00> : vector<1000x128xf32>
    %dot_general3A_34 = tpu.matmul %get3A_29, %get3A_32, %dot_general3A_33 {dimension_numbers = #tpu.dot_dimension_numbers<[1], [0], [0], [1], [0, 0, 1, 1], [], []>, transpose_lhs_hint = false} : vector<1000x128xf32>, vector<128x128xf32>, vector<1000x128xf32> -> vector<1000x128xf32>
    %add3A_35 = arith.addf %dot_general3A_26, %dot_general3A_34 : vector<1000x128xf32>
    %get3A_36 = arith.constant 0 : index
    %get3A_37 = arith.constant 0 : index
    %get3A_38 = vector.load %arg6[%get3A_36, %get3A_37] : memref<1x128xf32, #tpu.memory_space<vmem>>, vector<1x128xf32>
    %add3A_39 = vector.broadcast %get3A_38 : vector<1x128xf32> to vector<1000x128xf32>
    %add3A_40 = arith.addf %add3A_35, %add3A_39 : vector<1000x128xf32>
    %get3A_41 = arith.constant 0 : index
    %get3A_42 = arith.constant 0 : index
    %get3A_43 = vector.load %arg7[%get3A_41, %get3A_42] : memref<128x128xf32, #tpu.memory_space<vmem>>, vector<128x128xf32>
    %dot_general3A_44 = arith.constant dense<0.000000e+00> : vector<1000x128xf32>
    %dot_general3A_45 = tpu.matmul %add3A_40, %get3A_43, %dot_general3A_44 {dimension_numbers = #tpu.dot_dimension_numbers<[1], [0], [0], [1], [0, 0, 1, 1], [], []>, transpose_lhs_hint = false} : vector<1000x128xf32>, vector<128x128xf32>, vector<1000x128xf32> -> vector<1000x128xf32>
    %get3A_46 = arith.constant 0 : index
    %get3A_47 = arith.constant 0 : index
    %get3A_48 = vector.load %arg8[%get3A_46, %get3A_47] : memref<1x128xf32, #tpu.memory_space<vmem>>, vector<1x128xf32>
    %add3A_49 = vector.broadcast %get3A_48 : vector<1x128xf32> to vector<1000x128xf32>
    %add3A_50 = arith.addf %dot_general3A_45, %add3A_49 : vector<1000x128xf32>
    %swap3A = arith.constant 0 : index
    %swap3A_51 = arith.constant 0 : index
    %swap3A_52 = vector.load %arg9[%swap3A, %swap3A_51] : memref<1000x128xf32, #tpu.memory_space<vmem>>, vector<1000x128xf32>
    tpu.vector_store %arg9[%swap3A, %swap3A_51], %add3A_50 {strides = array<i32>} : memref<1000x128xf32, #tpu.memory_space<vmem>>, vector<1000x128xf32>,
    return
  }
  func.func @transform_0(%arg0: i32) -> (i32, i32, i32) {
    %c0_i32 = arith.constant 0 : i32
    %c0_i32_0 = arith.constant 0 : i32
    %c0_i32_1 = arith.constant 0 : i32
    return %c0_i32, %arg0, %c0_i32_0 : i32, i32, i32
  }
  func.func @transform_1(%arg0: i32) -> (i32, i32, i32) {
    %c0_i32 = arith.constant 0 : i32
    %c0_i32_0 = arith.constant 0 : i32
    %c0_i32_1 = arith.constant 0 : i32
    return %c0_i32, %arg0, %c0_i32_0 : i32, i32, i32
  }
  func.func @transform_2(%arg0: i32) -> (i32, i32) {
    %c0_i32 = arith.constant 0 : i32
    %c0_i32_0 = arith.constant 0 : i32
    return %arg0, %c0_i32 : i32, i32
  }
  func.func @transform_3(%arg0: i32) -> (i32, i32) {
    %c0_i32 = arith.constant 0 : i32
    %c0_i32_0 = arith.constant 0 : i32
    %c0_i32_1 = arith.constant 0 : i32
    return %c0_i32, %c0_i32_0 : i32, i32
  }
  func.func @transform_4(%arg0: i32) -> (i32, i32) {
    %c0_i32 = arith.constant 0 : i32
    %c0_i32_0 = arith.constant 0 : i32
    %c0_i32_1 = arith.constant 0 : i32
    return %c0_i32, %c0_i32_0 : i32, i32
  }
  func.func @transform_5(%arg0: i32) -> (i32, i32) {
    %c0_i32 = arith.constant 0 : i32
    %c0_i32_0 = arith.constant 0 : i32
    %c0_i32_1 = arith.constant 0 : i32
    return %c0_i32, %c0_i32_0 : i32, i32
  }
  func.func @transform_6(%arg0: i32) -> (i32, i32) {
    %c0_i32 = arith.constant 0 : i32
    %c0_i32_0 = arith.constant 0 : i32
    %c0_i32_1 = arith.constant 0 : i32
    return %c0_i32, %c0_i32_0 : i32, i32
  }
  func.func @transform_7(%arg0: i32) -> (i32, i32) {
    %c0_i32 = arith.constant 0 : i32
    %c0_i32_0 = arith.constant 0 : i32
    %c0_i32_1 = arith.constant 0 : i32
    return %c0_i32, %c0_i32_0 : i32, i32
  }
  func.func @transform_8(%arg0: i32) -> (i32, i32) {
    %c0_i32 = arith.constant 0 : i32
    %c0_i32_0 = arith.constant 0 : i32
    return %arg0, %c0_i32 : i32, i32
  }
}

</mosaic_0001>

<sc_bundles>
// kernel: kernel.10.cloned.1.call-start
scs
__scs_entry_jumppad:
0x0: {  	(pc) =	sbr.rel $0x88, $3  }
0x1: {  	(tag) =	ssettag $0x0;
	lr =	simm.s32 $0x1  }
0x2: {  	[smem:$0x3F97] =	sst lr;
	_ =	strace $0xD0000000  }
0x3: {  	_ = 	snop  }
0x4: {  	_ = 	snop  }
0x5: {  	_ = 	snop  }
0x6: {  	_ = 	snop  }
0x7: {  	_ = 	snop  }
__scs_overlays_trampoline_lowered:
0x8: {  	[smem:$0x3FA6] =	sst s0  }
0x9: {  	[smem:$0x3FA7] =	sst s1  }
0xa: {  	[smem:$0x3FA8] =	sst s2  }
0xb: {  	[smem:$0x3FA9] =	sst s3  }
0xc: {  	[smem:$0x3FAA] =	sst s4  }
0xd: {  	[smem:$0x3FAB] =	sst s5  }
0xe: {  	[smem:$0x3FAC] =	sst s6  }
0xf: {  	[smem:$0x3FAD] =	sst s7  }
0x10: {  	[smem:$0x3FAE] =	sst s8  }
0x11: {  	[smem:$0x3FAF] =	sst s9;
	s0 =	simm.s32 @!p0 $0x0  }
0x12: {  	s1 =	sld [smem:$0x3F95];
	s0 =	simm.s32 @p0 $0x1  }
0x13: {  	[smem:$0x3FB0] =	sst s0;
	s0 =	simm.s32 @!p1 $0x0  }
0x14: {  	s2 =	sld [smem:$0x3F94];
	s0 =	simm.s32 @p1 $0x1  }
0x15: {  	[smem:$0x3FB1] =	sst s0;
	s0 =	simm.s32 @!p2 $0x0  }
0x16: {  	s3 =	sld [smem:$0x3FDB];
	s0 =	simm.s32 @p2 $0x1  }
0x17: {  	s4 =	simm.s32 $0x1BF5;
	[smem:$0x3FB3] =	sst s0  }
0x18: {  	s0 =	sld [smem:$0x3F96];
	_ =	swait.ge [sflag:s4], $0x0  }
0x19: {  	s7 =	sld [smem:$0x3F97]  }
0x1a: {  	s8 =	sadd.s32 $0xFFFFE003, lr  }
0x1b: {  	s9 =	sadd.s32 $0xFFFFFEF7, lr;
	s5 =	simm.s32 $0xFFFFFFFF;
	p2 =	slt.u32 s8, $0xFFFFF086  }
0x1c: {  	p1 =	slt.u32 s9, $0xF7A;
	s5 =	simm.s32 @!p2 $0x0  }
0x1d: {  	s5 =	simm.s32 @p1 $0x1;
	p0 =	seq.s32 s7, s2  }
0x1e: {  	s7 =	smul.u32 @!p0 $0xF7A, s2;
	p2 =	seq.s32 @!p0 s5, $0x0  }
0x1f: {  	s9 =	smul.u32 $0xF7A, s1;
	s8 =	simm.s32 @!p0 $0x1BF5;
	p2 =	por !p2, p0  }
0x20: {  	[sflag:s8] =	ssyncset.s32 @!p0 $0xFFFFF086;
	s6 =	sadd.s32 @!p0 s3, s7;
	s7 =	simm.s32 @!p0 $0x108  }
0x21: {  	s3 =	sadd.s32 s3, s9;
	s6 =	sadd.s32 @!p0 $0x88, s6;
	s7 =	simm.s32 @p2 $0x1082  }
0x22: {  	[simem:s7], [sflag:s8] =	dma.local @!p0 [hbm:s6], $0xF7A  }
0x23: {  	s9 =	sor.u32 $0xD0000000, s2;
	s6 =	simm.s32 $0x108;
	_ =	swait.ge @!p0 [sflag:s8], $0x0  }
0x24: {  	s3 =	sadd.s32 $0x88, s3;
	s6 =	simm.s32 @!p1 $0x1082;
	[sflag:s4] =	ssyncset.s32 $0xFFFFF086  }
0x25: {  	[simem:s6], [sflag:s4] =	dma.local [hbm:s3], $0xF7A  }
0x26: {  	[smem:$0x3F97] =	sst s1;
	(tag) =	ssettag s2;
	_ =	strace s9  }
0x27: {  	s1 =	sld [smem:$0x3FA7]  }
0x28: {  	s2 =	sld [smem:$0x3FA8]  }
0x29: {  	s4 =	sld [smem:$0x3FAA]  }
0x2a: {  	p0 =	seq.s32 s5, $0x0;
	s5 =	sld [smem:$0x3FAB]  }
0x2b: {  	s6 =	sld [smem:$0x3FAC]  }
0x2c: {  	s7 =	sld [smem:$0x3FAD]  }
0x2d: {  	s3 =	simm.s32 $0x108;
	s8 =	sld [smem:$0x3FAE]  }
0x2e: {  	s3 =	simm.s32 @!p0 $0x1082;
	s9 =	sld [smem:$0x3FAF]  }
0x2f: {  	lr =	sadd.s32 s0, s3;
	s0 =	sld [smem:$0x3FA6]  }
0x30: {  	s3 =	sld [smem:$0x3FA9]  }
0x31: {  	[smem:$0x3FB2] =	sst s10  }
0x32: {  	s10 =	sld [smem:$0x3FB0];
	_ =	sdelay $0x3  }
0x33: {  	p0 =	seq.s32 s10, $0x1;
	s10 =	sld [smem:$0x3FB2];
	_ =	sdelay $0x3  }
0x34: {  	[smem:$0x3FB2] =	sst s10  }
0x35: {  	s10 =	sld [smem:$0x3FB1];
	_ =	sdelay $0x3  }
0x36: {  	p1 =	seq.s32 s10, $0x1;
	s10 =	sld [smem:$0x3FB2];
	_ =	sdelay $0x3  }
0x37: {  	[smem:$0x3FB2] =	sst s10  }
0x38: {  	s10 =	sld [smem:$0x3FB3]  }
0x39: {  	_ = 	snop;
	(pc) =	sbr.ind lr, $3  }
0x3a: {  	_ = 	snop  }
0x3b: {  	_ = 	snop  }
0x3c: {  	p2 =	seq.s32 s10, $0x1;
	s10 =	sld [smem:$0x3FB2]  }
0x3d: {  	_ =	shalt  }
0x3e: {  	_ =	shalt  }
0x3f: {  	_ =	shalt  }
0x40: {  	_ =	shalt  }
0x41: {  	_ =	shalt  }
0x42: {  	_ =	shalt  }
0x43: {  	_ =	shalt  }
0x44: {  	_ =	shalt  }
0x45: {  	_ =	shalt  }
0x46: {  	_ =	shalt  }
0x47: {  	_ =	shalt  }
0x48: {  	_ =	shalt  }
0x49: {  	_ =	shalt  }
0x4a: {  	_ =	shalt  }
0x4b: {  	_ =	shalt  }
0x4c: {  	_ =	shalt  }
0x4d: {  	_ =	shalt  }
0x4e: {  	_ =	shalt  }
0x4f: {  	_ =	shalt  }
0x50: {  	_ =	shalt  }
0x51: {  	_ =	shalt  }
0x52: {  	_ =	shalt  }
0x53: {  	_ =	shalt  }
0x54: {  	_ =	shalt  }
0x55: {  	_ =	shalt  }
0x56: {  	_ =	shalt  }
0x57: {  	_ =	shalt  }
0x58: {  	_ =	shalt  }
0x59: {  	_ =	shalt  }
0x5a: {  	_ =	shalt  }
0x5b: {  	_ =	shalt  }
0x5c: {  	_ =	shalt  }
0x5d: {  	_ =	shalt  }
0x5e: {  	_ =	shalt  }
0x5f: {  	_ =	shalt  }
0x60: {  	_ =	shalt  }
0x61: {  	_ =	shalt  }
0x62: {  	_ =	shalt  }
0x63: {  	_ =	shalt  }
0x64: {  	_ =	shalt  }
0x65: {  	_ =	shalt  }
0x66: {  	_ =	shalt  }
0x67: {  	_ =	shalt  }
0x68: {  	_ =	shalt  }
0x69: {  	_ =	shalt  }
0x6a: {  	_ =	shalt  }
0x6b: {  	_ =	shalt  }
0x6c: {  	_ =	shalt  }
0x6d: {  	_ =	shalt  }
0x6e: {  	_ =	shalt  }
0x6f: {  	_ =	shalt  }
0x70: {  	_ =	shalt  }
0x71: {  	_ =	shalt  }
0x72: {  	_ =	shalt  }
0x73: {  	_ =	shalt  }
0x74: {  	_ =	shalt  }
0x75: {  	_ =	shalt  }
0x76: {  	_ =	shalt  }
0x77: {  	_ =	shalt  }
0x78: {  	_ =	shalt  }
0x79: {  	_ =	shalt  }
0x7a: {  	_ =	shalt  }
0x7b: {  	_ =	shalt  }
0x7c: {  	_ =	shalt  }
0x7d: {  	_ =	shalt  }
0x7e: {  	_ =	shalt  }
0x7f: {  	_ =	shalt  }
0x80: {  	_ =	shalt  }
0x81: {  	_ =	shalt  }
0x82: {  	_ =	shalt  }
0x83: {  	_ =	shalt  }
0x84: {  	_ =	shalt  }
0x85: {  	_ =	shalt  }
0x86: {  	_ =	shalt  }
0x87: {  	_ =	shalt  }
.Lfunc_end0:
.L_simem_size_0:
called_computation.1_lowered:
.L_overlay_start_0:
0x88: {  	s2 =	sld [smem:$0x3FD9]  }
0x89: {  	s3 =	sld [smem:$0x3FFE];
	_ =	sdelay $0x1  }
0x8a: {  	s1 =	srdreg.scid  }
0x8b: {  	s0 =	sand.u32 $0x1, s1  }
0x8c: {  	s17 =	sshll.u32 s0, $0xA;
	s2 =	sadd.s32 s3, s2  }
0x8d: {  	s2 =	sadd.s32 s2, s17  }
0x8e: {  	[smem:$0x3FBE] =	sst s2  }
0x8f: {  	_ = 	snop  }
0x90: {  	s2 =	sld [smem:$0x3FC9];
	(tm) =	ssettm $0x1  }
0x91: {  	s18 =	sld [smem:$0x3FFB];
	_ =	sdelay $0x3  }
0x92: {  	_ =	strace s18  }
0x93: {  	s3 =	sld [smem:$0x3FFC];
	_ =	sdelay $0x3  }
0x94: {  	_ =	strace s3  }
0x95: {  	s3 =	sld [smem:$0x3FFD];
	_ =	sdelay $0x3  }
0x96: {  	_ =	strace s3  }
0x97: {  	_ =	strace $0x8FFFFFFF  }
0x98: {  	s19 =	sld [smem:$0x3FDB];
	_ =	sdelay $0x1  }
0x99: {  	s4 =	simm.s32 $_scs_section_size  }
0x9a: {  	s5 =	simm.s32 $_size__tile_overlayer_lowered;
	s6 =	simm.s32 $_tile_overlayer_lowered  }
0x9b: {  	s22 =	simm.s32 $0x1BFF;
	s21 =	sshll.u32 s6, $0x1;
	s3 =	sadd.s32 s4, s19  }
0x9c: {  	s7 =	simm.s32 $0x0;
	s20 =	sshll.u32 s5, $0x1;
	s5 =	sadd.s32 s21, s3  }
0x9d: {  	[timem:s7], [sflag:s22] =	dma.local [hbm:s5], s20  }
0x9e: {  	_ =	swait.ge [sflag:s22], s20  }
0x9f: {  	s4 =	ssub.s32 $0x0, s20;
	[sflag:s22] =	ssyncset.done $0x0  }
0xa0: {  	[sflag:s22] =	ssyncadd.s32 s4;
	_ =	sdelay $0x1  }
0xa1: {  	s23 =	simm.s32 $0x1B8B  }
0xa2: {  	_ =	swait.ge [sflag:s23], $0x1  }
0xa3: {  	[sflag:s23] =	ssyncset.done $0x0  }
0xa4: {  	s25 =	simm.s32 $0x1B8E;
	s24 =	sld [smem:$0x3FFE];
	[sflag:s23] =	ssyncadd.s32 $0xFFFFFFFF  }
0xa5: {  	s26 =	simm.s32 $execute0_lowered;
	[smem:$0x3FD2] =	sst s25  }
0xa6: {  	s5 =	sshll.u32 s26, $0x1;
	_ =	strace $0x80000046;
	[dreg:$0x1] =	wrdreg $0xFFFFFFFF  }
0xa7: {  	s28 =	simm.s32 $_size_execute0_lowered;
	s3 =	sadd.s32 s3, s5;
	[dreg:$0x0] =	wrdreg $0x0  }
0xa8: {  	s5 =	sshll.u32 s28, $0x1;
	[dreg:$0x2] =	wrdreg s3  }
0xa9: {  	[dreg:$0x3] =	wrdreg s5  }
0xaa: {  	[dreg:$0x4] =	wrdreg $0xC0  }
0xab: {  	_ =	task [dreg:s7], $0x5FFFF  }
0xac: {  	[dreg:$0x1] =	wrdreg $0xFFFFFFFF  }
0xad: {  	[dreg:$0x0] =	wrdreg $0x60  }
0xae: {  	[dreg:$0x2] =	wrdreg s24  }
0xaf: {  	[dreg:$0x3] =	wrdreg s2  }
0xb0: {  	[dreg:$0x4] =	wrdreg $0x98000  }
0xb1: {  	[dreg:$0x5] =	wrdreg $0xA  }
0xb2: {  	_ =	task.clear_ibuf [dreg:s7], $0x6FFFF;
	_ =	strace $0x90000046  }
0xb3: {  	s29 =	simm.s32 $0xA;
	_ =	strace $0x80000048  }
0xb4: {  	_ =	swait.ge [sflag:s29], $0x1  }
0xb5: {  	[sflag:s29] =	ssyncadd.s32 $0xFFFFFFFF  }
0xb6: {  	_ =	strace $0x90000048  }
0xb7: {  	_ =	sfence  }
0xb8: {  	s30 =	sld [smem:$0x0];
	_ =	sdelay $0x2  }
0xb9: {  	s31 =	sshll.u32 s1, $0xD;
	s1 =	sshrl.u32 s1, $0x2  }
0xba: {  	s3 =	sand.u32 $0x4000, s31;
	s1 =	sadd.s32 s1, s30  }
0xbb: {  	s0 =	sor.u32 s3, s0;
	s1 =	sshll.u32 s1, $0x11  }
0xbc: {  	s0 =	sor.u32 s1, s0  }
0xbd: {  	s0 =	sadd.s32 $0x8F2B, s0  }
0xbe: {  	[sflag:s0] =	ssyncadd.remote.s32 $0x1  }
0xbf: {  	_ =	sfence.sel $0xFFFF  }
0xc0: {  	[dreg:$0x0] =	wrdreg $0xFFFFFFFF;
	(pc) =	sbr.abs _section_cstart, $3  }
0xc1: {  	[dreg:$0x1] =	wrdreg $0xFFFFFFFF  }
0xc2: {  	_ =	task.clear_ibuf [dreg:s7], $0x2FFFF;
	_ =	strace $0x9FFFFFFF  }
0xc3: {  	(tm) =	ssettm $0x7FFFFFFF  }
tec
execute0_lowered:
.L_overlay_start_1:
0x0: {  	(tag) =	ssettag $0x1  }
0x1: {  	s0 =	rddreg [dreg:$0x0]  }
0x2: {  	s1 =	rddreg [dreg:$0x1]  }
0x3: {  	s2 =	rddreg [dreg:$0x2]  }
0x4: {  	s3 =	srdreg.scid;
	s4 =	simm.s32 $0x0;
	s19 =	stileid.u32  }
0x5: {  	s28 =	simm.s32 $0x2;
	s29 =	simm.s32 $0x3;
	s30 =	simm.s32 $0x4  }
0x6: {  	s3 =	sand.u32 $0x1, s3;
	[smem:$0x7FF] =	sst s4;
	s6 =	smul.u32 $0x50000, s19  }
0x7: {  	s14 =	sadd.s32 $0x2600, s0;
	s15 =	sadd.s32 $0xC600, s0;
	s13 =	smul.u32 $0x14000, s19  }
0x8: {  	s0 =	sadd.s32 $0x16600, s0;
	s5 =	sshll.u32 s3, $0x4;
	s12 =	smul.u32 $0x140000, s3  }
0x9: {  	_ =	strace $0x80000047;
	s23 =	ssub.s32 $0x2, s3;
	s3 =	smul.u32 $0xA0, s3  }
0xa: {  	s5 =	sor.u32 s19, s5;
	s8 =	sshrl.u32 s23, $0x1;
	s6 =	sshrl.u32 s6, $0x2  }
0xb: {  	s11 =	sadd.s32 $0x4000, s13;
	s16 =	sadd.s32 $0x8000, s13;
	s19 =	smul.u32 $0xA, s19  }
0xc: {  	s20 =	sadd.s32 $0x10000, s13;
	s7 =	smul.u32 $0x500, s5;
	s9 =	ssub.s32 s23, s8  }
0xd: {  	s5 =	sadd.s32 s6, s2;
	s25 =	sadd.s32 s12, s13;
	s10 =	sadd.s32 s12, s11  }
0xe: {  	s17 =	sadd.s32 s12, s16;
	s18 =	sadd.s32 s11, s2;
	s23 =	sadd.s32 s16, s2  }
0xf: {  	s16 =	simm.s32 $0x9000;
	s8 =	sshrl.u32 s25, $0x3;
	s10 =	sshrl.u32 s10, $0x3  }
0x10: {  	s3 =	sadd.s32 s19, s3;
	s19 =	simm.s32 $0x80;
	s24 =	sadd.s32 s14, s7  }
0x11: {  	s23 =	sshrl.u32 s23, $0x3;
	s26 =	sadd.s32 s15, s7;
	[dreg:$0x4] =	wrdreg s24  }
0x12: {  	s31 =	sadd.s32 s0, s8;
	s7 =	smax.u32 s9, $0x1;
	[dreg:$0x5] =	wrdreg s26  }
0x13: {  	s8 =	sadd.s32 s0, s10;
	s9 =	sshrl.u32 s17, $0x3;
	[dreg:$0x6] =	wrdreg s31  }
0x14: {  	s10 =	sadd.s32 $0xC000, s13;
	s3 =	sshll.u32 s3, $0x7;
	[dreg:$0x7] =	wrdreg s7  }
0x15: {  	s17 =	simm.s32 $0x5;
	[dreg:$0x8] =	wrdreg s8;
	s11 =	sadd.s32 s0, s9  }
0x16: {  	s21 =	sadd.s32 s12, s10;
	s24 =	sadd.s32 s12, s20;
	s26 =	sadd.s32 s3, s14  }
0x17: {  	s31 =	sadd.s32 s3, s15;
	s22 =	sshrl.u32 s21, $0x3;
	s25 =	sshrl.u32 s24, $0x3  }
0x18: {  	s24 =	sadd.s32 s10, s2;
	s14 =	sadd.s32 $0x80, s26;
	s15 =	sadd.s32 $0x80, s31  }
0x19: {  	s21 =	simm.s32 $0x1;
	s26 =	simm.s32 $0x5000;
	s12 =	sadd.s32 s0, s22  }
0x1a: {  	s13 =	sadd.s32 s0, s25;
	s25 =	sadd.s32 s20, s2;
	s20 =	simm.s32 $0x1000  }
0x1b: {  	v0 =	vimm.f32 $0.0e+00;
	s22 =	sshrl.u32 s18, $0x3;
	s24 =	sshrl.u32 s24, $0x3;
	s25 =	sshrl.u32 s25, $0x3  }
.LBB2_1:
0x1c: {  	[tilespmem:$0x9000] =	vst v0  }
0x1d: {  	[tilespmem:$0x9010] =	vst v0  }
0x1e: {  	[tilespmem:$0x9020] =	vst v0  }
0x1f: {  	[tilespmem:$0x9030] =	vst v0  }
0x20: {  	[tilespmem:$0x9040] =	vst v0  }
0x21: {  	[tilespmem:$0x9050] =	vst v0  }
0x22: {  	[tilespmem:$0x9060] =	vst v0  }
0x23: {  	[tilespmem:$0x9070] =	vst v0  }
0x24: {  	[tilespmem:$0x9080] =	vst v0  }
0x25: {  	[tilespmem:$0x9090] =	vst v0  }
0x26: {  	[tilespmem:$0x90A0] =	vst v0  }
0x27: {  	[tilespmem:$0x90B0] =	vst v0  }
0x28: {  	[tilespmem:$0x90C0] =	vst v0  }
0x29: {  	[tilespmem:$0x90D0] =	vst v0  }
0x2a: {  	[tilespmem:$0x90E0] =	vst v0  }
0x2b: {  	[tilespmem:$0x90F0] =	vst v0  }
0x2c: {  	[tilespmem:$0x9100] =	vst v0  }
0x2d: {  	[tilespmem:$0x9110] =	vst v0  }
0x2e: {  	[tilespmem:$0x9120] =	vst v0  }
0x2f: {  	[tilespmem:$0x9130] =	vst v0  }
0x30: {  	[tilespmem:$0x9140] =	vst v0  }
0x31: {  	[tilespmem:$0x9150] =	vst v0  }
0x32: {  	[tilespmem:$0x9160] =	vst v0  }
0x33: {  	[tilespmem:$0x9170] =	vst v0  }
0x34: {  	[tilespmem:$0x9180] =	vst v0  }
0x35: {  	[tilespmem:$0x9190] =	vst v0  }
0x36: {  	[tilespmem:$0x91A0] =	vst v0  }
0x37: {  	[tilespmem:$0x91B0] =	vst v0  }
0x38: {  	[tilespmem:$0x91C0] =	vst v0  }
0x39: {  	[tilespmem:$0x91D0] =	vst v0  }
0x3a: {  	[tilespmem:$0x91E0] =	vst v0  }
0x3b: {  	[tilespmem:$0x91F0] =	vst v0  }
0x3c: {  	[tilespmem:$0x9200] =	vst v0  }
0x3d: {  	[tilespmem:$0x9210] =	vst v0  }
0x3e: {  	[tilespmem:$0x9220] =	vst v0  }
0x3f: {  	[tilespmem:$0x9230] =	vst v0  }
0x40: {  	[tilespmem:$0x9240] =	vst v0  }
0x41: {  	[tilespmem:$0x9250] =	vst v0  }
0x42: {  	[tilespmem:$0x9260] =	vst v0  }
0x43: {  	[tilespmem:$0x9270] =	vst v0  }
0x44: {  	[tilespmem:$0x9280] =	vst v0  }
0x45: {  	[tilespmem:$0x9290] =	vst v0  }
0x46: {  	[tilespmem:$0x92A0] =	vst v0  }
0x47: {  	[tilespmem:$0x92B0] =	vst v0  }
0x48: {  	[tilespmem:$0x92C0] =	vst v0  }
0x49: {  	[tilespmem:$0x92D0] =	vst v0  }
0x4a: {  	[tilespmem:$0x92E0] =	vst v0  }
0x4b: {  	[tilespmem:$0x92F0] =	vst v0  }
0x4c: {  	[tilespmem:$0x9300] =	vst v0  }
0x4d: {  	[tilespmem:$0x9310] =	vst v0  }
0x4e: {  	[tilespmem:$0x9320] =	vst v0  }
0x4f: {  	[tilespmem:$0x9330] =	vst v0  }
0x50: {  	[tilespmem:$0x9340] =	vst v0  }
0x51: {  	[tilespmem:$0x9350] =	vst v0  }
0x52: {  	[tilespmem:$0x9360] =	vst v0  }
0x53: {  	[tilespmem:$0x9370] =	vst v0  }
0x54: {  	[tilespmem:$0x9380] =	vst v0  }
0x55: {  	[tilespmem:$0x9390] =	vst v0  }
0x56: {  	[tilespmem:$0x93A0] =	vst v0  }
0x57: {  	[tilespmem:$0x93B0] =	vst v0  }
0x58: {  	[tilespmem:$0x93C0] =	vst v0  }
0x59: {  	[tilespmem:$0x93D0] =	vst v0  }
0x5a: {  	[tilespmem:$0x93E0] =	vst v0  }
0x5b: {  	[tilespmem:$0x93F0] =	vst v0  }
0x5c: {  	[tilespmem:$0x9400] =	vst v0  }
0x5d: {  	[tilespmem:$0x9410] =	vst v0  }
0x5e: {  	[tilespmem:$0x9420] =	vst v0  }
0x5f: {  	[tilespmem:$0x9430] =	vst v0  }
0x60: {  	[tilespmem:$0x9440] =	vst v0  }
0x61: {  	[tilespmem:$0x9450] =	vst v0  }
0x62: {  	[tilespmem:$0x9460] =	vst v0  }
0x63: {  	[tilespmem:$0x9470] =	vst v0  }
0x64: {  	[tilespmem:$0x9480] =	vst v0  }
0x65: {  	[tilespmem:$0x9490] =	vst v0  }
0x66: {  	[tilespmem:$0x94A0] =	vst v0  }
0x67: {  	[tilespmem:$0x94B0] =	vst v0  }
0x68: {  	[tilespmem:$0x94C0] =	vst v0  }
0x69: {  	[tilespmem:$0x94D0] =	vst v0  }
0x6a: {  	[tilespmem:$0x94E0] =	vst v0  }
0x6b: {  	[tilespmem:$0x94F0] =	vst v0  }
0x6c: {  	[tilespmem:$0x9500] =	vst v0  }
0x6d: {  	[tilespmem:$0x9510] =	vst v0  }
0x6e: {  	[tilespmem:$0x9520] =	vst v0  }
0x6f: {  	[tilespmem:$0x9530] =	vst v0  }
0x70: {  	[tilespmem:$0x9540] =	vst v0  }
0x71: {  	[tilespmem:$0x9550] =	vst v0  }
0x72: {  	[tilespmem:$0x9560] =	vst v0  }
0x73: {  	[tilespmem:$0x9570] =	vst v0  }
0x74: {  	[tilespmem:$0x9580] =	vst v0  }
0x75: {  	[tilespmem:$0x9590] =	vst v0  }
0x76: {  	[tilespmem:$0x95A0] =	vst v0  }
0x77: {  	[tilespmem:$0x95B0] =	vst v0  }
0x78: {  	[tilespmem:$0x95C0] =	vst v0  }
0x79: {  	[tilespmem:$0x95D0] =	vst v0  }
0x7a: {  	[tilespmem:$0x95E0] =	vst v0  }
0x7b: {  	[tilespmem:$0x95F0] =	vst v0  }
0x7c: {  	[tilespmem:$0x9600] =	vst v0  }
0x7d: {  	[tilespmem:$0x9610] =	vst v0  }
0x7e: {  	[tilespmem:$0x9620] =	vst v0  }
0x7f: {  	[tilespmem:$0x9630] =	vst v0  }
0x80: {  	[tilespmem:$0x9640] =	vst v0  }
0x81: {  	[tilespmem:$0x9650] =	vst v0  }
0x82: {  	[tilespmem:$0x9660] =	vst v0  }
0x83: {  	[tilespmem:$0x9670] =	vst v0  }
0x84: {  	[tilespmem:$0x9680] =	vst v0  }
0x85: {  	[tilespmem:$0x9690] =	vst v0  }
0x86: {  	[tilespmem:$0x96A0] =	vst v0  }
0x87: {  	[tilespmem:$0x96B0] =	vst v0  }
0x88: {  	[tilespmem:$0x96C0] =	vst v0  }
0x89: {  	[tilespmem:$0x96D0] =	vst v0  }
0x8a: {  	[tilespmem:$0x96E0] =	vst v0  }
0x8b: {  	[tilespmem:$0x96F0] =	vst v0  }
0x8c: {  	[tilespmem:$0x9700] =	vst v0  }
0x8d: {  	[tilespmem:$0x9710] =	vst v0  }
0x8e: {  	[tilespmem:$0x9720] =	vst v0  }
0x8f: {  	[tilespmem:$0x9730] =	vst v0  }
0x90: {  	[tilespmem:$0x9740] =	vst v0  }
0x91: {  	[tilespmem:$0x9750] =	vst v0  }
0x92: {  	[tilespmem:$0x9760] =	vst v0  }
0x93: {  	[tilespmem:$0x9770] =	vst v0  }
0x94: {  	[tilespmem:$0x9780] =	vst v0  }
0x95: {  	[tilespmem:$0x9790] =	vst v0  }
0x96: {  	[tilespmem:$0x97A0] =	vst v0  }
0x97: {  	[tilespmem:$0x97B0] =	vst v0  }
0x98: {  	[tilespmem:$0x97C0] =	vst v0  }
0x99: {  	[tilespmem:$0x97D0] =	vst v0  }
0x9a: {  	[tilespmem:$0x97E0] =	vst v0  }
0x9b: {  	[tilespmem:$0x97F0] =	vst v0;
	s0 =	sadd.s32 $0x0, s5  }
0x9c: {  	[spmem:s0] =	stream.linear.scatter [tilespmem:s16], [sflag:$0x5], $0x800, $0x38;
	[tilespmem:$0x1D800] =	vst v63  }
0x9d: {  	s0 =	simm.s32 $0x2000;
	_ =	swait.ge [sflag:s17], $0x800  }
.LBB2_2:
0x9e: {  	s3 =	sshra.s32 s0, $0x2;
	[sflag:s17] =	ssyncset.done $0x0;
	p0 =	sne.s32 s0, $0x4E000  }
.Ltmp0:
0x9f: {  	s3 =	sadd.s32 s3, s5;
	[sflag:s17] =	ssyncadd.s32 $0xFFFFF800;
	(pc) =	sbr.rel @p0 .LBB2_2-.Ltmp0, $3  }
0xa0: {  	[spmem:s3] =	stream.linear.scatter [tilespmem:s16], [sflag:$0x5], $0x800, $0x38;
	[tilespmem:$0x1D800] =	vst v63  }
0xa1: {  	s0 =	sadd.s32 $0x2000, s0;
	_ =	sdelay $0x1  }
0xa2: {  	_ =	swait.ge [sflag:s17], $0x800  }
0xa3: {  	[sflag:s17] =	ssyncset.done $0x0  }
0xa4: {  	[sflag:s17] =	ssyncadd.s32 $0xFFFFF800  }
0xa5: {  	[bflag:$0x0] =	sbarrier.arrive $0xFFFF  }
0xa6: {  	s31 =	simm.s32 $0x0;
	s0 =	rddreg [dreg:$0x4]  }
0xa7: {  	[tilespmem:s31], [sflag:$0x5] =	stream.linear.gather [hbm4b:s0+s31], $0x400, $0x38;
	[tilespmem:$0x1D800] =	vst v63  }
0xa8: {  	_ =	swait.ge [sflag:s17], $0x400  }
0xa9: {  	[sflag:s17] =	ssyncset.done $0x0  }
0xaa: {  	s3 =	simm.s32 $0x800;
	s18 =	rddreg [dreg:$0x5];
	[sflag:s17] =	ssyncadd.s32 $0xFFFFFC00  }
0xab: {  	[tilespmem:s3], [sflag:$0x5] =	stream.linear.gather [hbm4b:s18+s31], $0x400, $0x38;
	[tilespmem:$0x1D800] =	vst v63  }
0xac: {  	_ =	swait.ge [sflag:s17], $0x400  }
0xad: {  	[sflag:s17] =	ssyncset.done $0x0  }
0xae: {  	s0 =	simm.s32 $0x0;
	[sflag:s17] =	ssyncadd.s32 $0xFFFFFC00  }
0xaf: {  	[tilespmem:s20], [sflag:$0x1] =	stream.indirect.gather [hbm4b:s1+s19], $0x80, s31, s19, $0xb8;
	[tilespmem:$0x1D800] =	vst v63  }
.LBB2_4:
0xb0: {  	_ =	swait.ge [sflag:s21], $0x4000  }
0xb1: {  	p0 =	seq.s32 s0, $0x0;
	[sflag:s21] =	ssyncset.done $0x0  }
0xb2: {  	s18 =	simm.s32 @!p0 $0x4;
	[sflag:s21] =	ssyncadd.s32 $0xFFFFC000  }
0xb3: {  	s6 =	sand.u32 $0x8, s31;
	_ =	swait.ge @!p0 [sflag:s18], $0x4000  }
0xb4: {  	s3 =	sshll.u32 s6, $0x7;
	[sflag:s18] =	ssyncset.done @!p0 $0x0  }
0xb5: {  	s10 =	sor.u32 $0x800, s3;
	[sflag:s18] =	ssyncadd.s32 @!p0 $0xFFFFC000  }
0xb6: {  	[spmem:s2] =	stream.indirect.scatter.add.f32 [tilespmem:s20], [sflag:$0x3], $0x80, s10, s19, $0xb8;
	[tilespmem:$0x1D800] =	vst v63  }
0xb7: {  	s6 =	sxor.u32 $0x8, s6;
	s7 =	sor.u32 $0x80, s3;
	p0 =	seq.s32 s0, $0x480  }
0xb8: {  	[tilespmem:s26], [sflag:$0x2] =	stream.indirect.gather [hbm4b:s1+s19], $0x80, s7, s19, $0xb8;
	[tilespmem:$0x1D800] =	vst v63  }
0xb9: {  	s18 =	sshll.u32 @!p0 s6, $0x7;
	s6 =	sadd.s32 @!p0 s0, s14;
	s8 =	simm.s32 @!p0 $0x0  }
0xba: {  	[tilespmem:s18], [sflag:$0x5] =	stream.linear.gather @!p0 [hbm4b:s6+s8], $0x400, $0x38;
	[tilespmem:$0x1D800] =	vst v63  }
0xbb: {  	s6 =	simm.s32 @!p0 $0x5  }
0xbc: {  	_ =	swait.ge @!p0 [sflag:s6], $0x400  }
0xbd: {  	[sflag:s6] =	ssyncset.done @!p0 $0x0  }
0xbe: {  	s10 =	sadd.s32 @!p0 s0, s15;
	s9 =	sor.u32 @!p0 $0x800, s18;
	[sflag:s6] =	ssyncadd.s32 @!p0 $0xFFFFFC00  }
0xbf: {  	[tilespmem:s9], [sflag:$0x5] =	stream.linear.gather @!p0 [hbm4b:s10+s8], $0x400, $0x38;
	[tilespmem:$0x1D800] =	vst v63  }
0xc0: {  	_ =	swait.ge @!p0 [sflag:s6], $0x400  }
0xc1: {  	[sflag:s6] =	ssyncset.done @!p0 $0x0  }
0xc2: {  	[sflag:s6] =	ssyncadd.s32 @!p0 $0xFFFFFC00  }
0xc3: {  	_ =	swait.ge [sflag:s28], $0x4000  }
0xc4: {  	[sflag:s28] =	ssyncset.done $0x0  }
0xc5: {  	[sflag:s28] =	ssyncadd.s32 $0xFFFFC000  }
0xc6: {  	_ =	swait.ge [sflag:s29], $0x4000  }
0xc7: {  	[sflag:s29] =	ssyncset.done $0x0  }
0xc8: {  	s7 =	sor.u32 $0x800, s7;
	[sflag:s29] =	ssyncadd.s32 $0xFFFFC000  }
0xc9: {  	[spmem:s2] =	stream.indirect.scatter.add.f32 [tilespmem:s26], [sflag:$0x4], $0x80, s7, s19, $0xb8;
	[tilespmem:$0x1D800] =	vst v63  }
0xca: {  	s8 =	sor.u32 $0x100, s3  }
0xcb: {  	[tilespmem:s20], [sflag:$0x1] =	stream.indirect.gather [hbm4b:s1+s19], $0x80, s8, s19, $0xb8;
	[tilespmem:$0x1D800] =	vst v63  }
0xcc: {  	_ =	swait.ge [sflag:s21], $0x4000  }
0xcd: {  	[sflag:s21] =	ssyncset.done $0x0  }
0xce: {  	[sflag:s21] =	ssyncadd.s32 $0xFFFFC000  }
0xcf: {  	_ =	swait.ge [sflag:s30], $0x4000  }
0xd0: {  	[sflag:s30] =	ssyncset.done $0x0  }
0xd1: {  	s9 =	sor.u32 $0x900, s3;
	[sflag:s30] =	ssyncadd.s32 $0xFFFFC000  }
0xd2: {  	[spmem:s2] =	stream.indirect.scatter.add.f32 [tilespmem:s20], [sflag:$0x3], $0x80, s9, s19, $0xb8;
	[tilespmem:$0x1D800] =	vst v63  }
0xd3: {  	s10 =	sor.u32 $0x180, s3  }
0xd4: {  	[tilespmem:s26], [sflag:$0x2] =	stream.indirect.gather [hbm4b:s1+s19], $0x80, s10, s19, $0xb8;
	[tilespmem:$0x1D800] =	vst v63  }
0xd5: {  	_ =	swait.ge [sflag:s28], $0x4000  }
0xd6: {  	[sflag:s28] =	ssyncset.done $0x0  }
0xd7: {  	[sflag:s28] =	ssyncadd.s32 $0xFFFFC000  }
0xd8: {  	_ =	swait.ge [sflag:s29], $0x4000  }
0xd9: {  	[sflag:s29] =	ssyncset.done $0x0  }
0xda: {  	s7 =	sor.u32 $0x980, s3;
	[sflag:s29] =	ssyncadd.s32 $0xFFFFC000  }
0xdb: {  	[spmem:s2] =	stream.indirect.scatter.add.f32 [tilespmem:s26], [sflag:$0x4], $0x80, s7, s19, $0xb8;
	[tilespmem:$0x1D800] =	vst v63  }
0xdc: {  	s8 =	sor.u32 $0x200, s3  }
0xdd: {  	[tilespmem:s20], [sflag:$0x1] =	stream.indirect.gather [hbm4b:s1+s19], $0x80, s8, s19, $0xb8;
	[tilespmem:$0x1D800] =	vst v63  }
0xde: {  	_ =	swait.ge [sflag:s21], $0x4000  }
0xdf: {  	[sflag:s21] =	ssyncset.done $0x0  }
0xe0: {  	[sflag:s21] =	ssyncadd.s32 $0xFFFFC000  }
0xe1: {  	_ =	swait.ge [sflag:s30], $0x4000  }
0xe2: {  	[sflag:s30] =	ssyncset.done $0x0  }
0xe3: {  	s9 =	sor.u32 $0xA00, s3;
	[sflag:s30] =	ssyncadd.s32 $0xFFFFC000  }
0xe4: {  	[spmem:s2] =	stream.indirect.scatter.add.f32 [tilespmem:s20], [sflag:$0x3], $0x80, s9, s19, $0xb8;
	[tilespmem:$0x1D800] =	vst v63  }
0xe5: {  	s10 =	sor.u32 $0x280, s3  }
0xe6: {  	[tilespmem:s26], [sflag:$0x2] =	stream.indirect.gather [hbm4b:s1+s19], $0x80, s10, s19, $0xb8;
	[tilespmem:$0x1D800] =	vst v63  }
0xe7: {  	_ =	swait.ge [sflag:s28], $0x4000  }
0xe8: {  	[sflag:s28] =	ssyncset.done $0x0  }
0xe9: {  	[sflag:s28] =	ssyncadd.s32 $0xFFFFC000  }
0xea: {  	_ =	swait.ge [sflag:s29], $0x4000  }
0xeb: {  	[sflag:s29] =	ssyncset.done $0x0  }
0xec: {  	s7 =	sor.u32 $0xA80, s3;
	[sflag:s29] =	ssyncadd.s32 $0xFFFFC000  }
0xed: {  	[spmem:s2] =	stream.indirect.scatter.add.f32 [tilespmem:s26], [sflag:$0x4], $0x80, s7, s19, $0xb8;
	[tilespmem:$0x1D800] =	vst v63  }
0xee: {  	s8 =	sor.u32 $0x300, s3  }
0xef: {  	[tilespmem:s20], [sflag:$0x1] =	stream.indirect.gather [hbm4b:s1+s19], $0x80, s8, s19, $0xb8;
	[tilespmem:$0x1D800] =	vst v63  }
0xf0: {  	_ =	swait.ge [sflag:s21], $0x4000  }
0xf1: {  	[sflag:s21] =	ssyncset.done $0x0  }
0xf2: {  	[sflag:s21] =	ssyncadd.s32 $0xFFFFC000  }
0xf3: {  	_ =	swait.ge [sflag:s30], $0x4000  }
0xf4: {  	[sflag:s30] =	ssyncset.done $0x0  }
0xf5: {  	s9 =	sor.u32 $0xB00, s3;
	[sflag:s30] =	ssyncadd.s32 $0xFFFFC000  }
0xf6: {  	[spmem:s2] =	stream.indirect.scatter.add.f32 [tilespmem:s20], [sflag:$0x3], $0x80, s9, s19, $0xb8;
	[tilespmem:$0x1D800] =	vst v63  }
0xf7: {  	s10 =	sor.u32 $0x380, s3  }
0xf8: {  	[tilespmem:s26], [sflag:$0x2] =	stream.indirect.gather [hbm4b:s1+s19], $0x80, s10, s19, $0xb8;
	[tilespmem:$0x1D800] =	vst v63  }
0xf9: {  	_ =	swait.ge [sflag:s28], $0x4000  }
0xfa: {  	s0 =	sadd.s32 @!p0 $0x80, s0;
	[sflag:s28] =	ssyncset.done $0x0  }
0xfb: {  	p1 =	sne.s32 @!p0 s0, $0x500;
	[sflag:s28] =	ssyncadd.s32 $0xFFFFC000  }
0xfc: {  	p1 =	por p0, !p1;
	_ =	swait.ge [sflag:s29], $0x4000  }
.Ltmp1:
0xfd: {  	[sflag:s29] =	ssyncset.done $0x0;
	(pc) =	sbr.rel @!p1 .LBB2_4-.Ltmp1, $4  }
0xfe: {  	s3 =	sor.u32 $0xB80, s3;
	[sflag:s29] =	ssyncadd.s32 $0xFFFFC000  }
0xff: {  	[spmem:s2] =	stream.indirect.scatter.add.f32 [tilespmem:s26], [sflag:$0x4], $0x80, s3, s19, $0xb8;
	[tilespmem:$0x1D800] =	vst v63  }
0x100: {  	s31 =	sadd.s32 @!p0 $0x8, s31;
	s6 =	simm.s32 @!p0 $0x1000;
	s3 =	simm.s32 @!p0 $0x80  }
0x101: {  	[tilespmem:s6], [sflag:$0x1] =	stream.indirect.gather @!p0 [hbm4b:s1+s3], $0x80, s18, s3, $0xb8;
	[tilespmem:$0x1D800] =	vst v63  }
0x102: {  	_ =	swait.ge [sflag:s30], $0x4000  }
0x103: {  	[sflag:s30] =	ssyncset.done $0x0  }
0x104: {  	s0 =	stileid.u32;
	[sflag:s30] =	ssyncadd.s32 $0xFFFFC000  }
0x105: {  	s0 =	sshll.u32 s0, $0x6;
	[bflag:$0x0] =	sbarrier.arrive $0xFFFF  }
0x106: {  	s3 =	sshrl.u32 s5, $0x3;
	s0 =	sor.u32 $0x1C05, s0;
	s6 =	rddreg [dreg:$0x6]  }
0x107: {  	[hbm:s6], [sflag:s0] =	dma.local [spmem:s3], $0x800  }
0x108: {  	_ =	swait.ge [sflag:s17], $0x800  }
0x109: {  	[sflag:s17] =	ssyncset.done $0x0  }
0x10a: {  	s18 =	rddreg [dreg:$0x8];
	[sflag:s17] =	ssyncadd.s32 $0xFFFFF800  }
0x10b: {  	[hbm:s18], [sflag:s0] =	dma.local [spmem:s22], $0x800  }
0x10c: {  	_ =	swait.ge [sflag:s17], $0x800  }
0x10d: {  	[sflag:s17] =	ssyncset.done $0x0  }
0x10e: {  	[sflag:s17] =	ssyncadd.s32 $0xFFFFF800  }
0x10f: {  	[hbm:s11], [sflag:s0] =	dma.local [spmem:s23], $0x800  }
0x110: {  	_ =	swait.ge [sflag:s17], $0x800  }
0x111: {  	[sflag:s17] =	ssyncset.done $0x0  }
0x112: {  	[sflag:s17] =	ssyncadd.s32 $0xFFFFF800  }
0x113: {  	[hbm:s12], [sflag:s0] =	dma.local [spmem:s24], $0x800  }
0x114: {  	_ =	swait.ge [sflag:s17], $0x800  }
0x115: {  	[sflag:s17] =	ssyncset.done $0x0  }
0x116: {  	[sflag:s17] =	ssyncadd.s32 $0xFFFFF800  }
0x117: {  	[hbm:s13], [sflag:s0] =	dma.local [spmem:s25], $0x800  }
0x118: {  	_ =	swait.ge [sflag:s17], $0x800  }
0x119: {  	s4 =	sadd.s32 $0x1, s4;
	s31 =	rddreg [dreg:$0x7]  }
0x11a: {  	p0 =	sne.s32 s4, s31  }
.Ltmp2:
0x11b: {  	_ = 	snop;
	(pc) =	sbr.rel @p0 .LBB2_1-.Ltmp2, $3  }
0x11c: {  	_ =	sdelay $0x1  }
0x11d: {  	[sflag:s17] =	ssyncset.done $0x0  }
0x11e: {  	[sflag:s17] =	ssyncadd.s32 $0xFFFFF800  }
0x11f: {  	_ =	sfence.sel $0x180000  }
0x120: {  	[bflag:$0x0] =	sbarrier.arrive $0xFFFF  }
0x121: {  	_ =	strace $0x90000047  }
0x122: {  	s0 =	stileid.u32;
	[bflag:$0x2] =	sbarrier.arrive $0xFFFF  }
0x123: {  	p0 =	sne.s32 s0, $0x0;
	s0 =	rddreg [dreg:$0x3]  }
0x124: {  	s0 =	sadd.s32 @!p0 $0x100000, s0  }
0x125: {  	[sflag:s0] =	ssyncadd.tile.s32 @!p0 $0x1;
	_ =	shalt  }
.Lfunc_end2:
_tile_overlayer_lowered:
.L_overlay_start_2:
0x126: {  	(tag) =	ssettag $0x2  }
0x127: {  	s0 =	rddreg [dreg:$0x0];
	s2 =	stileid.u32  }
0x128: {  	s1 =	rddreg [dreg:$0x1];
	p0 =	sne.s32 s2, $0x0  }
0x129: {  	s3 =	rddreg [dreg:$0x2];
	[bflag:$0x3] =	sbarrier.arrive $0xFFFF;
	s2 =	simm.s32 @!p0 $0x1C05  }
0x12a: {  	[timem:s3], [sflag:s2] =	dma.local @!p0 [hbm:s0], s1  }
0x12b: {  	s0 =	simm.s32 @!p0 $0x5  }
0x12c: {  	_ =	swait.ge @!p0 [sflag:s0], s1  }
0x12d: {  	s1 =	ssub.s32 @!p0 $0x0, s1;
	[sflag:s0] =	ssyncset.done @!p0 $0x0  }
0x12e: {  	[sflag:s0] =	ssyncadd.s32 @!p0 s1  }
0x12f: {  	[bflag:$0x3] =	sbarrier.arrive $0xFFFF  }
0x130: {  	_ =	shalt  }

// kernel: kernel.13.cloned.1.call-start
scs
__scs_entry_jumppad:
0x0: {  	(pc) =	sbr.rel $0x88, $3  }
0x1: {  	(tag) =	ssettag $0x0;
	lr =	simm.s32 $0x1  }
0x2: {  	[smem:$0x3F97] =	sst lr;
	_ =	strace $0xD0000000  }
0x3: {  	_ = 	snop  }
0x4: {  	_ = 	snop  }
0x5: {  	_ = 	snop  }
0x6: {  	_ = 	snop  }
0x7: {  	_ = 	snop  }
__scs_overlays_trampoline_lowered:
0x8: {  	[smem:$0x3FA6] =	sst s0  }
0x9: {  	[smem:$0x3FA7] =	sst s1  }
0xa: {  	[smem:$0x3FA8] =	sst s2  }
0xb: {  	[smem:$0x3FA9] =	sst s3  }
0xc: {  	[smem:$0x3FAA] =	sst s4  }
0xd: {  	[smem:$0x3FAB] =	sst s5  }
0xe: {  	[smem:$0x3FAC] =	sst s6  }
0xf: {  	[smem:$0x3FAD] =	sst s7  }
0x10: {  	[smem:$0x3FAE] =	sst s8  }
0x11: {  	[smem:$0x3FAF] =	sst s9;
	s0 =	simm.s32 @!p0 $0x0  }
0x12: {  	s1 =	sld [smem:$0x3F95];
	s0 =	simm.s32 @p0 $0x1  }
0x13: {  	[smem:$0x3FB0] =	sst s0;
	s0 =	simm.s32 @!p1 $0x0  }
0x14: {  	s2 =	sld [smem:$0x3F94];
	s0 =	simm.s32 @p1 $0x1  }
0x15: {  	[smem:$0x3FB1] =	sst s0;
	s0 =	simm.s32 @!p2 $0x0  }
0x16: {  	s3 =	sld [smem:$0x3FDB];
	s0 =	simm.s32 @p2 $0x1  }
0x17: {  	s4 =	simm.s32 $0x1BF5;
	[smem:$0x3FB3] =	sst s0  }
0x18: {  	s0 =	sld [smem:$0x3F96];
	_ =	swait.ge [sflag:s4], $0x0  }
0x19: {  	s7 =	sld [smem:$0x3F97]  }
0x1a: {  	s8 =	sadd.s32 $0xFFFFE003, lr  }
0x1b: {  	s9 =	sadd.s32 $0xFFFFFEF7, lr;
	s5 =	simm.s32 $0xFFFFFFFF;
	p2 =	slt.u32 s8, $0xFFFFF086  }
0x1c: {  	p1 =	slt.u32 s9, $0xF7A;
	s5 =	simm.s32 @!p2 $0x0  }
0x1d: {  	s5 =	simm.s32 @p1 $0x1;
	p0 =	seq.s32 s7, s2  }
0x1e: {  	s7 =	smul.u32 @!p0 $0xF7A, s2;
	p2 =	seq.s32 @!p0 s5, $0x0  }
0x1f: {  	s9 =	smul.u32 $0xF7A, s1;
	s8 =	simm.s32 @!p0 $0x1BF5;
	p2 =	por !p2, p0  }
0x20: {  	[sflag:s8] =	ssyncset.s32 @!p0 $0xFFFFF086;
	s6 =	sadd.s32 @!p0 s3, s7;
	s7 =	simm.s32 @!p0 $0x108  }
0x21: {  	s3 =	sadd.s32 s3, s9;
	s6 =	sadd.s32 @!p0 $0x88, s6;
	s7 =	simm.s32 @p2 $0x1082  }
0x22: {  	[simem:s7], [sflag:s8] =	dma.local @!p0 [hbm:s6], $0xF7A  }
0x23: {  	s9 =	sor.u32 $0xD0000000, s2;
	s6 =	simm.s32 $0x108;
	_ =	swait.ge @!p0 [sflag:s8], $0x0  }
0x24: {  	s3 =	sadd.s32 $0x88, s3;
	s6 =	simm.s32 @!p1 $0x1082;
	[sflag:s4] =	ssyncset.s32 $0xFFFFF086  }
0x25: {  	[simem:s6], [sflag:s4] =	dma.local [hbm:s3], $0xF7A  }
0x26: {  	[smem:$0x3F97] =	sst s1;
	(tag) =	ssettag s2;
	_ =	strace s9  }
0x27: {  	s1 =	sld [smem:$0x3FA7]  }
0x28: {  	s2 =	sld [smem:$0x3FA8]  }
0x29: {  	s4 =	sld [smem:$0x3FAA]  }
0x2a: {  	p0 =	seq.s32 s5, $0x0;
	s5 =	sld [smem:$0x3FAB]  }
0x2b: {  	s6 =	sld [smem:$0x3FAC]  }
0x2c: {  	s7 =	sld [smem:$0x3FAD]  }
0x2d: {  	s3 =	simm.s32 $0x108;
	s8 =	sld [smem:$0x3FAE]  }
0x2e: {  	s3 =	simm.s32 @!p0 $0x1082;
	s9 =	sld [smem:$0x3FAF]  }
0x2f: {  	lr =	sadd.s32 s0, s3;
	s0 =	sld [smem:$0x3FA6]  }
0x30: {  	s3 =	sld [smem:$0x3FA9]  }
0x31: {  	[smem:$0x3FB2] =	sst s10  }
0x32: {  	s10 =	sld [smem:$0x3FB0];
	_ =	sdelay $0x3  }
0x33: {  	p0 =	seq.s32 s10, $0x1;
	s10 =	sld [smem:$0x3FB2];
	_ =	sdelay $0x3  }
0x34: {  	[smem:$0x3FB2] =	sst s10  }
0x35: {  	s10 =	sld [smem:$0x3FB1];
	_ =	sdelay $0x3  }
0x36: {  	p1 =	seq.s32 s10, $0x1;
	s10 =	sld [smem:$0x3FB2];
	_ =	sdelay $0x3  }
0x37: {  	[smem:$0x3FB2] =	sst s10  }
0x38: {  	s10 =	sld [smem:$0x3FB3]  }
0x39: {  	_ = 	snop;
	(pc) =	sbr.ind lr, $3  }
0x3a: {  	_ = 	snop  }
0x3b: {  	_ = 	snop  }
0x3c: {  	p2 =	seq.s32 s10, $0x1;
	s10 =	sld [smem:$0x3FB2]  }
0x3d: {  	_ =	shalt  }
0x3e: {  	_ =	shalt  }
0x3f: {  	_ =	shalt  }
0x40: {  	_ =	shalt  }
0x41: {  	_ =	shalt  }
0x42: {  	_ =	shalt  }
0x43: {  	_ =	shalt  }
0x44: {  	_ =	shalt  }
0x45: {  	_ =	shalt  }
0x46: {  	_ =	shalt  }
0x47: {  	_ =	shalt  }
0x48: {  	_ =	shalt  }
0x49: {  	_ =	shalt  }
0x4a: {  	_ =	shalt  }
0x4b: {  	_ =	shalt  }
0x4c: {  	_ =	shalt  }
0x4d: {  	_ =	shalt  }
0x4e: {  	_ =	shalt  }
0x4f: {  	_ =	shalt  }
0x50: {  	_ =	shalt  }
0x51: {  	_ =	shalt  }
0x52: {  	_ =	shalt  }
0x53: {  	_ =	shalt  }
0x54: {  	_ =	shalt  }
0x55: {  	_ =	shalt  }
0x56: {  	_ =	shalt  }
0x57: {  	_ =	shalt  }
0x58: {  	_ =	shalt  }
0x59: {  	_ =	shalt  }
0x5a: {  	_ =	shalt  }
0x5b: {  	_ =	shalt  }
0x5c: {  	_ =	shalt  }
0x5d: {  	_ =	shalt  }
0x5e: {  	_ =	shalt  }
0x5f: {  	_ =	shalt  }
0x60: {  	_ =	shalt  }
0x61: {  	_ =	shalt  }
0x62: {  	_ =	shalt  }
0x63: {  	_ =	shalt  }
0x64: {  	_ =	shalt  }
0x65: {  	_ =	shalt  }
0x66: {  	_ =	shalt  }
0x67: {  	_ =	shalt  }
0x68: {  	_ =	shalt  }
0x69: {  	_ =	shalt  }
0x6a: {  	_ =	shalt  }
0x6b: {  	_ =	shalt  }
0x6c: {  	_ =	shalt  }
0x6d: {  	_ =	shalt  }
0x6e: {  	_ =	shalt  }
0x6f: {  	_ =	shalt  }
0x70: {  	_ =	shalt  }
0x71: {  	_ =	shalt  }
0x72: {  	_ =	shalt  }
0x73: {  	_ =	shalt  }
0x74: {  	_ =	shalt  }
0x75: {  	_ =	shalt  }
0x76: {  	_ =	shalt  }
0x77: {  	_ =	shalt  }
0x78: {  	_ =	shalt  }
0x79: {  	_ =	shalt  }
0x7a: {  	_ =	shalt  }
0x7b: {  	_ =	shalt  }
0x7c: {  	_ =	shalt  }
0x7d: {  	_ =	shalt  }
0x7e: {  	_ =	shalt  }
0x7f: {  	_ =	shalt  }
0x80: {  	_ =	shalt  }
0x81: {  	_ =	shalt  }
0x82: {  	_ =	shalt  }
0x83: {  	_ =	shalt  }
0x84: {  	_ =	shalt  }
0x85: {  	_ =	shalt  }
0x86: {  	_ =	shalt  }
0x87: {  	_ =	shalt  }
.Lfunc_end0:
.L_simem_size_0:
called_computation.2_lowered:
.L_overlay_start_0:
0x88: {  	s2 =	sld [smem:$0x3FD9]  }
0x89: {  	s3 =	sld [smem:$0x3FFE];
	_ =	sdelay $0x1  }
0x8a: {  	s1 =	srdreg.scid  }
0x8b: {  	s0 =	sand.u32 $0x1, s1  }
0x8c: {  	s17 =	sshll.u32 s0, $0xA;
	s2 =	sadd.s32 s3, s2  }
0x8d: {  	s2 =	sadd.s32 s2, s17  }
0x8e: {  	[smem:$0x3FBE] =	sst s2  }
0x8f: {  	_ = 	snop  }
0x90: {  	s2 =	sld [smem:$0x3FD0];
	(tm) =	ssettm $0x1  }
0x91: {  	s18 =	sld [smem:$0x3FFB];
	_ =	sdelay $0x3  }
0x92: {  	_ =	strace s18  }
0x93: {  	s3 =	sld [smem:$0x3FFC];
	_ =	sdelay $0x3  }
0x94: {  	_ =	strace s3  }
0x95: {  	s3 =	sld [smem:$0x3FFD];
	_ =	sdelay $0x3  }
0x96: {  	_ =	strace s3  }
0x97: {  	_ =	strace $0x8FFFFFFF  }
0x98: {  	s19 =	sld [smem:$0x3FDB];
	_ =	sdelay $0x1  }
0x99: {  	s4 =	simm.s32 $_scs_section_size  }
0x9a: {  	s5 =	simm.s32 $_size__tile_overlayer_lowered;
	s6 =	simm.s32 $_tile_overlayer_lowered  }
0x9b: {  	s22 =	simm.s32 $0x1BFF;
	s21 =	sshll.u32 s6, $0x1;
	s3 =	sadd.s32 s4, s19  }
0x9c: {  	s7 =	simm.s32 $0x0;
	s20 =	sshll.u32 s5, $0x1;
	s5 =	sadd.s32 s21, s3  }
0x9d: {  	[timem:s7], [sflag:s22] =	dma.local [hbm:s5], s20  }
0x9e: {  	_ =	swait.ge [sflag:s22], s20  }
0x9f: {  	s4 =	ssub.s32 $0x0, s20;
	[sflag:s22] =	ssyncset.done $0x0  }
0xa0: {  	[sflag:s22] =	ssyncadd.s32 s4;
	_ =	sdelay $0x1  }
0xa1: {  	s23 =	simm.s32 $0x1B8B  }
0xa2: {  	_ =	swait.ge [sflag:s23], $0x1  }
0xa3: {  	[sflag:s23] =	ssyncset.done $0x0  }
0xa4: {  	s25 =	simm.s32 $0x1B8E;
	s24 =	sld [smem:$0x3FFE];
	[sflag:s23] =	ssyncadd.s32 $0xFFFFFFFF  }
0xa5: {  	s26 =	simm.s32 $execute0_lowered;
	[smem:$0x3FD2] =	sst s25  }
0xa6: {  	s5 =	sshll.u32 s26, $0x1;
	_ =	strace $0x8000004C;
	[dreg:$0x1] =	wrdreg $0xFFFFFFFF  }
0xa7: {  	s28 =	simm.s32 $_size_execute0_lowered;
	s3 =	sadd.s32 s3, s5;
	[dreg:$0x0] =	wrdreg $0x0  }
0xa8: {  	s5 =	sshll.u32 s28, $0x1;
	[dreg:$0x2] =	wrdreg s3  }
0xa9: {  	[dreg:$0x3] =	wrdreg s5  }
0xaa: {  	[dreg:$0x4] =	wrdreg $0xC0  }
0xab: {  	_ =	task [dreg:s7], $0x5FFFF  }
0xac: {  	[dreg:$0x1] =	wrdreg $0xFFFFFFFF  }
0xad: {  	[dreg:$0x0] =	wrdreg $0x60  }
0xae: {  	[dreg:$0x2] =	wrdreg s24  }
0xaf: {  	[dreg:$0x3] =	wrdreg s2  }
0xb0: {  	[dreg:$0x4] =	wrdreg $0x98000  }
0xb1: {  	[dreg:$0x5] =	wrdreg $0x9  }
0xb2: {  	_ =	task.clear_ibuf [dreg:s7], $0x6FFFF;
	_ =	strace $0x9000004C  }
0xb3: {  	s29 =	simm.s32 $0x9;
	_ =	strace $0x8000004E  }
0xb4: {  	_ =	swait.ge [sflag:s29], $0x1  }
0xb5: {  	[sflag:s29] =	ssyncadd.s32 $0xFFFFFFFF  }
0xb6: {  	_ =	strace $0x9000004E  }
0xb7: {  	_ =	sfence  }
0xb8: {  	s30 =	sld [smem:$0x0];
	_ =	sdelay $0x2  }
0xb9: {  	s31 =	sshll.u32 s1, $0xD;
	s1 =	sshrl.u32 s1, $0x2  }
0xba: {  	s3 =	sand.u32 $0x4000, s31;
	s1 =	sadd.s32 s1, s30  }
0xbb: {  	s0 =	sor.u32 s3, s0;
	s1 =	sshll.u32 s1, $0x11  }
0xbc: {  	s0 =	sor.u32 s1, s0  }
0xbd: {  	s0 =	sadd.s32 $0x8F2B, s0  }
0xbe: {  	[sflag:s0] =	ssyncadd.remote.s32 $0x1  }
0xbf: {  	_ =	sfence.sel $0xFFFF  }
0xc0: {  	[dreg:$0x0] =	wrdreg $0xFFFFFFFF;
	(pc) =	sbr.abs _section_cstart, $3  }
0xc1: {  	[dreg:$0x1] =	wrdreg $0xFFFFFFFF  }
0xc2: {  	_ =	task.clear_ibuf [dreg:s7], $0x2FFFF;
	_ =	strace $0x9FFFFFFF  }
0xc3: {  	(tm) =	ssettm $0x7FFFFFFF  }
tec
execute0_lowered:
.L_overlay_start_1:
0x0: {  	(tag) =	ssettag $0x1  }
0x1: {  	s0 =	rddreg [dreg:$0x0]  }
0x2: {  	s1 =	rddreg [dreg:$0x1]  }
0x3: {  	s2 =	rddreg [dreg:$0x2]  }
0x4: {  	s3 =	srdreg.scid;
	s4 =	simm.s32 $0x0;
	s19 =	stileid.u32  }
0x5: {  	s28 =	simm.s32 $0x2;
	s29 =	simm.s32 $0x3;
	s30 =	simm.s32 $0x4  }
0x6: {  	s3 =	sand.u32 $0x1, s3;
	[smem:$0x7FF] =	sst s4;
	s6 =	smul.u32 $0x50000, s19  }
0x7: {  	s14 =	sadd.s32 $0x2600, s0;
	s15 =	sadd.s32 $0xC600, s0;
	s13 =	smul.u32 $0x14000, s19  }
0x8: {  	s0 =	sadd.s32 $0x16600, s0;
	s5 =	sshll.u32 s3, $0x4;
	s12 =	smul.u32 $0x140000, s3  }
0x9: {  	_ =	strace $0x8000004D;
	s23 =	ssub.s32 $0x2, s3;
	s3 =	smul.u32 $0xA0, s3  }
0xa: {  	s5 =	sor.u32 s19, s5;
	s8 =	sshrl.u32 s23, $0x1;
	s6 =	sshrl.u32 s6, $0x2  }
0xb: {  	s11 =	sadd.s32 $0x4000, s13;
	s16 =	sadd.s32 $0x8000, s13;
	s19 =	smul.u32 $0xA, s19  }
0xc: {  	s20 =	sadd.s32 $0x10000, s13;
	s7 =	smul.u32 $0x500, s5;
	s9 =	ssub.s32 s23, s8  }
0xd: {  	s5 =	sadd.s32 s6, s2;
	s25 =	sadd.s32 s12, s13;
	s10 =	sadd.s32 s12, s11  }
0xe: {  	s17 =	sadd.s32 s12, s16;
	s18 =	sadd.s32 s11, s2;
	s23 =	sadd.s32 s16, s2  }
0xf: {  	s16 =	simm.s32 $0x9000;
	s8 =	sshrl.u32 s25, $0x3;
	s10 =	sshrl.u32 s10, $0x3  }
0x10: {  	s3 =	sadd.s32 s19, s3;
	s19 =	simm.s32 $0x80;
	s24 =	sadd.s32 s14, s7  }
0x11: {  	s23 =	sshrl.u32 s23, $0x3;
	s26 =	sadd.s32 s15, s7;
	[dreg:$0x4] =	wrdreg s24  }
0x12: {  	s31 =	sadd.s32 s0, s8;
	s7 =	smax.u32 s9, $0x1;
	[dreg:$0x5] =	wrdreg s26  }
0x13: {  	s8 =	sadd.s32 s0, s10;
	s9 =	sshrl.u32 s17, $0x3;
	[dreg:$0x6] =	wrdreg s31  }
0x14: {  	s10 =	sadd.s32 $0xC000, s13;
	s3 =	sshll.u32 s3, $0x7;
	[dreg:$0x7] =	wrdreg s7  }
0x15: {  	s17 =	simm.s32 $0x5;
	[dreg:$0x8] =	wrdreg s8;
	s11 =	sadd.s32 s0, s9  }
0x16: {  	s21 =	sadd.s32 s12, s10;
	s24 =	sadd.s32 s12, s20;
	s26 =	sadd.s32 s3, s14  }
0x17: {  	s31 =	sadd.s32 s3, s15;
	s22 =	sshrl.u32 s21, $0x3;
	s25 =	sshrl.u32 s24, $0x3  }
0x18: {  	s24 =	sadd.s32 s10, s2;
	s14 =	sadd.s32 $0x80, s26;
	s15 =	sadd.s32 $0x80, s31  }
0x19: {  	s21 =	simm.s32 $0x1;
	s26 =	simm.s32 $0x5000;
	s12 =	sadd.s32 s0, s22  }
0x1a: {  	s13 =	sadd.s32 s0, s25;
	s25 =	sadd.s32 s20, s2;
	s20 =	simm.s32 $0x1000  }
0x1b: {  	v0 =	vimm.f32 $0.0e+00;
	s22 =	sshrl.u32 s18, $0x3;
	s24 =	sshrl.u32 s24, $0x3;
	s25 =	sshrl.u32 s25, $0x3  }
.LBB2_1:
0x1c: {  	[tilespmem:$0x9000] =	vst v0  }
0x1d: {  	[tilespmem:$0x9010] =	vst v0  }
0x1e: {  	[tilespmem:$0x9020] =	vst v0  }
0x1f: {  	[tilespmem:$0x9030] =	vst v0  }
0x20: {  	[tilespmem:$0x9040] =	vst v0  }
0x21: {  	[tilespmem:$0x9050] =	vst v0  }
0x22: {  	[tilespmem:$0x9060] =	vst v0  }
0x23: {  	[tilespmem:$0x9070] =	vst v0  }
0x24: {  	[tilespmem:$0x9080] =	vst v0  }
0x25: {  	[tilespmem:$0x9090] =	vst v0  }
0x26: {  	[tilespmem:$0x90A0] =	vst v0  }
0x27: {  	[tilespmem:$0x90B0] =	vst v0  }
0x28: {  	[tilespmem:$0x90C0] =	vst v0  }
0x29: {  	[tilespmem:$0x90D0] =	vst v0  }
0x2a: {  	[tilespmem:$0x90E0] =	vst v0  }
0x2b: {  	[tilespmem:$0x90F0] =	vst v0  }
0x2c: {  	[tilespmem:$0x9100] =	vst v0  }
0x2d: {  	[tilespmem:$0x9110] =	vst v0  }
0x2e: {  	[tilespmem:$0x9120] =	vst v0  }
0x2f: {  	[tilespmem:$0x9130] =	vst v0  }
0x30: {  	[tilespmem:$0x9140] =	vst v0  }
0x31: {  	[tilespmem:$0x9150] =	vst v0  }
0x32: {  	[tilespmem:$0x9160] =	vst v0  }
0x33: {  	[tilespmem:$0x9170] =	vst v0  }
0x34: {  	[tilespmem:$0x9180] =	vst v0  }
0x35: {  	[tilespmem:$0x9190] =	vst v0  }
0x36: {  	[tilespmem:$0x91A0] =	vst v0  }
0x37: {  	[tilespmem:$0x91B0] =	vst v0  }
0x38: {  	[tilespmem:$0x91C0] =	vst v0  }
0x39: {  	[tilespmem:$0x91D0] =	vst v0  }
0x3a: {  	[tilespmem:$0x91E0] =	vst v0  }
0x3b: {  	[tilespmem:$0x91F0] =	vst v0  }
0x3c: {  	[tilespmem:$0x9200] =	vst v0  }
0x3d: {  	[tilespmem:$0x9210] =	vst v0  }
0x3e: {  	[tilespmem:$0x9220] =	vst v0  }
0x3f: {  	[tilespmem:$0x9230] =	vst v0  }
0x40: {  	[tilespmem:$0x9240] =	vst v0  }
0x41: {  	[tilespmem:$0x9250] =	vst v0  }
0x42: {  	[tilespmem:$0x9260] =	vst v0  }
0x43: {  	[tilespmem:$0x9270] =	vst v0  }
0x44: {  	[tilespmem:$0x9280] =	vst v0  }
0x45: {  	[tilespmem:$0x9290] =	vst v0  }
0x46: {  	[tilespmem:$0x92A0] =	vst v0  }
0x47: {  	[tilespmem:$0x92B0] =	vst v0  }
0x48: {  	[tilespmem:$0x92C0] =	vst v0  }
0x49: {  	[tilespmem:$0x92D0] =	vst v0  }
0x4a: {  	[tilespmem:$0x92E0] =	vst v0  }
0x4b: {  	[tilespmem:$0x92F0] =	vst v0  }
0x4c: {  	[tilespmem:$0x9300] =	vst v0  }
0x4d: {  	[tilespmem:$0x9310] =	vst v0  }
0x4e: {  	[tilespmem:$0x9320] =	vst v0  }
0x4f: {  	[tilespmem:$0x9330] =	vst v0  }
0x50: {  	[tilespmem:$0x9340] =	vst v0  }
0x51: {  	[tilespmem:$0x9350] =	vst v0  }
0x52: {  	[tilespmem:$0x9360] =	vst v0  }
0x53: {  	[tilespmem:$0x9370] =	vst v0  }
0x54: {  	[tilespmem:$0x9380] =	vst v0  }
0x55: {  	[tilespmem:$0x9390] =	vst v0  }
0x56: {  	[tilespmem:$0x93A0] =	vst v0  }
0x57: {  	[tilespmem:$0x93B0] =	vst v0  }
0x58: {  	[tilespmem:$0x93C0] =	vst v0  }
0x59: {  	[tilespmem:$0x93D0] =	vst v0  }
0x5a: {  	[tilespmem:$0x93E0] =	vst v0  }
0x5b: {  	[tilespmem:$0x93F0] =	vst v0  }
0x5c: {  	[tilespmem:$0x9400] =	vst v0  }
0x5d: {  	[tilespmem:$0x9410] =	vst v0  }
0x5e: {  	[tilespmem:$0x9420] =	vst v0  }
0x5f: {  	[tilespmem:$0x9430] =	vst v0  }
0x60: {  	[tilespmem:$0x9440] =	vst v0  }
0x61: {  	[tilespmem:$0x9450] =	vst v0  }
0x62: {  	[tilespmem:$0x9460] =	vst v0  }
0x63: {  	[tilespmem:$0x9470] =	vst v0  }
0x64: {  	[tilespmem:$0x9480] =	vst v0  }
0x65: {  	[tilespmem:$0x9490] =	vst v0  }
0x66: {  	[tilespmem:$0x94A0] =	vst v0  }
0x67: {  	[tilespmem:$0x94B0] =	vst v0  }
0x68: {  	[tilespmem:$0x94C0] =	vst v0  }
0x69: {  	[tilespmem:$0x94D0] =	vst v0  }
0x6a: {  	[tilespmem:$0x94E0] =	vst v0  }
0x6b: {  	[tilespmem:$0x94F0] =	vst v0  }
0x6c: {  	[tilespmem:$0x9500] =	vst v0  }
0x6d: {  	[tilespmem:$0x9510] =	vst v0  }
0x6e: {  	[tilespmem:$0x9520] =	vst v0  }
0x6f: {  	[tilespmem:$0x9530] =	vst v0  }
0x70: {  	[tilespmem:$0x9540] =	vst v0  }
0x71: {  	[tilespmem:$0x9550] =	vst v0  }
0x72: {  	[tilespmem:$0x9560] =	vst v0  }
0x73: {  	[tilespmem:$0x9570] =	vst v0  }
0x74: {  	[tilespmem:$0x9580] =	vst v0  }
0x75: {  	[tilespmem:$0x9590] =	vst v0  }
0x76: {  	[tilespmem:$0x95A0] =	vst v0  }
0x77: {  	[tilespmem:$0x95B0] =	vst v0  }
0x78: {  	[tilespmem:$0x95C0] =	vst v0  }
0x79: {  	[tilespmem:$0x95D0] =	vst v0  }
0x7a: {  	[tilespmem:$0x95E0] =	vst v0  }
0x7b: {  	[tilespmem:$0x95F0] =	vst v0  }
0x7c: {  	[tilespmem:$0x9600] =	vst v0  }
0x7d: {  	[tilespmem:$0x9610] =	vst v0  }
0x7e: {  	[tilespmem:$0x9620] =	vst v0  }
0x7f: {  	[tilespmem:$0x9630] =	vst v0  }
0x80: {  	[tilespmem:$0x9640] =	vst v0  }
0x81: {  	[tilespmem:$0x9650] =	vst v0  }
0x82: {  	[tilespmem:$0x9660] =	vst v0  }
0x83: {  	[tilespmem:$0x9670] =	vst v0  }
0x84: {  	[tilespmem:$0x9680] =	vst v0  }
0x85: {  	[tilespmem:$0x9690] =	vst v0  }
0x86: {  	[tilespmem:$0x96A0] =	vst v0  }
0x87: {  	[tilespmem:$0x96B0] =	vst v0  }
0x88: {  	[tilespmem:$0x96C0] =	vst v0  }
0x89: {  	[tilespmem:$0x96D0] =	vst v0  }
0x8a: {  	[tilespmem:$0x96E0] =	vst v0  }
0x8b: {  	[tilespmem:$0x96F0] =	vst v0  }
0x8c: {  	[tilespmem:$0x9700] =	vst v0  }
0x8d: {  	[tilespmem:$0x9710] =	vst v0  }
0x8e: {  	[tilespmem:$0x9720] =	vst v0  }
0x8f: {  	[tilespmem:$0x9730] =	vst v0  }
0x90: {  	[tilespmem:$0x9740] =	vst v0  }
0x91: {  	[tilespmem:$0x9750] =	vst v0  }
0x92: {  	[tilespmem:$0x9760] =	vst v0  }
0x93: {  	[tilespmem:$0x9770] =	vst v0  }
0x94: {  	[tilespmem:$0x9780] =	vst v0  }
0x95: {  	[tilespmem:$0x9790] =	vst v0  }
0x96: {  	[tilespmem:$0x97A0] =	vst v0  }
0x97: {  	[tilespmem:$0x97B0] =	vst v0  }
0x98: {  	[tilespmem:$0x97C0] =	vst v0  }
0x99: {  	[tilespmem:$0x97D0] =	vst v0  }
0x9a: {  	[tilespmem:$0x97E0] =	vst v0  }
0x9b: {  	[tilespmem:$0x97F0] =	vst v0;
	s0 =	sadd.s32 $0x0, s5  }
0x9c: {  	[spmem:s0] =	stream.linear.scatter [tilespmem:s16], [sflag:$0x5], $0x800, $0x38;
	[tilespmem:$0x1D800] =	vst v63  }
0x9d: {  	s0 =	simm.s32 $0x2000;
	_ =	swait.ge [sflag:s17], $0x800  }
.LBB2_2:
0x9e: {  	s3 =	sshra.s32 s0, $0x2;
	[sflag:s17] =	ssyncset.done $0x0;
	p0 =	sne.s32 s0, $0x4E000  }
.Ltmp0:
0x9f: {  	s3 =	sadd.s32 s3, s5;
	[sflag:s17] =	ssyncadd.s32 $0xFFFFF800;
	(pc) =	sbr.rel @p0 .LBB2_2-.Ltmp0, $3  }
0xa0: {  	[spmem:s3] =	stream.linear.scatter [tilespmem:s16], [sflag:$0x5], $0x800, $0x38;
	[tilespmem:$0x1D800] =	vst v63  }
0xa1: {  	s0 =	sadd.s32 $0x2000, s0;
	_ =	sdelay $0x1  }
0xa2: {  	_ =	swait.ge [sflag:s17], $0x800  }
0xa3: {  	[sflag:s17] =	ssyncset.done $0x0  }
0xa4: {  	[sflag:s17] =	ssyncadd.s32 $0xFFFFF800  }
0xa5: {  	[bflag:$0x0] =	sbarrier.arrive $0xFFFF  }
0xa6: {  	s31 =	simm.s32 $0x0;
	s0 =	rddreg [dreg:$0x4]  }
0xa7: {  	[tilespmem:s31], [sflag:$0x5] =	stream.linear.gather [hbm4b:s0+s31], $0x400, $0x38;
	[tilespmem:$0x1D800] =	vst v63  }
0xa8: {  	_ =	swait.ge [sflag:s17], $0x400  }
0xa9: {  	[sflag:s17] =	ssyncset.done $0x0  }
0xaa: {  	s3 =	simm.s32 $0x800;
	s18 =	rddreg [dreg:$0x5];
	[sflag:s17] =	ssyncadd.s32 $0xFFFFFC00  }
0xab: {  	[tilespmem:s3], [sflag:$0x5] =	stream.linear.gather [hbm4b:s18+s31], $0x400, $0x38;
	[tilespmem:$0x1D800] =	vst v63  }
0xac: {  	_ =	swait.ge [sflag:s17], $0x400  }
0xad: {  	[sflag:s17] =	ssyncset.done $0x0  }
0xae: {  	s0 =	simm.s32 $0x0;
	[sflag:s17] =	ssyncadd.s32 $0xFFFFFC00  }
0xaf: {  	[tilespmem:s20], [sflag:$0x1] =	stream.indirect.gather [hbm4b:s1+s19], $0x80, s31, s19, $0xb8;
	[tilespmem:$0x1D800] =	vst v63  }
.LBB2_4:
0xb0: {  	_ =	swait.ge [sflag:s21], $0x4000  }
0xb1: {  	p0 =	seq.s32 s0, $0x0;
	[sflag:s21] =	ssyncset.done $0x0  }
0xb2: {  	s18 =	simm.s32 @!p0 $0x4;
	[sflag:s21] =	ssyncadd.s32 $0xFFFFC000  }
0xb3: {  	s6 =	sand.u32 $0x8, s31;
	_ =	swait.ge @!p0 [sflag:s18], $0x4000  }
0xb4: {  	s3 =	sshll.u32 s6, $0x7;
	[sflag:s18] =	ssyncset.done @!p0 $0x0  }
0xb5: {  	s10 =	sor.u32 $0x800, s3;
	[sflag:s18] =	ssyncadd.s32 @!p0 $0xFFFFC000  }
0xb6: {  	[spmem:s2] =	stream.indirect.scatter.add.f32 [tilespmem:s20], [sflag:$0x3], $0x80, s10, s19, $0xb8;
	[tilespmem:$0x1D800] =	vst v63  }
0xb7: {  	s6 =	sxor.u32 $0x8, s6;
	s7 =	sor.u32 $0x80, s3;
	p0 =	seq.s32 s0, $0x480  }
0xb8: {  	[tilespmem:s26], [sflag:$0x2] =	stream.indirect.gather [hbm4b:s1+s19], $0x80, s7, s19, $0xb8;
	[tilespmem:$0x1D800] =	vst v63  }
0xb9: {  	s18 =	sshll.u32 @!p0 s6, $0x7;
	s6 =	sadd.s32 @!p0 s0, s14;
	s8 =	simm.s32 @!p0 $0x0  }
0xba: {  	[tilespmem:s18], [sflag:$0x5] =	stream.linear.gather @!p0 [hbm4b:s6+s8], $0x400, $0x38;
	[tilespmem:$0x1D800] =	vst v63  }
0xbb: {  	s6 =	simm.s32 @!p0 $0x5  }
0xbc: {  	_ =	swait.ge @!p0 [sflag:s6], $0x400  }
0xbd: {  	[sflag:s6] =	ssyncset.done @!p0 $0x0  }
0xbe: {  	s10 =	sadd.s32 @!p0 s0, s15;
	s9 =	sor.u32 @!p0 $0x800, s18;
	[sflag:s6] =	ssyncadd.s32 @!p0 $0xFFFFFC00  }
0xbf: {  	[tilespmem:s9], [sflag:$0x5] =	stream.linear.gather @!p0 [hbm4b:s10+s8], $0x400, $0x38;
	[tilespmem:$0x1D800] =	vst v63  }
0xc0: {  	_ =	swait.ge @!p0 [sflag:s6], $0x400  }
0xc1: {  	[sflag:s6] =	ssyncset.done @!p0 $0x0  }
0xc2: {  	[sflag:s6] =	ssyncadd.s32 @!p0 $0xFFFFFC00  }
0xc3: {  	_ =	swait.ge [sflag:s28], $0x4000  }
0xc4: {  	[sflag:s28] =	ssyncset.done $0x0  }
0xc5: {  	[sflag:s28] =	ssyncadd.s32 $0xFFFFC000  }
0xc6: {  	_ =	swait.ge [sflag:s29], $0x4000  }
0xc7: {  	[sflag:s29] =	ssyncset.done $0x0  }
0xc8: {  	s7 =	sor.u32 $0x800, s7;
	[sflag:s29] =	ssyncadd.s32 $0xFFFFC000  }
0xc9: {  	[spmem:s2] =	stream.indirect.scatter.add.f32 [tilespmem:s26], [sflag:$0x4], $0x80, s7, s19, $0xb8;
	[tilespmem:$0x1D800] =	vst v63  }
0xca: {  	s8 =	sor.u32 $0x100, s3  }
0xcb: {  	[tilespmem:s20], [sflag:$0x1] =	stream.indirect.gather [hbm4b:s1+s19], $0x80, s8, s19, $0xb8;
	[tilespmem:$0x1D800] =	vst v63  }
0xcc: {  	_ =	swait.ge [sflag:s21], $0x4000  }
0xcd: {  	[sflag:s21] =	ssyncset.done $0x0  }
0xce: {  	[sflag:s21] =	ssyncadd.s32 $0xFFFFC000  }
0xcf: {  	_ =	swait.ge [sflag:s30], $0x4000  }
0xd0: {  	[sflag:s30] =	ssyncset.done $0x0  }
0xd1: {  	s9 =	sor.u32 $0x900, s3;
	[sflag:s30] =	ssyncadd.s32 $0xFFFFC000  }
0xd2: {  	[spmem:s2] =	stream.indirect.scatter.add.f32 [tilespmem:s20], [sflag:$0x3], $0x80, s9, s19, $0xb8;
	[tilespmem:$0x1D800] =	vst v63  }
0xd3: {  	s10 =	sor.u32 $0x180, s3  }
0xd4: {  	[tilespmem:s26], [sflag:$0x2] =	stream.indirect.gather [hbm4b:s1+s19], $0x80, s10, s19, $0xb8;
	[tilespmem:$0x1D800] =	vst v63  }
0xd5: {  	_ =	swait.ge [sflag:s28], $0x4000  }
0xd6: {  	[sflag:s28] =	ssyncset.done $0x0  }
0xd7: {  	[sflag:s28] =	ssyncadd.s32 $0xFFFFC000  }
0xd8: {  	_ =	swait.ge [sflag:s29], $0x4000  }
0xd9: {  	[sflag:s29] =	ssyncset.done $0x0  }
0xda: {  	s7 =	sor.u32 $0x980, s3;
	[sflag:s29] =	ssyncadd.s32 $0xFFFFC000  }
0xdb: {  	[spmem:s2] =	stream.indirect.scatter.add.f32 [tilespmem:s26], [sflag:$0x4], $0x80, s7, s19, $0xb8;
	[tilespmem:$0x1D800] =	vst v63  }
0xdc: {  	s8 =	sor.u32 $0x200, s3  }
0xdd: {  	[tilespmem:s20], [sflag:$0x1] =	stream.indirect.gather [hbm4b:s1+s19], $0x80, s8, s19, $0xb8;
	[tilespmem:$0x1D800] =	vst v63  }
0xde: {  	_ =	swait.ge [sflag:s21], $0x4000  }
0xdf: {  	[sflag:s21] =	ssyncset.done $0x0  }
0xe0: {  	[sflag:s21] =	ssyncadd.s32 $0xFFFFC000  }
0xe1: {  	_ =	swait.ge [sflag:s30], $0x4000  }
0xe2: {  	[sflag:s30] =	ssyncset.done $0x0  }
0xe3: {  	s9 =	sor.u32 $0xA00, s3;
	[sflag:s30] =	ssyncadd.s32 $0xFFFFC000  }
0xe4: {  	[spmem:s2] =	stream.indirect.scatter.add.f32 [tilespmem:s20], [sflag:$0x3], $0x80, s9, s19, $0xb8;
	[tilespmem:$0x1D800] =	vst v63  }
0xe5: {  	s10 =	sor.u32 $0x280, s3  }
0xe6: {  	[tilespmem:s26], [sflag:$0x2] =	stream.indirect.gather [hbm4b:s1+s19], $0x80, s10, s19, $0xb8;
	[tilespmem:$0x1D800] =	vst v63  }
0xe7: {  	_ =	swait.ge [sflag:s28], $0x4000  }
0xe8: {  	[sflag:s28] =	ssyncset.done $0x0  }
0xe9: {  	[sflag:s28] =	ssyncadd.s32 $0xFFFFC000  }
0xea: {  	_ =	swait.ge [sflag:s29], $0x4000  }
0xeb: {  	[sflag:s29] =	ssyncset.done $0x0  }
0xec: {  	s7 =	sor.u32 $0xA80, s3;
	[sflag:s29] =	ssyncadd.s32 $0xFFFFC000  }
0xed: {  	[spmem:s2] =	stream.indirect.scatter.add.f32 [tilespmem:s26], [sflag:$0x4], $0x80, s7, s19, $0xb8;
	[tilespmem:$0x1D800] =	vst v63  }
0xee: {  	s8 =	sor.u32 $0x300, s3  }
0xef: {  	[tilespmem:s20], [sflag:$0x1] =	stream.indirect.gather [hbm4b:s1+s19], $0x80, s8, s19, $0xb8;
	[tilespmem:$0x1D800] =	vst v63  }
0xf0: {  	_ =	swait.ge [sflag:s21], $0x4000  }
0xf1: {  	[sflag:s21] =	ssyncset.done $0x0  }
0xf2: {  	[sflag:s21] =	ssyncadd.s32 $0xFFFFC000  }
0xf3: {  	_ =	swait.ge [sflag:s30], $0x4000  }
0xf4: {  	[sflag:s30] =	ssyncset.done $0x0  }
0xf5: {  	s9 =	sor.u32 $0xB00, s3;
	[sflag:s30] =	ssyncadd.s32 $0xFFFFC000  }
0xf6: {  	[spmem:s2] =	stream.indirect.scatter.add.f32 [tilespmem:s20], [sflag:$0x3], $0x80, s9, s19, $0xb8;
	[tilespmem:$0x1D800] =	vst v63  }
0xf7: {  	s10 =	sor.u32 $0x380, s3  }
0xf8: {  	[tilespmem:s26], [sflag:$0x2] =	stream.indirect.gather [hbm4b:s1+s19], $0x80, s10, s19, $0xb8;
	[tilespmem:$0x1D800] =	vst v63  }
0xf9: {  	_ =	swait.ge [sflag:s28], $0x4000  }
0xfa: {  	s0 =	sadd.s32 @!p0 $0x80, s0;
	[sflag:s28] =	ssyncset.done $0x0  }
0xfb: {  	p1 =	sne.s32 @!p0 s0, $0x500;
	[sflag:s28] =	ssyncadd.s32 $0xFFFFC000  }
0xfc: {  	p1 =	por p0, !p1;
	_ =	swait.ge [sflag:s29], $0x4000  }
.Ltmp1:
0xfd: {  	[sflag:s29] =	ssyncset.done $0x0;
	(pc) =	sbr.rel @!p1 .LBB2_4-.Ltmp1, $4  }
0xfe: {  	s3 =	sor.u32 $0xB80, s3;
	[sflag:s29] =	ssyncadd.s32 $0xFFFFC000  }
0xff: {  	[spmem:s2] =	stream.indirect.scatter.add.f32 [tilespmem:s26], [sflag:$0x4], $0x80, s3, s19, $0xb8;
	[tilespmem:$0x1D800] =	vst v63  }
0x100: {  	s31 =	sadd.s32 @!p0 $0x8, s31;
	s6 =	simm.s32 @!p0 $0x1000;
	s3 =	simm.s32 @!p0 $0x80  }
0x101: {  	[tilespmem:s6], [sflag:$0x1] =	stream.indirect.gather @!p0 [hbm4b:s1+s3], $0x80, s18, s3, $0xb8;
	[tilespmem:$0x1D800] =	vst v63  }
0x102: {  	_ =	swait.ge [sflag:s30], $0x4000  }
0x103: {  	[sflag:s30] =	ssyncset.done $0x0  }
0x104: {  	s0 =	stileid.u32;
	[sflag:s30] =	ssyncadd.s32 $0xFFFFC000  }
0x105: {  	s0 =	sshll.u32 s0, $0x6;
	[bflag:$0x0] =	sbarrier.arrive $0xFFFF  }
0x106: {  	s3 =	sshrl.u32 s5, $0x3;
	s0 =	sor.u32 $0x1C05, s0;
	s6 =	rddreg [dreg:$0x6]  }
0x107: {  	[hbm:s6], [sflag:s0] =	dma.local [spmem:s3], $0x800  }
0x108: {  	_ =	swait.ge [sflag:s17], $0x800  }
0x109: {  	[sflag:s17] =	ssyncset.done $0x0  }
0x10a: {  	s18 =	rddreg [dreg:$0x8];
	[sflag:s17] =	ssyncadd.s32 $0xFFFFF800  }
0x10b: {  	[hbm:s18], [sflag:s0] =	dma.local [spmem:s22], $0x800  }
0x10c: {  	_ =	swait.ge [sflag:s17], $0x800  }
0x10d: {  	[sflag:s17] =	ssyncset.done $0x0  }
0x10e: {  	[sflag:s17] =	ssyncadd.s32 $0xFFFFF800  }
0x10f: {  	[hbm:s11], [sflag:s0] =	dma.local [spmem:s23], $0x800  }
0x110: {  	_ =	swait.ge [sflag:s17], $0x800  }
0x111: {  	[sflag:s17] =	ssyncset.done $0x0  }
0x112: {  	[sflag:s17] =	ssyncadd.s32 $0xFFFFF800  }
0x113: {  	[hbm:s12], [sflag:s0] =	dma.local [spmem:s24], $0x800  }
0x114: {  	_ =	swait.ge [sflag:s17], $0x800  }
0x115: {  	[sflag:s17] =	ssyncset.done $0x0  }
0x116: {  	[sflag:s17] =	ssyncadd.s32 $0xFFFFF800  }
0x117: {  	[hbm:s13], [sflag:s0] =	dma.local [spmem:s25], $0x800  }
0x118: {  	_ =	swait.ge [sflag:s17], $0x800  }
0x119: {  	s4 =	sadd.s32 $0x1, s4;
	s31 =	rddreg [dreg:$0x7]  }
0x11a: {  	p0 =	sne.s32 s4, s31  }
.Ltmp2:
0x11b: {  	_ = 	snop;
	(pc) =	sbr.rel @p0 .LBB2_1-.Ltmp2, $3  }
0x11c: {  	_ =	sdelay $0x1  }
0x11d: {  	[sflag:s17] =	ssyncset.done $0x0  }
0x11e: {  	[sflag:s17] =	ssyncadd.s32 $0xFFFFF800  }
0x11f: {  	_ =	sfence.sel $0x180000  }
0x120: {  	[bflag:$0x0] =	sbarrier.arrive $0xFFFF  }
0x121: {  	_ =	strace $0x9000004D  }
0x122: {  	s0 =	stileid.u32;
	[bflag:$0x2] =	sbarrier.arrive $0xFFFF  }
0x123: {  	p0 =	sne.s32 s0, $0x0;
	s0 =	rddreg [dreg:$0x3]  }
0x124: {  	s0 =	sadd.s32 @!p0 $0x100000, s0  }
0x125: {  	[sflag:s0] =	ssyncadd.tile.s32 @!p0 $0x1;
	_ =	shalt  }
.Lfunc_end2:
_tile_overlayer_lowered:
.L_overlay_start_2:
0x126: {  	(tag) =	ssettag $0x2  }
0x127: {  	s0 =	rddreg [dreg:$0x0];
	s2 =	stileid.u32  }
0x128: {  	s1 =	rddreg [dreg:$0x1];
	p0 =	sne.s32 s2, $0x0  }
0x129: {  	s3 =	rddreg [dreg:$0x2];
	[bflag:$0x3] =	sbarrier.arrive $0xFFFF;
	s2 =	simm.s32 @!p0 $0x1C05  }
0x12a: {  	[timem:s3], [sflag:s2] =	dma.local @!p0 [hbm:s0], s1  }
0x12b: {  	s0 =	simm.s32 @!p0 $0x5  }
0x12c: {  	_ =	swait.ge @!p0 [sflag:s0], s1  }
0x12d: {  	s1 =	ssub.s32 @!p0 $0x0, s1;
	[sflag:s0] =	ssyncset.done @!p0 $0x0  }
0x12e: {  	[sflag:s0] =	ssyncadd.s32 @!p0 s1  }
0x12f: {  	[bflag:$0x3] =	sbarrier.arrive $0xFFFF  }
0x130: {  	_ =	shalt  }

// kernel: kernel.7.cloned.1.call-start
scs
__scs_entry_jumppad:
0x0: {  	(pc) =	sbr.rel $0x88, $3  }
0x1: {  	(tag) =	ssettag $0x0;
	lr =	simm.s32 $0x1  }
0x2: {  	[smem:$0x3F97] =	sst lr;
	_ =	strace $0xD0000000  }
0x3: {  	_ = 	snop  }
0x4: {  	_ = 	snop  }
0x5: {  	_ = 	snop  }
0x6: {  	_ = 	snop  }
0x7: {  	_ = 	snop  }
__scs_overlays_trampoline_lowered:
0x8: {  	[smem:$0x3FA6] =	sst s0  }
0x9: {  	[smem:$0x3FA7] =	sst s1  }
0xa: {  	[smem:$0x3FA8] =	sst s2  }
0xb: {  	[smem:$0x3FA9] =	sst s3  }
0xc: {  	[smem:$0x3FAA] =	sst s4  }
0xd: {  	[smem:$0x3FAB] =	sst s5  }
0xe: {  	[smem:$0x3FAC] =	sst s6  }
0xf: {  	[smem:$0x3FAD] =	sst s7  }
0x10: {  	[smem:$0x3FAE] =	sst s8  }
0x11: {  	[smem:$0x3FAF] =	sst s9;
	s0 =	simm.s32 @!p0 $0x0  }
0x12: {  	s1 =	sld [smem:$0x3F95];
	s0 =	simm.s32 @p0 $0x1  }
0x13: {  	[smem:$0x3FB0] =	sst s0;
	s0 =	simm.s32 @!p1 $0x0  }
0x14: {  	s2 =	sld [smem:$0x3F94];
	s0 =	simm.s32 @p1 $0x1  }
0x15: {  	[smem:$0x3FB1] =	sst s0;
	s0 =	simm.s32 @!p2 $0x0  }
0x16: {  	s3 =	sld [smem:$0x3FDB];
	s0 =	simm.s32 @p2 $0x1  }
0x17: {  	s4 =	simm.s32 $0x1BF5;
	[smem:$0x3FB3] =	sst s0  }
0x18: {  	s0 =	sld [smem:$0x3F96];
	_ =	swait.ge [sflag:s4], $0x0  }
0x19: {  	s7 =	sld [smem:$0x3F97]  }
0x1a: {  	s8 =	sadd.s32 $0xFFFFE003, lr  }
0x1b: {  	s9 =	sadd.s32 $0xFFFFFEF7, lr;
	s5 =	simm.s32 $0xFFFFFFFF;
	p2 =	slt.u32 s8, $0xFFFFF086  }
0x1c: {  	p1 =	slt.u32 s9, $0xF7A;
	s5 =	simm.s32 @!p2 $0x0  }
0x1d: {  	s5 =	simm.s32 @p1 $0x1;
	p0 =	seq.s32 s7, s2  }
0x1e: {  	s7 =	smul.u32 @!p0 $0xF7A, s2;
	p2 =	seq.s32 @!p0 s5, $0x0  }
0x1f: {  	s9 =	smul.u32 $0xF7A, s1;
	s8 =	simm.s32 @!p0 $0x1BF5;
	p2 =	por !p2, p0  }
0x20: {  	[sflag:s8] =	ssyncset.s32 @!p0 $0xFFFFF086;
	s6 =	sadd.s32 @!p0 s3, s7;
	s7 =	simm.s32 @!p0 $0x108  }
0x21: {  	s3 =	sadd.s32 s3, s9;
	s6 =	sadd.s32 @!p0 $0x88, s6;
	s7 =	simm.s32 @p2 $0x1082  }
0x22: {  	[simem:s7], [sflag:s8] =	dma.local @!p0 [hbm:s6], $0xF7A  }
0x23: {  	s9 =	sor.u32 $0xD0000000, s2;
	s6 =	simm.s32 $0x108;
	_ =	swait.ge @!p0 [sflag:s8], $0x0  }
0x24: {  	s3 =	sadd.s32 $0x88, s3;
	s6 =	simm.s32 @!p1 $0x1082;
	[sflag:s4] =	ssyncset.s32 $0xFFFFF086  }
0x25: {  	[simem:s6], [sflag:s4] =	dma.local [hbm:s3], $0xF7A  }
0x26: {  	[smem:$0x3F97] =	sst s1;
	(tag) =	ssettag s2;
	_ =	strace s9  }
0x27: {  	s1 =	sld [smem:$0x3FA7]  }
0x28: {  	s2 =	sld [smem:$0x3FA8]  }
0x29: {  	s4 =	sld [smem:$0x3FAA]  }
0x2a: {  	p0 =	seq.s32 s5, $0x0;
	s5 =	sld [smem:$0x3FAB]  }
0x2b: {  	s6 =	sld [smem:$0x3FAC]  }
0x2c: {  	s7 =	sld [smem:$0x3FAD]  }
0x2d: {  	s3 =	simm.s32 $0x108;
	s8 =	sld [smem:$0x3FAE]  }
0x2e: {  	s3 =	simm.s32 @!p0 $0x1082;
	s9 =	sld [smem:$0x3FAF]  }
0x2f: {  	lr =	sadd.s32 s0, s3;
	s0 =	sld [smem:$0x3FA6]  }
0x30: {  	s3 =	sld [smem:$0x3FA9]  }
0x31: {  	[smem:$0x3FB2] =	sst s10  }
0x32: {  	s10 =	sld [smem:$0x3FB0];
	_ =	sdelay $0x3  }
0x33: {  	p0 =	seq.s32 s10, $0x1;
	s10 =	sld [smem:$0x3FB2];
	_ =	sdelay $0x3  }
0x34: {  	[smem:$0x3FB2] =	sst s10  }
0x35: {  	s10 =	sld [smem:$0x3FB1];
	_ =	sdelay $0x3  }
0x36: {  	p1 =	seq.s32 s10, $0x1;
	s10 =	sld [smem:$0x3FB2];
	_ =	sdelay $0x3  }
0x37: {  	[smem:$0x3FB2] =	sst s10  }
0x38: {  	s10 =	sld [smem:$0x3FB3]  }
0x39: {  	_ = 	snop;
	(pc) =	sbr.ind lr, $3  }
0x3a: {  	_ = 	snop  }
0x3b: {  	_ = 	snop  }
0x3c: {  	p2 =	seq.s32 s10, $0x1;
	s10 =	sld [smem:$0x3FB2]  }
0x3d: {  	_ =	shalt  }
0x3e: {  	_ =	shalt  }
0x3f: {  	_ =	shalt  }
0x40: {  	_ =	shalt  }
0x41: {  	_ =	shalt  }
0x42: {  	_ =	shalt  }
0x43: {  	_ =	shalt  }
0x44: {  	_ =	shalt  }
0x45: {  	_ =	shalt  }
0x46: {  	_ =	shalt  }
0x47: {  	_ =	shalt  }
0x48: {  	_ =	shalt  }
0x49: {  	_ =	shalt  }
0x4a: {  	_ =	shalt  }
0x4b: {  	_ =	shalt  }
0x4c: {  	_ =	shalt  }
0x4d: {  	_ =	shalt  }
0x4e: {  	_ =	shalt  }
0x4f: {  	_ =	shalt  }
0x50: {  	_ =	shalt  }
0x51: {  	_ =	shalt  }
0x52: {  	_ =	shalt  }
0x53: {  	_ =	shalt  }
0x54: {  	_ =	shalt  }
0x55: {  	_ =	shalt  }
0x56: {  	_ =	shalt  }
0x57: {  	_ =	shalt  }
0x58: {  	_ =	shalt  }
0x59: {  	_ =	shalt  }
0x5a: {  	_ =	shalt  }
0x5b: {  	_ =	shalt  }
0x5c: {  	_ =	shalt  }
0x5d: {  	_ =	shalt  }
0x5e: {  	_ =	shalt  }
0x5f: {  	_ =	shalt  }
0x60: {  	_ =	shalt  }
0x61: {  	_ =	shalt  }
0x62: {  	_ =	shalt  }
0x63: {  	_ =	shalt  }
0x64: {  	_ =	shalt  }
0x65: {  	_ =	shalt  }
0x66: {  	_ =	shalt  }
0x67: {  	_ =	shalt  }
0x68: {  	_ =	shalt  }
0x69: {  	_ =	shalt  }
0x6a: {  	_ =	shalt  }
0x6b: {  	_ =	shalt  }
0x6c: {  	_ =	shalt  }
0x6d: {  	_ =	shalt  }
0x6e: {  	_ =	shalt  }
0x6f: {  	_ =	shalt  }
0x70: {  	_ =	shalt  }
0x71: {  	_ =	shalt  }
0x72: {  	_ =	shalt  }
0x73: {  	_ =	shalt  }
0x74: {  	_ =	shalt  }
0x75: {  	_ =	shalt  }
0x76: {  	_ =	shalt  }
0x77: {  	_ =	shalt  }
0x78: {  	_ =	shalt  }
0x79: {  	_ =	shalt  }
0x7a: {  	_ =	shalt  }
0x7b: {  	_ =	shalt  }
0x7c: {  	_ =	shalt  }
0x7d: {  	_ =	shalt  }
0x7e: {  	_ =	shalt  }
0x7f: {  	_ =	shalt  }
0x80: {  	_ =	shalt  }
0x81: {  	_ =	shalt  }
0x82: {  	_ =	shalt  }
0x83: {  	_ =	shalt  }
0x84: {  	_ =	shalt  }
0x85: {  	_ =	shalt  }
0x86: {  	_ =	shalt  }
0x87: {  	_ =	shalt  }
.Lfunc_end0:
.L_simem_size_0:
called_computation_lowered:
.L_overlay_start_0:
0x88: {  	s2 =	sld [smem:$0x3FD9]  }
0x89: {  	s3 =	sld [smem:$0x3FFE];
	_ =	sdelay $0x1  }
0x8a: {  	s1 =	srdreg.scid  }
0x8b: {  	s0 =	sand.u32 $0x1, s1  }
0x8c: {  	s17 =	sshll.u32 s0, $0xA;
	s2 =	sadd.s32 s3, s2  }
0x8d: {  	s2 =	sadd.s32 s2, s17  }
0x8e: {  	[smem:$0x3FBE] =	sst s2  }
0x8f: {  	_ = 	snop  }
0x90: {  	(tm) =	ssettm $0x1  }
0x91: {  	s18 =	sld [smem:$0x3FFB];
	_ =	sdelay $0x3  }
0x92: {  	_ =	strace s18  }
0x93: {  	s2 =	sld [smem:$0x3FFC];
	_ =	sdelay $0x3  }
0x94: {  	_ =	strace s2  }
0x95: {  	s2 =	sld [smem:$0x3FFD];
	_ =	sdelay $0x3  }
0x96: {  	_ =	strace s2  }
0x97: {  	_ =	strace $0x8FFFFFFF  }
0x98: {  	s19 =	sld [smem:$0x3FDB];
	_ =	sdelay $0x1  }
0x99: {  	s20 =	simm.s32 $_scs_section_size  }
0x9a: {  	s4 =	simm.s32 $_size__tile_overlayer_lowered;
	s5 =	simm.s32 $_tile_overlayer_lowered  }
0x9b: {  	s6 =	simm.s32 $0x1BFF;
	s21 =	sshll.u32 s5, $0x1;
	s3 =	sadd.s32 s20, s19  }
0x9c: {  	s22 =	simm.s32 $0x0;
	s4 =	sshll.u32 s4, $0x1;
	s5 =	sadd.s32 s21, s3  }
0x9d: {  	[timem:s22], [sflag:s6] =	dma.local [hbm:s5], s4  }
0x9e: {  	_ =	swait.ge [sflag:s6], s4  }
0x9f: {  	s4 =	ssub.s32 $0x0, s4;
	[sflag:s6] =	ssyncset.done $0x0  }
0xa0: {  	[sflag:s6] =	ssyncadd.s32 s4;
	_ =	sdelay $0x1  }
0xa1: {  	s23 =	simm.s32 $0x1B8B  }
0xa2: {  	_ =	swait.ge [sflag:s23], $0x1  }
0xa3: {  	[sflag:s23] =	ssyncset.done $0x0  }
0xa4: {  	[sflag:s23] =	ssyncadd.s32 $0xFFFFFFFF  }
0xa5: {  	s4 =	sld [smem:$0x0]  }
0xa6: {  	s5 =	sand.u32 $0xFFFFFFFE, s1  }
0xa7: {  	p0 =	sne.s32 s1, s5  }
0xa8: {  	s5 =	sshll.u32 @p0 s5, $0xE  }
0xa9: {  	s5 =	sadd.s32 @p0 $0x11B8D, s5;
	s6 =	sshll.u32 @p0 s4, $0x11  }
0xaa: {  	s5 =	sor.u32 @p0 s6, s5  }
0xab: {  	[sflag:s5] =	ssyncadd.remote.s32 @p0 $0x1;
	_ =	sdelay $0x1  }
0xac: {  	s5 =	simm.s32 @p0 $0x1B8D  }
0xad: {  	_ =	swait.eq @p0 [sflag:s5], $0x1  }
0xae: {  	[sflag:s5] =	ssyncadd.s32 @p0 $0xFFFFFFFF  }
0xaf: {  	s6 =	sshll.u32 @!p0 s1, $0xE  }
0xb0: {  	s6 =	sor.u32 @!p0 $0x4000, s6;
	s5 =	simm.s32 @!p0 $0x1B8D  }
0xb1: {  	s4 =	sshll.u32 @!p0 s4, $0x11;
	s6 =	sadd.s32 @!p0 $0x11B8D, s6;
	_ =	swait.eq @!p0 [sflag:s5], $0x1  }
0xb2: {  	s4 =	sor.u32 @!p0 s4, s6;
	[sflag:s5] =	ssyncadd.s32 @!p0 $0xFFFFFFFF  }
0xb3: {  	s25 =	simm.s32 $0x1B8E;
	s24 =	sld [smem:$0x3FFE];
	[sflag:s4] =	ssyncadd.remote.s32 @!p0 $0x1  }
0xb4: {  	s26 =	simm.s32 $execute0_lowered;
	[smem:$0x3FD2] =	sst s25  }
0xb5: {  	s5 =	sshll.u32 s26, $0x1;
	_ =	strace $0x80000049;
	[dreg:$0x1] =	wrdreg $0xFFFFFFFF  }
0xb6: {  	s28 =	simm.s32 $_size_execute0_lowered;
	s3 =	sadd.s32 s3, s5;
	[dreg:$0x0] =	wrdreg $0x0  }
0xb7: {  	s5 =	sshll.u32 s28, $0x1;
	[dreg:$0x2] =	wrdreg s3  }
0xb8: {  	[dreg:$0x3] =	wrdreg s5  }
0xb9: {  	[dreg:$0x4] =	wrdreg $0xC0  }
0xba: {  	_ =	task [dreg:s22], $0x5FFFF  }
0xbb: {  	[dreg:$0x1] =	wrdreg $0xFFFFFFFF  }
0xbc: {  	[dreg:$0x0] =	wrdreg $0x60  }
0xbd: {  	[dreg:$0x2] =	wrdreg s24  }
0xbe: {  	[dreg:$0x3] =	wrdreg $0x6C800  }
0xbf: {  	[dreg:$0x4] =	wrdreg $0x9  }
0xc0: {  	_ =	task.clear_ibuf [dreg:s22], $0x5FFFF;
	_ =	strace $0x90000049  }
0xc1: {  	s29 =	simm.s32 $0x9;
	_ =	strace $0x8000004B  }
0xc2: {  	_ =	swait.ge [sflag:s29], $0x1  }
0xc3: {  	[sflag:s29] =	ssyncadd.s32 $0xFFFFFFFF  }
0xc4: {  	_ =	strace $0x9000004B  }
0xc5: {  	_ =	sfence  }
0xc6: {  	s30 =	sld [smem:$0x0];
	_ =	sdelay $0x2  }
0xc7: {  	s31 =	sshll.u32 s1, $0xD;
	s1 =	sshrl.u32 s1, $0x2  }
0xc8: {  	s4 =	sand.u32 $0x4000, s31;
	s1 =	sadd.s32 s1, s30  }
0xc9: {  	s0 =	sor.u32 s4, s0;
	s1 =	sshll.u32 s1, $0x11  }
0xca: {  	s0 =	sor.u32 s1, s0  }
0xcb: {  	s0 =	sadd.s32 $0x8F2B, s0  }
0xcc: {  	[sflag:s0] =	ssyncadd.remote.s32 $0x1  }
0xcd: {  	_ =	sfence.sel $0xFFFF  }
0xce: {  	[dreg:$0x0] =	wrdreg $0xFFFFFFFF;
	(pc) =	sbr.abs _section_cstart, $3  }
0xcf: {  	[dreg:$0x1] =	wrdreg $0xFFFFFFFF  }
0xd0: {  	_ =	task.clear_ibuf [dreg:s22], $0x2FFFF;
	_ =	strace $0x9FFFFFFF  }
0xd1: {  	(tm) =	ssettm $0x7FFFFFFF  }
tec
execute0_lowered:
.L_overlay_start_1:
0x0: {  	(tag) =	ssettag $0x1  }
0x1: {  	s4 =	rddreg [dreg:$0x0]  }
0x2: {  	s1 =	rddreg [dreg:$0x1]  }
0x3: {  	s3 =	srdreg.scid;
	s0 =	rddreg [dreg:$0x2];
	s2 =	simm.s32 $0x0  }
0x4: {  	s13 =	simm.s32 $0x6C00;
	s14 =	simm.s32 $0x2C00;
	s5 =	sand.u32 $0x1, s3  }
0x5: {  	s15 =	simm.s32 $0x0;
	[smem:$0x7FF] =	sst s2;
	s6 =	smul.u32 $0x5000, s5  }
0x6: {  	s3 =	stileid.u32;
	_ =	strace $0x8000004A;
	s7 =	smul.u32 $0x140000, s5  }
0x7: {  	s5 =	ssub.s32 $0x2, s5;
	s9 =	smul.u32 $0x14000, s3;
	s10 =	sshll.u32 s3, $0xA  }
0x8: {  	s11 =	smul.u32 $0x500, s3;
	p0 =	sgt.u32 s3, $0x9;
	s30 =	sshrl.u32 s5, $0x1  }
0x9: {  	s8 =	sadd.s32 s6, s4;
	s4 =	sadd.s32 $0x66600, s4;
	s12 =	ssub.s32 s5, s30  }
0xa: {  	v0 =	vlaneseq.u32;
	s5 =	sadd.s32 s10, s1;
	s6 =	smul.u32 $0x5, s3;
	s7 =	sadd.s32 s9, s7  }
0xb: {  	v1 =	vimm.f32 $0.0e+00;
	v2 =	vimm.f32 $1.000000000e+00;
	v3 =	vor.u32 $0x10, v0;
	s10 =	simm.s32 $0x1;
	s31 =	sadd.s32 s11, s8;
	s8 =	smax.u32 s12, $0x1  }
0xc: {  	v4 =	vor.u32 $0x20, v0;
	v5 =	vor.u32 $0x30, v0;
	v6 =	vor.u32 $0x40, v0;
	s11 =	simm.s32 $0x400;
	s12 =	simm.s32 $0x50;
	s9 =	sadd.s32 $0xC600, s31  }
.LBB2_1:
0xd: {  	s16 =	simm.s32 $0x0;
	s17 =	simm.s32 $0x200  }
.LBB2_2:
0xe: {  	p1 =	sne.s32 s17, $0x9E00;
	[tilespmem:s16+$0x470] =	vst v1  }
0xf: {  	[tilespmem:s16+$0x400] =	vst v1  }
0x10: {  	[tilespmem:s16+$0x410] =	vst v1  }
.Ltmp0:
0x11: {  	[tilespmem:s16+$0x420] =	vst v1;
	(pc) =	sbr.rel @p1 .LBB2_2-.Ltmp0, $4  }
0x12: {  	[tilespmem:s16+$0x430] =	vst v1  }
0x13: {  	[tilespmem:s16+$0x440] =	vst v1  }
0x14: {  	[tilespmem:s16+$0x450] =	vst v1  }
0x15: {  	[tilespmem:s16+$0x460] =	vst v1;
	s16 =	sshra.s32 s17, $0x2;
	s17 =	sadd.s32 $0x200, s17  }
0x16: {  	[tilespmem:s16+$0x470] =	vst v1  }
0x17: {  	[tilespmem:s16+$0x400] =	vst v1  }
0x18: {  	[tilespmem:s16+$0x410] =	vst v1  }
0x19: {  	[tilespmem:s16+$0x420] =	vst v1  }
0x1a: {  	[tilespmem:s16+$0x430] =	vst v1  }
0x1b: {  	[tilespmem:s16+$0x440] =	vst v1  }
0x1c: {  	[tilespmem:s16+$0x450] =	vst v1  }
0x1d: {  	[tilespmem:s16+$0x460] =	vst v1;
	s16 =	simm.s32 @!p0 $0x400  }
0x1e: {  	[spmem:s5] =	stream.linear.scatter @!p0 [tilespmem:s16], [sflag:$0x1], $0x400, $0x38;
	[tilespmem:$0x6F00] =	vst v63  }
0x1f: {  	s16 =	simm.s32 @!p0 $0x1  }
0x20: {  	_ =	swait.ge @!p0 [sflag:s16], $0x400  }
0x21: {  	[sflag:s16] =	ssyncset.done @!p0 $0x0  }
0x22: {  	[sflag:s16] =	ssyncadd.s32 @!p0 $0xFFFFFC00  }
0x23: {  	s16 =	simm.s32 $0x0;
	[bflag:$0x0] =	sbarrier.arrive $0xFFFF  }
.LBB2_4:
0x24: {  	s17 =	sadd.s32 s16, s9  }
0x25: {  	[tilespmem:s2], [sflag:$0x1] =	stream.linear.gather [hbm4b:s17+s2], $0x400, $0x38;
	[tilespmem:$0x6F00] =	vst v63  }
0x26: {  	_ =	swait.ge [sflag:s10], $0x400  }
0x27: {  	[sflag:s10] =	ssyncset.done $0x0  }
0x28: {  	[sflag:s10] =	ssyncadd.s32 $0xFFFFFC00  }
0x29: {  	v7 =	vld [tilespmem:$0x0];
	_ =	sdelay $0x7  }
0x2a: {  	[tilespmem:v7+s11+$0x0] =	vst.idx.add.f32.msk $0xffff, v2  }
0x2b: {  	v7 =	vld [tilespmem:$0x10];
	_ =	sdelay $0x7  }
0x2c: {  	[tilespmem:v7+s11+$0x0] =	vst.idx.add.f32.msk $0xffff, v2  }
0x2d: {  	v7 =	vld [tilespmem:$0x20];
	_ =	sdelay $0x7  }
0x2e: {  	[tilespmem:v7+s11+$0x0] =	vst.idx.add.f32.msk $0xffff, v2  }
0x2f: {  	v7 =	vld [tilespmem:$0x30];
	_ =	sdelay $0x7  }
0x30: {  	[tilespmem:v7+s11+$0x0] =	vst.idx.add.f32.msk $0xffff, v2  }
0x31: {  	v7 =	vld [tilespmem:$0x40];
	_ =	sdelay $0x7  }
0x32: {  	[tilespmem:v7+s11+$0x0] =	vst.idx.add.f32.msk $0xffff, v2  }
0x33: {  	v7 =	vld [tilespmem:$0x50];
	_ =	sdelay $0x7  }
0x34: {  	[tilespmem:v7+s11+$0x0] =	vst.idx.add.f32.msk $0xffff, v2  }
0x35: {  	v7 =	vld [tilespmem:$0x60];
	_ =	sdelay $0x7  }
0x36: {  	[tilespmem:v7+s11+$0x0] =	vst.idx.add.f32.msk $0xffff, v2  }
0x37: {  	v7 =	vld [tilespmem:$0x70];
	_ =	sdelay $0x7  }
0x38: {  	[tilespmem:v7+s11+$0x0] =	vst.idx.add.f32.msk $0xffff, v2  }
0x39: {  	v7 =	vld [tilespmem:$0x80];
	_ =	sdelay $0x7  }
0x3a: {  	[tilespmem:v7+s11+$0x0] =	vst.idx.add.f32.msk $0xffff, v2  }
0x3b: {  	v7 =	vld [tilespmem:$0x90];
	_ =	sdelay $0x7  }
0x3c: {  	[tilespmem:v7+s11+$0x0] =	vst.idx.add.f32.msk $0xffff, v2  }
0x3d: {  	v7 =	vld [tilespmem:$0xA0];
	_ =	sdelay $0x7  }
0x3e: {  	[tilespmem:v7+s11+$0x0] =	vst.idx.add.f32.msk $0xffff, v2  }
0x3f: {  	v7 =	vld [tilespmem:$0xB0];
	_ =	sdelay $0x7  }
0x40: {  	[tilespmem:v7+s11+$0x0] =	vst.idx.add.f32.msk $0xffff, v2  }
0x41: {  	v7 =	vld [tilespmem:$0xC0];
	_ =	sdelay $0x7  }
0x42: {  	[tilespmem:v7+s11+$0x0] =	vst.idx.add.f32.msk $0xffff, v2  }
0x43: {  	v7 =	vld [tilespmem:$0xD0];
	_ =	sdelay $0x7  }
0x44: {  	[tilespmem:v7+s11+$0x0] =	vst.idx.add.f32.msk $0xffff, v2  }
0x45: {  	v7 =	vld [tilespmem:$0xE0];
	_ =	sdelay $0x7  }
0x46: {  	[tilespmem:v7+s11+$0x0] =	vst.idx.add.f32.msk $0xffff, v2  }
0x47: {  	v7 =	vld [tilespmem:$0xF0];
	_ =	sdelay $0x7  }
0x48: {  	[tilespmem:v7+s11+$0x0] =	vst.idx.add.f32.msk $0xffff, v2  }
0x49: {  	v7 =	vld [tilespmem:$0x100];
	_ =	sdelay $0x7  }
0x4a: {  	[tilespmem:v7+s11+$0x0] =	vst.idx.add.f32.msk $0xffff, v2  }
0x4b: {  	v7 =	vld [tilespmem:$0x110];
	_ =	sdelay $0x7  }
0x4c: {  	[tilespmem:v7+s11+$0x0] =	vst.idx.add.f32.msk $0xffff, v2  }
0x4d: {  	v7 =	vld [tilespmem:$0x120];
	_ =	sdelay $0x7  }
0x4e: {  	[tilespmem:v7+s11+$0x0] =	vst.idx.add.f32.msk $0xffff, v2  }
0x4f: {  	v7 =	vld [tilespmem:$0x130];
	_ =	sdelay $0x7  }
0x50: {  	[tilespmem:v7+s11+$0x0] =	vst.idx.add.f32.msk $0xffff, v2  }
0x51: {  	v7 =	vld [tilespmem:$0x140];
	_ =	sdelay $0x7  }
0x52: {  	[tilespmem:v7+s11+$0x0] =	vst.idx.add.f32.msk $0xffff, v2  }
0x53: {  	v7 =	vld [tilespmem:$0x150];
	_ =	sdelay $0x7  }
0x54: {  	[tilespmem:v7+s11+$0x0] =	vst.idx.add.f32.msk $0xffff, v2  }
0x55: {  	v7 =	vld [tilespmem:$0x160];
	_ =	sdelay $0x7  }
0x56: {  	[tilespmem:v7+s11+$0x0] =	vst.idx.add.f32.msk $0xffff, v2  }
0x57: {  	v7 =	vld [tilespmem:$0x170];
	_ =	sdelay $0x7  }
0x58: {  	[tilespmem:v7+s11+$0x0] =	vst.idx.add.f32.msk $0xffff, v2  }
0x59: {  	v7 =	vld [tilespmem:$0x180];
	_ =	sdelay $0x7  }
0x5a: {  	[tilespmem:v7+s11+$0x0] =	vst.idx.add.f32.msk $0xffff, v2  }
0x5b: {  	v7 =	vld [tilespmem:$0x190];
	_ =	sdelay $0x7  }
0x5c: {  	[tilespmem:v7+s11+$0x0] =	vst.idx.add.f32.msk $0xffff, v2  }
0x5d: {  	v7 =	vld [tilespmem:$0x1A0];
	_ =	sdelay $0x7  }
0x5e: {  	[tilespmem:v7+s11+$0x0] =	vst.idx.add.f32.msk $0xffff, v2  }
0x5f: {  	v7 =	vld [tilespmem:$0x1B0];
	_ =	sdelay $0x7  }
0x60: {  	[tilespmem:v7+s11+$0x0] =	vst.idx.add.f32.msk $0xffff, v2  }
0x61: {  	v7 =	vld [tilespmem:$0x1C0];
	_ =	sdelay $0x7  }
0x62: {  	[tilespmem:v7+s11+$0x0] =	vst.idx.add.f32.msk $0xffff, v2  }
0x63: {  	v7 =	vld [tilespmem:$0x1D0];
	_ =	sdelay $0x7  }
0x64: {  	[tilespmem:v7+s11+$0x0] =	vst.idx.add.f32.msk $0xffff, v2  }
0x65: {  	v7 =	vld [tilespmem:$0x1E0];
	_ =	sdelay $0x7  }
0x66: {  	[tilespmem:v7+s11+$0x0] =	vst.idx.add.f32.msk $0xffff, v2  }
0x67: {  	v7 =	vld [tilespmem:$0x1F0];
	_ =	sdelay $0x7  }
0x68: {  	[tilespmem:v7+s11+$0x0] =	vst.idx.add.f32.msk $0xffff, v2  }
0x69: {  	v7 =	vld [tilespmem:$0x200];
	_ =	sdelay $0x7  }
0x6a: {  	[tilespmem:v7+s11+$0x0] =	vst.idx.add.f32.msk $0xffff, v2  }
0x6b: {  	v7 =	vld [tilespmem:$0x210];
	_ =	sdelay $0x7  }
0x6c: {  	[tilespmem:v7+s11+$0x0] =	vst.idx.add.f32.msk $0xffff, v2  }
0x6d: {  	v7 =	vld [tilespmem:$0x220];
	_ =	sdelay $0x7  }
0x6e: {  	[tilespmem:v7+s11+$0x0] =	vst.idx.add.f32.msk $0xffff, v2  }
0x6f: {  	v7 =	vld [tilespmem:$0x230];
	_ =	sdelay $0x7  }
0x70: {  	[tilespmem:v7+s11+$0x0] =	vst.idx.add.f32.msk $0xffff, v2  }
0x71: {  	v7 =	vld [tilespmem:$0x240];
	_ =	sdelay $0x7  }
0x72: {  	[tilespmem:v7+s11+$0x0] =	vst.idx.add.f32.msk $0xffff, v2  }
0x73: {  	v7 =	vld [tilespmem:$0x250];
	_ =	sdelay $0x7  }
0x74: {  	[tilespmem:v7+s11+$0x0] =	vst.idx.add.f32.msk $0xffff, v2  }
0x75: {  	v7 =	vld [tilespmem:$0x260];
	_ =	sdelay $0x7  }
0x76: {  	[tilespmem:v7+s11+$0x0] =	vst.idx.add.f32.msk $0xffff, v2  }
0x77: {  	v7 =	vld [tilespmem:$0x270];
	_ =	sdelay $0x7  }
0x78: {  	[tilespmem:v7+s11+$0x0] =	vst.idx.add.f32.msk $0xffff, v2  }
0x79: {  	v7 =	vld [tilespmem:$0x280];
	_ =	sdelay $0x7  }
0x7a: {  	[tilespmem:v7+s11+$0x0] =	vst.idx.add.f32.msk $0xffff, v2  }
0x7b: {  	v7 =	vld [tilespmem:$0x290];
	_ =	sdelay $0x7  }
0x7c: {  	[tilespmem:v7+s11+$0x0] =	vst.idx.add.f32.msk $0xffff, v2  }
0x7d: {  	v7 =	vld [tilespmem:$0x2A0];
	_ =	sdelay $0x7  }
0x7e: {  	[tilespmem:v7+s11+$0x0] =	vst.idx.add.f32.msk $0xffff, v2  }
0x7f: {  	v7 =	vld [tilespmem:$0x2B0];
	_ =	sdelay $0x7  }
0x80: {  	[tilespmem:v7+s11+$0x0] =	vst.idx.add.f32.msk $0xffff, v2  }
0x81: {  	v7 =	vld [tilespmem:$0x2C0];
	_ =	sdelay $0x7  }
0x82: {  	[tilespmem:v7+s11+$0x0] =	vst.idx.add.f32.msk $0xffff, v2  }
0x83: {  	v7 =	vld [tilespmem:$0x2D0];
	_ =	sdelay $0x7  }
0x84: {  	[tilespmem:v7+s11+$0x0] =	vst.idx.add.f32.msk $0xffff, v2  }
0x85: {  	v7 =	vld [tilespmem:$0x2E0];
	_ =	sdelay $0x7  }
0x86: {  	[tilespmem:v7+s11+$0x0] =	vst.idx.add.f32.msk $0xffff, v2  }
0x87: {  	v7 =	vld [tilespmem:$0x2F0];
	_ =	sdelay $0x7  }
0x88: {  	[tilespmem:v7+s11+$0x0] =	vst.idx.add.f32.msk $0xffff, v2  }
0x89: {  	v7 =	vld [tilespmem:$0x300];
	_ =	sdelay $0x7  }
0x8a: {  	[tilespmem:v7+s11+$0x0] =	vst.idx.add.f32.msk $0xffff, v2  }
0x8b: {  	v7 =	vld [tilespmem:$0x310];
	_ =	sdelay $0x7  }
0x8c: {  	[tilespmem:v7+s11+$0x0] =	vst.idx.add.f32.msk $0xffff, v2  }
0x8d: {  	v7 =	vld [tilespmem:$0x320];
	_ =	sdelay $0x7  }
0x8e: {  	[tilespmem:v7+s11+$0x0] =	vst.idx.add.f32.msk $0xffff, v2  }
0x8f: {  	v7 =	vld [tilespmem:$0x330];
	_ =	sdelay $0x7  }
0x90: {  	[tilespmem:v7+s11+$0x0] =	vst.idx.add.f32.msk $0xffff, v2  }
0x91: {  	v7 =	vld [tilespmem:$0x340];
	_ =	sdelay $0x7  }
0x92: {  	[tilespmem:v7+s11+$0x0] =	vst.idx.add.f32.msk $0xffff, v2  }
0x93: {  	v7 =	vld [tilespmem:$0x350];
	_ =	sdelay $0x7  }
0x94: {  	[tilespmem:v7+s11+$0x0] =	vst.idx.add.f32.msk $0xffff, v2  }
0x95: {  	v7 =	vld [tilespmem:$0x360];
	_ =	sdelay $0x7  }
0x96: {  	[tilespmem:v7+s11+$0x0] =	vst.idx.add.f32.msk $0xffff, v2  }
0x97: {  	v7 =	vld [tilespmem:$0x370];
	_ =	sdelay $0x7  }
0x98: {  	[tilespmem:v7+s11+$0x0] =	vst.idx.add.f32.msk $0xffff, v2  }
0x99: {  	v7 =	vld [tilespmem:$0x380];
	_ =	sdelay $0x7  }
0x9a: {  	[tilespmem:v7+s11+$0x0] =	vst.idx.add.f32.msk $0xffff, v2  }
0x9b: {  	v7 =	vld [tilespmem:$0x390];
	_ =	sdelay $0x7  }
0x9c: {  	[tilespmem:v7+s11+$0x0] =	vst.idx.add.f32.msk $0xffff, v2  }
0x9d: {  	v7 =	vld [tilespmem:$0x3A0];
	_ =	sdelay $0x7  }
0x9e: {  	[tilespmem:v7+s11+$0x0] =	vst.idx.add.f32.msk $0xffff, v2  }
0x9f: {  	v7 =	vld [tilespmem:$0x3B0];
	_ =	sdelay $0x7  }
0xa0: {  	[tilespmem:v7+s11+$0x0] =	vst.idx.add.f32.msk $0xffff, v2  }
0xa1: {  	v7 =	vld [tilespmem:$0x3C0];
	_ =	sdelay $0x7  }
0xa2: {  	[tilespmem:v7+s11+$0x0] =	vst.idx.add.f32.msk $0xffff, v2  }
0xa3: {  	v7 =	vld [tilespmem:$0x3D0];
	_ =	sdelay $0x7  }
0xa4: {  	[tilespmem:v7+s11+$0x0] =	vst.idx.add.f32.msk $0xffff, v2  }
0xa5: {  	v7 =	vld [tilespmem:$0x3E0];
	_ =	sdelay $0x7  }
0xa6: {  	[tilespmem:v7+s11+$0x0] =	vst.idx.add.f32.msk $0xffff, v2  }
0xa7: {  	v7 =	vld [tilespmem:$0x3F0];
	_ =	sdelay $0x2  }
0xa8: {  	p1 =	sne.s32 s16, $0x480  }
.Ltmp1:
0xa9: {  	_ = 	snop;
	(pc) =	sbr.rel @p1 .LBB2_4-.Ltmp1, $2  }
0xaa: {  	_ =	sdelay $0x2  }
0xab: {  	s16 =	sadd.s32 $0x80, s16;
	[tilespmem:v7+s11+$0x0] =	vst.idx.add.f32.msk $0xffff, v2  }
0xac: {  	[tilespmem:$0x6C00] =	vst v0  }
0xad: {  	[tilespmem:$0x6C10] =	vst v3  }
0xae: {  	[tilespmem:$0x6C20] =	vst v4  }
0xaf: {  	[tilespmem:$0x6C30] =	vst v5  }
0xb0: {  	[tilespmem:$0x6C40] =	vst v6  }
0xb1: {  	[spmem:s1] =	stream.indirect.scatter.add.f32 [tilespmem:s11], [sflag:$0x1], $0x80, s13, s12, $0xb8;
	[tilespmem:$0x6F00] =	vst v63  }
0xb2: {  	_ =	swait.ge [sflag:s10], $0x2800  }
0xb3: {  	[sflag:s10] =	ssyncset.done $0x0  }
0xb4: {  	[sflag:s10] =	ssyncadd.s32 $0xFFFFD800  }
0xb5: {  	[bflag:$0x0] =	sbarrier.arrive $0xFFFF  }
0xb6: {  	[tilespmem:s11], [sflag:$0x1] =	stream.linear.gather [spmem:s1], $0x2800, $0x38;
	[tilespmem:$0x6F00] =	vst v63  }
0xb7: {  	_ =	swait.ge [sflag:s10], $0x2800  }
0xb8: {  	[sflag:s10] =	ssyncset.done $0x0  }
0xb9: {  	s16 =	simm.s32 $0x0;
	s17 =	simm.s32 $0x0;
	[sflag:s10] =	ssyncadd.s32 $0xFFFFD800  }
.LBB2_6:
0xba: {  	s18 =	sadd.s32 s6, s17  }
0xbb: {  	v8 =	vmov s16;
	s18 =	sshll.u32 s18, $0x7  }
0xbc: {  	v8 =	vand.u32 $0x7F, v8;
	v7 =	vmov s18  }
0xbd: {  	v8 =	vadd.s32 v7, v8  }
0xbe: {  	v8 =	vbroadcast v8, $0x0;
	_ =	sdelay $0x1  }
0xbf: {  	s31 =	simm.s32 $0x1  }
0xc0: {  	v9 =	vmov s31  }
0xc1: {  	v9 =	vand.u32 $0x7F, v9  }
0xc2: {  	v10 =	vadd.s32 v7, v9  }
0xc3: {  	v9 =	vld.idx.msk [tilespmem:v8+s11+$0x0], $0xffff;
	v8 =	vbroadcast v10, $0x0;
	_ =	sdelay $0x2  }
0xc4: {  	s19 =	simm.s32 $0x2  }
0xc5: {  	s18 =	simm.s32 $0x2C00;
	v10 =	vmov s19;
	s19 =	simm.s32 $0x3  }
.LBB2_7:
0xc6: {  	p1 =	sne.s32 s19, $0x7F;
	v10 =	vand.u32 $0x7F, v10;
	[tilespmem:s18+$0x0] =	vst v9  }
0xc7: {  	v10 =	vadd.s32 v7, v10;
	v9 =	vld.idx.msk [tilespmem:v8+s11+$0x0], $0xffff  }
.Ltmp2:
0xc8: {  	v8 =	vbroadcast v10, $0x0;
	(pc) =	sbr.rel @p1 .LBB2_7-.Ltmp2, $2  }
0xc9: {  	_ =	sdelay $0x2  }
0xca: {  	s18 =	sadd.s32 $0x80, s18;
	v10 =	vmov s19;
	s19 =	sadd.s32 $0x1, s19  }
0xcb: {  	_ =	sdelay $0x1  }
0xcc: {  	v10 =	vand.u32 $0x7F, v10  }
0xcd: {  	[tilespmem:s18+$0x0] =	vst v9;
	v7 =	vadd.s32 v7, v10  }
0xce: {  	v8 =	vld.idx.msk [tilespmem:v8+s11+$0x0], $0xffff;
	v7 =	vbroadcast v7, $0x0;
	_ =	sdelay $0x3  }
0xcf: {  	s30 =	sadd.s32 $0x80, s18  }
0xd0: {  	[tilespmem:s30+$0x0] =	vst v8  }
0xd1: {  	v7 =	vld.idx.msk [tilespmem:v7+s11+$0x0], $0xffff;
	_ =	sdelay $0x1  }
0xd2: {  	s19 =	sshll.u32 s17, $0xE  }
0xd3: {  	s17 =	sadd.s32 $0x1, s17;
	s19 =	sadd.s32 s19, s7  }
0xd4: {  	s18 =	sadd.s32 $0x80, s30;
	p1 =	sne.s32 s17, $0x5;
	s19 =	sshrl.u32 s19, $0x3  }
.Ltmp3:
0xd5: {  	s31 =	sadd.s32 s4, s19;
	[tilespmem:s18+$0x0] =	vst v7;
	(pc) =	sbr.rel @p1 .LBB2_6-.Ltmp3, $4  }
0xd6: {  	[hbm4b:s31+s2] =	stream.linear.scatter [tilespmem:s14], [sflag:$0x1], $0x4000, $0x38;
	[tilespmem:$0x6F00] =	vst v63  }
0xd7: {  	_ =	swait.ge [sflag:s10], $0x4000  }
0xd8: {  	[sflag:s10] =	ssyncset.done $0x0  }
0xd9: {  	[sflag:s10] =	ssyncadd.s32 $0xFFFFC000  }
0xda: {  	s15 =	sadd.s32 $0x1, s15  }
0xdb: {  	p1 =	sne.s32 s15, s8  }
.Ltmp4:
0xdc: {  	_ = 	snop;
	(pc) =	sbr.rel @p1 .LBB2_1-.Ltmp4, $1  }
0xdd: {  	_ =	sdelay $0x3  }
0xde: {  	_ =	sfence.sel $0x180000  }
0xdf: {  	[bflag:$0x0] =	sbarrier.arrive $0xFFFF  }
0xe0: {  	p0 =	sne.s32 s3, $0x0;
	_ =	strace $0x9000004A  }
0xe1: {  	s0 =	sadd.s32 @!p0 $0x100000, s0;
	[bflag:$0x2] =	sbarrier.arrive $0xFFFF  }
0xe2: {  	[sflag:s0] =	ssyncadd.tile.s32 @!p0 $0x1;
	_ =	shalt  }
.Lfunc_end2:
_tile_overlayer_lowered:
.L_overlay_start_2:
0xe3: {  	(tag) =	ssettag $0x2  }
0xe4: {  	s0 =	rddreg [dreg:$0x0];
	s2 =	stileid.u32  }
0xe5: {  	s1 =	rddreg [dreg:$0x1];
	p0 =	sne.s32 s2, $0x0  }
0xe6: {  	s3 =	rddreg [dreg:$0x2];
	[bflag:$0x3] =	sbarrier.arrive $0xFFFF;
	s2 =	simm.s32 @!p0 $0x1C01  }
0xe7: {  	[timem:s3], [sflag:s2] =	dma.local @!p0 [hbm:s0], s1  }
0xe8: {  	s0 =	simm.s32 @!p0 $0x1  }
0xe9: {  	_ =	swait.ge @!p0 [sflag:s0], s1  }
0xea: {  	s1 =	ssub.s32 @!p0 $0x0, s1;
	[sflag:s0] =	ssyncset.done @!p0 $0x0  }
0xeb: {  	[sflag:s0] =	ssyncadd.s32 @!p0 s1  }
0xec: {  	[bflag:$0x3] =	sbarrier.arrive $0xFFFF  }
0xed: {  	_ =	shalt  }

</sc_bundles>
